<compile_context>
chip_gen: v7x
topology: tpu7x:2x2x1
jax: 0.10.2.dev20260603
libtpu: 0.0.44.dev20260713+nightly
codegen_flags: <defaults>
</compile_context>

<pallas_src>
import functools

import jax
import jax.numpy as jnp
from jax import lax
from jax.experimental import pallas as pl
from jax.experimental.pallas import tpu as pltpu
from jax.experimental.pallas import tpu_sc as plsc

_SHIFT = 8192
_B, _S, _C, _T = 8, 4, 2, 220500
_L = _T - _SHIFT
_NW = 32
_LPAD = 212352
_CKO = 16256
_CKI = _CKO + 128
_NVREG = _CKO // 16
_UNROLL = 8

_STARTS = [(_k * _CKO, _CKO) for _k in range(_LPAD // _CKO)]
_STARTS.append((_STARTS[-1][0] + _CKO, _LPAD - len(_STARTS) * _CKO))


def _body(wav_hbm, off_hbm, out_hbm, off_v, ib0, ib1, ob0, ob1,
          si0, si1, so0, so1):
    cid = lax.axis_index("c")
    sid = lax.axis_index("s")
    wid = sid * 2 + cid

    pltpu.sync_copy(off_hbm, off_v)
    v_lo = off_v[pl.ds(0, 16)]
    v_hi = off_v[pl.ds(16, 16)]
    v = jnp.where(wid < 16, v_lo, v_hi)
    lanes = lax.iota(jnp.int32, 16)
    off = jnp.sum(jnp.where(lanes == wid % 16, v, 0))

    r = off % 128
    off_al = off - r

    ibufs = (ib0, ib1)
    obufs = (ob0, ob1)
    sem_in = (si0, si1)
    sem_out = (so0, so1)
    n = len(_STARTS)
    cp_in = []
    cp_out = []
    for t, (t0, sz) in enumerate(_STARTS):
        b = t % 2
        src = pl.multiple_of(off_al + t0, 128)
        dst = pl.multiple_of(off * 0 + t0, 128)
        cp_in.append(pltpu.make_async_copy(
            wav_hbm.at[wid, :, pl.ds(src, sz + 128)],
            ibufs[b].at[:, pl.ds(0, sz + 128)], sem_in[b]))
        cp_out.append(pltpu.make_async_copy(
            obufs[b].at[:, pl.ds(0, sz)],
            out_hbm.at[wid, :, pl.ds(dst, sz)], sem_out[b]))

    def shift_chunk(ib, ob, sz):
        for ch in range(2):
            ch_idx = jnp.full((16,), ch, jnp.int32)

            @plsc.parallel_loop(0, sz // 16, unroll=_UNROLL)
            def _(i):
                o = pl.multiple_of(i * 16, 16)
                ob[ch, pl.ds(o, 16)] = plsc.load_gather(
                    ib, [ch_idx, lanes + (r + o)])

    cp_in[0].start()
    for t in range(n):
        cp_in[t].wait()
        if t + 1 < n:
            cp_in[t + 1].start()
        if t >= 2:
            cp_out[t - 2].wait()
        shift_chunk(ibufs[t % 2], obufs[t % 2], _STARTS[t][1])
        cp_out[t].start()

    cp_out[n - 2].wait()
    cp_out[n - 1].wait()


@jax.jit
def kernel(wav, offsets):
    wav3 = wav.reshape(_NW, _C, _T)
    off1 = offsets.reshape(_NW).astype(jnp.int32)
    mesh = plsc.VectorSubcoreMesh(core_axis_name="c", subcore_axis_name="s")
    run = functools.partial(
        pl.kernel,
        mesh=mesh,
        compiler_params=pltpu.CompilerParams(
            needs_layout_passes=False, disable_bounds_checks=True),
        out_type=jax.ShapeDtypeStruct((_NW, _C, _L), jnp.float32),
        scratch_types=[
            pltpu.VMEM((_NW,), jnp.int32),
            pltpu.VMEM((_C, _CKI), jnp.float32),
            pltpu.VMEM((_C, _CKI), jnp.float32),
            pltpu.VMEM((_C, _CKO), jnp.float32),
            pltpu.VMEM((_C, _CKO), jnp.float32),
            pltpu.SemaphoreType.DMA,
            pltpu.SemaphoreType.DMA,
            pltpu.SemaphoreType.DMA,
            pltpu.SemaphoreType.DMA,
        ],
    )(_body)
    out = run(wav3, off1)
    return out.reshape(_B, _S, _C, _L)

# --- scband reference (transcript-rebuilt; emitter-appended) ---
"""Pipeline reference for scband-shift-31001073943241 (READ-ONLY COPY).

The authoritative reference and input builder live on the scoring server;
editing this copy changes nothing except your own understanding.
"""

import jax, jax.numpy as jnp
import numpy as np

SHIFT = 8192
B, S, C, T = 8, 4, 2, 220500


def setup_inputs(seed: int = 0) -> dict:
    key = jax.random.key(seed)
    k1, k2 = jax.random.split(key)
    wav = jax.random.normal(k1, (B, S, C, T), dtype=jnp.float32)
    # Random per-(batch, source) offsets in [0, SHIFT). In the torch module these are
    # drawn inside forward (training mode); here they are materialized in setup_inputs
    # so the reference is deterministic.
    offsets = jax.random.randint(k2, (B, S, 1, 1), 0, SHIFT, dtype=jnp.int32)
    return {"wav": wav, "offsets": offsets}


def reference(wav, offsets):
    batch, sources, channels, time = wav.shape
    length = time - SHIFT
    # Training-mode path of Shift.forward: gather length-sized windows at random offsets.
    offsets_b = jnp.broadcast_to(offsets, (batch, sources, channels, 1))
    indexes = jnp.arange(length, dtype=jnp.int32)
    idx = indexes[None, None, None, :] + offsets_b  # [B, S, C, length]
    out = jnp.take_along_axis(wav, idx, axis=3)
    return out

if __name__ == "__main__":
    import jax
    _d = setup_inputs()
    print(jax.jit(kernel)(*tuple(_d.values())))

</pallas_src>

<mosaic_0001>
#map = affine_map<(d0, d1) -> (0, 0, 0)>
#map1 = affine_map<(d0, d1) -> (0)>
module attributes {stable_mosaic.version = 14 : i64} {
  func.func @_body(%arg0: i32, %arg1: i32, %arg2: memref<32x2x220500xf32, #tpu.memory_space<hbm>>, %arg3: memref<32xi32, #tpu.memory_space<hbm>>, %arg4: memref<32x2x212308xf32, #tpu.memory_space<hbm>>, %arg5: memref<32xi32, #tpu.memory_space<vmem>>, %arg6: memref<2x16384xf32, #tpu.memory_space<vmem>>, %arg7: memref<2x16384xf32, #tpu.memory_space<vmem>>, %arg8: memref<2x16256xf32, #tpu.memory_space<vmem>>, %arg9: memref<2x16256xf32, #tpu.memory_space<vmem>>, %arg10: memref<!tpu.dma_semaphore, #tpu.memory_space<semaphore_mem>>, %arg11: memref<!tpu.dma_semaphore, #tpu.memory_space<semaphore_mem>>, %arg12: memref<!tpu.dma_semaphore, #tpu.memory_space<semaphore_mem>>, %arg13: memref<!tpu.dma_semaphore, #tpu.memory_space<semaphore_mem>>) attributes {dimension_semantics = [#tpu.dimension_semantics<core_parallel>, #tpu.dimension_semantics<subcore_parallel>], iteration_bounds = array<i64: 2, 16>, scalar_prefetch = 0 : i64, scratch_operands = 9 : i64, tpu.core_type = #tpu.core_type<sc_vector_subcore>, window_params = [{transform_indices = #map}, {transform_indices = #map1}, {transform_indices = #map}]} {
    %mul3A = arith.constant 2 : i32
    %mul3A_0 = arith.muli %arg1, %mul3A : i32
    %add3A = arith.addi %mul3A_0, %arg0 : i32
    "tpu.region"() ({
      %run_scoped3A = tpu.sem_alloc : memref<!tpu.dma_semaphore, #tpu.memory_space<semaphore_mem>>
      tpu.enqueue_dma source(%arg3 : memref<32xi32, #tpu.memory_space<hbm>>) target(%arg5 : memref<32xi32, #tpu.memory_space<vmem>>) target_semaphore(%run_scoped3A : memref<!tpu.dma_semaphore, #tpu.memory_space<semaphore_mem>>)
      tpu.wait_dma2 semaphore(%run_scoped3A : memref<!tpu.dma_semaphore, #tpu.memory_space<semaphore_mem>>) src(%arg3 : memref<32xi32, #tpu.memory_space<hbm>>) dst(%arg5 : memref<32xi32, #tpu.memory_space<vmem>>)
      tpu.yield
    }) : () -> ()
    %get3A = arith.constant 0 : index
    %get3A_1 = tpu.vector_load %arg5[%get3A] {strides = array<i32>} : memref<32xi32, #tpu.memory_space<vmem>>, vector<16xi32>,
    %get3A_2 = arith.constant 16 : index
    %get3A_3 = tpu.vector_load %arg5[%get3A_2] {strides = array<i32>} : memref<32xi32, #tpu.memory_space<vmem>>, vector<16xi32>,
    %lt3A = arith.constant 16 : i32
    %lt3A_4 = arith.cmpi slt, %add3A, %lt3A : i32
    %select_n3A = arith.select %lt3A_4, %get3A_1, %get3A_3 : vector<16xi32>
    %iota3A = tpu.iota {dimensions = array<i32: 0>} : vector<16xi32>
    %jit3A = arith.constant 16 : i32
    %eq3A = arith.constant 0 : i32
    %eq3A_5 = arith.cmpi eq, %jit3A, %eq3A : i32
    %jit3A_6 = arith.constant 1 : i32
    %select_n3A_7 = arith.select %eq3A_5, %jit3A_6, %jit3A : i32
    %rem3A = arith.remsi %add3A, %select_n3A_7 : i32
    %ne3A = arith.constant 0 : i32
    %ne3A_8 = arith.cmpi ne, %rem3A, %ne3A : i32
    %lt3A_9 = arith.constant 0 : i32
    %lt3A_10 = arith.cmpi slt, %rem3A, %lt3A_9 : i32
    %lt3A_11 = arith.constant 0 : i32
    %lt3A_12 = arith.cmpi slt, %select_n3A_7, %lt3A_11 : i32
    %ne3A_13 = arith.xori %lt3A_10, %lt3A_12 : i1
    %and3A = arith.andi %ne3A_13, %ne3A_8 : i1
    %add3A_14 = arith.addi %rem3A, %select_n3A_7 : i32
    %select_n3A_15 = arith.select %and3A, %add3A_14, %rem3A : i32
    %eq3A_16 = vector.broadcast %select_n3A_15 : i32 to vector<16xi32>
    %eq3A_17 = arith.cmpi eq, %iota3A, %eq3A_16 : vector<16xi32>
    %jit3A_18 = arith.constant 0 : i32
    %broadcast_in_dim3A = vector.broadcast %jit3A_18 : i32 to vector<16xi32>
    %select_n3A_19 = arith.select %eq3A_17, %select_n3A, %broadcast_in_dim3A : vector<16xi1>, vector<16xi32>
    %reduce_sum3A = arith.constant true
    %reduce_sum3A_20 = vector.broadcast %reduce_sum3A : i1 to vector<16xi1>
    %reduce_sum3A_21 = tpu.scan <sum>, %select_n3A_19 masked %reduce_sum3A_20 : vector<16xi32>, vector<16xi1> -> vector<16xi32>
    %reduce_sum3A_22 = vector.extract %reduce_sum3A_21[15] : i32 from vector<16xi32>
    %jit3A_23 = arith.constant 128 : i32
    %eq3A_24 = arith.constant 0 : i32
    %eq3A_25 = arith.cmpi eq, %jit3A_23, %eq3A_24 : i32
    %jit3A_26 = arith.constant 1 : i32
    %select_n3A_27 = arith.select %eq3A_25, %jit3A_26, %jit3A_23 : i32
    %rem3A_28 = arith.remsi %reduce_sum3A_22, %select_n3A_27 : i32
    %ne3A_29 = arith.constant 0 : i32
    %ne3A_30 = arith.cmpi ne, %rem3A_28, %ne3A_29 : i32
    %lt3A_31 = arith.constant 0 : i32
    %lt3A_32 = arith.cmpi slt, %rem3A_28, %lt3A_31 : i32
    %lt3A_33 = arith.constant 0 : i32
    %lt3A_34 = arith.cmpi slt, %select_n3A_27, %lt3A_33 : i32
    %ne3A_35 = arith.xori %lt3A_32, %lt3A_34 : i1
    %and3A_36 = arith.andi %ne3A_35, %ne3A_30 : i1
    %add3A_37 = arith.addi %rem3A_28, %select_n3A_27 : i32
    %select_n3A_38 = arith.select %and3A_36, %add3A_37, %rem3A_28 : i32
    %sub3A = arith.subi %reduce_sum3A_22, %select_n3A_38 : i32
    %add3A_39 = arith.constant 0 : i32
    %add3A_40 = arith.addi %sub3A, %add3A_39 : i32
    %multiple_of3A = tpu.assume_multiple %add3A_40, 128 : i32
    %mul3A_41 = arith.constant 0 : i32
    %mul3A_42 = arith.muli %reduce_sum3A_22, %mul3A_41 : i32
    %add3A_43 = arith.constant 0 : i32
    %add3A_44 = arith.addi %mul3A_42, %add3A_43 : i32
    %multiple_of3A_45 = tpu.assume_multiple %add3A_44, 128 : i32
    %add3A_46 = arith.constant 16256 : i32
    %add3A_47 = arith.addi %sub3A, %add3A_46 : i32
    %multiple_of3A_48 = tpu.assume_multiple %add3A_47, 128 : i32
    %mul3A_49 = arith.constant 0 : i32
    %mul3A_50 = arith.muli %reduce_sum3A_22, %mul3A_49 : i32
    %add3A_51 = arith.constant 16256 : i32
    %add3A_52 = arith.addi %mul3A_50, %add3A_51 : i32
    %multiple_of3A_53 = tpu.assume_multiple %add3A_52, 128 : i32
    %add3A_54 = arith.constant 32512 : i32
    %add3A_55 = arith.addi %sub3A, %add3A_54 : i32
    %multiple_of3A_56 = tpu.assume_multiple %add3A_55, 128 : i32
    %mul3A_57 = arith.constant 0 : i32
    %mul3A_58 = arith.muli %reduce_sum3A_22, %mul3A_57 : i32
    %add3A_59 = arith.constant 32512 : i32
    %add3A_60 = arith.addi %mul3A_58, %add3A_59 : i32
    %multiple_of3A_61 = tpu.assume_multiple %add3A_60, 128 : i32
    %add3A_62 = arith.constant 48768 : i32
    %add3A_63 = arith.addi %sub3A, %add3A_62 : i32
    %multiple_of3A_64 = tpu.assume_multiple %add3A_63, 128 : i32
    %mul3A_65 = arith.constant 0 : i32
    %mul3A_66 = arith.muli %reduce_sum3A_22, %mul3A_65 : i32
    %add3A_67 = arith.constant 48768 : i32
    %add3A_68 = arith.addi %mul3A_66, %add3A_67 : i32
    %multiple_of3A_69 = tpu.assume_multiple %add3A_68, 128 : i32
    %add3A_70 = arith.constant 65024 : i32
    %add3A_71 = arith.addi %sub3A, %add3A_70 : i32
    %multiple_of3A_72 = tpu.assume_multiple %add3A_71, 128 : i32
    %mul3A_73 = arith.constant 0 : i32
    %mul3A_74 = arith.muli %reduce_sum3A_22, %mul3A_73 : i32
    %add3A_75 = arith.constant 65024 : i32
    %add3A_76 = arith.addi %mul3A_74, %add3A_75 : i32
    %multiple_of3A_77 = tpu.assume_multiple %add3A_76, 128 : i32
    %add3A_78 = arith.constant 81280 : i32
    %add3A_79 = arith.addi %sub3A, %add3A_78 : i32
    %multiple_of3A_80 = tpu.assume_multiple %add3A_79, 128 : i32
    %mul3A_81 = arith.constant 0 : i32
    %mul3A_82 = arith.muli %reduce_sum3A_22, %mul3A_81 : i32
    %add3A_83 = arith.constant 81280 : i32
    %add3A_84 = arith.addi %mul3A_82, %add3A_83 : i32
    %multiple_of3A_85 = tpu.assume_multiple %add3A_84, 128 : i32
    %add3A_86 = arith.constant 97536 : i32
    %add3A_87 = arith.addi %sub3A, %add3A_86 : i32
    %multiple_of3A_88 = tpu.assume_multiple %add3A_87, 128 : i32
    %mul3A_89 = arith.constant 0 : i32
    %mul3A_90 = arith.muli %reduce_sum3A_22, %mul3A_89 : i32
    %add3A_91 = arith.constant 97536 : i32
    %add3A_92 = arith.addi %mul3A_90, %add3A_91 : i32
    %multiple_of3A_93 = tpu.assume_multiple %add3A_92, 128 : i32
    %add3A_94 = arith.constant 113792 : i32
    %add3A_95 = arith.addi %sub3A, %add3A_94 : i32
    %multiple_of3A_96 = tpu.assume_multiple %add3A_95, 128 : i32
    %mul3A_97 = arith.constant 0 : i32
    %mul3A_98 = arith.muli %reduce_sum3A_22, %mul3A_97 : i32
    %add3A_99 = arith.constant 113792 : i32
    %add3A_100 = arith.addi %mul3A_98, %add3A_99 : i32
    %multiple_of3A_101 = tpu.assume_multiple %add3A_100, 128 : i32
    %add3A_102 = arith.constant 130048 : i32
    %add3A_103 = arith.addi %sub3A, %add3A_102 : i32
    %multiple_of3A_104 = tpu.assume_multiple %add3A_103, 128 : i32
    %mul3A_105 = arith.constant 0 : i32
    %mul3A_106 = arith.muli %reduce_sum3A_22, %mul3A_105 : i32
    %add3A_107 = arith.constant 130048 : i32
    %add3A_108 = arith.addi %mul3A_106, %add3A_107 : i32
    %multiple_of3A_109 = tpu.assume_multiple %add3A_108, 128 : i32
    %add3A_110 = arith.constant 146304 : i32
    %add3A_111 = arith.addi %sub3A, %add3A_110 : i32
    %multiple_of3A_112 = tpu.assume_multiple %add3A_111, 128 : i32
    %mul3A_113 = arith.constant 0 : i32
    %mul3A_114 = arith.muli %reduce_sum3A_22, %mul3A_113 : i32
    %add3A_115 = arith.constant 146304 : i32
    %add3A_116 = arith.addi %mul3A_114, %add3A_115 : i32
    %multiple_of3A_117 = tpu.assume_multiple %add3A_116, 128 : i32
    %add3A_118 = arith.constant 162560 : i32
    %add3A_119 = arith.addi %sub3A, %add3A_118 : i32
    %multiple_of3A_120 = tpu.assume_multiple %add3A_119, 128 : i32
    %mul3A_121 = arith.constant 0 : i32
    %mul3A_122 = arith.muli %reduce_sum3A_22, %mul3A_121 : i32
    %add3A_123 = arith.constant 162560 : i32
    %add3A_124 = arith.addi %mul3A_122, %add3A_123 : i32
    %multiple_of3A_125 = tpu.assume_multiple %add3A_124, 128 : i32
    %add3A_126 = arith.constant 178816 : i32
    %add3A_127 = arith.addi %sub3A, %add3A_126 : i32
    %multiple_of3A_128 = tpu.assume_multiple %add3A_127, 128 : i32
    %mul3A_129 = arith.constant 0 : i32
    %mul3A_130 = arith.muli %reduce_sum3A_22, %mul3A_129 : i32
    %add3A_131 = arith.constant 178816 : i32
    %add3A_132 = arith.addi %mul3A_130, %add3A_131 : i32
    %multiple_of3A_133 = tpu.assume_multiple %add3A_132, 128 : i32
    %add3A_134 = arith.constant 195072 : i32
    %add3A_135 = arith.addi %sub3A, %add3A_134 : i32
    %multiple_of3A_136 = tpu.assume_multiple %add3A_135, 128 : i32
    %mul3A_137 = arith.constant 0 : i32
    %mul3A_138 = arith.muli %reduce_sum3A_22, %mul3A_137 : i32
    %add3A_139 = arith.constant 195072 : i32
    %add3A_140 = arith.addi %mul3A_138, %add3A_139 : i32
    %multiple_of3A_141 = tpu.assume_multiple %add3A_140, 128 : i32
    %add3A_142 = arith.constant 211328 : i32
    %add3A_143 = arith.addi %sub3A, %add3A_142 : i32
    %multiple_of3A_144 = tpu.assume_multiple %add3A_143, 128 : i32
    %mul3A_145 = arith.constant 0 : i32
    %mul3A_146 = arith.muli %reduce_sum3A_22, %mul3A_145 : i32
    %add3A_147 = arith.constant 211328 : i32
    %add3A_148 = arith.addi %mul3A_146, %add3A_147 : i32
    %multiple_of3A_149 = tpu.assume_multiple %add3A_148, 128 : i32
    %dma_start3A = arith.constant 0 : i32
    %dma_start3A_150 = arith.constant 0 : i32
    %dma_start3A_151 = tpu.memref_slice %arg6[%dma_start3A, %dma_start3A_150] : memref<2x16384xf32, #tpu.memory_space<vmem>> -> memref<2x16384xf32, #tpu.memory_space<vmem>>
    %dma_start3A_152 = arith.constant 0 : i32
    %dma_start3A_153 = tpu.memref_slice %arg2[%add3A, %dma_start3A_152, %multiple_of3A] : memref<32x2x220500xf32, #tpu.memory_space<hbm>> -> memref<1x2x16384xf32, #tpu.memory_space<hbm>>
    %dma_start3A_154 = tpu.memref_squeeze %dma_start3A_153 : memref<1x2x16384xf32, #tpu.memory_space<hbm>> -> memref<2x16384xf32, #tpu.memory_space<hbm>>
    %dma_start3A_155 = arith.constant 0 : i32
    %dma_start3A_156 = arith.constant 0 : i32
    %dma_start3A_157 = tpu.memref_slice %arg6[%dma_start3A_155, %dma_start3A_156] : memref<2x16384xf32, #tpu.memory_space<vmem>> -> memref<2x16384xf32, #tpu.memory_space<vmem>>
    %dma_start3A_158 = arith.constant 0 : i32
    %dma_start3A_159 = tpu.memref_slice %arg2[%add3A, %dma_start3A_158, %multiple_of3A] : memref<32x2x220500xf32, #tpu.memory_space<hbm>> -> memref<1x2x16384xf32, #tpu.memory_space<hbm>>
    %dma_start3A_160 = tpu.memref_squeeze %dma_start3A_159 : memref<1x2x16384xf32, #tpu.memory_space<hbm>> -> memref<2x16384xf32, #tpu.memory_space<hbm>>
    tpu.enqueue_dma source(%dma_start3A_160 : memref<2x16384xf32, #tpu.memory_space<hbm>>) target(%dma_start3A_157 : memref<2x16384xf32, #tpu.memory_space<vmem>>) target_semaphore(%arg10 : memref<!tpu.dma_semaphore, #tpu.memory_space<semaphore_mem>>)
    %dma_wait3A = arith.constant 0 : i32
    %dma_wait3A_161 = arith.constant 0 : i32
    %dma_wait3A_162 = tpu.memref_slice %arg6[%dma_wait3A, %dma_wait3A_161] : memref<2x16384xf32, #tpu.memory_space<vmem>> -> memref<2x16384xf32, #tpu.memory_space<vmem>>
    %dma_wait3A_163 = arith.constant 0 : i32
    %dma_wait3A_164 = tpu.memref_slice %arg2[%add3A, %dma_wait3A_163, %multiple_of3A] : memref<32x2x220500xf32, #tpu.memory_space<hbm>> -> memref<1x2x16384xf32, #tpu.memory_space<hbm>>
    %dma_wait3A_165 = tpu.memref_squeeze %dma_wait3A_164 : memref<1x2x16384xf32, #tpu.memory_space<hbm>> -> memref<2x16384xf32, #tpu.memory_space<hbm>>
    %dma_wait3A_166 = arith.constant 0 : i32
    %dma_wait3A_167 = arith.constant 0 : i32
    %dma_wait3A_168 = tpu.memref_slice %arg6[%dma_wait3A_166, %dma_wait3A_167] : memref<2x16384xf32, #tpu.memory_space<vmem>> -> memref<2x16384xf32, #tpu.memory_space<vmem>>
    %dma_wait3A_169 = arith.constant 0 : i32
    %dma_wait3A_170 = tpu.memref_slice %arg2[%add3A, %dma_wait3A_169, %multiple_of3A] : memref<32x2x220500xf32, #tpu.memory_space<hbm>> -> memref<1x2x16384xf32, #tpu.memory_space<hbm>>
    %dma_wait3A_171 = tpu.memref_squeeze %dma_wait3A_170 : memref<1x2x16384xf32, #tpu.memory_space<hbm>> -> memref<2x16384xf32, #tpu.memory_space<hbm>>
    tpu.wait_dma2 semaphore(%arg10 : memref<!tpu.dma_semaphore, #tpu.memory_space<semaphore_mem>>) src(%dma_wait3A_171 : memref<2x16384xf32, #tpu.memory_space<hbm>>) dst(%dma_wait3A_168 : memref<2x16384xf32, #tpu.memory_space<vmem>>)
    %dma_start3A_172 = arith.constant 0 : i32
    %dma_start3A_173 = arith.constant 0 : i32
    %dma_start3A_174 = tpu.memref_slice %arg7[%dma_start3A_172, %dma_start3A_173] : memref<2x16384xf32, #tpu.memory_space<vmem>> -> memref<2x16384xf32, #tpu.memory_space<vmem>>
    %dma_start3A_175 = arith.constant 0 : i32
    %dma_start3A_176 = tpu.memref_slice %arg2[%add3A, %dma_start3A_175, %multiple_of3A_48] : memref<32x2x220500xf32, #tpu.memory_space<hbm>> -> memref<1x2x16384xf32, #tpu.memory_space<hbm>>
    %dma_start3A_177 = tpu.memref_squeeze %dma_start3A_176 : memref<1x2x16384xf32, #tpu.memory_space<hbm>> -> memref<2x16384xf32, #tpu.memory_space<hbm>>
    %dma_start3A_178 = arith.constant 0 : i32
    %dma_start3A_179 = arith.constant 0 : i32
    %dma_start3A_180 = tpu.memref_slice %arg7[%dma_start3A_178, %dma_start3A_179] : memref<2x16384xf32, #tpu.memory_space<vmem>> -> memref<2x16384xf32, #tpu.memory_space<vmem>>
    %dma_start3A_181 = arith.constant 0 : i32
    %dma_start3A_182 = tpu.memref_slice %arg2[%add3A, %dma_start3A_181, %multiple_of3A_48] : memref<32x2x220500xf32, #tpu.memory_space<hbm>> -> memref<1x2x16384xf32, #tpu.memory_space<hbm>>
    %dma_start3A_183 = tpu.memref_squeeze %dma_start3A_182 : memref<1x2x16384xf32, #tpu.memory_space<hbm>> -> memref<2x16384xf32, #tpu.memory_space<hbm>>
    tpu.enqueue_dma source(%dma_start3A_183 : memref<2x16384xf32, #tpu.memory_space<hbm>>) target(%dma_start3A_180 : memref<2x16384xf32, #tpu.memory_space<vmem>>) target_semaphore(%arg11 : memref<!tpu.dma_semaphore, #tpu.memory_space<semaphore_mem>>)
    %broadcast_in_dim3A_184 = arith.constant 0 : i32
    %broadcast_in_dim3A_185 = vector.broadcast %broadcast_in_dim3A_184 : i32 to vector<16xi32>
    %parallel_loop3A = arith.constant 0 : i32
    %parallel_loop3A_186 = arith.constant 1016 : i32
    %parallel_loop3A_187 = arith.constant 1 : i32
    scf.for %parallel_loop3A_959 = %parallel_loop3A to %parallel_loop3A_186 step %parallel_loop3A_187  : i32 {
      %parallel_loop3A_960 = arith.constant 16 : i32
      %parallel_loop3A_961 = arith.muli %parallel_loop3A_959, %parallel_loop3A_960 : i32
      %parallel_loop3A_962 = tpu.assume_multiple %parallel_loop3A_961, 16 : i32
      %parallel_loop3A_963 = arith.addi %select_n3A_38, %parallel_loop3A_962 : i32
      %parallel_loop3A_964 = vector.broadcast %parallel_loop3A_963 : i32 to vector<16xi32>
      %parallel_loop3A_965 = arith.addi %iota3A, %parallel_loop3A_964 : vector<16xi32>
      %parallel_loop3A_966 = tpu.vector_load_idx %arg6[%broadcast_in_dim3A_185, %parallel_loop3A_965] : memref<2x16384xf32, #tpu.memory_space<vmem>>[vector<16xi32>, vector<16xi32>], vector<16xf32>,
      %parallel_loop3A_967 = arith.constant 0 : i32
      %parallel_loop3A_968 = arith.index_cast %parallel_loop3A_967 : i32 to index
      %parallel_loop3A_969 = arith.index_cast %parallel_loop3A_962 : i32 to index
      %parallel_loop3A_970 = tpu.vector_load %arg8[%parallel_loop3A_968, %parallel_loop3A_969] {strides = array<i32>} : memref<2x16256xf32, #tpu.memory_space<vmem>>, vector<16xf32>,
      tpu.vector_store %arg8[%parallel_loop3A_968, %parallel_loop3A_969], %parallel_loop3A_966 {strides = array<i32>} : memref<2x16256xf32, #tpu.memory_space<vmem>>, vector<16xf32>,
    } {sc.loop_unroll_factor = 8 : i64, sc.parallel_access}
    %broadcast_in_dim3A_188 = arith.constant 1 : i32
    %broadcast_in_dim3A_189 = vector.broadcast %broadcast_in_dim3A_188 : i32 to vector<16xi32>
    %parallel_loop3A_190 = arith.constant 0 : i32
    %parallel_loop3A_191 = arith.constant 1016 : i32
    %parallel_loop3A_192 = arith.constant 1 : i32
    scf.for %parallel_loop3A_959 = %parallel_loop3A_190 to %parallel_loop3A_191 step %parallel_loop3A_192  : i32 {
      %parallel_loop3A_960 = arith.constant 16 : i32
      %parallel_loop3A_961 = arith.muli %parallel_loop3A_959, %parallel_loop3A_960 : i32
      %parallel_loop3A_962 = tpu.assume_multiple %parallel_loop3A_961, 16 : i32
      %parallel_loop3A_963 = arith.addi %select_n3A_38, %parallel_loop3A_962 : i32
      %parallel_loop3A_964 = vector.broadcast %parallel_loop3A_963 : i32 to vector<16xi32>
      %parallel_loop3A_965 = arith.addi %iota3A, %parallel_loop3A_964 : vector<16xi32>
      %parallel_loop3A_966 = tpu.vector_load_idx %arg6[%broadcast_in_dim3A_189, %parallel_loop3A_965] : memref<2x16384xf32, #tpu.memory_space<vmem>>[vector<16xi32>, vector<16xi32>], vector<16xf32>,
      %parallel_loop3A_967 = arith.constant 1 : i32
      %parallel_loop3A_968 = arith.index_cast %parallel_loop3A_967 : i32 to index
      %parallel_loop3A_969 = arith.index_cast %parallel_loop3A_962 : i32 to index
      %parallel_loop3A_970 = tpu.vector_load %arg8[%parallel_loop3A_968, %parallel_loop3A_969] {strides = array<i32>} : memref<2x16256xf32, #tpu.memory_space<vmem>>, vector<16xf32>,
      tpu.vector_store %arg8[%parallel_loop3A_968, %parallel_loop3A_969], %parallel_loop3A_966 {strides = array<i32>} : memref<2x16256xf32, #tpu.memory_space<vmem>>, vector<16xf32>,
    } {sc.loop_unroll_factor = 8 : i64, sc.parallel_access}
    %dma_start3A_193 = arith.constant 0 : i32
    %dma_start3A_194 = arith.constant 0 : i32
    %dma_start3A_195 = tpu.memref_slice %arg8[%dma_start3A_193, %dma_start3A_194] : memref<2x16256xf32, #tpu.memory_space<vmem>> -> memref<2x16256xf32, #tpu.memory_space<vmem>>
    %dma_start3A_196 = arith.constant 0 : i32
    %dma_start3A_197 = tpu.memref_slice %arg4[%add3A, %dma_start3A_196, %multiple_of3A_45] : memref<32x2x212308xf32, #tpu.memory_space<hbm>> -> memref<1x2x16256xf32, #tpu.memory_space<hbm>>
    %dma_start3A_198 = tpu.memref_squeeze %dma_start3A_197 : memref<1x2x16256xf32, #tpu.memory_space<hbm>> -> memref<2x16256xf32, #tpu.memory_space<hbm>>
    %dma_start3A_199 = arith.constant 0 : i32
    %dma_start3A_200 = tpu.memref_slice %arg4[%add3A, %dma_start3A_199, %multiple_of3A_45] : memref<32x2x212308xf32, #tpu.memory_space<hbm>> -> memref<1x2x16256xf32, #tpu.memory_space<hbm>>
    %dma_start3A_201 = tpu.memref_squeeze %dma_start3A_200 : memref<1x2x16256xf32, #tpu.memory_space<hbm>> -> memref<2x16256xf32, #tpu.memory_space<hbm>>
    %dma_start3A_202 = arith.constant 0 : i32
    %dma_start3A_203 = arith.constant 0 : i32
    %dma_start3A_204 = tpu.memref_slice %arg8[%dma_start3A_202, %dma_start3A_203] : memref<2x16256xf32, #tpu.memory_space<vmem>> -> memref<2x16256xf32, #tpu.memory_space<vmem>>
    tpu.enqueue_dma source(%dma_start3A_204 : memref<2x16256xf32, #tpu.memory_space<vmem>>) target(%dma_start3A_201 : memref<2x16256xf32, #tpu.memory_space<hbm>>) target_semaphore(%arg12 : memref<!tpu.dma_semaphore, #tpu.memory_space<semaphore_mem>>)
    %dma_wait3A_205 = arith.constant 0 : i32
    %dma_wait3A_206 = arith.constant 0 : i32
    %dma_wait3A_207 = tpu.memref_slice %arg7[%dma_wait3A_205, %dma_wait3A_206] : memref<2x16384xf32, #tpu.memory_space<vmem>> -> memref<2x16384xf32, #tpu.memory_space<vmem>>
    %dma_wait3A_208 = arith.constant 0 : i32
    %dma_wait3A_209 = tpu.memref_slice %arg2[%add3A, %dma_wait3A_208, %multiple_of3A_48] : memref<32x2x220500xf32, #tpu.memory_space<hbm>> -> memref<1x2x16384xf32, #tpu.memory_space<hbm>>
    %dma_wait3A_210 = tpu.memref_squeeze %dma_wait3A_209 : memref<1x2x16384xf32, #tpu.memory_space<hbm>> -> memref<2x16384xf32, #tpu.memory_space<hbm>>
    %dma_wait3A_211 = arith.constant 0 : i32
    %dma_wait3A_212 = arith.constant 0 : i32
    %dma_wait3A_213 = tpu.memref_slice %arg7[%dma_wait3A_211, %dma_wait3A_212] : memref<2x16384xf32, #tpu.memory_space<vmem>> -> memref<2x16384xf32, #tpu.memory_space<vmem>>
    %dma_wait3A_214 = arith.constant 0 : i32
    %dma_wait3A_215 = tpu.memref_slice %arg2[%add3A, %dma_wait3A_214, %multiple_of3A_48] : memref<32x2x220500xf32, #tpu.memory_space<hbm>> -> memref<1x2x16384xf32, #tpu.memory_space<hbm>>
    %dma_wait3A_216 = tpu.memref_squeeze %dma_wait3A_215 : memref<1x2x16384xf32, #tpu.memory_space<hbm>> -> memref<2x16384xf32, #tpu.memory_space<hbm>>
    tpu.wait_dma2 semaphore(%arg11 : memref<!tpu.dma_semaphore, #tpu.memory_space<semaphore_mem>>) src(%dma_wait3A_216 : memref<2x16384xf32, #tpu.memory_space<hbm>>) dst(%dma_wait3A_213 : memref<2x16384xf32, #tpu.memory_space<vmem>>)
    %dma_start3A_217 = arith.constant 0 : i32
    %dma_start3A_218 = arith.constant 0 : i32
    %dma_start3A_219 = tpu.memref_slice %arg6[%dma_start3A_217, %dma_start3A_218] : memref<2x16384xf32, #tpu.memory_space<vmem>> -> memref<2x16384xf32, #tpu.memory_space<vmem>>
    %dma_start3A_220 = arith.constant 0 : i32
    %dma_start3A_221 = tpu.memref_slice %arg2[%add3A, %dma_start3A_220, %multiple_of3A_56] : memref<32x2x220500xf32, #tpu.memory_space<hbm>> -> memref<1x2x16384xf32, #tpu.memory_space<hbm>>
    %dma_start3A_222 = tpu.memref_squeeze %dma_start3A_221 : memref<1x2x16384xf32, #tpu.memory_space<hbm>> -> memref<2x16384xf32, #tpu.memory_space<hbm>>
    %dma_start3A_223 = arith.constant 0 : i32
    %dma_start3A_224 = arith.constant 0 : i32
    %dma_start3A_225 = tpu.memref_slice %arg6[%dma_start3A_223, %dma_start3A_224] : memref<2x16384xf32, #tpu.memory_space<vmem>> -> memref<2x16384xf32, #tpu.memory_space<vmem>>
    %dma_start3A_226 = arith.constant 0 : i32
    %dma_start3A_227 = tpu.memref_slice %arg2[%add3A, %dma_start3A_226, %multiple_of3A_56] : memref<32x2x220500xf32, #tpu.memory_space<hbm>> -> memref<1x2x16384xf32, #tpu.memory_space<hbm>>
    %dma_start3A_228 = tpu.memref_squeeze %dma_start3A_227 : memref<1x2x16384xf32, #tpu.memory_space<hbm>> -> memref<2x16384xf32, #tpu.memory_space<hbm>>
    tpu.enqueue_dma source(%dma_start3A_228 : memref<2x16384xf32, #tpu.memory_space<hbm>>) target(%dma_start3A_225 : memref<2x16384xf32, #tpu.memory_space<vmem>>) target_semaphore(%arg10 : memref<!tpu.dma_semaphore, #tpu.memory_space<semaphore_mem>>)
    %broadcast_in_dim3A_229 = arith.constant 0 : i32
    %broadcast_in_dim3A_230 = vector.broadcast %broadcast_in_dim3A_229 : i32 to vector<16xi32>
    %parallel_loop3A_231 = arith.constant 0 : i32
    %parallel_loop3A_232 = arith.constant 1016 : i32
    %parallel_loop3A_233 = arith.constant 1 : i32
    scf.for %parallel_loop3A_959 = %parallel_loop3A_231 to %parallel_loop3A_232 step %parallel_loop3A_233  : i32 {
      %parallel_loop3A_960 = arith.constant 16 : i32
      %parallel_loop3A_961 = arith.muli %parallel_loop3A_959, %parallel_loop3A_960 : i32
      %parallel_loop3A_962 = tpu.assume_multiple %parallel_loop3A_961, 16 : i32
      %parallel_loop3A_963 = arith.addi %select_n3A_38, %parallel_loop3A_962 : i32
      %parallel_loop3A_964 = vector.broadcast %parallel_loop3A_963 : i32 to vector<16xi32>
      %parallel_loop3A_965 = arith.addi %iota3A, %parallel_loop3A_964 : vector<16xi32>
      %parallel_loop3A_966 = tpu.vector_load_idx %arg7[%broadcast_in_dim3A_230, %parallel_loop3A_965] : memref<2x16384xf32, #tpu.memory_space<vmem>>[vector<16xi32>, vector<16xi32>], vector<16xf32>,
      %parallel_loop3A_967 = arith.constant 0 : i32
      %parallel_loop3A_968 = arith.index_cast %parallel_loop3A_967 : i32 to index
      %parallel_loop3A_969 = arith.index_cast %parallel_loop3A_962 : i32 to index
      %parallel_loop3A_970 = tpu.vector_load %arg9[%parallel_loop3A_968, %parallel_loop3A_969] {strides = array<i32>} : memref<2x16256xf32, #tpu.memory_space<vmem>>, vector<16xf32>,
      tpu.vector_store %arg9[%parallel_loop3A_968, %parallel_loop3A_969], %parallel_loop3A_966 {strides = array<i32>} : memref<2x16256xf32, #tpu.memory_space<vmem>>, vector<16xf32>,
    } {sc.loop_unroll_factor = 8 : i64, sc.parallel_access}
    %broadcast_in_dim3A_234 = arith.constant 1 : i32
    %broadcast_in_dim3A_235 = vector.broadcast %broadcast_in_dim3A_234 : i32 to vector<16xi32>
    %parallel_loop3A_236 = arith.constant 0 : i32
    %parallel_loop3A_237 = arith.constant 1016 : i32
    %parallel_loop3A_238 = arith.constant 1 : i32
    scf.for %parallel_loop3A_959 = %parallel_loop3A_236 to %parallel_loop3A_237 step %parallel_loop3A_238  : i32 {
      %parallel_loop3A_960 = arith.constant 16 : i32
      %parallel_loop3A_961 = arith.muli %parallel_loop3A_959, %parallel_loop3A_960 : i32
      %parallel_loop3A_962 = tpu.assume_multiple %parallel_loop3A_961, 16 : i32
      %parallel_loop3A_963 = arith.addi %select_n3A_38, %parallel_loop3A_962 : i32
      %parallel_loop3A_964 = vector.broadcast %parallel_loop3A_963 : i32 to vector<16xi32>
      %parallel_loop3A_965 = arith.addi %iota3A, %parallel_loop3A_964 : vector<16xi32>
      %parallel_loop3A_966 = tpu.vector_load_idx %arg7[%broadcast_in_dim3A_235, %parallel_loop3A_965] : memref<2x16384xf32, #tpu.memory_space<vmem>>[vector<16xi32>, vector<16xi32>], vector<16xf32>,
      %parallel_loop3A_967 = arith.constant 1 : i32
      %parallel_loop3A_968 = arith.index_cast %parallel_loop3A_967 : i32 to index
      %parallel_loop3A_969 = arith.index_cast %parallel_loop3A_962 : i32 to index
      %parallel_loop3A_970 = tpu.vector_load %arg9[%parallel_loop3A_968, %parallel_loop3A_969] {strides = array<i32>} : memref<2x16256xf32, #tpu.memory_space<vmem>>, vector<16xf32>,
      tpu.vector_store %arg9[%parallel_loop3A_968, %parallel_loop3A_969], %parallel_loop3A_966 {strides = array<i32>} : memref<2x16256xf32, #tpu.memory_space<vmem>>, vector<16xf32>,
    } {sc.loop_unroll_factor = 8 : i64, sc.parallel_access}
    %dma_start3A_239 = arith.constant 0 : i32
    %dma_start3A_240 = arith.constant 0 : i32
    %dma_start3A_241 = tpu.memref_slice %arg9[%dma_start3A_239, %dma_start3A_240] : memref<2x16256xf32, #tpu.memory_space<vmem>> -> memref<2x16256xf32, #tpu.memory_space<vmem>>
    %dma_start3A_242 = arith.constant 0 : i32
    %dma_start3A_243 = tpu.memref_slice %arg4[%add3A, %dma_start3A_242, %multiple_of3A_53] : memref<32x2x212308xf32, #tpu.memory_space<hbm>> -> memref<1x2x16256xf32, #tpu.memory_space<hbm>>
    %dma_start3A_244 = tpu.memref_squeeze %dma_start3A_243 : memref<1x2x16256xf32, #tpu.memory_space<hbm>> -> memref<2x16256xf32, #tpu.memory_space<hbm>>
    %dma_start3A_245 = arith.constant 0 : i32
    %dma_start3A_246 = tpu.memref_slice %arg4[%add3A, %dma_start3A_245, %multiple_of3A_53] : memref<32x2x212308xf32, #tpu.memory_space<hbm>> -> memref<1x2x16256xf32, #tpu.memory_space<hbm>>
    %dma_start3A_247 = tpu.memref_squeeze %dma_start3A_246 : memref<1x2x16256xf32, #tpu.memory_space<hbm>> -> memref<2x16256xf32, #tpu.memory_space<hbm>>
    %dma_start3A_248 = arith.constant 0 : i32
    %dma_start3A_249 = arith.constant 0 : i32
    %dma_start3A_250 = tpu.memref_slice %arg9[%dma_start3A_248, %dma_start3A_249] : memref<2x16256xf32, #tpu.memory_space<vmem>> -> memref<2x16256xf32, #tpu.memory_space<vmem>>
    tpu.enqueue_dma source(%dma_start3A_250 : memref<2x16256xf32, #tpu.memory_space<vmem>>) target(%dma_start3A_247 : memref<2x16256xf32, #tpu.memory_space<hbm>>) target_semaphore(%arg13 : memref<!tpu.dma_semaphore, #tpu.memory_space<semaphore_mem>>)
    %dma_wait3A_251 = arith.constant 0 : i32
    %dma_wait3A_252 = arith.constant 0 : i32
    %dma_wait3A_253 = tpu.memref_slice %arg6[%dma_wait3A_251, %dma_wait3A_252] : memref<2x16384xf32, #tpu.memory_space<vmem>> -> memref<2x16384xf32, #tpu.memory_space<vmem>>
    %dma_wait3A_254 = arith.constant 0 : i32
    %dma_wait3A_255 = tpu.memref_slice %arg2[%add3A, %dma_wait3A_254, %multiple_of3A_56] : memref<32x2x220500xf32, #tpu.memory_space<hbm>> -> memref<1x2x16384xf32, #tpu.memory_space<hbm>>
    %dma_wait3A_256 = tpu.memref_squeeze %dma_wait3A_255 : memref<1x2x16384xf32, #tpu.memory_space<hbm>> -> memref<2x16384xf32, #tpu.memory_space<hbm>>
    %dma_wait3A_257 = arith.constant 0 : i32
    %dma_wait3A_258 = arith.constant 0 : i32
    %dma_wait3A_259 = tpu.memref_slice %arg6[%dma_wait3A_257, %dma_wait3A_258] : memref<2x16384xf32, #tpu.memory_space<vmem>> -> memref<2x16384xf32, #tpu.memory_space<vmem>>
    %dma_wait3A_260 = arith.constant 0 : i32
    %dma_wait3A_261 = tpu.memref_slice %arg2[%add3A, %dma_wait3A_260, %multiple_of3A_56] : memref<32x2x220500xf32, #tpu.memory_space<hbm>> -> memref<1x2x16384xf32, #tpu.memory_space<hbm>>
    %dma_wait3A_262 = tpu.memref_squeeze %dma_wait3A_261 : memref<1x2x16384xf32, #tpu.memory_space<hbm>> -> memref<2x16384xf32, #tpu.memory_space<hbm>>
    tpu.wait_dma2 semaphore(%arg10 : memref<!tpu.dma_semaphore, #tpu.memory_space<semaphore_mem>>) src(%dma_wait3A_262 : memref<2x16384xf32, #tpu.memory_space<hbm>>) dst(%dma_wait3A_259 : memref<2x16384xf32, #tpu.memory_space<vmem>>)
    %dma_start3A_263 = arith.constant 0 : i32
    %dma_start3A_264 = arith.constant 0 : i32
    %dma_start3A_265 = tpu.memref_slice %arg7[%dma_start3A_263, %dma_start3A_264] : memref<2x16384xf32, #tpu.memory_space<vmem>> -> memref<2x16384xf32, #tpu.memory_space<vmem>>
    %dma_start3A_266 = arith.constant 0 : i32
    %dma_start3A_267 = tpu.memref_slice %arg2[%add3A, %dma_start3A_266, %multiple_of3A_64] : memref<32x2x220500xf32, #tpu.memory_space<hbm>> -> memref<1x2x16384xf32, #tpu.memory_space<hbm>>
    %dma_start3A_268 = tpu.memref_squeeze %dma_start3A_267 : memref<1x2x16384xf32, #tpu.memory_space<hbm>> -> memref<2x16384xf32, #tpu.memory_space<hbm>>
    %dma_start3A_269 = arith.constant 0 : i32
    %dma_start3A_270 = arith.constant 0 : i32
    %dma_start3A_271 = tpu.memref_slice %arg7[%dma_start3A_269, %dma_start3A_270] : memref<2x16384xf32, #tpu.memory_space<vmem>> -> memref<2x16384xf32, #tpu.memory_space<vmem>>
    %dma_start3A_272 = arith.constant 0 : i32
    %dma_start3A_273 = tpu.memref_slice %arg2[%add3A, %dma_start3A_272, %multiple_of3A_64] : memref<32x2x220500xf32, #tpu.memory_space<hbm>> -> memref<1x2x16384xf32, #tpu.memory_space<hbm>>
    %dma_start3A_274 = tpu.memref_squeeze %dma_start3A_273 : memref<1x2x16384xf32, #tpu.memory_space<hbm>> -> memref<2x16384xf32, #tpu.memory_space<hbm>>
    tpu.enqueue_dma source(%dma_start3A_274 : memref<2x16384xf32, #tpu.memory_space<hbm>>) target(%dma_start3A_271 : memref<2x16384xf32, #tpu.memory_space<vmem>>) target_semaphore(%arg11 : memref<!tpu.dma_semaphore, #tpu.memory_space<semaphore_mem>>)
    %dma_wait3A_275 = arith.constant 0 : i32
    %dma_wait3A_276 = arith.constant 0 : i32
    %dma_wait3A_277 = tpu.memref_slice %arg8[%dma_wait3A_275, %dma_wait3A_276] : memref<2x16256xf32, #tpu.memory_space<vmem>> -> memref<2x16256xf32, #tpu.memory_space<vmem>>
    %dma_wait3A_278 = arith.constant 0 : i32
    %dma_wait3A_279 = tpu.memref_slice %arg4[%add3A, %dma_wait3A_278, %multiple_of3A_45] : memref<32x2x212308xf32, #tpu.memory_space<hbm>> -> memref<1x2x16256xf32, #tpu.memory_space<hbm>>
    %dma_wait3A_280 = tpu.memref_squeeze %dma_wait3A_279 : memref<1x2x16256xf32, #tpu.memory_space<hbm>> -> memref<2x16256xf32, #tpu.memory_space<hbm>>
    %dma_wait3A_281 = arith.constant 0 : i32
    %dma_wait3A_282 = tpu.memref_slice %arg4[%add3A, %dma_wait3A_281, %multiple_of3A_45] : memref<32x2x212308xf32, #tpu.memory_space<hbm>> -> memref<1x2x16256xf32, #tpu.memory_space<hbm>>
    %dma_wait3A_283 = tpu.memref_squeeze %dma_wait3A_282 : memref<1x2x16256xf32, #tpu.memory_space<hbm>> -> memref<2x16256xf32, #tpu.memory_space<hbm>>
    %dma_wait3A_284 = arith.constant 0 : i32
    %dma_wait3A_285 = arith.constant 0 : i32
    %dma_wait3A_286 = tpu.memref_slice %arg8[%dma_wait3A_284, %dma_wait3A_285] : memref<2x16256xf32, #tpu.memory_space<vmem>> -> memref<2x16256xf32, #tpu.memory_space<vmem>>
    tpu.wait_dma2 semaphore(%arg12 : memref<!tpu.dma_semaphore, #tpu.memory_space<semaphore_mem>>) src(%dma_wait3A_286 : memref<2x16256xf32, #tpu.memory_space<vmem>>) dst(%dma_wait3A_283 : memref<2x16256xf32, #tpu.memory_space<hbm>>)
    %broadcast_in_dim3A_287 = arith.constant 0 : i32
    %broadcast_in_dim3A_288 = vector.broadcast %broadcast_in_dim3A_287 : i32 to vector<16xi32>
    %parallel_loop3A_289 = arith.constant 0 : i32
    %parallel_loop3A_290 = arith.constant 1016 : i32
    %parallel_loop3A_291 = arith.constant 1 : i32
    scf.for %parallel_loop3A_959 = %parallel_loop3A_289 to %parallel_loop3A_290 step %parallel_loop3A_291  : i32 {
      %parallel_loop3A_960 = arith.constant 16 : i32
      %parallel_loop3A_961 = arith.muli %parallel_loop3A_959, %parallel_loop3A_960 : i32
      %parallel_loop3A_962 = tpu.assume_multiple %parallel_loop3A_961, 16 : i32
      %parallel_loop3A_963 = arith.addi %select_n3A_38, %parallel_loop3A_962 : i32
      %parallel_loop3A_964 = vector.broadcast %parallel_loop3A_963 : i32 to vector<16xi32>
      %parallel_loop3A_965 = arith.addi %iota3A, %parallel_loop3A_964 : vector<16xi32>
      %parallel_loop3A_966 = tpu.vector_load_idx %arg6[%broadcast_in_dim3A_288, %parallel_loop3A_965] : memref<2x16384xf32, #tpu.memory_space<vmem>>[vector<16xi32>, vector<16xi32>], vector<16xf32>,
      %parallel_loop3A_967 = arith.constant 0 : i32
      %parallel_loop3A_968 = arith.index_cast %parallel_loop3A_967 : i32 to index
      %parallel_loop3A_969 = arith.index_cast %parallel_loop3A_962 : i32 to index
      %parallel_loop3A_970 = tpu.vector_load %arg8[%parallel_loop3A_968, %parallel_loop3A_969] {strides = array<i32>} : memref<2x16256xf32, #tpu.memory_space<vmem>>, vector<16xf32>,
      tpu.vector_store %arg8[%parallel_loop3A_968, %parallel_loop3A_969], %parallel_loop3A_966 {strides = array<i32>} : memref<2x16256xf32, #tpu.memory_space<vmem>>, vector<16xf32>,
    } {sc.loop_unroll_factor = 8 : i64, sc.parallel_access}
    %broadcast_in_dim3A_292 = arith.constant 1 : i32
    %broadcast_in_dim3A_293 = vector.broadcast %broadcast_in_dim3A_292 : i32 to vector<16xi32>
    %parallel_loop3A_294 = arith.constant 0 : i32
    %parallel_loop3A_295 = arith.constant 1016 : i32
    %parallel_loop3A_296 = arith.constant 1 : i32
    scf.for %parallel_loop3A_959 = %parallel_loop3A_294 to %parallel_loop3A_295 step %parallel_loop3A_296  : i32 {
      %parallel_loop3A_960 = arith.constant 16 : i32
      %parallel_loop3A_961 = arith.muli %parallel_loop3A_959, %parallel_loop3A_960 : i32
      %parallel_loop3A_962 = tpu.assume_multiple %parallel_loop3A_961, 16 : i32
      %parallel_loop3A_963 = arith.addi %select_n3A_38, %parallel_loop3A_962 : i32
      %parallel_loop3A_964 = vector.broadcast %parallel_loop3A_963 : i32 to vector<16xi32>
      %parallel_loop3A_965 = arith.addi %iota3A, %parallel_loop3A_964 : vector<16xi32>
      %parallel_loop3A_966 = tpu.vector_load_idx %arg6[%broadcast_in_dim3A_293, %parallel_loop3A_965] : memref<2x16384xf32, #tpu.memory_space<vmem>>[vector<16xi32>, vector<16xi32>], vector<16xf32>,
      %parallel_loop3A_967 = arith.constant 1 : i32
      %parallel_loop3A_968 = arith.index_cast %parallel_loop3A_967 : i32 to index
      %parallel_loop3A_969 = arith.index_cast %parallel_loop3A_962 : i32 to index
      %parallel_loop3A_970 = tpu.vector_load %arg8[%parallel_loop3A_968, %parallel_loop3A_969] {strides = array<i32>} : memref<2x16256xf32, #tpu.memory_space<vmem>>, vector<16xf32>,
      tpu.vector_store %arg8[%parallel_loop3A_968, %parallel_loop3A_969], %parallel_loop3A_966 {strides = array<i32>} : memref<2x16256xf32, #tpu.memory_space<vmem>>, vector<16xf32>,
    } {sc.loop_unroll_factor = 8 : i64, sc.parallel_access}
    %dma_start3A_297 = arith.constant 0 : i32
    %dma_start3A_298 = arith.constant 0 : i32
    %dma_start3A_299 = tpu.memref_slice %arg8[%dma_start3A_297, %dma_start3A_298] : memref<2x16256xf32, #tpu.memory_space<vmem>> -> memref<2x16256xf32, #tpu.memory_space<vmem>>
    %dma_start3A_300 = arith.constant 0 : i32
    %dma_start3A_301 = tpu.memref_slice %arg4[%add3A, %dma_start3A_300, %multiple_of3A_61] : memref<32x2x212308xf32, #tpu.memory_space<hbm>> -> memref<1x2x16256xf32, #tpu.memory_space<hbm>>
    %dma_start3A_302 = tpu.memref_squeeze %dma_start3A_301 : memref<1x2x16256xf32, #tpu.memory_space<hbm>> -> memref<2x16256xf32, #tpu.memory_space<hbm>>
    %dma_start3A_303 = arith.constant 0 : i32
    %dma_start3A_304 = tpu.memref_slice %arg4[%add3A, %dma_start3A_303, %multiple_of3A_61] : memref<32x2x212308xf32, #tpu.memory_space<hbm>> -> memref<1x2x16256xf32, #tpu.memory_space<hbm>>
    %dma_start3A_305 = tpu.memref_squeeze %dma_start3A_304 : memref<1x2x16256xf32, #tpu.memory_space<hbm>> -> memref<2x16256xf32, #tpu.memory_space<hbm>>
    %dma_start3A_306 = arith.constant 0 : i32
    %dma_start3A_307 = arith.constant 0 : i32
    %dma_start3A_308 = tpu.memref_slice %arg8[%dma_start3A_306, %dma_start3A_307] : memref<2x16256xf32, #tpu.memory_space<vmem>> -> memref<2x16256xf32, #tpu.memory_space<vmem>>
    tpu.enqueue_dma source(%dma_start3A_308 : memref<2x16256xf32, #tpu.memory_space<vmem>>) target(%dma_start3A_305 : memref<2x16256xf32, #tpu.memory_space<hbm>>) target_semaphore(%arg12 : memref<!tpu.dma_semaphore, #tpu.memory_space<semaphore_mem>>)
    %dma_wait3A_309 = arith.constant 0 : i32
    %dma_wait3A_310 = arith.constant 0 : i32
    %dma_wait3A_311 = tpu.memref_slice %arg7[%dma_wait3A_309, %dma_wait3A_310] : memref<2x16384xf32, #tpu.memory_space<vmem>> -> memref<2x16384xf32, #tpu.memory_space<vmem>>
    %dma_wait3A_312 = arith.constant 0 : i32
    %dma_wait3A_313 = tpu.memref_slice %arg2[%add3A, %dma_wait3A_312, %multiple_of3A_64] : memref<32x2x220500xf32, #tpu.memory_space<hbm>> -> memref<1x2x16384xf32, #tpu.memory_space<hbm>>
    %dma_wait3A_314 = tpu.memref_squeeze %dma_wait3A_313 : memref<1x2x16384xf32, #tpu.memory_space<hbm>> -> memref<2x16384xf32, #tpu.memory_space<hbm>>
    %dma_wait3A_315 = arith.constant 0 : i32
    %dma_wait3A_316 = arith.constant 0 : i32
    %dma_wait3A_317 = tpu.memref_slice %arg7[%dma_wait3A_315, %dma_wait3A_316] : memref<2x16384xf32, #tpu.memory_space<vmem>> -> memref<2x16384xf32, #tpu.memory_space<vmem>>
    %dma_wait3A_318 = arith.constant 0 : i32
    %dma_wait3A_319 = tpu.memref_slice %arg2[%add3A, %dma_wait3A_318, %multiple_of3A_64] : memref<32x2x220500xf32, #tpu.memory_space<hbm>> -> memref<1x2x16384xf32, #tpu.memory_space<hbm>>
    %dma_wait3A_320 = tpu.memref_squeeze %dma_wait3A_319 : memref<1x2x16384xf32, #tpu.memory_space<hbm>> -> memref<2x16384xf32, #tpu.memory_space<hbm>>
    tpu.wait_dma2 semaphore(%arg11 : memref<!tpu.dma_semaphore, #tpu.memory_space<semaphore_mem>>) src(%dma_wait3A_320 : memref<2x16384xf32, #tpu.memory_space<hbm>>) dst(%dma_wait3A_317 : memref<2x16384xf32, #tpu.memory_space<vmem>>)
    %dma_start3A_321 = arith.constant 0 : i32
    %dma_start3A_322 = arith.constant 0 : i32
    %dma_start3A_323 = tpu.memref_slice %arg6[%dma_start3A_321, %dma_start3A_322] : memref<2x16384xf32, #tpu.memory_space<vmem>> -> memref<2x16384xf32, #tpu.memory_space<vmem>>
    %dma_start3A_324 = arith.constant 0 : i32
    %dma_start3A_325 = tpu.memref_slice %arg2[%add3A, %dma_start3A_324, %multiple_of3A_72] : memref<32x2x220500xf32, #tpu.memory_space<hbm>> -> memref<1x2x16384xf32, #tpu.memory_space<hbm>>
    %dma_start3A_326 = tpu.memref_squeeze %dma_start3A_325 : memref<1x2x16384xf32, #tpu.memory_space<hbm>> -> memref<2x16384xf32, #tpu.memory_space<hbm>>
    %dma_start3A_327 = arith.constant 0 : i32
    %dma_start3A_328 = arith.constant 0 : i32
    %dma_start3A_329 = tpu.memref_slice %arg6[%dma_start3A_327, %dma_start3A_328] : memref<2x16384xf32, #tpu.memory_space<vmem>> -> memref<2x16384xf32, #tpu.memory_space<vmem>>
    %dma_start3A_330 = arith.constant 0 : i32
    %dma_start3A_331 = tpu.memref_slice %arg2[%add3A, %dma_start3A_330, %multiple_of3A_72] : memref<32x2x220500xf32, #tpu.memory_space<hbm>> -> memref<1x2x16384xf32, #tpu.memory_space<hbm>>
    %dma_start3A_332 = tpu.memref_squeeze %dma_start3A_331 : memref<1x2x16384xf32, #tpu.memory_space<hbm>> -> memref<2x16384xf32, #tpu.memory_space<hbm>>
    tpu.enqueue_dma source(%dma_start3A_332 : memref<2x16384xf32, #tpu.memory_space<hbm>>) target(%dma_start3A_329 : memref<2x16384xf32, #tpu.memory_space<vmem>>) target_semaphore(%arg10 : memref<!tpu.dma_semaphore, #tpu.memory_space<semaphore_mem>>)
    %dma_wait3A_333 = arith.constant 0 : i32
    %dma_wait3A_334 = arith.constant 0 : i32
    %dma_wait3A_335 = tpu.memref_slice %arg9[%dma_wait3A_333, %dma_wait3A_334] : memref<2x16256xf32, #tpu.memory_space<vmem>> -> memref<2x16256xf32, #tpu.memory_space<vmem>>
    %dma_wait3A_336 = arith.constant 0 : i32
    %dma_wait3A_337 = tpu.memref_slice %arg4[%add3A, %dma_wait3A_336, %multiple_of3A_53] : memref<32x2x212308xf32, #tpu.memory_space<hbm>> -> memref<1x2x16256xf32, #tpu.memory_space<hbm>>
    %dma_wait3A_338 = tpu.memref_squeeze %dma_wait3A_337 : memref<1x2x16256xf32, #tpu.memory_space<hbm>> -> memref<2x16256xf32, #tpu.memory_space<hbm>>
    %dma_wait3A_339 = arith.constant 0 : i32
    %dma_wait3A_340 = tpu.memref_slice %arg4[%add3A, %dma_wait3A_339, %multiple_of3A_53] : memref<32x2x212308xf32, #tpu.memory_space<hbm>> -> memref<1x2x16256xf32, #tpu.memory_space<hbm>>
    %dma_wait3A_341 = tpu.memref_squeeze %dma_wait3A_340 : memref<1x2x16256xf32, #tpu.memory_space<hbm>> -> memref<2x16256xf32, #tpu.memory_space<hbm>>
    %dma_wait3A_342 = arith.constant 0 : i32
    %dma_wait3A_343 = arith.constant 0 : i32
    %dma_wait3A_344 = tpu.memref_slice %arg9[%dma_wait3A_342, %dma_wait3A_343] : memref<2x16256xf32, #tpu.memory_space<vmem>> -> memref<2x16256xf32, #tpu.memory_space<vmem>>
    tpu.wait_dma2 semaphore(%arg13 : memref<!tpu.dma_semaphore, #tpu.memory_space<semaphore_mem>>) src(%dma_wait3A_344 : memref<2x16256xf32, #tpu.memory_space<vmem>>) dst(%dma_wait3A_341 : memref<2x16256xf32, #tpu.memory_space<hbm>>)
    %broadcast_in_dim3A_345 = arith.constant 0 : i32
    %broadcast_in_dim3A_346 = vector.broadcast %broadcast_in_dim3A_345 : i32 to vector<16xi32>
    %parallel_loop3A_347 = arith.constant 0 : i32
    %parallel_loop3A_348 = arith.constant 1016 : i32
    %parallel_loop3A_349 = arith.constant 1 : i32
    scf.for %parallel_loop3A_959 = %parallel_loop3A_347 to %parallel_loop3A_348 step %parallel_loop3A_349  : i32 {
      %parallel_loop3A_960 = arith.constant 16 : i32
      %parallel_loop3A_961 = arith.muli %parallel_loop3A_959, %parallel_loop3A_960 : i32
      %parallel_loop3A_962 = tpu.assume_multiple %parallel_loop3A_961, 16 : i32
      %parallel_loop3A_963 = arith.addi %select_n3A_38, %parallel_loop3A_962 : i32
      %parallel_loop3A_964 = vector.broadcast %parallel_loop3A_963 : i32 to vector<16xi32>
      %parallel_loop3A_965 = arith.addi %iota3A, %parallel_loop3A_964 : vector<16xi32>
      %parallel_loop3A_966 = tpu.vector_load_idx %arg7[%broadcast_in_dim3A_346, %parallel_loop3A_965] : memref<2x16384xf32, #tpu.memory_space<vmem>>[vector<16xi32>, vector<16xi32>], vector<16xf32>,
      %parallel_loop3A_967 = arith.constant 0 : i32
      %parallel_loop3A_968 = arith.index_cast %parallel_loop3A_967 : i32 to index
      %parallel_loop3A_969 = arith.index_cast %parallel_loop3A_962 : i32 to index
      %parallel_loop3A_970 = tpu.vector_load %arg9[%parallel_loop3A_968, %parallel_loop3A_969] {strides = array<i32>} : memref<2x16256xf32, #tpu.memory_space<vmem>>, vector<16xf32>,
      tpu.vector_store %arg9[%parallel_loop3A_968, %parallel_loop3A_969], %parallel_loop3A_966 {strides = array<i32>} : memref<2x16256xf32, #tpu.memory_space<vmem>>, vector<16xf32>,
    } {sc.loop_unroll_factor = 8 : i64, sc.parallel_access}
    %broadcast_in_dim3A_350 = arith.constant 1 : i32
    %broadcast_in_dim3A_351 = vector.broadcast %broadcast_in_dim3A_350 : i32 to vector<16xi32>
    %parallel_loop3A_352 = arith.constant 0 : i32
    %parallel_loop3A_353 = arith.constant 1016 : i32
    %parallel_loop3A_354 = arith.constant 1 : i32
    scf.for %parallel_loop3A_959 = %parallel_loop3A_352 to %parallel_loop3A_353 step %parallel_loop3A_354  : i32 {
      %parallel_loop3A_960 = arith.constant 16 : i32
      %parallel_loop3A_961 = arith.muli %parallel_loop3A_959, %parallel_loop3A_960 : i32
      %parallel_loop3A_962 = tpu.assume_multiple %parallel_loop3A_961, 16 : i32
      %parallel_loop3A_963 = arith.addi %select_n3A_38, %parallel_loop3A_962 : i32
      %parallel_loop3A_964 = vector.broadcast %parallel_loop3A_963 : i32 to vector<16xi32>
      %parallel_loop3A_965 = arith.addi %iota3A, %parallel_loop3A_964 : vector<16xi32>
      %parallel_loop3A_966 = tpu.vector_load_idx %arg7[%broadcast_in_dim3A_351, %parallel_loop3A_965] : memref<2x16384xf32, #tpu.memory_space<vmem>>[vector<16xi32>, vector<16xi32>], vector<16xf32>,
      %parallel_loop3A_967 = arith.constant 1 : i32
      %parallel_loop3A_968 = arith.index_cast %parallel_loop3A_967 : i32 to index
      %parallel_loop3A_969 = arith.index_cast %parallel_loop3A_962 : i32 to index
      %parallel_loop3A_970 = tpu.vector_load %arg9[%parallel_loop3A_968, %parallel_loop3A_969] {strides = array<i32>} : memref<2x16256xf32, #tpu.memory_space<vmem>>, vector<16xf32>,
      tpu.vector_store %arg9[%parallel_loop3A_968, %parallel_loop3A_969], %parallel_loop3A_966 {strides = array<i32>} : memref<2x16256xf32, #tpu.memory_space<vmem>>, vector<16xf32>,
    } {sc.loop_unroll_factor = 8 : i64, sc.parallel_access}
    %dma_start3A_355 = arith.constant 0 : i32
    %dma_start3A_356 = arith.constant 0 : i32
    %dma_start3A_357 = tpu.memref_slice %arg9[%dma_start3A_355, %dma_start3A_356] : memref<2x16256xf32, #tpu.memory_space<vmem>> -> memref<2x16256xf32, #tpu.memory_space<vmem>>
    %dma_start3A_358 = arith.constant 0 : i32
    %dma_start3A_359 = tpu.memref_slice %arg4[%add3A, %dma_start3A_358, %multiple_of3A_69] : memref<32x2x212308xf32, #tpu.memory_space<hbm>> -> memref<1x2x16256xf32, #tpu.memory_space<hbm>>
    %dma_start3A_360 = tpu.memref_squeeze %dma_start3A_359 : memref<1x2x16256xf32, #tpu.memory_space<hbm>> -> memref<2x16256xf32, #tpu.memory_space<hbm>>
    %dma_start3A_361 = arith.constant 0 : i32
    %dma_start3A_362 = tpu.memref_slice %arg4[%add3A, %dma_start3A_361, %multiple_of3A_69] : memref<32x2x212308xf32, #tpu.memory_space<hbm>> -> memref<1x2x16256xf32, #tpu.memory_space<hbm>>
    %dma_start3A_363 = tpu.memref_squeeze %dma_start3A_362 : memref<1x2x16256xf32, #tpu.memory_space<hbm>> -> memref<2x16256xf32, #tpu.memory_space<hbm>>
    %dma_start3A_364 = arith.constant 0 : i32
    %dma_start3A_365 = arith.constant 0 : i32
    %dma_start3A_366 = tpu.memref_slice %arg9[%dma_start3A_364, %dma_start3A_365] : memref<2x16256xf32, #tpu.memory_space<vmem>> -> memref<2x16256xf32, #tpu.memory_space<vmem>>
    tpu.enqueue_dma source(%dma_start3A_366 : memref<2x16256xf32, #tpu.memory_space<vmem>>) target(%dma_start3A_363 : memref<2x16256xf32, #tpu.memory_space<hbm>>) target_semaphore(%arg13 : memref<!tpu.dma_semaphore, #tpu.memory_space<semaphore_mem>>)
    %dma_wait3A_367 = arith.constant 0 : i32
    %dma_wait3A_368 = arith.constant 0 : i32
    %dma_wait3A_369 = tpu.memref_slice %arg6[%dma_wait3A_367, %dma_wait3A_368] : memref<2x16384xf32, #tpu.memory_space<vmem>> -> memref<2x16384xf32, #tpu.memory_space<vmem>>
    %dma_wait3A_370 = arith.constant 0 : i32
    %dma_wait3A_371 = tpu.memref_slice %arg2[%add3A, %dma_wait3A_370, %multiple_of3A_72] : memref<32x2x220500xf32, #tpu.memory_space<hbm>> -> memref<1x2x16384xf32, #tpu.memory_space<hbm>>
    %dma_wait3A_372 = tpu.memref_squeeze %dma_wait3A_371 : memref<1x2x16384xf32, #tpu.memory_space<hbm>> -> memref<2x16384xf32, #tpu.memory_space<hbm>>
    %dma_wait3A_373 = arith.constant 0 : i32
    %dma_wait3A_374 = arith.constant 0 : i32
    %dma_wait3A_375 = tpu.memref_slice %arg6[%dma_wait3A_373, %dma_wait3A_374] : memref<2x16384xf32, #tpu.memory_space<vmem>> -> memref<2x16384xf32, #tpu.memory_space<vmem>>
    %dma_wait3A_376 = arith.constant 0 : i32
    %dma_wait3A_377 = tpu.memref_slice %arg2[%add3A, %dma_wait3A_376, %multiple_of3A_72] : memref<32x2x220500xf32, #tpu.memory_space<hbm>> -> memref<1x2x16384xf32, #tpu.memory_space<hbm>>
    %dma_wait3A_378 = tpu.memref_squeeze %dma_wait3A_377 : memref<1x2x16384xf32, #tpu.memory_space<hbm>> -> memref<2x16384xf32, #tpu.memory_space<hbm>>
    tpu.wait_dma2 semaphore(%arg10 : memref<!tpu.dma_semaphore, #tpu.memory_space<semaphore_mem>>) src(%dma_wait3A_378 : memref<2x16384xf32, #tpu.memory_space<hbm>>) dst(%dma_wait3A_375 : memref<2x16384xf32, #tpu.memory_space<vmem>>)
    %dma_start3A_379 = arith.constant 0 : i32
    %dma_start3A_380 = arith.constant 0 : i32
    %dma_start3A_381 = tpu.memref_slice %arg7[%dma_start3A_379, %dma_start3A_380] : memref<2x16384xf32, #tpu.memory_space<vmem>> -> memref<2x16384xf32, #tpu.memory_space<vmem>>
    %dma_start3A_382 = arith.constant 0 : i32
    %dma_start3A_383 = tpu.memref_slice %arg2[%add3A, %dma_start3A_382, %multiple_of3A_80] : memref<32x2x220500xf32, #tpu.memory_space<hbm>> -> memref<1x2x16384xf32, #tpu.memory_space<hbm>>
    %dma_start3A_384 = tpu.memref_squeeze %dma_start3A_383 : memref<1x2x16384xf32, #tpu.memory_space<hbm>> -> memref<2x16384xf32, #tpu.memory_space<hbm>>
    %dma_start3A_385 = arith.constant 0 : i32
    %dma_start3A_386 = arith.constant 0 : i32
    %dma_start3A_387 = tpu.memref_slice %arg7[%dma_start3A_385, %dma_start3A_386] : memref<2x16384xf32, #tpu.memory_space<vmem>> -> memref<2x16384xf32, #tpu.memory_space<vmem>>
    %dma_start3A_388 = arith.constant 0 : i32
    %dma_start3A_389 = tpu.memref_slice %arg2[%add3A, %dma_start3A_388, %multiple_of3A_80] : memref<32x2x220500xf32, #tpu.memory_space<hbm>> -> memref<1x2x16384xf32, #tpu.memory_space<hbm>>
    %dma_start3A_390 = tpu.memref_squeeze %dma_start3A_389 : memref<1x2x16384xf32, #tpu.memory_space<hbm>> -> memref<2x16384xf32, #tpu.memory_space<hbm>>
    tpu.enqueue_dma source(%dma_start3A_390 : memref<2x16384xf32, #tpu.memory_space<hbm>>) target(%dma_start3A_387 : memref<2x16384xf32, #tpu.memory_space<vmem>>) target_semaphore(%arg11 : memref<!tpu.dma_semaphore, #tpu.memory_space<semaphore_mem>>)
    %dma_wait3A_391 = arith.constant 0 : i32
    %dma_wait3A_392 = arith.constant 0 : i32
    %dma_wait3A_393 = tpu.memref_slice %arg8[%dma_wait3A_391, %dma_wait3A_392] : memref<2x16256xf32, #tpu.memory_space<vmem>> -> memref<2x16256xf32, #tpu.memory_space<vmem>>
    %dma_wait3A_394 = arith.constant 0 : i32
    %dma_wait3A_395 = tpu.memref_slice %arg4[%add3A, %dma_wait3A_394, %multiple_of3A_61] : memref<32x2x212308xf32, #tpu.memory_space<hbm>> -> memref<1x2x16256xf32, #tpu.memory_space<hbm>>
    %dma_wait3A_396 = tpu.memref_squeeze %dma_wait3A_395 : memref<1x2x16256xf32, #tpu.memory_space<hbm>> -> memref<2x16256xf32, #tpu.memory_space<hbm>>
    %dma_wait3A_397 = arith.constant 0 : i32
    %dma_wait3A_398 = tpu.memref_slice %arg4[%add3A, %dma_wait3A_397, %multiple_of3A_61] : memref<32x2x212308xf32, #tpu.memory_space<hbm>> -> memref<1x2x16256xf32, #tpu.memory_space<hbm>>
    %dma_wait3A_399 = tpu.memref_squeeze %dma_wait3A_398 : memref<1x2x16256xf32, #tpu.memory_space<hbm>> -> memref<2x16256xf32, #tpu.memory_space<hbm>>
    %dma_wait3A_400 = arith.constant 0 : i32
    %dma_wait3A_401 = arith.constant 0 : i32
    %dma_wait3A_402 = tpu.memref_slice %arg8[%dma_wait3A_400, %dma_wait3A_401] : memref<2x16256xf32, #tpu.memory_space<vmem>> -> memref<2x16256xf32, #tpu.memory_space<vmem>>
    tpu.wait_dma2 semaphore(%arg12 : memref<!tpu.dma_semaphore, #tpu.memory_space<semaphore_mem>>) src(%dma_wait3A_402 : memref<2x16256xf32, #tpu.memory_space<vmem>>) dst(%dma_wait3A_399 : memref<2x16256xf32, #tpu.memory_space<hbm>>)
    %broadcast_in_dim3A_403 = arith.constant 0 : i32
    %broadcast_in_dim3A_404 = vector.broadcast %broadcast_in_dim3A_403 : i32 to vector<16xi32>
    %parallel_loop3A_405 = arith.constant 0 : i32
    %parallel_loop3A_406 = arith.constant 1016 : i32
    %parallel_loop3A_407 = arith.constant 1 : i32
    scf.for %parallel_loop3A_959 = %parallel_loop3A_405 to %parallel_loop3A_406 step %parallel_loop3A_407  : i32 {
      %parallel_loop3A_960 = arith.constant 16 : i32
      %parallel_loop3A_961 = arith.muli %parallel_loop3A_959, %parallel_loop3A_960 : i32
      %parallel_loop3A_962 = tpu.assume_multiple %parallel_loop3A_961, 16 : i32
      %parallel_loop3A_963 = arith.addi %select_n3A_38, %parallel_loop3A_962 : i32
      %parallel_loop3A_964 = vector.broadcast %parallel_loop3A_963 : i32 to vector<16xi32>
      %parallel_loop3A_965 = arith.addi %iota3A, %parallel_loop3A_964 : vector<16xi32>
      %parallel_loop3A_966 = tpu.vector_load_idx %arg6[%broadcast_in_dim3A_404, %parallel_loop3A_965] : memref<2x16384xf32, #tpu.memory_space<vmem>>[vector<16xi32>, vector<16xi32>], vector<16xf32>,
      %parallel_loop3A_967 = arith.constant 0 : i32
      %parallel_loop3A_968 = arith.index_cast %parallel_loop3A_967 : i32 to index
      %parallel_loop3A_969 = arith.index_cast %parallel_loop3A_962 : i32 to index
      %parallel_loop3A_970 = tpu.vector_load %arg8[%parallel_loop3A_968, %parallel_loop3A_969] {strides = array<i32>} : memref<2x16256xf32, #tpu.memory_space<vmem>>, vector<16xf32>,
      tpu.vector_store %arg8[%parallel_loop3A_968, %parallel_loop3A_969], %parallel_loop3A_966 {strides = array<i32>} : memref<2x16256xf32, #tpu.memory_space<vmem>>, vector<16xf32>,
    } {sc.loop_unroll_factor = 8 : i64, sc.parallel_access}
    %broadcast_in_dim3A_408 = arith.constant 1 : i32
    %broadcast_in_dim3A_409 = vector.broadcast %broadcast_in_dim3A_408 : i32 to vector<16xi32>
    %parallel_loop3A_410 = arith.constant 0 : i32
    %parallel_loop3A_411 = arith.constant 1016 : i32
    %parallel_loop3A_412 = arith.constant 1 : i32
    scf.for %parallel_loop3A_959 = %parallel_loop3A_410 to %parallel_loop3A_411 step %parallel_loop3A_412  : i32 {
      %parallel_loop3A_960 = arith.constant 16 : i32
      %parallel_loop3A_961 = arith.muli %parallel_loop3A_959, %parallel_loop3A_960 : i32
      %parallel_loop3A_962 = tpu.assume_multiple %parallel_loop3A_961, 16 : i32
      %parallel_loop3A_963 = arith.addi %select_n3A_38, %parallel_loop3A_962 : i32
      %parallel_loop3A_964 = vector.broadcast %parallel_loop3A_963 : i32 to vector<16xi32>
      %parallel_loop3A_965 = arith.addi %iota3A, %parallel_loop3A_964 : vector<16xi32>
      %parallel_loop3A_966 = tpu.vector_load_idx %arg6[%broadcast_in_dim3A_409, %parallel_loop3A_965] : memref<2x16384xf32, #tpu.memory_space<vmem>>[vector<16xi32>, vector<16xi32>], vector<16xf32>,
      %parallel_loop3A_967 = arith.constant 1 : i32
      %parallel_loop3A_968 = arith.index_cast %parallel_loop3A_967 : i32 to index
      %parallel_loop3A_969 = arith.index_cast %parallel_loop3A_962 : i32 to index
      %parallel_loop3A_970 = tpu.vector_load %arg8[%parallel_loop3A_968, %parallel_loop3A_969] {strides = array<i32>} : memref<2x16256xf32, #tpu.memory_space<vmem>>, vector<16xf32>,
      tpu.vector_store %arg8[%parallel_loop3A_968, %parallel_loop3A_969], %parallel_loop3A_966 {strides = array<i32>} : memref<2x16256xf32, #tpu.memory_space<vmem>>, vector<16xf32>,
    } {sc.loop_unroll_factor = 8 : i64, sc.parallel_access}
    %dma_start3A_413 = arith.constant 0 : i32
    %dma_start3A_414 = arith.constant 0 : i32
    %dma_start3A_415 = tpu.memref_slice %arg8[%dma_start3A_413, %dma_start3A_414] : memref<2x16256xf32, #tpu.memory_space<vmem>> -> memref<2x16256xf32, #tpu.memory_space<vmem>>
    %dma_start3A_416 = arith.constant 0 : i32
    %dma_start3A_417 = tpu.memref_slice %arg4[%add3A, %dma_start3A_416, %multiple_of3A_77] : memref<32x2x212308xf32, #tpu.memory_space<hbm>> -> memref<1x2x16256xf32, #tpu.memory_space<hbm>>
    %dma_start3A_418 = tpu.memref_squeeze %dma_start3A_417 : memref<1x2x16256xf32, #tpu.memory_space<hbm>> -> memref<2x16256xf32, #tpu.memory_space<hbm>>
    %dma_start3A_419 = arith.constant 0 : i32
    %dma_start3A_420 = tpu.memref_slice %arg4[%add3A, %dma_start3A_419, %multiple_of3A_77] : memref<32x2x212308xf32, #tpu.memory_space<hbm>> -> memref<1x2x16256xf32, #tpu.memory_space<hbm>>
    %dma_start3A_421 = tpu.memref_squeeze %dma_start3A_420 : memref<1x2x16256xf32, #tpu.memory_space<hbm>> -> memref<2x16256xf32, #tpu.memory_space<hbm>>
    %dma_start3A_422 = arith.constant 0 : i32
    %dma_start3A_423 = arith.constant 0 : i32
    %dma_start3A_424 = tpu.memref_slice %arg8[%dma_start3A_422, %dma_start3A_423] : memref<2x16256xf32, #tpu.memory_space<vmem>> -> memref<2x16256xf32, #tpu.memory_space<vmem>>
    tpu.enqueue_dma source(%dma_start3A_424 : memref<2x16256xf32, #tpu.memory_space<vmem>>) target(%dma_start3A_421 : memref<2x16256xf32, #tpu.memory_space<hbm>>) target_semaphore(%arg12 : memref<!tpu.dma_semaphore, #tpu.memory_space<semaphore_mem>>)
    %dma_wait3A_425 = arith.constant 0 : i32
    %dma_wait3A_426 = arith.constant 0 : i32
    %dma_wait3A_427 = tpu.memref_slice %arg7[%dma_wait3A_425, %dma_wait3A_426] : memref<2x16384xf32, #tpu.memory_space<vmem>> -> memref<2x16384xf32, #tpu.memory_space<vmem>>
    %dma_wait3A_428 = arith.constant 0 : i32
    %dma_wait3A_429 = tpu.memref_slice %arg2[%add3A, %dma_wait3A_428, %multiple_of3A_80] : memref<32x2x220500xf32, #tpu.memory_space<hbm>> -> memref<1x2x16384xf32, #tpu.memory_space<hbm>>
    %dma_wait3A_430 = tpu.memref_squeeze %dma_wait3A_429 : memref<1x2x16384xf32, #tpu.memory_space<hbm>> -> memref<2x16384xf32, #tpu.memory_space<hbm>>
    %dma_wait3A_431 = arith.constant 0 : i32
    %dma_wait3A_432 = arith.constant 0 : i32
    %dma_wait3A_433 = tpu.memref_slice %arg7[%dma_wait3A_431, %dma_wait3A_432] : memref<2x16384xf32, #tpu.memory_space<vmem>> -> memref<2x16384xf32, #tpu.memory_space<vmem>>
    %dma_wait3A_434 = arith.constant 0 : i32
    %dma_wait3A_435 = tpu.memref_slice %arg2[%add3A, %dma_wait3A_434, %multiple_of3A_80] : memref<32x2x220500xf32, #tpu.memory_space<hbm>> -> memref<1x2x16384xf32, #tpu.memory_space<hbm>>
    %dma_wait3A_436 = tpu.memref_squeeze %dma_wait3A_435 : memref<1x2x16384xf32, #tpu.memory_space<hbm>> -> memref<2x16384xf32, #tpu.memory_space<hbm>>
    tpu.wait_dma2 semaphore(%arg11 : memref<!tpu.dma_semaphore, #tpu.memory_space<semaphore_mem>>) src(%dma_wait3A_436 : memref<2x16384xf32, #tpu.memory_space<hbm>>) dst(%dma_wait3A_433 : memref<2x16384xf32, #tpu.memory_space<vmem>>)
    %dma_start3A_437 = arith.constant 0 : i32
    %dma_start3A_438 = arith.constant 0 : i32
    %dma_start3A_439 = tpu.memref_slice %arg6[%dma_start3A_437, %dma_start3A_438] : memref<2x16384xf32, #tpu.memory_space<vmem>> -> memref<2x16384xf32, #tpu.memory_space<vmem>>
    %dma_start3A_440 = arith.constant 0 : i32
    %dma_start3A_441 = tpu.memref_slice %arg2[%add3A, %dma_start3A_440, %multiple_of3A_88] : memref<32x2x220500xf32, #tpu.memory_space<hbm>> -> memref<1x2x16384xf32, #tpu.memory_space<hbm>>
    %dma_start3A_442 = tpu.memref_squeeze %dma_start3A_441 : memref<1x2x16384xf32, #tpu.memory_space<hbm>> -> memref<2x16384xf32, #tpu.memory_space<hbm>>
    %dma_start3A_443 = arith.constant 0 : i32
    %dma_start3A_444 = arith.constant 0 : i32
    %dma_start3A_445 = tpu.memref_slice %arg6[%dma_start3A_443, %dma_start3A_444] : memref<2x16384xf32, #tpu.memory_space<vmem>> -> memref<2x16384xf32, #tpu.memory_space<vmem>>
    %dma_start3A_446 = arith.constant 0 : i32
    %dma_start3A_447 = tpu.memref_slice %arg2[%add3A, %dma_start3A_446, %multiple_of3A_88] : memref<32x2x220500xf32, #tpu.memory_space<hbm>> -> memref<1x2x16384xf32, #tpu.memory_space<hbm>>
    %dma_start3A_448 = tpu.memref_squeeze %dma_start3A_447 : memref<1x2x16384xf32, #tpu.memory_space<hbm>> -> memref<2x16384xf32, #tpu.memory_space<hbm>>
    tpu.enqueue_dma source(%dma_start3A_448 : memref<2x16384xf32, #tpu.memory_space<hbm>>) target(%dma_start3A_445 : memref<2x16384xf32, #tpu.memory_space<vmem>>) target_semaphore(%arg10 : memref<!tpu.dma_semaphore, #tpu.memory_space<semaphore_mem>>)
    %dma_wait3A_449 = arith.constant 0 : i32
    %dma_wait3A_450 = arith.constant 0 : i32
    %dma_wait3A_451 = tpu.memref_slice %arg9[%dma_wait3A_449, %dma_wait3A_450] : memref<2x16256xf32, #tpu.memory_space<vmem>> -> memref<2x16256xf32, #tpu.memory_space<vmem>>
    %dma_wait3A_452 = arith.constant 0 : i32
    %dma_wait3A_453 = tpu.memref_slice %arg4[%add3A, %dma_wait3A_452, %multiple_of3A_69] : memref<32x2x212308xf32, #tpu.memory_space<hbm>> -> memref<1x2x16256xf32, #tpu.memory_space<hbm>>
    %dma_wait3A_454 = tpu.memref_squeeze %dma_wait3A_453 : memref<1x2x16256xf32, #tpu.memory_space<hbm>> -> memref<2x16256xf32, #tpu.memory_space<hbm>>
    %dma_wait3A_455 = arith.constant 0 : i32
    %dma_wait3A_456 = tpu.memref_slice %arg4[%add3A, %dma_wait3A_455, %multiple_of3A_69] : memref<32x2x212308xf32, #tpu.memory_space<hbm>> -> memref<1x2x16256xf32, #tpu.memory_space<hbm>>
    %dma_wait3A_457 = tpu.memref_squeeze %dma_wait3A_456 : memref<1x2x16256xf32, #tpu.memory_space<hbm>> -> memref<2x16256xf32, #tpu.memory_space<hbm>>
    %dma_wait3A_458 = arith.constant 0 : i32
    %dma_wait3A_459 = arith.constant 0 : i32
    %dma_wait3A_460 = tpu.memref_slice %arg9[%dma_wait3A_458, %dma_wait3A_459] : memref<2x16256xf32, #tpu.memory_space<vmem>> -> memref<2x16256xf32, #tpu.memory_space<vmem>>
    tpu.wait_dma2 semaphore(%arg13 : memref<!tpu.dma_semaphore, #tpu.memory_space<semaphore_mem>>) src(%dma_wait3A_460 : memref<2x16256xf32, #tpu.memory_space<vmem>>) dst(%dma_wait3A_457 : memref<2x16256xf32, #tpu.memory_space<hbm>>)
    %broadcast_in_dim3A_461 = arith.constant 0 : i32
    %broadcast_in_dim3A_462 = vector.broadcast %broadcast_in_dim3A_461 : i32 to vector<16xi32>
    %parallel_loop3A_463 = arith.constant 0 : i32
    %parallel_loop3A_464 = arith.constant 1016 : i32
    %parallel_loop3A_465 = arith.constant 1 : i32
    scf.for %parallel_loop3A_959 = %parallel_loop3A_463 to %parallel_loop3A_464 step %parallel_loop3A_465  : i32 {
      %parallel_loop3A_960 = arith.constant 16 : i32
      %parallel_loop3A_961 = arith.muli %parallel_loop3A_959, %parallel_loop3A_960 : i32
      %parallel_loop3A_962 = tpu.assume_multiple %parallel_loop3A_961, 16 : i32
      %parallel_loop3A_963 = arith.addi %select_n3A_38, %parallel_loop3A_962 : i32
      %parallel_loop3A_964 = vector.broadcast %parallel_loop3A_963 : i32 to vector<16xi32>
      %parallel_loop3A_965 = arith.addi %iota3A, %parallel_loop3A_964 : vector<16xi32>
      %parallel_loop3A_966 = tpu.vector_load_idx %arg7[%broadcast_in_dim3A_462, %parallel_loop3A_965] : memref<2x16384xf32, #tpu.memory_space<vmem>>[vector<16xi32>, vector<16xi32>], vector<16xf32>,
      %parallel_loop3A_967 = arith.constant 0 : i32
      %parallel_loop3A_968 = arith.index_cast %parallel_loop3A_967 : i32 to index
      %parallel_loop3A_969 = arith.index_cast %parallel_loop3A_962 : i32 to index
      %parallel_loop3A_970 = tpu.vector_load %arg9[%parallel_loop3A_968, %parallel_loop3A_969] {strides = array<i32>} : memref<2x16256xf32, #tpu.memory_space<vmem>>, vector<16xf32>,
      tpu.vector_store %arg9[%parallel_loop3A_968, %parallel_loop3A_969], %parallel_loop3A_966 {strides = array<i32>} : memref<2x16256xf32, #tpu.memory_space<vmem>>, vector<16xf32>,
    } {sc.loop_unroll_factor = 8 : i64, sc.parallel_access}
    %broadcast_in_dim3A_466 = arith.constant 1 : i32
    %broadcast_in_dim3A_467 = vector.broadcast %broadcast_in_dim3A_466 : i32 to vector<16xi32>
    %parallel_loop3A_468 = arith.constant 0 : i32
    %parallel_loop3A_469 = arith.constant 1016 : i32
    %parallel_loop3A_470 = arith.constant 1 : i32
    scf.for %parallel_loop3A_959 = %parallel_loop3A_468 to %parallel_loop3A_469 step %parallel_loop3A_470  : i32 {
      %parallel_loop3A_960 = arith.constant 16 : i32
      %parallel_loop3A_961 = arith.muli %parallel_loop3A_959, %parallel_loop3A_960 : i32
      %parallel_loop3A_962 = tpu.assume_multiple %parallel_loop3A_961, 16 : i32
      %parallel_loop3A_963 = arith.addi %select_n3A_38, %parallel_loop3A_962 : i32
      %parallel_loop3A_964 = vector.broadcast %parallel_loop3A_963 : i32 to vector<16xi32>
      %parallel_loop3A_965 = arith.addi %iota3A, %parallel_loop3A_964 : vector<16xi32>
      %parallel_loop3A_966 = tpu.vector_load_idx %arg7[%broadcast_in_dim3A_467, %parallel_loop3A_965] : memref<2x16384xf32, #tpu.memory_space<vmem>>[vector<16xi32>, vector<16xi32>], vector<16xf32>,
      %parallel_loop3A_967 = arith.constant 1 : i32
      %parallel_loop3A_968 = arith.index_cast %parallel_loop3A_967 : i32 to index
      %parallel_loop3A_969 = arith.index_cast %parallel_loop3A_962 : i32 to index
      %parallel_loop3A_970 = tpu.vector_load %arg9[%parallel_loop3A_968, %parallel_loop3A_969] {strides = array<i32>} : memref<2x16256xf32, #tpu.memory_space<vmem>>, vector<16xf32>,
      tpu.vector_store %arg9[%parallel_loop3A_968, %parallel_loop3A_969], %parallel_loop3A_966 {strides = array<i32>} : memref<2x16256xf32, #tpu.memory_space<vmem>>, vector<16xf32>,
    } {sc.loop_unroll_factor = 8 : i64, sc.parallel_access}
    %dma_start3A_471 = arith.constant 0 : i32
    %dma_start3A_472 = arith.constant 0 : i32
    %dma_start3A_473 = tpu.memref_slice %arg9[%dma_start3A_471, %dma_start3A_472] : memref<2x16256xf32, #tpu.memory_space<vmem>> -> memref<2x16256xf32, #tpu.memory_space<vmem>>
    %dma_start3A_474 = arith.constant 0 : i32
    %dma_start3A_475 = tpu.memref_slice %arg4[%add3A, %dma_start3A_474, %multiple_of3A_85] : memref<32x2x212308xf32, #tpu.memory_space<hbm>> -> memref<1x2x16256xf32, #tpu.memory_space<hbm>>
    %dma_start3A_476 = tpu.memref_squeeze %dma_start3A_475 : memref<1x2x16256xf32, #tpu.memory_space<hbm>> -> memref<2x16256xf32, #tpu.memory_space<hbm>>
    %dma_start3A_477 = arith.constant 0 : i32
    %dma_start3A_478 = tpu.memref_slice %arg4[%add3A, %dma_start3A_477, %multiple_of3A_85] : memref<32x2x212308xf32, #tpu.memory_space<hbm>> -> memref<1x2x16256xf32, #tpu.memory_space<hbm>>
    %dma_start3A_479 = tpu.memref_squeeze %dma_start3A_478 : memref<1x2x16256xf32, #tpu.memory_space<hbm>> -> memref<2x16256xf32, #tpu.memory_space<hbm>>
    %dma_start3A_480 = arith.constant 0 : i32
    %dma_start3A_481 = arith.constant 0 : i32
    %dma_start3A_482 = tpu.memref_slice %arg9[%dma_start3A_480, %dma_start3A_481] : memref<2x16256xf32, #tpu.memory_space<vmem>> -> memref<2x16256xf32, #tpu.memory_space<vmem>>
    tpu.enqueue_dma source(%dma_start3A_482 : memref<2x16256xf32, #tpu.memory_space<vmem>>) target(%dma_start3A_479 : memref<2x16256xf32, #tpu.memory_space<hbm>>) target_semaphore(%arg13 : memref<!tpu.dma_semaphore, #tpu.memory_space<semaphore_mem>>)
    %dma_wait3A_483 = arith.constant 0 : i32
    %dma_wait3A_484 = arith.constant 0 : i32
    %dma_wait3A_485 = tpu.memref_slice %arg6[%dma_wait3A_483, %dma_wait3A_484] : memref<2x16384xf32, #tpu.memory_space<vmem>> -> memref<2x16384xf32, #tpu.memory_space<vmem>>
    %dma_wait3A_486 = arith.constant 0 : i32
    %dma_wait3A_487 = tpu.memref_slice %arg2[%add3A, %dma_wait3A_486, %multiple_of3A_88] : memref<32x2x220500xf32, #tpu.memory_space<hbm>> -> memref<1x2x16384xf32, #tpu.memory_space<hbm>>
    %dma_wait3A_488 = tpu.memref_squeeze %dma_wait3A_487 : memref<1x2x16384xf32, #tpu.memory_space<hbm>> -> memref<2x16384xf32, #tpu.memory_space<hbm>>
    %dma_wait3A_489 = arith.constant 0 : i32
    %dma_wait3A_490 = arith.constant 0 : i32
    %dma_wait3A_491 = tpu.memref_slice %arg6[%dma_wait3A_489, %dma_wait3A_490] : memref<2x16384xf32, #tpu.memory_space<vmem>> -> memref<2x16384xf32, #tpu.memory_space<vmem>>
    %dma_wait3A_492 = arith.constant 0 : i32
    %dma_wait3A_493 = tpu.memref_slice %arg2[%add3A, %dma_wait3A_492, %multiple_of3A_88] : memref<32x2x220500xf32, #tpu.memory_space<hbm>> -> memref<1x2x16384xf32, #tpu.memory_space<hbm>>
    %dma_wait3A_494 = tpu.memref_squeeze %dma_wait3A_493 : memref<1x2x16384xf32, #tpu.memory_space<hbm>> -> memref<2x16384xf32, #tpu.memory_space<hbm>>
    tpu.wait_dma2 semaphore(%arg10 : memref<!tpu.dma_semaphore, #tpu.memory_space<semaphore_mem>>) src(%dma_wait3A_494 : memref<2x16384xf32, #tpu.memory_space<hbm>>) dst(%dma_wait3A_491 : memref<2x16384xf32, #tpu.memory_space<vmem>>)
    %dma_start3A_495 = arith.constant 0 : i32
    %dma_start3A_496 = arith.constant 0 : i32
    %dma_start3A_497 = tpu.memref_slice %arg7[%dma_start3A_495, %dma_start3A_496] : memref<2x16384xf32, #tpu.memory_space<vmem>> -> memref<2x16384xf32, #tpu.memory_space<vmem>>
    %dma_start3A_498 = arith.constant 0 : i32
    %dma_start3A_499 = tpu.memref_slice %arg2[%add3A, %dma_start3A_498, %multiple_of3A_96] : memref<32x2x220500xf32, #tpu.memory_space<hbm>> -> memref<1x2x16384xf32, #tpu.memory_space<hbm>>
    %dma_start3A_500 = tpu.memref_squeeze %dma_start3A_499 : memref<1x2x16384xf32, #tpu.memory_space<hbm>> -> memref<2x16384xf32, #tpu.memory_space<hbm>>
    %dma_start3A_501 = arith.constant 0 : i32
    %dma_start3A_502 = arith.constant 0 : i32
    %dma_start3A_503 = tpu.memref_slice %arg7[%dma_start3A_501, %dma_start3A_502] : memref<2x16384xf32, #tpu.memory_space<vmem>> -> memref<2x16384xf32, #tpu.memory_space<vmem>>
    %dma_start3A_504 = arith.constant 0 : i32
    %dma_start3A_505 = tpu.memref_slice %arg2[%add3A, %dma_start3A_504, %multiple_of3A_96] : memref<32x2x220500xf32, #tpu.memory_space<hbm>> -> memref<1x2x16384xf32, #tpu.memory_space<hbm>>
    %dma_start3A_506 = tpu.memref_squeeze %dma_start3A_505 : memref<1x2x16384xf32, #tpu.memory_space<hbm>> -> memref<2x16384xf32, #tpu.memory_space<hbm>>
    tpu.enqueue_dma source(%dma_start3A_506 : memref<2x16384xf32, #tpu.memory_space<hbm>>) target(%dma_start3A_503 : memref<2x16384xf32, #tpu.memory_space<vmem>>) target_semaphore(%arg11 : memref<!tpu.dma_semaphore, #tpu.memory_space<semaphore_mem>>)
    %dma_wait3A_507 = arith.constant 0 : i32
    %dma_wait3A_508 = arith.constant 0 : i32
    %dma_wait3A_509 = tpu.memref_slice %arg8[%dma_wait3A_507, %dma_wait3A_508] : memref<2x16256xf32, #tpu.memory_space<vmem>> -> memref<2x16256xf32, #tpu.memory_space<vmem>>
    %dma_wait3A_510 = arith.constant 0 : i32
    %dma_wait3A_511 = tpu.memref_slice %arg4[%add3A, %dma_wait3A_510, %multiple_of3A_77] : memref<32x2x212308xf32, #tpu.memory_space<hbm>> -> memref<1x2x16256xf32, #tpu.memory_space<hbm>>
    %dma_wait3A_512 = tpu.memref_squeeze %dma_wait3A_511 : memref<1x2x16256xf32, #tpu.memory_space<hbm>> -> memref<2x16256xf32, #tpu.memory_space<hbm>>
    %dma_wait3A_513 = arith.constant 0 : i32
    %dma_wait3A_514 = tpu.memref_slice %arg4[%add3A, %dma_wait3A_513, %multiple_of3A_77] : memref<32x2x212308xf32, #tpu.memory_space<hbm>> -> memref<1x2x16256xf32, #tpu.memory_space<hbm>>
    %dma_wait3A_515 = tpu.memref_squeeze %dma_wait3A_514 : memref<1x2x16256xf32, #tpu.memory_space<hbm>> -> memref<2x16256xf32, #tpu.memory_space<hbm>>
    %dma_wait3A_516 = arith.constant 0 : i32
    %dma_wait3A_517 = arith.constant 0 : i32
    %dma_wait3A_518 = tpu.memref_slice %arg8[%dma_wait3A_516, %dma_wait3A_517] : memref<2x16256xf32, #tpu.memory_space<vmem>> -> memref<2x16256xf32, #tpu.memory_space<vmem>>
    tpu.wait_dma2 semaphore(%arg12 : memref<!tpu.dma_semaphore, #tpu.memory_space<semaphore_mem>>) src(%dma_wait3A_518 : memref<2x16256xf32, #tpu.memory_space<vmem>>) dst(%dma_wait3A_515 : memref<2x16256xf32, #tpu.memory_space<hbm>>)
    %broadcast_in_dim3A_519 = arith.constant 0 : i32
    %broadcast_in_dim3A_520 = vector.broadcast %broadcast_in_dim3A_519 : i32 to vector<16xi32>
    %parallel_loop3A_521 = arith.constant 0 : i32
    %parallel_loop3A_522 = arith.constant 1016 : i32
    %parallel_loop3A_523 = arith.constant 1 : i32
    scf.for %parallel_loop3A_959 = %parallel_loop3A_521 to %parallel_loop3A_522 step %parallel_loop3A_523  : i32 {
      %parallel_loop3A_960 = arith.constant 16 : i32
      %parallel_loop3A_961 = arith.muli %parallel_loop3A_959, %parallel_loop3A_960 : i32
      %parallel_loop3A_962 = tpu.assume_multiple %parallel_loop3A_961, 16 : i32
      %parallel_loop3A_963 = arith.addi %select_n3A_38, %parallel_loop3A_962 : i32
      %parallel_loop3A_964 = vector.broadcast %parallel_loop3A_963 : i32 to vector<16xi32>
      %parallel_loop3A_965 = arith.addi %iota3A, %parallel_loop3A_964 : vector<16xi32>
      %parallel_loop3A_966 = tpu.vector_load_idx %arg6[%broadcast_in_dim3A_520, %parallel_loop3A_965] : memref<2x16384xf32, #tpu.memory_space<vmem>>[vector<16xi32>, vector<16xi32>], vector<16xf32>,
      %parallel_loop3A_967 = arith.constant 0 : i32
      %parallel_loop3A_968 = arith.index_cast %parallel_loop3A_967 : i32 to index
      %parallel_loop3A_969 = arith.index_cast %parallel_loop3A_962 : i32 to index
      %parallel_loop3A_970 = tpu.vector_load %arg8[%parallel_loop3A_968, %parallel_loop3A_969] {strides = array<i32>} : memref<2x16256xf32, #tpu.memory_space<vmem>>, vector<16xf32>,
      tpu.vector_store %arg8[%parallel_loop3A_968, %parallel_loop3A_969], %parallel_loop3A_966 {strides = array<i32>} : memref<2x16256xf32, #tpu.memory_space<vmem>>, vector<16xf32>,
    } {sc.loop_unroll_factor = 8 : i64, sc.parallel_access}
    %broadcast_in_dim3A_524 = arith.constant 1 : i32
    %broadcast_in_dim3A_525 = vector.broadcast %broadcast_in_dim3A_524 : i32 to vector<16xi32>
    %parallel_loop3A_526 = arith.constant 0 : i32
    %parallel_loop3A_527 = arith.constant 1016 : i32
    %parallel_loop3A_528 = arith.constant 1 : i32
    scf.for %parallel_loop3A_959 = %parallel_loop3A_526 to %parallel_loop3A_527 step %parallel_loop3A_528  : i32 {
      %parallel_loop3A_960 = arith.constant 16 : i32
      %parallel_loop3A_961 = arith.muli %parallel_loop3A_959, %parallel_loop3A_960 : i32
      %parallel_loop3A_962 = tpu.assume_multiple %parallel_loop3A_961, 16 : i32
      %parallel_loop3A_963 = arith.addi %select_n3A_38, %parallel_loop3A_962 : i32
      %parallel_loop3A_964 = vector.broadcast %parallel_loop3A_963 : i32 to vector<16xi32>
      %parallel_loop3A_965 = arith.addi %iota3A, %parallel_loop3A_964 : vector<16xi32>
      %parallel_loop3A_966 = tpu.vector_load_idx %arg6[%broadcast_in_dim3A_525, %parallel_loop3A_965] : memref<2x16384xf32, #tpu.memory_space<vmem>>[vector<16xi32>, vector<16xi32>], vector<16xf32>,
      %parallel_loop3A_967 = arith.constant 1 : i32
      %parallel_loop3A_968 = arith.index_cast %parallel_loop3A_967 : i32 to index
      %parallel_loop3A_969 = arith.index_cast %parallel_loop3A_962 : i32 to index
      %parallel_loop3A_970 = tpu.vector_load %arg8[%parallel_loop3A_968, %parallel_loop3A_969] {strides = array<i32>} : memref<2x16256xf32, #tpu.memory_space<vmem>>, vector<16xf32>,
      tpu.vector_store %arg8[%parallel_loop3A_968, %parallel_loop3A_969], %parallel_loop3A_966 {strides = array<i32>} : memref<2x16256xf32, #tpu.memory_space<vmem>>, vector<16xf32>,
    } {sc.loop_unroll_factor = 8 : i64, sc.parallel_access}
    %dma_start3A_529 = arith.constant 0 : i32
    %dma_start3A_530 = arith.constant 0 : i32
    %dma_start3A_531 = tpu.memref_slice %arg8[%dma_start3A_529, %dma_start3A_530] : memref<2x16256xf32, #tpu.memory_space<vmem>> -> memref<2x16256xf32, #tpu.memory_space<vmem>>
    %dma_start3A_532 = arith.constant 0 : i32
    %dma_start3A_533 = tpu.memref_slice %arg4[%add3A, %dma_start3A_532, %multiple_of3A_93] : memref<32x2x212308xf32, #tpu.memory_space<hbm>> -> memref<1x2x16256xf32, #tpu.memory_space<hbm>>
    %dma_start3A_534 = tpu.memref_squeeze %dma_start3A_533 : memref<1x2x16256xf32, #tpu.memory_space<hbm>> -> memref<2x16256xf32, #tpu.memory_space<hbm>>
    %dma_start3A_535 = arith.constant 0 : i32
    %dma_start3A_536 = tpu.memref_slice %arg4[%add3A, %dma_start3A_535, %multiple_of3A_93] : memref<32x2x212308xf32, #tpu.memory_space<hbm>> -> memref<1x2x16256xf32, #tpu.memory_space<hbm>>
    %dma_start3A_537 = tpu.memref_squeeze %dma_start3A_536 : memref<1x2x16256xf32, #tpu.memory_space<hbm>> -> memref<2x16256xf32, #tpu.memory_space<hbm>>
    %dma_start3A_538 = arith.constant 0 : i32
    %dma_start3A_539 = arith.constant 0 : i32
    %dma_start3A_540 = tpu.memref_slice %arg8[%dma_start3A_538, %dma_start3A_539] : memref<2x16256xf32, #tpu.memory_space<vmem>> -> memref<2x16256xf32, #tpu.memory_space<vmem>>
    tpu.enqueue_dma source(%dma_start3A_540 : memref<2x16256xf32, #tpu.memory_space<vmem>>) target(%dma_start3A_537 : memref<2x16256xf32, #tpu.memory_space<hbm>>) target_semaphore(%arg12 : memref<!tpu.dma_semaphore, #tpu.memory_space<semaphore_mem>>)
    %dma_wait3A_541 = arith.constant 0 : i32
    %dma_wait3A_542 = arith.constant 0 : i32
    %dma_wait3A_543 = tpu.memref_slice %arg7[%dma_wait3A_541, %dma_wait3A_542] : memref<2x16384xf32, #tpu.memory_space<vmem>> -> memref<2x16384xf32, #tpu.memory_space<vmem>>
    %dma_wait3A_544 = arith.constant 0 : i32
    %dma_wait3A_545 = tpu.memref_slice %arg2[%add3A, %dma_wait3A_544, %multiple_of3A_96] : memref<32x2x220500xf32, #tpu.memory_space<hbm>> -> memref<1x2x16384xf32, #tpu.memory_space<hbm>>
    %dma_wait3A_546 = tpu.memref_squeeze %dma_wait3A_545 : memref<1x2x16384xf32, #tpu.memory_space<hbm>> -> memref<2x16384xf32, #tpu.memory_space<hbm>>
    %dma_wait3A_547 = arith.constant 0 : i32
    %dma_wait3A_548 = arith.constant 0 : i32
    %dma_wait3A_549 = tpu.memref_slice %arg7[%dma_wait3A_547, %dma_wait3A_548] : memref<2x16384xf32, #tpu.memory_space<vmem>> -> memref<2x16384xf32, #tpu.memory_space<vmem>>
    %dma_wait3A_550 = arith.constant 0 : i32
    %dma_wait3A_551 = tpu.memref_slice %arg2[%add3A, %dma_wait3A_550, %multiple_of3A_96] : memref<32x2x220500xf32, #tpu.memory_space<hbm>> -> memref<1x2x16384xf32, #tpu.memory_space<hbm>>
    %dma_wait3A_552 = tpu.memref_squeeze %dma_wait3A_551 : memref<1x2x16384xf32, #tpu.memory_space<hbm>> -> memref<2x16384xf32, #tpu.memory_space<hbm>>
    tpu.wait_dma2 semaphore(%arg11 : memref<!tpu.dma_semaphore, #tpu.memory_space<semaphore_mem>>) src(%dma_wait3A_552 : memref<2x16384xf32, #tpu.memory_space<hbm>>) dst(%dma_wait3A_549 : memref<2x16384xf32, #tpu.memory_space<vmem>>)
    %dma_start3A_553 = arith.constant 0 : i32
    %dma_start3A_554 = arith.constant 0 : i32
    %dma_start3A_555 = tpu.memref_slice %arg6[%dma_start3A_553, %dma_start3A_554] : memref<2x16384xf32, #tpu.memory_space<vmem>> -> memref<2x16384xf32, #tpu.memory_space<vmem>>
    %dma_start3A_556 = arith.constant 0 : i32
    %dma_start3A_557 = tpu.memref_slice %arg2[%add3A, %dma_start3A_556, %multiple_of3A_104] : memref<32x2x220500xf32, #tpu.memory_space<hbm>> -> memref<1x2x16384xf32, #tpu.memory_space<hbm>>
    %dma_start3A_558 = tpu.memref_squeeze %dma_start3A_557 : memref<1x2x16384xf32, #tpu.memory_space<hbm>> -> memref<2x16384xf32, #tpu.memory_space<hbm>>
    %dma_start3A_559 = arith.constant 0 : i32
    %dma_start3A_560 = arith.constant 0 : i32
    %dma_start3A_561 = tpu.memref_slice %arg6[%dma_start3A_559, %dma_start3A_560] : memref<2x16384xf32, #tpu.memory_space<vmem>> -> memref<2x16384xf32, #tpu.memory_space<vmem>>
    %dma_start3A_562 = arith.constant 0 : i32
    %dma_start3A_563 = tpu.memref_slice %arg2[%add3A, %dma_start3A_562, %multiple_of3A_104] : memref<32x2x220500xf32, #tpu.memory_space<hbm>> -> memref<1x2x16384xf32, #tpu.memory_space<hbm>>
    %dma_start3A_564 = tpu.memref_squeeze %dma_start3A_563 : memref<1x2x16384xf32, #tpu.memory_space<hbm>> -> memref<2x16384xf32, #tpu.memory_space<hbm>>
    tpu.enqueue_dma source(%dma_start3A_564 : memref<2x16384xf32, #tpu.memory_space<hbm>>) target(%dma_start3A_561 : memref<2x16384xf32, #tpu.memory_space<vmem>>) target_semaphore(%arg10 : memref<!tpu.dma_semaphore, #tpu.memory_space<semaphore_mem>>)
    %dma_wait3A_565 = arith.constant 0 : i32
    %dma_wait3A_566 = arith.constant 0 : i32
    %dma_wait3A_567 = tpu.memref_slice %arg9[%dma_wait3A_565, %dma_wait3A_566] : memref<2x16256xf32, #tpu.memory_space<vmem>> -> memref<2x16256xf32, #tpu.memory_space<vmem>>
    %dma_wait3A_568 = arith.constant 0 : i32
    %dma_wait3A_569 = tpu.memref_slice %arg4[%add3A, %dma_wait3A_568, %multiple_of3A_85] : memref<32x2x212308xf32, #tpu.memory_space<hbm>> -> memref<1x2x16256xf32, #tpu.memory_space<hbm>>
    %dma_wait3A_570 = tpu.memref_squeeze %dma_wait3A_569 : memref<1x2x16256xf32, #tpu.memory_space<hbm>> -> memref<2x16256xf32, #tpu.memory_space<hbm>>
    %dma_wait3A_571 = arith.constant 0 : i32
    %dma_wait3A_572 = tpu.memref_slice %arg4[%add3A, %dma_wait3A_571, %multiple_of3A_85] : memref<32x2x212308xf32, #tpu.memory_space<hbm>> -> memref<1x2x16256xf32, #tpu.memory_space<hbm>>
    %dma_wait3A_573 = tpu.memref_squeeze %dma_wait3A_572 : memref<1x2x16256xf32, #tpu.memory_space<hbm>> -> memref<2x16256xf32, #tpu.memory_space<hbm>>
    %dma_wait3A_574 = arith.constant 0 : i32
    %dma_wait3A_575 = arith.constant 0 : i32
    %dma_wait3A_576 = tpu.memref_slice %arg9[%dma_wait3A_574, %dma_wait3A_575] : memref<2x16256xf32, #tpu.memory_space<vmem>> -> memref<2x16256xf32, #tpu.memory_space<vmem>>
    tpu.wait_dma2 semaphore(%arg13 : memref<!tpu.dma_semaphore, #tpu.memory_space<semaphore_mem>>) src(%dma_wait3A_576 : memref<2x16256xf32, #tpu.memory_space<vmem>>) dst(%dma_wait3A_573 : memref<2x16256xf32, #tpu.memory_space<hbm>>)
    %broadcast_in_dim3A_577 = arith.constant 0 : i32
    %broadcast_in_dim3A_578 = vector.broadcast %broadcast_in_dim3A_577 : i32 to vector<16xi32>
    %parallel_loop3A_579 = arith.constant 0 : i32
    %parallel_loop3A_580 = arith.constant 1016 : i32
    %parallel_loop3A_581 = arith.constant 1 : i32
    scf.for %parallel_loop3A_959 = %parallel_loop3A_579 to %parallel_loop3A_580 step %parallel_loop3A_581  : i32 {
      %parallel_loop3A_960 = arith.constant 16 : i32
      %parallel_loop3A_961 = arith.muli %parallel_loop3A_959, %parallel_loop3A_960 : i32
      %parallel_loop3A_962 = tpu.assume_multiple %parallel_loop3A_961, 16 : i32
      %parallel_loop3A_963 = arith.addi %select_n3A_38, %parallel_loop3A_962 : i32
      %parallel_loop3A_964 = vector.broadcast %parallel_loop3A_963 : i32 to vector<16xi32>
      %parallel_loop3A_965 = arith.addi %iota3A, %parallel_loop3A_964 : vector<16xi32>
      %parallel_loop3A_966 = tpu.vector_load_idx %arg7[%broadcast_in_dim3A_578, %parallel_loop3A_965] : memref<2x16384xf32, #tpu.memory_space<vmem>>[vector<16xi32>, vector<16xi32>], vector<16xf32>,
      %parallel_loop3A_967 = arith.constant 0 : i32
      %parallel_loop3A_968 = arith.index_cast %parallel_loop3A_967 : i32 to index
      %parallel_loop3A_969 = arith.index_cast %parallel_loop3A_962 : i32 to index
      %parallel_loop3A_970 = tpu.vector_load %arg9[%parallel_loop3A_968, %parallel_loop3A_969] {strides = array<i32>} : memref<2x16256xf32, #tpu.memory_space<vmem>>, vector<16xf32>,
      tpu.vector_store %arg9[%parallel_loop3A_968, %parallel_loop3A_969], %parallel_loop3A_966 {strides = array<i32>} : memref<2x16256xf32, #tpu.memory_space<vmem>>, vector<16xf32>,
    } {sc.loop_unroll_factor = 8 : i64, sc.parallel_access}
    %broadcast_in_dim3A_582 = arith.constant 1 : i32
    %broadcast_in_dim3A_583 = vector.broadcast %broadcast_in_dim3A_582 : i32 to vector<16xi32>
    %parallel_loop3A_584 = arith.constant 0 : i32
    %parallel_loop3A_585 = arith.constant 1016 : i32
    %parallel_loop3A_586 = arith.constant 1 : i32
    scf.for %parallel_loop3A_959 = %parallel_loop3A_584 to %parallel_loop3A_585 step %parallel_loop3A_586  : i32 {
      %parallel_loop3A_960 = arith.constant 16 : i32
      %parallel_loop3A_961 = arith.muli %parallel_loop3A_959, %parallel_loop3A_960 : i32
      %parallel_loop3A_962 = tpu.assume_multiple %parallel_loop3A_961, 16 : i32
      %parallel_loop3A_963 = arith.addi %select_n3A_38, %parallel_loop3A_962 : i32
      %parallel_loop3A_964 = vector.broadcast %parallel_loop3A_963 : i32 to vector<16xi32>
      %parallel_loop3A_965 = arith.addi %iota3A, %parallel_loop3A_964 : vector<16xi32>
      %parallel_loop3A_966 = tpu.vector_load_idx %arg7[%broadcast_in_dim3A_583, %parallel_loop3A_965] : memref<2x16384xf32, #tpu.memory_space<vmem>>[vector<16xi32>, vector<16xi32>], vector<16xf32>,
      %parallel_loop3A_967 = arith.constant 1 : i32
      %parallel_loop3A_968 = arith.index_cast %parallel_loop3A_967 : i32 to index
      %parallel_loop3A_969 = arith.index_cast %parallel_loop3A_962 : i32 to index
      %parallel_loop3A_970 = tpu.vector_load %arg9[%parallel_loop3A_968, %parallel_loop3A_969] {strides = array<i32>} : memref<2x16256xf32, #tpu.memory_space<vmem>>, vector<16xf32>,
      tpu.vector_store %arg9[%parallel_loop3A_968, %parallel_loop3A_969], %parallel_loop3A_966 {strides = array<i32>} : memref<2x16256xf32, #tpu.memory_space<vmem>>, vector<16xf32>,
    } {sc.loop_unroll_factor = 8 : i64, sc.parallel_access}
    %dma_start3A_587 = arith.constant 0 : i32
    %dma_start3A_588 = arith.constant 0 : i32
    %dma_start3A_589 = tpu.memref_slice %arg9[%dma_start3A_587, %dma_start3A_588] : memref<2x16256xf32, #tpu.memory_space<vmem>> -> memref<2x16256xf32, #tpu.memory_space<vmem>>
    %dma_start3A_590 = arith.constant 0 : i32
    %dma_start3A_591 = tpu.memref_slice %arg4[%add3A, %dma_start3A_590, %multiple_of3A_101] : memref<32x2x212308xf32, #tpu.memory_space<hbm>> -> memref<1x2x16256xf32, #tpu.memory_space<hbm>>
    %dma_start3A_592 = tpu.memref_squeeze %dma_start3A_591 : memref<1x2x16256xf32, #tpu.memory_space<hbm>> -> memref<2x16256xf32, #tpu.memory_space<hbm>>
    %dma_start3A_593 = arith.constant 0 : i32
    %dma_start3A_594 = tpu.memref_slice %arg4[%add3A, %dma_start3A_593, %multiple_of3A_101] : memref<32x2x212308xf32, #tpu.memory_space<hbm>> -> memref<1x2x16256xf32, #tpu.memory_space<hbm>>
    %dma_start3A_595 = tpu.memref_squeeze %dma_start3A_594 : memref<1x2x16256xf32, #tpu.memory_space<hbm>> -> memref<2x16256xf32, #tpu.memory_space<hbm>>
    %dma_start3A_596 = arith.constant 0 : i32
    %dma_start3A_597 = arith.constant 0 : i32
    %dma_start3A_598 = tpu.memref_slice %arg9[%dma_start3A_596, %dma_start3A_597] : memref<2x16256xf32, #tpu.memory_space<vmem>> -> memref<2x16256xf32, #tpu.memory_space<vmem>>
    tpu.enqueue_dma source(%dma_start3A_598 : memref<2x16256xf32, #tpu.memory_space<vmem>>) target(%dma_start3A_595 : memref<2x16256xf32, #tpu.memory_space<hbm>>) target_semaphore(%arg13 : memref<!tpu.dma_semaphore, #tpu.memory_space<semaphore_mem>>)
    %dma_wait3A_599 = arith.constant 0 : i32
    %dma_wait3A_600 = arith.constant 0 : i32
    %dma_wait3A_601 = tpu.memref_slice %arg6[%dma_wait3A_599, %dma_wait3A_600] : memref<2x16384xf32, #tpu.memory_space<vmem>> -> memref<2x16384xf32, #tpu.memory_space<vmem>>
    %dma_wait3A_602 = arith.constant 0 : i32
    %dma_wait3A_603 = tpu.memref_slice %arg2[%add3A, %dma_wait3A_602, %multiple_of3A_104] : memref<32x2x220500xf32, #tpu.memory_space<hbm>> -> memref<1x2x16384xf32, #tpu.memory_space<hbm>>
    %dma_wait3A_604 = tpu.memref_squeeze %dma_wait3A_603 : memref<1x2x16384xf32, #tpu.memory_space<hbm>> -> memref<2x16384xf32, #tpu.memory_space<hbm>>
    %dma_wait3A_605 = arith.constant 0 : i32
    %dma_wait3A_606 = arith.constant 0 : i32
    %dma_wait3A_607 = tpu.memref_slice %arg6[%dma_wait3A_605, %dma_wait3A_606] : memref<2x16384xf32, #tpu.memory_space<vmem>> -> memref<2x16384xf32, #tpu.memory_space<vmem>>
    %dma_wait3A_608 = arith.constant 0 : i32
    %dma_wait3A_609 = tpu.memref_slice %arg2[%add3A, %dma_wait3A_608, %multiple_of3A_104] : memref<32x2x220500xf32, #tpu.memory_space<hbm>> -> memref<1x2x16384xf32, #tpu.memory_space<hbm>>
    %dma_wait3A_610 = tpu.memref_squeeze %dma_wait3A_609 : memref<1x2x16384xf32, #tpu.memory_space<hbm>> -> memref<2x16384xf32, #tpu.memory_space<hbm>>
    tpu.wait_dma2 semaphore(%arg10 : memref<!tpu.dma_semaphore, #tpu.memory_space<semaphore_mem>>) src(%dma_wait3A_610 : memref<2x16384xf32, #tpu.memory_space<hbm>>) dst(%dma_wait3A_607 : memref<2x16384xf32, #tpu.memory_space<vmem>>)
    %dma_start3A_611 = arith.constant 0 : i32
    %dma_start3A_612 = arith.constant 0 : i32
    %dma_start3A_613 = tpu.memref_slice %arg7[%dma_start3A_611, %dma_start3A_612] : memref<2x16384xf32, #tpu.memory_space<vmem>> -> memref<2x16384xf32, #tpu.memory_space<vmem>>
    %dma_start3A_614 = arith.constant 0 : i32
    %dma_start3A_615 = tpu.memref_slice %arg2[%add3A, %dma_start3A_614, %multiple_of3A_112] : memref<32x2x220500xf32, #tpu.memory_space<hbm>> -> memref<1x2x16384xf32, #tpu.memory_space<hbm>>
    %dma_start3A_616 = tpu.memref_squeeze %dma_start3A_615 : memref<1x2x16384xf32, #tpu.memory_space<hbm>> -> memref<2x16384xf32, #tpu.memory_space<hbm>>
    %dma_start3A_617 = arith.constant 0 : i32
    %dma_start3A_618 = arith.constant 0 : i32
    %dma_start3A_619 = tpu.memref_slice %arg7[%dma_start3A_617, %dma_start3A_618] : memref<2x16384xf32, #tpu.memory_space<vmem>> -> memref<2x16384xf32, #tpu.memory_space<vmem>>
    %dma_start3A_620 = arith.constant 0 : i32
    %dma_start3A_621 = tpu.memref_slice %arg2[%add3A, %dma_start3A_620, %multiple_of3A_112] : memref<32x2x220500xf32, #tpu.memory_space<hbm>> -> memref<1x2x16384xf32, #tpu.memory_space<hbm>>
    %dma_start3A_622 = tpu.memref_squeeze %dma_start3A_621 : memref<1x2x16384xf32, #tpu.memory_space<hbm>> -> memref<2x16384xf32, #tpu.memory_space<hbm>>
    tpu.enqueue_dma source(%dma_start3A_622 : memref<2x16384xf32, #tpu.memory_space<hbm>>) target(%dma_start3A_619 : memref<2x16384xf32, #tpu.memory_space<vmem>>) target_semaphore(%arg11 : memref<!tpu.dma_semaphore, #tpu.memory_space<semaphore_mem>>)
    %dma_wait3A_623 = arith.constant 0 : i32
    %dma_wait3A_624 = arith.constant 0 : i32
    %dma_wait3A_625 = tpu.memref_slice %arg8[%dma_wait3A_623, %dma_wait3A_624] : memref<2x16256xf32, #tpu.memory_space<vmem>> -> memref<2x16256xf32, #tpu.memory_space<vmem>>
    %dma_wait3A_626 = arith.constant 0 : i32
    %dma_wait3A_627 = tpu.memref_slice %arg4[%add3A, %dma_wait3A_626, %multiple_of3A_93] : memref<32x2x212308xf32, #tpu.memory_space<hbm>> -> memref<1x2x16256xf32, #tpu.memory_space<hbm>>
    %dma_wait3A_628 = tpu.memref_squeeze %dma_wait3A_627 : memref<1x2x16256xf32, #tpu.memory_space<hbm>> -> memref<2x16256xf32, #tpu.memory_space<hbm>>
    %dma_wait3A_629 = arith.constant 0 : i32
    %dma_wait3A_630 = tpu.memref_slice %arg4[%add3A, %dma_wait3A_629, %multiple_of3A_93] : memref<32x2x212308xf32, #tpu.memory_space<hbm>> -> memref<1x2x16256xf32, #tpu.memory_space<hbm>>
    %dma_wait3A_631 = tpu.memref_squeeze %dma_wait3A_630 : memref<1x2x16256xf32, #tpu.memory_space<hbm>> -> memref<2x16256xf32, #tpu.memory_space<hbm>>
    %dma_wait3A_632 = arith.constant 0 : i32
    %dma_wait3A_633 = arith.constant 0 : i32
    %dma_wait3A_634 = tpu.memref_slice %arg8[%dma_wait3A_632, %dma_wait3A_633] : memref<2x16256xf32, #tpu.memory_space<vmem>> -> memref<2x16256xf32, #tpu.memory_space<vmem>>
    tpu.wait_dma2 semaphore(%arg12 : memref<!tpu.dma_semaphore, #tpu.memory_space<semaphore_mem>>) src(%dma_wait3A_634 : memref<2x16256xf32, #tpu.memory_space<vmem>>) dst(%dma_wait3A_631 : memref<2x16256xf32, #tpu.memory_space<hbm>>)
    %broadcast_in_dim3A_635 = arith.constant 0 : i32
    %broadcast_in_dim3A_636 = vector.broadcast %broadcast_in_dim3A_635 : i32 to vector<16xi32>
    %parallel_loop3A_637 = arith.constant 0 : i32
    %parallel_loop3A_638 = arith.constant 1016 : i32
    %parallel_loop3A_639 = arith.constant 1 : i32
    scf.for %parallel_loop3A_959 = %parallel_loop3A_637 to %parallel_loop3A_638 step %parallel_loop3A_639  : i32 {
      %parallel_loop3A_960 = arith.constant 16 : i32
      %parallel_loop3A_961 = arith.muli %parallel_loop3A_959, %parallel_loop3A_960 : i32
      %parallel_loop3A_962 = tpu.assume_multiple %parallel_loop3A_961, 16 : i32
      %parallel_loop3A_963 = arith.addi %select_n3A_38, %parallel_loop3A_962 : i32
      %parallel_loop3A_964 = vector.broadcast %parallel_loop3A_963 : i32 to vector<16xi32>
      %parallel_loop3A_965 = arith.addi %iota3A, %parallel_loop3A_964 : vector<16xi32>
      %parallel_loop3A_966 = tpu.vector_load_idx %arg6[%broadcast_in_dim3A_636, %parallel_loop3A_965] : memref<2x16384xf32, #tpu.memory_space<vmem>>[vector<16xi32>, vector<16xi32>], vector<16xf32>,
      %parallel_loop3A_967 = arith.constant 0 : i32
      %parallel_loop3A_968 = arith.index_cast %parallel_loop3A_967 : i32 to index
      %parallel_loop3A_969 = arith.index_cast %parallel_loop3A_962 : i32 to index
      %parallel_loop3A_970 = tpu.vector_load %arg8[%parallel_loop3A_968, %parallel_loop3A_969] {strides = array<i32>} : memref<2x16256xf32, #tpu.memory_space<vmem>>, vector<16xf32>,
      tpu.vector_store %arg8[%parallel_loop3A_968, %parallel_loop3A_969], %parallel_loop3A_966 {strides = array<i32>} : memref<2x16256xf32, #tpu.memory_space<vmem>>, vector<16xf32>,
    } {sc.loop_unroll_factor = 8 : i64, sc.parallel_access}
    %broadcast_in_dim3A_640 = arith.constant 1 : i32
    %broadcast_in_dim3A_641 = vector.broadcast %broadcast_in_dim3A_640 : i32 to vector<16xi32>
    %parallel_loop3A_642 = arith.constant 0 : i32
    %parallel_loop3A_643 = arith.constant 1016 : i32
    %parallel_loop3A_644 = arith.constant 1 : i32
    scf.for %parallel_loop3A_959 = %parallel_loop3A_642 to %parallel_loop3A_643 step %parallel_loop3A_644  : i32 {
      %parallel_loop3A_960 = arith.constant 16 : i32
      %parallel_loop3A_961 = arith.muli %parallel_loop3A_959, %parallel_loop3A_960 : i32
      %parallel_loop3A_962 = tpu.assume_multiple %parallel_loop3A_961, 16 : i32
      %parallel_loop3A_963 = arith.addi %select_n3A_38, %parallel_loop3A_962 : i32
      %parallel_loop3A_964 = vector.broadcast %parallel_loop3A_963 : i32 to vector<16xi32>
      %parallel_loop3A_965 = arith.addi %iota3A, %parallel_loop3A_964 : vector<16xi32>
      %parallel_loop3A_966 = tpu.vector_load_idx %arg6[%broadcast_in_dim3A_641, %parallel_loop3A_965] : memref<2x16384xf32, #tpu.memory_space<vmem>>[vector<16xi32>, vector<16xi32>], vector<16xf32>,
      %parallel_loop3A_967 = arith.constant 1 : i32
      %parallel_loop3A_968 = arith.index_cast %parallel_loop3A_967 : i32 to index
      %parallel_loop3A_969 = arith.index_cast %parallel_loop3A_962 : i32 to index
      %parallel_loop3A_970 = tpu.vector_load %arg8[%parallel_loop3A_968, %parallel_loop3A_969] {strides = array<i32>} : memref<2x16256xf32, #tpu.memory_space<vmem>>, vector<16xf32>,
      tpu.vector_store %arg8[%parallel_loop3A_968, %parallel_loop3A_969], %parallel_loop3A_966 {strides = array<i32>} : memref<2x16256xf32, #tpu.memory_space<vmem>>, vector<16xf32>,
    } {sc.loop_unroll_factor = 8 : i64, sc.parallel_access}
    %dma_start3A_645 = arith.constant 0 : i32
    %dma_start3A_646 = arith.constant 0 : i32
    %dma_start3A_647 = tpu.memref_slice %arg8[%dma_start3A_645, %dma_start3A_646] : memref<2x16256xf32, #tpu.memory_space<vmem>> -> memref<2x16256xf32, #tpu.memory_space<vmem>>
    %dma_start3A_648 = arith.constant 0 : i32
    %dma_start3A_649 = tpu.memref_slice %arg4[%add3A, %dma_start3A_648, %multiple_of3A_109] : memref<32x2x212308xf32, #tpu.memory_space<hbm>> -> memref<1x2x16256xf32, #tpu.memory_space<hbm>>
    %dma_start3A_650 = tpu.memref_squeeze %dma_start3A_649 : memref<1x2x16256xf32, #tpu.memory_space<hbm>> -> memref<2x16256xf32, #tpu.memory_space<hbm>>
    %dma_start3A_651 = arith.constant 0 : i32
    %dma_start3A_652 = tpu.memref_slice %arg4[%add3A, %dma_start3A_651, %multiple_of3A_109] : memref<32x2x212308xf32, #tpu.memory_space<hbm>> -> memref<1x2x16256xf32, #tpu.memory_space<hbm>>
    %dma_start3A_653 = tpu.memref_squeeze %dma_start3A_652 : memref<1x2x16256xf32, #tpu.memory_space<hbm>> -> memref<2x16256xf32, #tpu.memory_space<hbm>>
    %dma_start3A_654 = arith.constant 0 : i32
    %dma_start3A_655 = arith.constant 0 : i32
    %dma_start3A_656 = tpu.memref_slice %arg8[%dma_start3A_654, %dma_start3A_655] : memref<2x16256xf32, #tpu.memory_space<vmem>> -> memref<2x16256xf32, #tpu.memory_space<vmem>>
    tpu.enqueue_dma source(%dma_start3A_656 : memref<2x16256xf32, #tpu.memory_space<vmem>>) target(%dma_start3A_653 : memref<2x16256xf32, #tpu.memory_space<hbm>>) target_semaphore(%arg12 : memref<!tpu.dma_semaphore, #tpu.memory_space<semaphore_mem>>)
    %dma_wait3A_657 = arith.constant 0 : i32
    %dma_wait3A_658 = arith.constant 0 : i32
    %dma_wait3A_659 = tpu.memref_slice %arg7[%dma_wait3A_657, %dma_wait3A_658] : memref<2x16384xf32, #tpu.memory_space<vmem>> -> memref<2x16384xf32, #tpu.memory_space<vmem>>
    %dma_wait3A_660 = arith.constant 0 : i32
    %dma_wait3A_661 = tpu.memref_slice %arg2[%add3A, %dma_wait3A_660, %multiple_of3A_112] : memref<32x2x220500xf32, #tpu.memory_space<hbm>> -> memref<1x2x16384xf32, #tpu.memory_space<hbm>>
    %dma_wait3A_662 = tpu.memref_squeeze %dma_wait3A_661 : memref<1x2x16384xf32, #tpu.memory_space<hbm>> -> memref<2x16384xf32, #tpu.memory_space<hbm>>
    %dma_wait3A_663 = arith.constant 0 : i32
    %dma_wait3A_664 = arith.constant 0 : i32
    %dma_wait3A_665 = tpu.memref_slice %arg7[%dma_wait3A_663, %dma_wait3A_664] : memref<2x16384xf32, #tpu.memory_space<vmem>> -> memref<2x16384xf32, #tpu.memory_space<vmem>>
    %dma_wait3A_666 = arith.constant 0 : i32
    %dma_wait3A_667 = tpu.memref_slice %arg2[%add3A, %dma_wait3A_666, %multiple_of3A_112] : memref<32x2x220500xf32, #tpu.memory_space<hbm>> -> memref<1x2x16384xf32, #tpu.memory_space<hbm>>
    %dma_wait3A_668 = tpu.memref_squeeze %dma_wait3A_667 : memref<1x2x16384xf32, #tpu.memory_space<hbm>> -> memref<2x16384xf32, #tpu.memory_space<hbm>>
    tpu.wait_dma2 semaphore(%arg11 : memref<!tpu.dma_semaphore, #tpu.memory_space<semaphore_mem>>) src(%dma_wait3A_668 : memref<2x16384xf32, #tpu.memory_space<hbm>>) dst(%dma_wait3A_665 : memref<2x16384xf32, #tpu.memory_space<vmem>>)
    %dma_start3A_669 = arith.constant 0 : i32
    %dma_start3A_670 = arith.constant 0 : i32
    %dma_start3A_671 = tpu.memref_slice %arg6[%dma_start3A_669, %dma_start3A_670] : memref<2x16384xf32, #tpu.memory_space<vmem>> -> memref<2x16384xf32, #tpu.memory_space<vmem>>
    %dma_start3A_672 = arith.constant 0 : i32
    %dma_start3A_673 = tpu.memref_slice %arg2[%add3A, %dma_start3A_672, %multiple_of3A_120] : memref<32x2x220500xf32, #tpu.memory_space<hbm>> -> memref<1x2x16384xf32, #tpu.memory_space<hbm>>
    %dma_start3A_674 = tpu.memref_squeeze %dma_start3A_673 : memref<1x2x16384xf32, #tpu.memory_space<hbm>> -> memref<2x16384xf32, #tpu.memory_space<hbm>>
    %dma_start3A_675 = arith.constant 0 : i32
    %dma_start3A_676 = arith.constant 0 : i32
    %dma_start3A_677 = tpu.memref_slice %arg6[%dma_start3A_675, %dma_start3A_676] : memref<2x16384xf32, #tpu.memory_space<vmem>> -> memref<2x16384xf32, #tpu.memory_space<vmem>>
    %dma_start3A_678 = arith.constant 0 : i32
    %dma_start3A_679 = tpu.memref_slice %arg2[%add3A, %dma_start3A_678, %multiple_of3A_120] : memref<32x2x220500xf32, #tpu.memory_space<hbm>> -> memref<1x2x16384xf32, #tpu.memory_space<hbm>>
    %dma_start3A_680 = tpu.memref_squeeze %dma_start3A_679 : memref<1x2x16384xf32, #tpu.memory_space<hbm>> -> memref<2x16384xf32, #tpu.memory_space<hbm>>
    tpu.enqueue_dma source(%dma_start3A_680 : memref<2x16384xf32, #tpu.memory_space<hbm>>) target(%dma_start3A_677 : memref<2x16384xf32, #tpu.memory_space<vmem>>) target_semaphore(%arg10 : memref<!tpu.dma_semaphore, #tpu.memory_space<semaphore_mem>>)
    %dma_wait3A_681 = arith.constant 0 : i32
    %dma_wait3A_682 = arith.constant 0 : i32
    %dma_wait3A_683 = tpu.memref_slice %arg9[%dma_wait3A_681, %dma_wait3A_682] : memref<2x16256xf32, #tpu.memory_space<vmem>> -> memref<2x16256xf32, #tpu.memory_space<vmem>>
    %dma_wait3A_684 = arith.constant 0 : i32
    %dma_wait3A_685 = tpu.memref_slice %arg4[%add3A, %dma_wait3A_684, %multiple_of3A_101] : memref<32x2x212308xf32, #tpu.memory_space<hbm>> -> memref<1x2x16256xf32, #tpu.memory_space<hbm>>
    %dma_wait3A_686 = tpu.memref_squeeze %dma_wait3A_685 : memref<1x2x16256xf32, #tpu.memory_space<hbm>> -> memref<2x16256xf32, #tpu.memory_space<hbm>>
    %dma_wait3A_687 = arith.constant 0 : i32
    %dma_wait3A_688 = tpu.memref_slice %arg4[%add3A, %dma_wait3A_687, %multiple_of3A_101] : memref<32x2x212308xf32, #tpu.memory_space<hbm>> -> memref<1x2x16256xf32, #tpu.memory_space<hbm>>
    %dma_wait3A_689 = tpu.memref_squeeze %dma_wait3A_688 : memref<1x2x16256xf32, #tpu.memory_space<hbm>> -> memref<2x16256xf32, #tpu.memory_space<hbm>>
    %dma_wait3A_690 = arith.constant 0 : i32
    %dma_wait3A_691 = arith.constant 0 : i32
    %dma_wait3A_692 = tpu.memref_slice %arg9[%dma_wait3A_690, %dma_wait3A_691] : memref<2x16256xf32, #tpu.memory_space<vmem>> -> memref<2x16256xf32, #tpu.memory_space<vmem>>
    tpu.wait_dma2 semaphore(%arg13 : memref<!tpu.dma_semaphore, #tpu.memory_space<semaphore_mem>>) src(%dma_wait3A_692 : memref<2x16256xf32, #tpu.memory_space<vmem>>) dst(%dma_wait3A_689 : memref<2x16256xf32, #tpu.memory_space<hbm>>)
    %broadcast_in_dim3A_693 = arith.constant 0 : i32
    %broadcast_in_dim3A_694 = vector.broadcast %broadcast_in_dim3A_693 : i32 to vector<16xi32>
    %parallel_loop3A_695 = arith.constant 0 : i32
    %parallel_loop3A_696 = arith.constant 1016 : i32
    %parallel_loop3A_697 = arith.constant 1 : i32
    scf.for %parallel_loop3A_959 = %parallel_loop3A_695 to %parallel_loop3A_696 step %parallel_loop3A_697  : i32 {
      %parallel_loop3A_960 = arith.constant 16 : i32
      %parallel_loop3A_961 = arith.muli %parallel_loop3A_959, %parallel_loop3A_960 : i32
      %parallel_loop3A_962 = tpu.assume_multiple %parallel_loop3A_961, 16 : i32
      %parallel_loop3A_963 = arith.addi %select_n3A_38, %parallel_loop3A_962 : i32
      %parallel_loop3A_964 = vector.broadcast %parallel_loop3A_963 : i32 to vector<16xi32>
      %parallel_loop3A_965 = arith.addi %iota3A, %parallel_loop3A_964 : vector<16xi32>
      %parallel_loop3A_966 = tpu.vector_load_idx %arg7[%broadcast_in_dim3A_694, %parallel_loop3A_965] : memref<2x16384xf32, #tpu.memory_space<vmem>>[vector<16xi32>, vector<16xi32>], vector<16xf32>,
      %parallel_loop3A_967 = arith.constant 0 : i32
      %parallel_loop3A_968 = arith.index_cast %parallel_loop3A_967 : i32 to index
      %parallel_loop3A_969 = arith.index_cast %parallel_loop3A_962 : i32 to index
      %parallel_loop3A_970 = tpu.vector_load %arg9[%parallel_loop3A_968, %parallel_loop3A_969] {strides = array<i32>} : memref<2x16256xf32, #tpu.memory_space<vmem>>, vector<16xf32>,
      tpu.vector_store %arg9[%parallel_loop3A_968, %parallel_loop3A_969], %parallel_loop3A_966 {strides = array<i32>} : memref<2x16256xf32, #tpu.memory_space<vmem>>, vector<16xf32>,
    } {sc.loop_unroll_factor = 8 : i64, sc.parallel_access}
    %broadcast_in_dim3A_698 = arith.constant 1 : i32
    %broadcast_in_dim3A_699 = vector.broadcast %broadcast_in_dim3A_698 : i32 to vector<16xi32>
    %parallel_loop3A_700 = arith.constant 0 : i32
    %parallel_loop3A_701 = arith.constant 1016 : i32
    %parallel_loop3A_702 = arith.constant 1 : i32
    scf.for %parallel_loop3A_959 = %parallel_loop3A_700 to %parallel_loop3A_701 step %parallel_loop3A_702  : i32 {
      %parallel_loop3A_960 = arith.constant 16 : i32
      %parallel_loop3A_961 = arith.muli %parallel_loop3A_959, %parallel_loop3A_960 : i32
      %parallel_loop3A_962 = tpu.assume_multiple %parallel_loop3A_961, 16 : i32
      %parallel_loop3A_963 = arith.addi %select_n3A_38, %parallel_loop3A_962 : i32
      %parallel_loop3A_964 = vector.broadcast %parallel_loop3A_963 : i32 to vector<16xi32>
      %parallel_loop3A_965 = arith.addi %iota3A, %parallel_loop3A_964 : vector<16xi32>
      %parallel_loop3A_966 = tpu.vector_load_idx %arg7[%broadcast_in_dim3A_699, %parallel_loop3A_965] : memref<2x16384xf32, #tpu.memory_space<vmem>>[vector<16xi32>, vector<16xi32>], vector<16xf32>,
      %parallel_loop3A_967 = arith.constant 1 : i32
      %parallel_loop3A_968 = arith.index_cast %parallel_loop3A_967 : i32 to index
      %parallel_loop3A_969 = arith.index_cast %parallel_loop3A_962 : i32 to index
      %parallel_loop3A_970 = tpu.vector_load %arg9[%parallel_loop3A_968, %parallel_loop3A_969] {strides = array<i32>} : memref<2x16256xf32, #tpu.memory_space<vmem>>, vector<16xf32>,
      tpu.vector_store %arg9[%parallel_loop3A_968, %parallel_loop3A_969], %parallel_loop3A_966 {strides = array<i32>} : memref<2x16256xf32, #tpu.memory_space<vmem>>, vector<16xf32>,
    } {sc.loop_unroll_factor = 8 : i64, sc.parallel_access}
    %dma_start3A_703 = arith.constant 0 : i32
    %dma_start3A_704 = arith.constant 0 : i32
    %dma_start3A_705 = tpu.memref_slice %arg9[%dma_start3A_703, %dma_start3A_704] : memref<2x16256xf32, #tpu.memory_space<vmem>> -> memref<2x16256xf32, #tpu.memory_space<vmem>>
    %dma_start3A_706 = arith.constant 0 : i32
    %dma_start3A_707 = tpu.memref_slice %arg4[%add3A, %dma_start3A_706, %multiple_of3A_117] : memref<32x2x212308xf32, #tpu.memory_space<hbm>> -> memref<1x2x16256xf32, #tpu.memory_space<hbm>>
    %dma_start3A_708 = tpu.memref_squeeze %dma_start3A_707 : memref<1x2x16256xf32, #tpu.memory_space<hbm>> -> memref<2x16256xf32, #tpu.memory_space<hbm>>
    %dma_start3A_709 = arith.constant 0 : i32
    %dma_start3A_710 = tpu.memref_slice %arg4[%add3A, %dma_start3A_709, %multiple_of3A_117] : memref<32x2x212308xf32, #tpu.memory_space<hbm>> -> memref<1x2x16256xf32, #tpu.memory_space<hbm>>
    %dma_start3A_711 = tpu.memref_squeeze %dma_start3A_710 : memref<1x2x16256xf32, #tpu.memory_space<hbm>> -> memref<2x16256xf32, #tpu.memory_space<hbm>>
    %dma_start3A_712 = arith.constant 0 : i32
    %dma_start3A_713 = arith.constant 0 : i32
    %dma_start3A_714 = tpu.memref_slice %arg9[%dma_start3A_712, %dma_start3A_713] : memref<2x16256xf32, #tpu.memory_space<vmem>> -> memref<2x16256xf32, #tpu.memory_space<vmem>>
    tpu.enqueue_dma source(%dma_start3A_714 : memref<2x16256xf32, #tpu.memory_space<vmem>>) target(%dma_start3A_711 : memref<2x16256xf32, #tpu.memory_space<hbm>>) target_semaphore(%arg13 : memref<!tpu.dma_semaphore, #tpu.memory_space<semaphore_mem>>)
    %dma_wait3A_715 = arith.constant 0 : i32
    %dma_wait3A_716 = arith.constant 0 : i32
    %dma_wait3A_717 = tpu.memref_slice %arg6[%dma_wait3A_715, %dma_wait3A_716] : memref<2x16384xf32, #tpu.memory_space<vmem>> -> memref<2x16384xf32, #tpu.memory_space<vmem>>
    %dma_wait3A_718 = arith.constant 0 : i32
    %dma_wait3A_719 = tpu.memref_slice %arg2[%add3A, %dma_wait3A_718, %multiple_of3A_120] : memref<32x2x220500xf32, #tpu.memory_space<hbm>> -> memref<1x2x16384xf32, #tpu.memory_space<hbm>>
    %dma_wait3A_720 = tpu.memref_squeeze %dma_wait3A_719 : memref<1x2x16384xf32, #tpu.memory_space<hbm>> -> memref<2x16384xf32, #tpu.memory_space<hbm>>
    %dma_wait3A_721 = arith.constant 0 : i32
    %dma_wait3A_722 = arith.constant 0 : i32
    %dma_wait3A_723 = tpu.memref_slice %arg6[%dma_wait3A_721, %dma_wait3A_722] : memref<2x16384xf32, #tpu.memory_space<vmem>> -> memref<2x16384xf32, #tpu.memory_space<vmem>>
    %dma_wait3A_724 = arith.constant 0 : i32
    %dma_wait3A_725 = tpu.memref_slice %arg2[%add3A, %dma_wait3A_724, %multiple_of3A_120] : memref<32x2x220500xf32, #tpu.memory_space<hbm>> -> memref<1x2x16384xf32, #tpu.memory_space<hbm>>
    %dma_wait3A_726 = tpu.memref_squeeze %dma_wait3A_725 : memref<1x2x16384xf32, #tpu.memory_space<hbm>> -> memref<2x16384xf32, #tpu.memory_space<hbm>>
    tpu.wait_dma2 semaphore(%arg10 : memref<!tpu.dma_semaphore, #tpu.memory_space<semaphore_mem>>) src(%dma_wait3A_726 : memref<2x16384xf32, #tpu.memory_space<hbm>>) dst(%dma_wait3A_723 : memref<2x16384xf32, #tpu.memory_space<vmem>>)
    %dma_start3A_727 = arith.constant 0 : i32
    %dma_start3A_728 = arith.constant 0 : i32
    %dma_start3A_729 = tpu.memref_slice %arg7[%dma_start3A_727, %dma_start3A_728] : memref<2x16384xf32, #tpu.memory_space<vmem>> -> memref<2x16384xf32, #tpu.memory_space<vmem>>
    %dma_start3A_730 = arith.constant 0 : i32
    %dma_start3A_731 = tpu.memref_slice %arg2[%add3A, %dma_start3A_730, %multiple_of3A_128] : memref<32x2x220500xf32, #tpu.memory_space<hbm>> -> memref<1x2x16384xf32, #tpu.memory_space<hbm>>
    %dma_start3A_732 = tpu.memref_squeeze %dma_start3A_731 : memref<1x2x16384xf32, #tpu.memory_space<hbm>> -> memref<2x16384xf32, #tpu.memory_space<hbm>>
    %dma_start3A_733 = arith.constant 0 : i32
    %dma_start3A_734 = arith.constant 0 : i32
    %dma_start3A_735 = tpu.memref_slice %arg7[%dma_start3A_733, %dma_start3A_734] : memref<2x16384xf32, #tpu.memory_space<vmem>> -> memref<2x16384xf32, #tpu.memory_space<vmem>>
    %dma_start3A_736 = arith.constant 0 : i32
    %dma_start3A_737 = tpu.memref_slice %arg2[%add3A, %dma_start3A_736, %multiple_of3A_128] : memref<32x2x220500xf32, #tpu.memory_space<hbm>> -> memref<1x2x16384xf32, #tpu.memory_space<hbm>>
    %dma_start3A_738 = tpu.memref_squeeze %dma_start3A_737 : memref<1x2x16384xf32, #tpu.memory_space<hbm>> -> memref<2x16384xf32, #tpu.memory_space<hbm>>
    tpu.enqueue_dma source(%dma_start3A_738 : memref<2x16384xf32, #tpu.memory_space<hbm>>) target(%dma_start3A_735 : memref<2x16384xf32, #tpu.memory_space<vmem>>) target_semaphore(%arg11 : memref<!tpu.dma_semaphore, #tpu.memory_space<semaphore_mem>>)
    %dma_wait3A_739 = arith.constant 0 : i32
    %dma_wait3A_740 = arith.constant 0 : i32
    %dma_wait3A_741 = tpu.memref_slice %arg8[%dma_wait3A_739, %dma_wait3A_740] : memref<2x16256xf32, #tpu.memory_space<vmem>> -> memref<2x16256xf32, #tpu.memory_space<vmem>>
    %dma_wait3A_742 = arith.constant 0 : i32
    %dma_wait3A_743 = tpu.memref_slice %arg4[%add3A, %dma_wait3A_742, %multiple_of3A_109] : memref<32x2x212308xf32, #tpu.memory_space<hbm>> -> memref<1x2x16256xf32, #tpu.memory_space<hbm>>
    %dma_wait3A_744 = tpu.memref_squeeze %dma_wait3A_743 : memref<1x2x16256xf32, #tpu.memory_space<hbm>> -> memref<2x16256xf32, #tpu.memory_space<hbm>>
    %dma_wait3A_745 = arith.constant 0 : i32
    %dma_wait3A_746 = tpu.memref_slice %arg4[%add3A, %dma_wait3A_745, %multiple_of3A_109] : memref<32x2x212308xf32, #tpu.memory_space<hbm>> -> memref<1x2x16256xf32, #tpu.memory_space<hbm>>
    %dma_wait3A_747 = tpu.memref_squeeze %dma_wait3A_746 : memref<1x2x16256xf32, #tpu.memory_space<hbm>> -> memref<2x16256xf32, #tpu.memory_space<hbm>>
    %dma_wait3A_748 = arith.constant 0 : i32
    %dma_wait3A_749 = arith.constant 0 : i32
    %dma_wait3A_750 = tpu.memref_slice %arg8[%dma_wait3A_748, %dma_wait3A_749] : memref<2x16256xf32, #tpu.memory_space<vmem>> -> memref<2x16256xf32, #tpu.memory_space<vmem>>
    tpu.wait_dma2 semaphore(%arg12 : memref<!tpu.dma_semaphore, #tpu.memory_space<semaphore_mem>>) src(%dma_wait3A_750 : memref<2x16256xf32, #tpu.memory_space<vmem>>) dst(%dma_wait3A_747 : memref<2x16256xf32, #tpu.memory_space<hbm>>)
    %broadcast_in_dim3A_751 = arith.constant 0 : i32
    %broadcast_in_dim3A_752 = vector.broadcast %broadcast_in_dim3A_751 : i32 to vector<16xi32>
    %parallel_loop3A_753 = arith.constant 0 : i32
    %parallel_loop3A_754 = arith.constant 1016 : i32
    %parallel_loop3A_755 = arith.constant 1 : i32
    scf.for %parallel_loop3A_959 = %parallel_loop3A_753 to %parallel_loop3A_754 step %parallel_loop3A_755  : i32 {
      %parallel_loop3A_960 = arith.constant 16 : i32
      %parallel_loop3A_961 = arith.muli %parallel_loop3A_959, %parallel_loop3A_960 : i32
      %parallel_loop3A_962 = tpu.assume_multiple %parallel_loop3A_961, 16 : i32
      %parallel_loop3A_963 = arith.addi %select_n3A_38, %parallel_loop3A_962 : i32
      %parallel_loop3A_964 = vector.broadcast %parallel_loop3A_963 : i32 to vector<16xi32>
      %parallel_loop3A_965 = arith.addi %iota3A, %parallel_loop3A_964 : vector<16xi32>
      %parallel_loop3A_966 = tpu.vector_load_idx %arg6[%broadcast_in_dim3A_752, %parallel_loop3A_965] : memref<2x16384xf32, #tpu.memory_space<vmem>>[vector<16xi32>, vector<16xi32>], vector<16xf32>,
      %parallel_loop3A_967 = arith.constant 0 : i32
      %parallel_loop3A_968 = arith.index_cast %parallel_loop3A_967 : i32 to index
      %parallel_loop3A_969 = arith.index_cast %parallel_loop3A_962 : i32 to index
      %parallel_loop3A_970 = tpu.vector_load %arg8[%parallel_loop3A_968, %parallel_loop3A_969] {strides = array<i32>} : memref<2x16256xf32, #tpu.memory_space<vmem>>, vector<16xf32>,
      tpu.vector_store %arg8[%parallel_loop3A_968, %parallel_loop3A_969], %parallel_loop3A_966 {strides = array<i32>} : memref<2x16256xf32, #tpu.memory_space<vmem>>, vector<16xf32>,
    } {sc.loop_unroll_factor = 8 : i64, sc.parallel_access}
    %broadcast_in_dim3A_756 = arith.constant 1 : i32
    %broadcast_in_dim3A_757 = vector.broadcast %broadcast_in_dim3A_756 : i32 to vector<16xi32>
    %parallel_loop3A_758 = arith.constant 0 : i32
    %parallel_loop3A_759 = arith.constant 1016 : i32
    %parallel_loop3A_760 = arith.constant 1 : i32
    scf.for %parallel_loop3A_959 = %parallel_loop3A_758 to %parallel_loop3A_759 step %parallel_loop3A_760  : i32 {
      %parallel_loop3A_960 = arith.constant 16 : i32
      %parallel_loop3A_961 = arith.muli %parallel_loop3A_959, %parallel_loop3A_960 : i32
      %parallel_loop3A_962 = tpu.assume_multiple %parallel_loop3A_961, 16 : i32
      %parallel_loop3A_963 = arith.addi %select_n3A_38, %parallel_loop3A_962 : i32
      %parallel_loop3A_964 = vector.broadcast %parallel_loop3A_963 : i32 to vector<16xi32>
      %parallel_loop3A_965 = arith.addi %iota3A, %parallel_loop3A_964 : vector<16xi32>
      %parallel_loop3A_966 = tpu.vector_load_idx %arg6[%broadcast_in_dim3A_757, %parallel_loop3A_965] : memref<2x16384xf32, #tpu.memory_space<vmem>>[vector<16xi32>, vector<16xi32>], vector<16xf32>,
      %parallel_loop3A_967 = arith.constant 1 : i32
      %parallel_loop3A_968 = arith.index_cast %parallel_loop3A_967 : i32 to index
      %parallel_loop3A_969 = arith.index_cast %parallel_loop3A_962 : i32 to index
      %parallel_loop3A_970 = tpu.vector_load %arg8[%parallel_loop3A_968, %parallel_loop3A_969] {strides = array<i32>} : memref<2x16256xf32, #tpu.memory_space<vmem>>, vector<16xf32>,
      tpu.vector_store %arg8[%parallel_loop3A_968, %parallel_loop3A_969], %parallel_loop3A_966 {strides = array<i32>} : memref<2x16256xf32, #tpu.memory_space<vmem>>, vector<16xf32>,
    } {sc.loop_unroll_factor = 8 : i64, sc.parallel_access}
    %dma_start3A_761 = arith.constant 0 : i32
    %dma_start3A_762 = arith.constant 0 : i32
    %dma_start3A_763 = tpu.memref_slice %arg8[%dma_start3A_761, %dma_start3A_762] : memref<2x16256xf32, #tpu.memory_space<vmem>> -> memref<2x16256xf32, #tpu.memory_space<vmem>>
    %dma_start3A_764 = arith.constant 0 : i32
    %dma_start3A_765 = tpu.memref_slice %arg4[%add3A, %dma_start3A_764, %multiple_of3A_125] : memref<32x2x212308xf32, #tpu.memory_space<hbm>> -> memref<1x2x16256xf32, #tpu.memory_space<hbm>>
    %dma_start3A_766 = tpu.memref_squeeze %dma_start3A_765 : memref<1x2x16256xf32, #tpu.memory_space<hbm>> -> memref<2x16256xf32, #tpu.memory_space<hbm>>
    %dma_start3A_767 = arith.constant 0 : i32
    %dma_start3A_768 = tpu.memref_slice %arg4[%add3A, %dma_start3A_767, %multiple_of3A_125] : memref<32x2x212308xf32, #tpu.memory_space<hbm>> -> memref<1x2x16256xf32, #tpu.memory_space<hbm>>
    %dma_start3A_769 = tpu.memref_squeeze %dma_start3A_768 : memref<1x2x16256xf32, #tpu.memory_space<hbm>> -> memref<2x16256xf32, #tpu.memory_space<hbm>>
    %dma_start3A_770 = arith.constant 0 : i32
    %dma_start3A_771 = arith.constant 0 : i32
    %dma_start3A_772 = tpu.memref_slice %arg8[%dma_start3A_770, %dma_start3A_771] : memref<2x16256xf32, #tpu.memory_space<vmem>> -> memref<2x16256xf32, #tpu.memory_space<vmem>>
    tpu.enqueue_dma source(%dma_start3A_772 : memref<2x16256xf32, #tpu.memory_space<vmem>>) target(%dma_start3A_769 : memref<2x16256xf32, #tpu.memory_space<hbm>>) target_semaphore(%arg12 : memref<!tpu.dma_semaphore, #tpu.memory_space<semaphore_mem>>)
    %dma_wait3A_773 = arith.constant 0 : i32
    %dma_wait3A_774 = arith.constant 0 : i32
    %dma_wait3A_775 = tpu.memref_slice %arg7[%dma_wait3A_773, %dma_wait3A_774] : memref<2x16384xf32, #tpu.memory_space<vmem>> -> memref<2x16384xf32, #tpu.memory_space<vmem>>
    %dma_wait3A_776 = arith.constant 0 : i32
    %dma_wait3A_777 = tpu.memref_slice %arg2[%add3A, %dma_wait3A_776, %multiple_of3A_128] : memref<32x2x220500xf32, #tpu.memory_space<hbm>> -> memref<1x2x16384xf32, #tpu.memory_space<hbm>>
    %dma_wait3A_778 = tpu.memref_squeeze %dma_wait3A_777 : memref<1x2x16384xf32, #tpu.memory_space<hbm>> -> memref<2x16384xf32, #tpu.memory_space<hbm>>
    %dma_wait3A_779 = arith.constant 0 : i32
    %dma_wait3A_780 = arith.constant 0 : i32
    %dma_wait3A_781 = tpu.memref_slice %arg7[%dma_wait3A_779, %dma_wait3A_780] : memref<2x16384xf32, #tpu.memory_space<vmem>> -> memref<2x16384xf32, #tpu.memory_space<vmem>>
    %dma_wait3A_782 = arith.constant 0 : i32
    %dma_wait3A_783 = tpu.memref_slice %arg2[%add3A, %dma_wait3A_782, %multiple_of3A_128] : memref<32x2x220500xf32, #tpu.memory_space<hbm>> -> memref<1x2x16384xf32, #tpu.memory_space<hbm>>
    %dma_wait3A_784 = tpu.memref_squeeze %dma_wait3A_783 : memref<1x2x16384xf32, #tpu.memory_space<hbm>> -> memref<2x16384xf32, #tpu.memory_space<hbm>>
    tpu.wait_dma2 semaphore(%arg11 : memref<!tpu.dma_semaphore, #tpu.memory_space<semaphore_mem>>) src(%dma_wait3A_784 : memref<2x16384xf32, #tpu.memory_space<hbm>>) dst(%dma_wait3A_781 : memref<2x16384xf32, #tpu.memory_space<vmem>>)
    %dma_start3A_785 = arith.constant 0 : i32
    %dma_start3A_786 = arith.constant 0 : i32
    %dma_start3A_787 = tpu.memref_slice %arg6[%dma_start3A_785, %dma_start3A_786] : memref<2x16384xf32, #tpu.memory_space<vmem>> -> memref<2x16384xf32, #tpu.memory_space<vmem>>
    %dma_start3A_788 = arith.constant 0 : i32
    %dma_start3A_789 = tpu.memref_slice %arg2[%add3A, %dma_start3A_788, %multiple_of3A_136] : memref<32x2x220500xf32, #tpu.memory_space<hbm>> -> memref<1x2x16384xf32, #tpu.memory_space<hbm>>
    %dma_start3A_790 = tpu.memref_squeeze %dma_start3A_789 : memref<1x2x16384xf32, #tpu.memory_space<hbm>> -> memref<2x16384xf32, #tpu.memory_space<hbm>>
    %dma_start3A_791 = arith.constant 0 : i32
    %dma_start3A_792 = arith.constant 0 : i32
    %dma_start3A_793 = tpu.memref_slice %arg6[%dma_start3A_791, %dma_start3A_792] : memref<2x16384xf32, #tpu.memory_space<vmem>> -> memref<2x16384xf32, #tpu.memory_space<vmem>>
    %dma_start3A_794 = arith.constant 0 : i32
    %dma_start3A_795 = tpu.memref_slice %arg2[%add3A, %dma_start3A_794, %multiple_of3A_136] : memref<32x2x220500xf32, #tpu.memory_space<hbm>> -> memref<1x2x16384xf32, #tpu.memory_space<hbm>>
    %dma_start3A_796 = tpu.memref_squeeze %dma_start3A_795 : memref<1x2x16384xf32, #tpu.memory_space<hbm>> -> memref<2x16384xf32, #tpu.memory_space<hbm>>
    tpu.enqueue_dma source(%dma_start3A_796 : memref<2x16384xf32, #tpu.memory_space<hbm>>) target(%dma_start3A_793 : memref<2x16384xf32, #tpu.memory_space<vmem>>) target_semaphore(%arg10 : memref<!tpu.dma_semaphore, #tpu.memory_space<semaphore_mem>>)
    %dma_wait3A_797 = arith.constant 0 : i32
    %dma_wait3A_798 = arith.constant 0 : i32
    %dma_wait3A_799 = tpu.memref_slice %arg9[%dma_wait3A_797, %dma_wait3A_798] : memref<2x16256xf32, #tpu.memory_space<vmem>> -> memref<2x16256xf32, #tpu.memory_space<vmem>>
    %dma_wait3A_800 = arith.constant 0 : i32
    %dma_wait3A_801 = tpu.memref_slice %arg4[%add3A, %dma_wait3A_800, %multiple_of3A_117] : memref<32x2x212308xf32, #tpu.memory_space<hbm>> -> memref<1x2x16256xf32, #tpu.memory_space<hbm>>
    %dma_wait3A_802 = tpu.memref_squeeze %dma_wait3A_801 : memref<1x2x16256xf32, #tpu.memory_space<hbm>> -> memref<2x16256xf32, #tpu.memory_space<hbm>>
    %dma_wait3A_803 = arith.constant 0 : i32
    %dma_wait3A_804 = tpu.memref_slice %arg4[%add3A, %dma_wait3A_803, %multiple_of3A_117] : memref<32x2x212308xf32, #tpu.memory_space<hbm>> -> memref<1x2x16256xf32, #tpu.memory_space<hbm>>
    %dma_wait3A_805 = tpu.memref_squeeze %dma_wait3A_804 : memref<1x2x16256xf32, #tpu.memory_space<hbm>> -> memref<2x16256xf32, #tpu.memory_space<hbm>>
    %dma_wait3A_806 = arith.constant 0 : i32
    %dma_wait3A_807 = arith.constant 0 : i32
    %dma_wait3A_808 = tpu.memref_slice %arg9[%dma_wait3A_806, %dma_wait3A_807] : memref<2x16256xf32, #tpu.memory_space<vmem>> -> memref<2x16256xf32, #tpu.memory_space<vmem>>
    tpu.wait_dma2 semaphore(%arg13 : memref<!tpu.dma_semaphore, #tpu.memory_space<semaphore_mem>>) src(%dma_wait3A_808 : memref<2x16256xf32, #tpu.memory_space<vmem>>) dst(%dma_wait3A_805 : memref<2x16256xf32, #tpu.memory_space<hbm>>)
    %broadcast_in_dim3A_809 = arith.constant 0 : i32
    %broadcast_in_dim3A_810 = vector.broadcast %broadcast_in_dim3A_809 : i32 to vector<16xi32>
    %parallel_loop3A_811 = arith.constant 0 : i32
    %parallel_loop3A_812 = arith.constant 1016 : i32
    %parallel_loop3A_813 = arith.constant 1 : i32
    scf.for %parallel_loop3A_959 = %parallel_loop3A_811 to %parallel_loop3A_812 step %parallel_loop3A_813  : i32 {
      %parallel_loop3A_960 = arith.constant 16 : i32
      %parallel_loop3A_961 = arith.muli %parallel_loop3A_959, %parallel_loop3A_960 : i32
      %parallel_loop3A_962 = tpu.assume_multiple %parallel_loop3A_961, 16 : i32
      %parallel_loop3A_963 = arith.addi %select_n3A_38, %parallel_loop3A_962 : i32
      %parallel_loop3A_964 = vector.broadcast %parallel_loop3A_963 : i32 to vector<16xi32>
      %parallel_loop3A_965 = arith.addi %iota3A, %parallel_loop3A_964 : vector<16xi32>
      %parallel_loop3A_966 = tpu.vector_load_idx %arg7[%broadcast_in_dim3A_810, %parallel_loop3A_965] : memref<2x16384xf32, #tpu.memory_space<vmem>>[vector<16xi32>, vector<16xi32>], vector<16xf32>,
      %parallel_loop3A_967 = arith.constant 0 : i32
      %parallel_loop3A_968 = arith.index_cast %parallel_loop3A_967 : i32 to index
      %parallel_loop3A_969 = arith.index_cast %parallel_loop3A_962 : i32 to index
      %parallel_loop3A_970 = tpu.vector_load %arg9[%parallel_loop3A_968, %parallel_loop3A_969] {strides = array<i32>} : memref<2x16256xf32, #tpu.memory_space<vmem>>, vector<16xf32>,
      tpu.vector_store %arg9[%parallel_loop3A_968, %parallel_loop3A_969], %parallel_loop3A_966 {strides = array<i32>} : memref<2x16256xf32, #tpu.memory_space<vmem>>, vector<16xf32>,
    } {sc.loop_unroll_factor = 8 : i64, sc.parallel_access}
    %broadcast_in_dim3A_814 = arith.constant 1 : i32
    %broadcast_in_dim3A_815 = vector.broadcast %broadcast_in_dim3A_814 : i32 to vector<16xi32>
    %parallel_loop3A_816 = arith.constant 0 : i32
    %parallel_loop3A_817 = arith.constant 1016 : i32
    %parallel_loop3A_818 = arith.constant 1 : i32
    scf.for %parallel_loop3A_959 = %parallel_loop3A_816 to %parallel_loop3A_817 step %parallel_loop3A_818  : i32 {
      %parallel_loop3A_960 = arith.constant 16 : i32
      %parallel_loop3A_961 = arith.muli %parallel_loop3A_959, %parallel_loop3A_960 : i32
      %parallel_loop3A_962 = tpu.assume_multiple %parallel_loop3A_961, 16 : i32
      %parallel_loop3A_963 = arith.addi %select_n3A_38, %parallel_loop3A_962 : i32
      %parallel_loop3A_964 = vector.broadcast %parallel_loop3A_963 : i32 to vector<16xi32>
      %parallel_loop3A_965 = arith.addi %iota3A, %parallel_loop3A_964 : vector<16xi32>
      %parallel_loop3A_966 = tpu.vector_load_idx %arg7[%broadcast_in_dim3A_815, %parallel_loop3A_965] : memref<2x16384xf32, #tpu.memory_space<vmem>>[vector<16xi32>, vector<16xi32>], vector<16xf32>,
      %parallel_loop3A_967 = arith.constant 1 : i32
      %parallel_loop3A_968 = arith.index_cast %parallel_loop3A_967 : i32 to index
      %parallel_loop3A_969 = arith.index_cast %parallel_loop3A_962 : i32 to index
      %parallel_loop3A_970 = tpu.vector_load %arg9[%parallel_loop3A_968, %parallel_loop3A_969] {strides = array<i32>} : memref<2x16256xf32, #tpu.memory_space<vmem>>, vector<16xf32>,
      tpu.vector_store %arg9[%parallel_loop3A_968, %parallel_loop3A_969], %parallel_loop3A_966 {strides = array<i32>} : memref<2x16256xf32, #tpu.memory_space<vmem>>, vector<16xf32>,
    } {sc.loop_unroll_factor = 8 : i64, sc.parallel_access}
    %dma_start3A_819 = arith.constant 0 : i32
    %dma_start3A_820 = arith.constant 0 : i32
    %dma_start3A_821 = tpu.memref_slice %arg9[%dma_start3A_819, %dma_start3A_820] : memref<2x16256xf32, #tpu.memory_space<vmem>> -> memref<2x16256xf32, #tpu.memory_space<vmem>>
    %dma_start3A_822 = arith.constant 0 : i32
    %dma_start3A_823 = tpu.memref_slice %arg4[%add3A, %dma_start3A_822, %multiple_of3A_133] : memref<32x2x212308xf32, #tpu.memory_space<hbm>> -> memref<1x2x16256xf32, #tpu.memory_space<hbm>>
    %dma_start3A_824 = tpu.memref_squeeze %dma_start3A_823 : memref<1x2x16256xf32, #tpu.memory_space<hbm>> -> memref<2x16256xf32, #tpu.memory_space<hbm>>
    %dma_start3A_825 = arith.constant 0 : i32
    %dma_start3A_826 = tpu.memref_slice %arg4[%add3A, %dma_start3A_825, %multiple_of3A_133] : memref<32x2x212308xf32, #tpu.memory_space<hbm>> -> memref<1x2x16256xf32, #tpu.memory_space<hbm>>
    %dma_start3A_827 = tpu.memref_squeeze %dma_start3A_826 : memref<1x2x16256xf32, #tpu.memory_space<hbm>> -> memref<2x16256xf32, #tpu.memory_space<hbm>>
    %dma_start3A_828 = arith.constant 0 : i32
    %dma_start3A_829 = arith.constant 0 : i32
    %dma_start3A_830 = tpu.memref_slice %arg9[%dma_start3A_828, %dma_start3A_829] : memref<2x16256xf32, #tpu.memory_space<vmem>> -> memref<2x16256xf32, #tpu.memory_space<vmem>>
    tpu.enqueue_dma source(%dma_start3A_830 : memref<2x16256xf32, #tpu.memory_space<vmem>>) target(%dma_start3A_827 : memref<2x16256xf32, #tpu.memory_space<hbm>>) target_semaphore(%arg13 : memref<!tpu.dma_semaphore, #tpu.memory_space<semaphore_mem>>)
    %dma_wait3A_831 = arith.constant 0 : i32
    %dma_wait3A_832 = arith.constant 0 : i32
    %dma_wait3A_833 = tpu.memref_slice %arg6[%dma_wait3A_831, %dma_wait3A_832] : memref<2x16384xf32, #tpu.memory_space<vmem>> -> memref<2x16384xf32, #tpu.memory_space<vmem>>
    %dma_wait3A_834 = arith.constant 0 : i32
    %dma_wait3A_835 = tpu.memref_slice %arg2[%add3A, %dma_wait3A_834, %multiple_of3A_136] : memref<32x2x220500xf32, #tpu.memory_space<hbm>> -> memref<1x2x16384xf32, #tpu.memory_space<hbm>>
    %dma_wait3A_836 = tpu.memref_squeeze %dma_wait3A_835 : memref<1x2x16384xf32, #tpu.memory_space<hbm>> -> memref<2x16384xf32, #tpu.memory_space<hbm>>
    %dma_wait3A_837 = arith.constant 0 : i32
    %dma_wait3A_838 = arith.constant 0 : i32
    %dma_wait3A_839 = tpu.memref_slice %arg6[%dma_wait3A_837, %dma_wait3A_838] : memref<2x16384xf32, #tpu.memory_space<vmem>> -> memref<2x16384xf32, #tpu.memory_space<vmem>>
    %dma_wait3A_840 = arith.constant 0 : i32
    %dma_wait3A_841 = tpu.memref_slice %arg2[%add3A, %dma_wait3A_840, %multiple_of3A_136] : memref<32x2x220500xf32, #tpu.memory_space<hbm>> -> memref<1x2x16384xf32, #tpu.memory_space<hbm>>
    %dma_wait3A_842 = tpu.memref_squeeze %dma_wait3A_841 : memref<1x2x16384xf32, #tpu.memory_space<hbm>> -> memref<2x16384xf32, #tpu.memory_space<hbm>>
    tpu.wait_dma2 semaphore(%arg10 : memref<!tpu.dma_semaphore, #tpu.memory_space<semaphore_mem>>) src(%dma_wait3A_842 : memref<2x16384xf32, #tpu.memory_space<hbm>>) dst(%dma_wait3A_839 : memref<2x16384xf32, #tpu.memory_space<vmem>>)
    %dma_start3A_843 = arith.constant 0 : i32
    %dma_start3A_844 = arith.constant 0 : i32
    %dma_start3A_845 = tpu.memref_slice %arg7[%dma_start3A_843, %dma_start3A_844] : memref<2x16384xf32, #tpu.memory_space<vmem>> -> memref<2x1152xf32, #tpu.memory_space<vmem>>
    %dma_start3A_846 = arith.constant 0 : i32
    %dma_start3A_847 = tpu.memref_slice %arg2[%add3A, %dma_start3A_846, %multiple_of3A_144] : memref<32x2x220500xf32, #tpu.memory_space<hbm>> -> memref<1x2x1152xf32, #tpu.memory_space<hbm>>
    %dma_start3A_848 = tpu.memref_squeeze %dma_start3A_847 : memref<1x2x1152xf32, #tpu.memory_space<hbm>> -> memref<2x1152xf32, #tpu.memory_space<hbm>>
    %dma_start3A_849 = arith.constant 0 : i32
    %dma_start3A_850 = arith.constant 0 : i32
    %dma_start3A_851 = tpu.memref_slice %arg7[%dma_start3A_849, %dma_start3A_850] : memref<2x16384xf32, #tpu.memory_space<vmem>> -> memref<2x1152xf32, #tpu.memory_space<vmem>>
    %dma_start3A_852 = arith.constant 0 : i32
    %dma_start3A_853 = tpu.memref_slice %arg2[%add3A, %dma_start3A_852, %multiple_of3A_144] : memref<32x2x220500xf32, #tpu.memory_space<hbm>> -> memref<1x2x1152xf32, #tpu.memory_space<hbm>>
    %dma_start3A_854 = tpu.memref_squeeze %dma_start3A_853 : memref<1x2x1152xf32, #tpu.memory_space<hbm>> -> memref<2x1152xf32, #tpu.memory_space<hbm>>
    tpu.enqueue_dma source(%dma_start3A_854 : memref<2x1152xf32, #tpu.memory_space<hbm>>) target(%dma_start3A_851 : memref<2x1152xf32, #tpu.memory_space<vmem>>) target_semaphore(%arg11 : memref<!tpu.dma_semaphore, #tpu.memory_space<semaphore_mem>>)
    %dma_wait3A_855 = arith.constant 0 : i32
    %dma_wait3A_856 = arith.constant 0 : i32
    %dma_wait3A_857 = tpu.memref_slice %arg8[%dma_wait3A_855, %dma_wait3A_856] : memref<2x16256xf32, #tpu.memory_space<vmem>> -> memref<2x16256xf32, #tpu.memory_space<vmem>>
    %dma_wait3A_858 = arith.constant 0 : i32
    %dma_wait3A_859 = tpu.memref_slice %arg4[%add3A, %dma_wait3A_858, %multiple_of3A_125] : memref<32x2x212308xf32, #tpu.memory_space<hbm>> -> memref<1x2x16256xf32, #tpu.memory_space<hbm>>
    %dma_wait3A_860 = tpu.memref_squeeze %dma_wait3A_859 : memref<1x2x16256xf32, #tpu.memory_space<hbm>> -> memref<2x16256xf32, #tpu.memory_space<hbm>>
    %dma_wait3A_861 = arith.constant 0 : i32
    %dma_wait3A_862 = tpu.memref_slice %arg4[%add3A, %dma_wait3A_861, %multiple_of3A_125] : memref<32x2x212308xf32, #tpu.memory_space<hbm>> -> memref<1x2x16256xf32, #tpu.memory_space<hbm>>
    %dma_wait3A_863 = tpu.memref_squeeze %dma_wait3A_862 : memref<1x2x16256xf32, #tpu.memory_space<hbm>> -> memref<2x16256xf32, #tpu.memory_space<hbm>>
    %dma_wait3A_864 = arith.constant 0 : i32
    %dma_wait3A_865 = arith.constant 0 : i32
    %dma_wait3A_866 = tpu.memref_slice %arg8[%dma_wait3A_864, %dma_wait3A_865] : memref<2x16256xf32, #tpu.memory_space<vmem>> -> memref<2x16256xf32, #tpu.memory_space<vmem>>
    tpu.wait_dma2 semaphore(%arg12 : memref<!tpu.dma_semaphore, #tpu.memory_space<semaphore_mem>>) src(%dma_wait3A_866 : memref<2x16256xf32, #tpu.memory_space<vmem>>) dst(%dma_wait3A_863 : memref<2x16256xf32, #tpu.memory_space<hbm>>)
    %broadcast_in_dim3A_867 = arith.constant 0 : i32
    %broadcast_in_dim3A_868 = vector.broadcast %broadcast_in_dim3A_867 : i32 to vector<16xi32>
    %parallel_loop3A_869 = arith.constant 0 : i32
    %parallel_loop3A_870 = arith.constant 1016 : i32
    %parallel_loop3A_871 = arith.constant 1 : i32
    scf.for %parallel_loop3A_959 = %parallel_loop3A_869 to %parallel_loop3A_870 step %parallel_loop3A_871  : i32 {
      %parallel_loop3A_960 = arith.constant 16 : i32
      %parallel_loop3A_961 = arith.muli %parallel_loop3A_959, %parallel_loop3A_960 : i32
      %parallel_loop3A_962 = tpu.assume_multiple %parallel_loop3A_961, 16 : i32
      %parallel_loop3A_963 = arith.addi %select_n3A_38, %parallel_loop3A_962 : i32
      %parallel_loop3A_964 = vector.broadcast %parallel_loop3A_963 : i32 to vector<16xi32>
      %parallel_loop3A_965 = arith.addi %iota3A, %parallel_loop3A_964 : vector<16xi32>
      %parallel_loop3A_966 = tpu.vector_load_idx %arg6[%broadcast_in_dim3A_868, %parallel_loop3A_965] : memref<2x16384xf32, #tpu.memory_space<vmem>>[vector<16xi32>, vector<16xi32>], vector<16xf32>,
      %parallel_loop3A_967 = arith.constant 0 : i32
      %parallel_loop3A_968 = arith.index_cast %parallel_loop3A_967 : i32 to index
      %parallel_loop3A_969 = arith.index_cast %parallel_loop3A_962 : i32 to index
      %parallel_loop3A_970 = tpu.vector_load %arg8[%parallel_loop3A_968, %parallel_loop3A_969] {strides = array<i32>} : memref<2x16256xf32, #tpu.memory_space<vmem>>, vector<16xf32>,
      tpu.vector_store %arg8[%parallel_loop3A_968, %parallel_loop3A_969], %parallel_loop3A_966 {strides = array<i32>} : memref<2x16256xf32, #tpu.memory_space<vmem>>, vector<16xf32>,
    } {sc.loop_unroll_factor = 8 : i64, sc.parallel_access}
    %broadcast_in_dim3A_872 = arith.constant 1 : i32
    %broadcast_in_dim3A_873 = vector.broadcast %broadcast_in_dim3A_872 : i32 to vector<16xi32>
    %parallel_loop3A_874 = arith.constant 0 : i32
    %parallel_loop3A_875 = arith.constant 1016 : i32
    %parallel_loop3A_876 = arith.constant 1 : i32
    scf.for %parallel_loop3A_959 = %parallel_loop3A_874 to %parallel_loop3A_875 step %parallel_loop3A_876  : i32 {
      %parallel_loop3A_960 = arith.constant 16 : i32
      %parallel_loop3A_961 = arith.muli %parallel_loop3A_959, %parallel_loop3A_960 : i32
      %parallel_loop3A_962 = tpu.assume_multiple %parallel_loop3A_961, 16 : i32
      %parallel_loop3A_963 = arith.addi %select_n3A_38, %parallel_loop3A_962 : i32
      %parallel_loop3A_964 = vector.broadcast %parallel_loop3A_963 : i32 to vector<16xi32>
      %parallel_loop3A_965 = arith.addi %iota3A, %parallel_loop3A_964 : vector<16xi32>
      %parallel_loop3A_966 = tpu.vector_load_idx %arg6[%broadcast_in_dim3A_873, %parallel_loop3A_965] : memref<2x16384xf32, #tpu.memory_space<vmem>>[vector<16xi32>, vector<16xi32>], vector<16xf32>,
      %parallel_loop3A_967 = arith.constant 1 : i32
      %parallel_loop3A_968 = arith.index_cast %parallel_loop3A_967 : i32 to index
      %parallel_loop3A_969 = arith.index_cast %parallel_loop3A_962 : i32 to index
      %parallel_loop3A_970 = tpu.vector_load %arg8[%parallel_loop3A_968, %parallel_loop3A_969] {strides = array<i32>} : memref<2x16256xf32, #tpu.memory_space<vmem>>, vector<16xf32>,
      tpu.vector_store %arg8[%parallel_loop3A_968, %parallel_loop3A_969], %parallel_loop3A_966 {strides = array<i32>} : memref<2x16256xf32, #tpu.memory_space<vmem>>, vector<16xf32>,
    } {sc.loop_unroll_factor = 8 : i64, sc.parallel_access}
    %dma_start3A_877 = arith.constant 0 : i32
    %dma_start3A_878 = arith.constant 0 : i32
    %dma_start3A_879 = tpu.memref_slice %arg8[%dma_start3A_877, %dma_start3A_878] : memref<2x16256xf32, #tpu.memory_space<vmem>> -> memref<2x16256xf32, #tpu.memory_space<vmem>>
    %dma_start3A_880 = arith.constant 0 : i32
    %dma_start3A_881 = tpu.memref_slice %arg4[%add3A, %dma_start3A_880, %multiple_of3A_141] : memref<32x2x212308xf32, #tpu.memory_space<hbm>> -> memref<1x2x16256xf32, #tpu.memory_space<hbm>>
    %dma_start3A_882 = tpu.memref_squeeze %dma_start3A_881 : memref<1x2x16256xf32, #tpu.memory_space<hbm>> -> memref<2x16256xf32, #tpu.memory_space<hbm>>
    %dma_start3A_883 = arith.constant 0 : i32
    %dma_start3A_884 = tpu.memref_slice %arg4[%add3A, %dma_start3A_883, %multiple_of3A_141] : memref<32x2x212308xf32, #tpu.memory_space<hbm>> -> memref<1x2x16256xf32, #tpu.memory_space<hbm>>
    %dma_start3A_885 = tpu.memref_squeeze %dma_start3A_884 : memref<1x2x16256xf32, #tpu.memory_space<hbm>> -> memref<2x16256xf32, #tpu.memory_space<hbm>>
    %dma_start3A_886 = arith.constant 0 : i32
    %dma_start3A_887 = arith.constant 0 : i32
    %dma_start3A_888 = tpu.memref_slice %arg8[%dma_start3A_886, %dma_start3A_887] : memref<2x16256xf32, #tpu.memory_space<vmem>> -> memref<2x16256xf32, #tpu.memory_space<vmem>>
    tpu.enqueue_dma source(%dma_start3A_888 : memref<2x16256xf32, #tpu.memory_space<vmem>>) target(%dma_start3A_885 : memref<2x16256xf32, #tpu.memory_space<hbm>>) target_semaphore(%arg12 : memref<!tpu.dma_semaphore, #tpu.memory_space<semaphore_mem>>)
    %dma_wait3A_889 = arith.constant 0 : i32
    %dma_wait3A_890 = arith.constant 0 : i32
    %dma_wait3A_891 = tpu.memref_slice %arg7[%dma_wait3A_889, %dma_wait3A_890] : memref<2x16384xf32, #tpu.memory_space<vmem>> -> memref<2x1152xf32, #tpu.memory_space<vmem>>
    %dma_wait3A_892 = arith.constant 0 : i32
    %dma_wait3A_893 = tpu.memref_slice %arg2[%add3A, %dma_wait3A_892, %multiple_of3A_144] : memref<32x2x220500xf32, #tpu.memory_space<hbm>> -> memref<1x2x1152xf32, #tpu.memory_space<hbm>>
    %dma_wait3A_894 = tpu.memref_squeeze %dma_wait3A_893 : memref<1x2x1152xf32, #tpu.memory_space<hbm>> -> memref<2x1152xf32, #tpu.memory_space<hbm>>
    %dma_wait3A_895 = arith.constant 0 : i32
    %dma_wait3A_896 = arith.constant 0 : i32
    %dma_wait3A_897 = tpu.memref_slice %arg7[%dma_wait3A_895, %dma_wait3A_896] : memref<2x16384xf32, #tpu.memory_space<vmem>> -> memref<2x1152xf32, #tpu.memory_space<vmem>>
    %dma_wait3A_898 = arith.constant 0 : i32
    %dma_wait3A_899 = tpu.memref_slice %arg2[%add3A, %dma_wait3A_898, %multiple_of3A_144] : memref<32x2x220500xf32, #tpu.memory_space<hbm>> -> memref<1x2x1152xf32, #tpu.memory_space<hbm>>
    %dma_wait3A_900 = tpu.memref_squeeze %dma_wait3A_899 : memref<1x2x1152xf32, #tpu.memory_space<hbm>> -> memref<2x1152xf32, #tpu.memory_space<hbm>>
    tpu.wait_dma2 semaphore(%arg11 : memref<!tpu.dma_semaphore, #tpu.memory_space<semaphore_mem>>) src(%dma_wait3A_900 : memref<2x1152xf32, #tpu.memory_space<hbm>>) dst(%dma_wait3A_897 : memref<2x1152xf32, #tpu.memory_space<vmem>>)
    %dma_wait3A_901 = arith.constant 0 : i32
    %dma_wait3A_902 = arith.constant 0 : i32
    %dma_wait3A_903 = tpu.memref_slice %arg9[%dma_wait3A_901, %dma_wait3A_902] : memref<2x16256xf32, #tpu.memory_space<vmem>> -> memref<2x16256xf32, #tpu.memory_space<vmem>>
    %dma_wait3A_904 = arith.constant 0 : i32
    %dma_wait3A_905 = tpu.memref_slice %arg4[%add3A, %dma_wait3A_904, %multiple_of3A_133] : memref<32x2x212308xf32, #tpu.memory_space<hbm>> -> memref<1x2x16256xf32, #tpu.memory_space<hbm>>
    %dma_wait3A_906 = tpu.memref_squeeze %dma_wait3A_905 : memref<1x2x16256xf32, #tpu.memory_space<hbm>> -> memref<2x16256xf32, #tpu.memory_space<hbm>>
    %dma_wait3A_907 = arith.constant 0 : i32
    %dma_wait3A_908 = tpu.memref_slice %arg4[%add3A, %dma_wait3A_907, %multiple_of3A_133] : memref<32x2x212308xf32, #tpu.memory_space<hbm>> -> memref<1x2x16256xf32, #tpu.memory_space<hbm>>
    %dma_wait3A_909 = tpu.memref_squeeze %dma_wait3A_908 : memref<1x2x16256xf32, #tpu.memory_space<hbm>> -> memref<2x16256xf32, #tpu.memory_space<hbm>>
    %dma_wait3A_910 = arith.constant 0 : i32
    %dma_wait3A_911 = arith.constant 0 : i32
    %dma_wait3A_912 = tpu.memref_slice %arg9[%dma_wait3A_910, %dma_wait3A_911] : memref<2x16256xf32, #tpu.memory_space<vmem>> -> memref<2x16256xf32, #tpu.memory_space<vmem>>
    tpu.wait_dma2 semaphore(%arg13 : memref<!tpu.dma_semaphore, #tpu.memory_space<semaphore_mem>>) src(%dma_wait3A_912 : memref<2x16256xf32, #tpu.memory_space<vmem>>) dst(%dma_wait3A_909 : memref<2x16256xf32, #tpu.memory_space<hbm>>)
    %broadcast_in_dim3A_913 = arith.constant 0 : i32
    %broadcast_in_dim3A_914 = vector.broadcast %broadcast_in_dim3A_913 : i32 to vector<16xi32>
    %parallel_loop3A_915 = arith.constant 0 : i32
    %parallel_loop3A_916 = arith.constant 64 : i32
    %parallel_loop3A_917 = arith.constant 1 : i32
    scf.for %parallel_loop3A_959 = %parallel_loop3A_915 to %parallel_loop3A_916 step %parallel_loop3A_917  : i32 {
      %parallel_loop3A_960 = arith.constant 16 : i32
      %parallel_loop3A_961 = arith.muli %parallel_loop3A_959, %parallel_loop3A_960 : i32
      %parallel_loop3A_962 = tpu.assume_multiple %parallel_loop3A_961, 16 : i32
      %parallel_loop3A_963 = arith.addi %select_n3A_38, %parallel_loop3A_962 : i32
      %parallel_loop3A_964 = vector.broadcast %parallel_loop3A_963 : i32 to vector<16xi32>
      %parallel_loop3A_965 = arith.addi %iota3A, %parallel_loop3A_964 : vector<16xi32>
      %parallel_loop3A_966 = tpu.vector_load_idx %arg7[%broadcast_in_dim3A_914, %parallel_loop3A_965] : memref<2x16384xf32, #tpu.memory_space<vmem>>[vector<16xi32>, vector<16xi32>], vector<16xf32>,
      %parallel_loop3A_967 = arith.constant 0 : i32
      %parallel_loop3A_968 = arith.index_cast %parallel_loop3A_967 : i32 to index
      %parallel_loop3A_969 = arith.index_cast %parallel_loop3A_962 : i32 to index
      %parallel_loop3A_970 = tpu.vector_load %arg9[%parallel_loop3A_968, %parallel_loop3A_969] {strides = array<i32>} : memref<2x16256xf32, #tpu.memory_space<vmem>>, vector<16xf32>,
      tpu.vector_store %arg9[%parallel_loop3A_968, %parallel_loop3A_969], %parallel_loop3A_966 {strides = array<i32>} : memref<2x16256xf32, #tpu.memory_space<vmem>>, vector<16xf32>,
    } {sc.loop_unroll_factor = 8 : i64, sc.parallel_access}
    %broadcast_in_dim3A_918 = arith.constant 1 : i32
    %broadcast_in_dim3A_919 = vector.broadcast %broadcast_in_dim3A_918 : i32 to vector<16xi32>
    %parallel_loop3A_920 = arith.constant 0 : i32
    %parallel_loop3A_921 = arith.constant 64 : i32
    %parallel_loop3A_922 = arith.constant 1 : i32
    scf.for %parallel_loop3A_959 = %parallel_loop3A_920 to %parallel_loop3A_921 step %parallel_loop3A_922  : i32 {
      %parallel_loop3A_960 = arith.constant 16 : i32
      %parallel_loop3A_961 = arith.muli %parallel_loop3A_959, %parallel_loop3A_960 : i32
      %parallel_loop3A_962 = tpu.assume_multiple %parallel_loop3A_961, 16 : i32
      %parallel_loop3A_963 = arith.addi %select_n3A_38, %parallel_loop3A_962 : i32
      %parallel_loop3A_964 = vector.broadcast %parallel_loop3A_963 : i32 to vector<16xi32>
      %parallel_loop3A_965 = arith.addi %iota3A, %parallel_loop3A_964 : vector<16xi32>
      %parallel_loop3A_966 = tpu.vector_load_idx %arg7[%broadcast_in_dim3A_919, %parallel_loop3A_965] : memref<2x16384xf32, #tpu.memory_space<vmem>>[vector<16xi32>, vector<16xi32>], vector<16xf32>,
      %parallel_loop3A_967 = arith.constant 1 : i32
      %parallel_loop3A_968 = arith.index_cast %parallel_loop3A_967 : i32 to index
      %parallel_loop3A_969 = arith.index_cast %parallel_loop3A_962 : i32 to index
      %parallel_loop3A_970 = tpu.vector_load %arg9[%parallel_loop3A_968, %parallel_loop3A_969] {strides = array<i32>} : memref<2x16256xf32, #tpu.memory_space<vmem>>, vector<16xf32>,
      tpu.vector_store %arg9[%parallel_loop3A_968, %parallel_loop3A_969], %parallel_loop3A_966 {strides = array<i32>} : memref<2x16256xf32, #tpu.memory_space<vmem>>, vector<16xf32>,
    } {sc.loop_unroll_factor = 8 : i64, sc.parallel_access}
    %dma_start3A_923 = arith.constant 0 : i32
    %dma_start3A_924 = arith.constant 0 : i32
    %dma_start3A_925 = tpu.memref_slice %arg9[%dma_start3A_923, %dma_start3A_924] : memref<2x16256xf32, #tpu.memory_space<vmem>> -> memref<2x1024xf32, #tpu.memory_space<vmem>>
    %dma_start3A_926 = arith.constant 0 : i32
    %dma_start3A_927 = tpu.memref_slice %arg4[%add3A, %dma_start3A_926, %multiple_of3A_149] : memref<32x2x212308xf32, #tpu.memory_space<hbm>> -> memref<1x2x1024xf32, #tpu.memory_space<hbm>>
    %dma_start3A_928 = tpu.memref_squeeze %dma_start3A_927 : memref<1x2x1024xf32, #tpu.memory_space<hbm>> -> memref<2x1024xf32, #tpu.memory_space<hbm>>
    %dma_start3A_929 = arith.constant 0 : i32
    %dma_start3A_930 = tpu.memref_slice %arg4[%add3A, %dma_start3A_929, %multiple_of3A_149] : memref<32x2x212308xf32, #tpu.memory_space<hbm>> -> memref<1x2x1024xf32, #tpu.memory_space<hbm>>
    %dma_start3A_931 = tpu.memref_squeeze %dma_start3A_930 : memref<1x2x1024xf32, #tpu.memory_space<hbm>> -> memref<2x1024xf32, #tpu.memory_space<hbm>>
    %dma_start3A_932 = arith.constant 0 : i32
    %dma_start3A_933 = arith.constant 0 : i32
    %dma_start3A_934 = tpu.memref_slice %arg9[%dma_start3A_932, %dma_start3A_933] : memref<2x16256xf32, #tpu.memory_space<vmem>> -> memref<2x1024xf32, #tpu.memory_space<vmem>>
    tpu.enqueue_dma source(%dma_start3A_934 : memref<2x1024xf32, #tpu.memory_space<vmem>>) target(%dma_start3A_931 : memref<2x1024xf32, #tpu.memory_space<hbm>>) target_semaphore(%arg13 : memref<!tpu.dma_semaphore, #tpu.memory_space<semaphore_mem>>)
    %dma_wait3A_935 = arith.constant 0 : i32
    %dma_wait3A_936 = arith.constant 0 : i32
    %dma_wait3A_937 = tpu.memref_slice %arg8[%dma_wait3A_935, %dma_wait3A_936] : memref<2x16256xf32, #tpu.memory_space<vmem>> -> memref<2x16256xf32, #tpu.memory_space<vmem>>
    %dma_wait3A_938 = arith.constant 0 : i32
    %dma_wait3A_939 = tpu.memref_slice %arg4[%add3A, %dma_wait3A_938, %multiple_of3A_141] : memref<32x2x212308xf32, #tpu.memory_space<hbm>> -> memref<1x2x16256xf32, #tpu.memory_space<hbm>>
    %dma_wait3A_940 = tpu.memref_squeeze %dma_wait3A_939 : memref<1x2x16256xf32, #tpu.memory_space<hbm>> -> memref<2x16256xf32, #tpu.memory_space<hbm>>
    %dma_wait3A_941 = arith.constant 0 : i32
    %dma_wait3A_942 = tpu.memref_slice %arg4[%add3A, %dma_wait3A_941, %multiple_of3A_141] : memref<32x2x212308xf32, #tpu.memory_space<hbm>> -> memref<1x2x16256xf32, #tpu.memory_space<hbm>>
    %dma_wait3A_943 = tpu.memref_squeeze %dma_wait3A_942 : memref<1x2x16256xf32, #tpu.memory_space<hbm>> -> memref<2x16256xf32, #tpu.memory_space<hbm>>
    %dma_wait3A_944 = arith.constant 0 : i32
    %dma_wait3A_945 = arith.constant 0 : i32
    %dma_wait3A_946 = tpu.memref_slice %arg8[%dma_wait3A_944, %dma_wait3A_945] : memref<2x16256xf32, #tpu.memory_space<vmem>> -> memref<2x16256xf32, #tpu.memory_space<vmem>>
    tpu.wait_dma2 semaphore(%arg12 : memref<!tpu.dma_semaphore, #tpu.memory_space<semaphore_mem>>) src(%dma_wait3A_946 : memref<2x16256xf32, #tpu.memory_space<vmem>>) dst(%dma_wait3A_943 : memref<2x16256xf32, #tpu.memory_space<hbm>>)
    %dma_wait3A_947 = arith.constant 0 : i32
    %dma_wait3A_948 = arith.constant 0 : i32
    %dma_wait3A_949 = tpu.memref_slice %arg9[%dma_wait3A_947, %dma_wait3A_948] : memref<2x16256xf32, #tpu.memory_space<vmem>> -> memref<2x1024xf32, #tpu.memory_space<vmem>>
    %dma_wait3A_950 = arith.constant 0 : i32
    %dma_wait3A_951 = tpu.memref_slice %arg4[%add3A, %dma_wait3A_950, %multiple_of3A_149] : memref<32x2x212308xf32, #tpu.memory_space<hbm>> -> memref<1x2x1024xf32, #tpu.memory_space<hbm>>
    %dma_wait3A_952 = tpu.memref_squeeze %dma_wait3A_951 : memref<1x2x1024xf32, #tpu.memory_space<hbm>> -> memref<2x1024xf32, #tpu.memory_space<hbm>>
    %dma_wait3A_953 = arith.constant 0 : i32
    %dma_wait3A_954 = tpu.memref_slice %arg4[%add3A, %dma_wait3A_953, %multiple_of3A_149] : memref<32x2x212308xf32, #tpu.memory_space<hbm>> -> memref<1x2x1024xf32, #tpu.memory_space<hbm>>
    %dma_wait3A_955 = tpu.memref_squeeze %dma_wait3A_954 : memref<1x2x1024xf32, #tpu.memory_space<hbm>> -> memref<2x1024xf32, #tpu.memory_space<hbm>>
    %dma_wait3A_956 = arith.constant 0 : i32
    %dma_wait3A_957 = arith.constant 0 : i32
    %dma_wait3A_958 = tpu.memref_slice %arg9[%dma_wait3A_956, %dma_wait3A_957] : memref<2x16256xf32, #tpu.memory_space<vmem>> -> memref<2x1024xf32, #tpu.memory_space<vmem>>
    tpu.wait_dma2 semaphore(%arg13 : memref<!tpu.dma_semaphore, #tpu.memory_space<semaphore_mem>>) src(%dma_wait3A_958 : memref<2x1024xf32, #tpu.memory_space<vmem>>) dst(%dma_wait3A_955 : memref<2x1024xf32, #tpu.memory_space<hbm>>)
    return
  }
}

</mosaic_0001>

<sc_bundles>
// kernel: kernel.3.cloned.1.call-start
scs
__scs_entry_jumppad:
0x0: {  	(pc) =	sbr.rel $0x88, $3  }
0x1: {  	(tag) =	ssettag $0x0;
	lr =	simm.s32 $0x1  }
0x2: {  	[smem:$0x3F9F] =	sst lr;
	_ =	strace $0xD0000000  }
0x3: {  	_ = 	snop  }
0x4: {  	_ = 	snop  }
0x5: {  	_ = 	snop  }
0x6: {  	_ = 	snop  }
0x7: {  	_ = 	snop  }
__scs_overlays_trampoline_lowered:
0x8: {  	[smem:$0x3FAE] =	sst s0  }
0x9: {  	[smem:$0x3FAF] =	sst s1  }
0xa: {  	[smem:$0x3FB0] =	sst s2  }
0xb: {  	[smem:$0x3FB1] =	sst s3  }
0xc: {  	[smem:$0x3FB2] =	sst s4  }
0xd: {  	[smem:$0x3FB3] =	sst s5  }
0xe: {  	[smem:$0x3FB4] =	sst s6  }
0xf: {  	[smem:$0x3FB5] =	sst s7  }
0x10: {  	[smem:$0x3FB6] =	sst s8  }
0x11: {  	[smem:$0x3FB7] =	sst s9;
	s0 =	simm.s32 @!p0 $0x0  }
0x12: {  	s1 =	sld [smem:$0x3F9D];
	s0 =	simm.s32 @p0 $0x1  }
0x13: {  	[smem:$0x3FB8] =	sst s0;
	s0 =	simm.s32 @!p1 $0x0  }
0x14: {  	s2 =	sld [smem:$0x3F9C];
	s0 =	simm.s32 @p1 $0x1  }
0x15: {  	[smem:$0x3FB9] =	sst s0;
	s0 =	simm.s32 @!p2 $0x0  }
0x16: {  	s3 =	sld [smem:$0x3FDB];
	s0 =	simm.s32 @p2 $0x1  }
0x17: {  	s4 =	simm.s32 $0x1BF5;
	[smem:$0x3FBB] =	sst s0  }
0x18: {  	s0 =	sld [smem:$0x3F9E];
	_ =	swait.ge [sflag:s4], $0x0  }
0x19: {  	s7 =	sld [smem:$0x3F9F]  }
0x1a: {  	s8 =	sadd.s32 $0xFFFFE003, lr  }
0x1b: {  	s9 =	sadd.s32 $0xFFFFFEF7, lr;
	s5 =	simm.s32 $0xFFFFFFFF;
	p2 =	slt.u32 s8, $0xFFFFF086  }
0x1c: {  	p1 =	slt.u32 s9, $0xF7A;
	s5 =	simm.s32 @!p2 $0x0  }
0x1d: {  	s5 =	simm.s32 @p1 $0x1;
	p0 =	seq.s32 s7, s2  }
0x1e: {  	s7 =	smul.u32 @!p0 $0xF7A, s2;
	p2 =	seq.s32 @!p0 s5, $0x0  }
0x1f: {  	s9 =	smul.u32 $0xF7A, s1;
	s8 =	simm.s32 @!p0 $0x1BF5;
	p2 =	por !p2, p0  }
0x20: {  	[sflag:s8] =	ssyncset.s32 @!p0 $0xFFFFF086;
	s6 =	sadd.s32 @!p0 s3, s7;
	s7 =	simm.s32 @!p0 $0x108  }
0x21: {  	s3 =	sadd.s32 s3, s9;
	s6 =	sadd.s32 @!p0 $0x88, s6;
	s7 =	simm.s32 @p2 $0x1082  }
0x22: {  	[simem:s7], [sflag:s8] =	dma.local @!p0 [hbm:s6], $0xF7A  }
0x23: {  	s9 =	sor.u32 $0xD0000000, s2;
	s6 =	simm.s32 $0x108;
	_ =	swait.ge @!p0 [sflag:s8], $0x0  }
0x24: {  	s3 =	sadd.s32 $0x88, s3;
	s6 =	simm.s32 @!p1 $0x1082;
	[sflag:s4] =	ssyncset.s32 $0xFFFFF086  }
0x25: {  	[simem:s6], [sflag:s4] =	dma.local [hbm:s3], $0xF7A  }
0x26: {  	[smem:$0x3F9F] =	sst s1;
	(tag) =	ssettag s2;
	_ =	strace s9  }
0x27: {  	s1 =	sld [smem:$0x3FAF]  }
0x28: {  	s2 =	sld [smem:$0x3FB0]  }
0x29: {  	s4 =	sld [smem:$0x3FB2]  }
0x2a: {  	p0 =	seq.s32 s5, $0x0;
	s5 =	sld [smem:$0x3FB3]  }
0x2b: {  	s6 =	sld [smem:$0x3FB4]  }
0x2c: {  	s7 =	sld [smem:$0x3FB5]  }
0x2d: {  	s3 =	simm.s32 $0x108;
	s8 =	sld [smem:$0x3FB6]  }
0x2e: {  	s3 =	simm.s32 @!p0 $0x1082;
	s9 =	sld [smem:$0x3FB7]  }
0x2f: {  	lr =	sadd.s32 s0, s3;
	s0 =	sld [smem:$0x3FAE]  }
0x30: {  	s3 =	sld [smem:$0x3FB1]  }
0x31: {  	[smem:$0x3FBA] =	sst s10  }
0x32: {  	s10 =	sld [smem:$0x3FB8];
	_ =	sdelay $0x3  }
0x33: {  	p0 =	seq.s32 s10, $0x1;
	s10 =	sld [smem:$0x3FBA];
	_ =	sdelay $0x3  }
0x34: {  	[smem:$0x3FBA] =	sst s10  }
0x35: {  	s10 =	sld [smem:$0x3FB9];
	_ =	sdelay $0x3  }
0x36: {  	p1 =	seq.s32 s10, $0x1;
	s10 =	sld [smem:$0x3FBA];
	_ =	sdelay $0x3  }
0x37: {  	[smem:$0x3FBA] =	sst s10  }
0x38: {  	s10 =	sld [smem:$0x3FBB]  }
0x39: {  	_ = 	snop;
	(pc) =	sbr.ind lr, $3  }
0x3a: {  	_ = 	snop  }
0x3b: {  	_ = 	snop  }
0x3c: {  	p2 =	seq.s32 s10, $0x1;
	s10 =	sld [smem:$0x3FBA]  }
0x3d: {  	_ =	shalt  }
0x3e: {  	_ =	shalt  }
0x3f: {  	_ =	shalt  }
0x40: {  	_ =	shalt  }
0x41: {  	_ =	shalt  }
0x42: {  	_ =	shalt  }
0x43: {  	_ =	shalt  }
0x44: {  	_ =	shalt  }
0x45: {  	_ =	shalt  }
0x46: {  	_ =	shalt  }
0x47: {  	_ =	shalt  }
0x48: {  	_ =	shalt  }
0x49: {  	_ =	shalt  }
0x4a: {  	_ =	shalt  }
0x4b: {  	_ =	shalt  }
0x4c: {  	_ =	shalt  }
0x4d: {  	_ =	shalt  }
0x4e: {  	_ =	shalt  }
0x4f: {  	_ =	shalt  }
0x50: {  	_ =	shalt  }
0x51: {  	_ =	shalt  }
0x52: {  	_ =	shalt  }
0x53: {  	_ =	shalt  }
0x54: {  	_ =	shalt  }
0x55: {  	_ =	shalt  }
0x56: {  	_ =	shalt  }
0x57: {  	_ =	shalt  }
0x58: {  	_ =	shalt  }
0x59: {  	_ =	shalt  }
0x5a: {  	_ =	shalt  }
0x5b: {  	_ =	shalt  }
0x5c: {  	_ =	shalt  }
0x5d: {  	_ =	shalt  }
0x5e: {  	_ =	shalt  }
0x5f: {  	_ =	shalt  }
0x60: {  	_ =	shalt  }
0x61: {  	_ =	shalt  }
0x62: {  	_ =	shalt  }
0x63: {  	_ =	shalt  }
0x64: {  	_ =	shalt  }
0x65: {  	_ =	shalt  }
0x66: {  	_ =	shalt  }
0x67: {  	_ =	shalt  }
0x68: {  	_ =	shalt  }
0x69: {  	_ =	shalt  }
0x6a: {  	_ =	shalt  }
0x6b: {  	_ =	shalt  }
0x6c: {  	_ =	shalt  }
0x6d: {  	_ =	shalt  }
0x6e: {  	_ =	shalt  }
0x6f: {  	_ =	shalt  }
0x70: {  	_ =	shalt  }
0x71: {  	_ =	shalt  }
0x72: {  	_ =	shalt  }
0x73: {  	_ =	shalt  }
0x74: {  	_ =	shalt  }
0x75: {  	_ =	shalt  }
0x76: {  	_ =	shalt  }
0x77: {  	_ =	shalt  }
0x78: {  	_ =	shalt  }
0x79: {  	_ =	shalt  }
0x7a: {  	_ =	shalt  }
0x7b: {  	_ =	shalt  }
0x7c: {  	_ =	shalt  }
0x7d: {  	_ =	shalt  }
0x7e: {  	_ =	shalt  }
0x7f: {  	_ =	shalt  }
0x80: {  	_ =	shalt  }
0x81: {  	_ =	shalt  }
0x82: {  	_ =	shalt  }
0x83: {  	_ =	shalt  }
0x84: {  	_ =	shalt  }
0x85: {  	_ =	shalt  }
0x86: {  	_ =	shalt  }
0x87: {  	_ =	shalt  }
.Lfunc_end0:
.L_simem_size_0:
called_computation_lowered:
.L_overlay_start_0:
0x88: {  	s2 =	sld [smem:$0x3FD9]  }
0x89: {  	s3 =	sld [smem:$0x3FFE];
	_ =	sdelay $0x1  }
0x8a: {  	s1 =	srdreg.scid  }
0x8b: {  	s0 =	sand.u32 $0x1, s1  }
0x8c: {  	s17 =	sshll.u32 s0, $0xA;
	s2 =	sadd.s32 s3, s2  }
0x8d: {  	s2 =	sadd.s32 s2, s17  }
0x8e: {  	[smem:$0x3FC6] =	sst s2  }
0x8f: {  	_ = 	snop  }
0x90: {  	s2 =	sld [smem:$0x3FC9]  }
0x91: {  	s18 =	sld [smem:$0x3FD0];
	(tm) =	ssettm $0x1  }
0x92: {  	s4 =	sld [smem:$0x3FFB];
	_ =	sdelay $0x3  }
0x93: {  	_ =	strace s4  }
0x94: {  	s4 =	sld [smem:$0x3FFC];
	_ =	sdelay $0x3  }
0x95: {  	_ =	strace s4  }
0x96: {  	s4 =	sld [smem:$0x3FFD];
	_ =	sdelay $0x3  }
0x97: {  	_ =	strace s4  }
0x98: {  	_ =	strace $0x8FFFFFFF  }
0x99: {  	s19 =	sld [smem:$0x3FDB];
	_ =	sdelay $0x1  }
0x9a: {  	s5 =	simm.s32 $_scs_section_size  }
0x9b: {  	s6 =	simm.s32 $_size__tile_overlayer_lowered;
	s7 =	simm.s32 $_tile_overlayer_lowered  }
0x9c: {  	s22 =	simm.s32 $0x1BFF;
	s21 =	sshll.u32 s7, $0x1;
	s4 =	sadd.s32 s5, s19  }
0x9d: {  	s8 =	simm.s32 $0x0;
	s20 =	sshll.u32 s6, $0x1;
	s6 =	sadd.s32 s21, s4  }
0x9e: {  	[timem:s8], [sflag:s22] =	dma.local [hbm:s6], s20  }
0x9f: {  	_ =	swait.ge [sflag:s22], s20  }
0xa0: {  	s5 =	ssub.s32 $0x0, s20;
	[sflag:s22] =	ssyncset.done $0x0  }
0xa1: {  	[sflag:s22] =	ssyncadd.s32 s5;
	_ =	sdelay $0x1  }
0xa2: {  	s23 =	simm.s32 $0x1B8B  }
0xa3: {  	_ =	swait.ge [sflag:s23], $0x1  }
0xa4: {  	[sflag:s23] =	ssyncset.done $0x0  }
0xa5: {  	s25 =	simm.s32 $0x1B8E;
	s24 =	sld [smem:$0x3FFE];
	[sflag:s23] =	ssyncadd.s32 $0xFFFFFFFF  }
0xa6: {  	s26 =	simm.s32 $execute0_lowered;
	[smem:$0x3FD2] =	sst s25  }
0xa7: {  	s6 =	sshll.u32 s26, $0x1;
	_ =	strace $0x80000046;
	[dreg:$0x1] =	wrdreg $0xFFFFFFFF  }
0xa8: {  	s28 =	simm.s32 $_size_execute0_lowered;
	s4 =	sadd.s32 s4, s6;
	[dreg:$0x0] =	wrdreg $0x0  }
0xa9: {  	s6 =	sshll.u32 s28, $0x1;
	[dreg:$0x2] =	wrdreg s4  }
0xaa: {  	[dreg:$0x3] =	wrdreg s6  }
0xab: {  	[dreg:$0x4] =	wrdreg $0xC0  }
0xac: {  	_ =	task [dreg:s8], $0x5FFFF  }
0xad: {  	[dreg:$0x1] =	wrdreg $0xFFFFFFFF  }
0xae: {  	[dreg:$0x0] =	wrdreg $0x60  }
0xaf: {  	[dreg:$0x2] =	wrdreg s2  }
0xb0: {  	[dreg:$0x3] =	wrdreg s24  }
0xb1: {  	[dreg:$0x4] =	wrdreg s18  }
0xb2: {  	[dreg:$0x5] =	wrdreg $0x9  }
0xb3: {  	_ =	task.clear_ibuf [dreg:s8], $0x6FFFF;
	_ =	strace $0x90000046  }
0xb4: {  	s29 =	simm.s32 $0x9;
	_ =	strace $0x80000048  }
0xb5: {  	_ =	swait.ge [sflag:s29], $0x1  }
0xb6: {  	[sflag:s29] =	ssyncadd.s32 $0xFFFFFFFF  }
0xb7: {  	_ =	strace $0x90000048  }
0xb8: {  	_ =	sfence  }
0xb9: {  	s30 =	sld [smem:$0x0];
	_ =	sdelay $0x2  }
0xba: {  	s31 =	sshll.u32 s1, $0xD;
	s1 =	sshrl.u32 s1, $0x2  }
0xbb: {  	s3 =	sand.u32 $0x4000, s31;
	s1 =	sadd.s32 s1, s30  }
0xbc: {  	s0 =	sor.u32 s3, s0;
	s1 =	sshll.u32 s1, $0x11  }
0xbd: {  	s0 =	sor.u32 s1, s0  }
0xbe: {  	s0 =	sadd.s32 $0x8F2B, s0  }
0xbf: {  	[sflag:s0] =	ssyncadd.remote.s32 $0x1  }
0xc0: {  	_ =	sfence.sel $0xFFFF  }
0xc1: {  	[dreg:$0x0] =	wrdreg $0xFFFFFFFF;
	(pc) =	sbr.abs _section_cstart, $3  }
0xc2: {  	[dreg:$0x1] =	wrdreg $0xFFFFFFFF  }
0xc3: {  	_ =	task.clear_ibuf [dreg:s8], $0x2FFFF;
	_ =	strace $0x9FFFFFFF  }
0xc4: {  	(tm) =	ssettm $0x7FFFFFFF  }
0xc5: {  	_ =	shalt  }
tec
execute0_lowered:
.L_overlay_start_1:
0x0: {  	(tag) =	ssettag $0x1  }
0x1: {  	s4 =	srdreg.scid;
	s8 =	stileid.u32  }
0x2: {  	s1 =	rddreg [dreg:$0x0];
	s4 =	sand.u32 $0x1, s4;
	s5 =	sshll.u32 s8, $0x1  }
0x3: {  	s0 =	rddreg [dreg:$0x1];
	s3 =	simm.s32 $0x0;
	s6 =	sor.u32 s4, s5  }
0x4: {  	[smem:$0x7FF] =	sst s3;
	s5 =	smul.u32 $0x6BB00, s6  }
0x5: {  	s2 =	rddreg [dreg:$0x2];
	s0 =	sadd.s32 $0x400, s0;
	_ =	strace $0x80000047  }
0x6: {  	[dreg:$0x4] =	wrdreg s0;
	s7 =	smul.u32 $0x67B00, s6;
	s29 =	sadd.s32 $0x7F00, s5  }
0x7: {  	s11 =	sand.u32 $0xF, s6;
	s6 =	sadd.s32 $0xFE00, s5;
	[dreg:$0x5] =	wrdreg s29  }
0x8: {  	s10 =	sadd.s32 $0x17D00, s5;
	[dreg:$0x6] =	wrdreg s6  }
0x9: {  	s13 =	sadd.s32 $0x1FC00, s5;
	[dreg:$0x8] =	wrdreg s10  }
0xa: {  	s15 =	sadd.s32 $0x27B00, s5;
	[dreg:$0xa] =	wrdreg s13  }
0xb: {  	s17 =	sadd.s32 $0x2FA00, s5;
	[dreg:$0xc] =	wrdreg s15  }
0xc: {  	s4 =	ssub.s32 $0x2, s4;
	s19 =	sadd.s32 $0x37900, s5;
	[dreg:$0xe] =	wrdreg s17  }
0xd: {  	s26 =	sshrl.u32 s4, $0x1;
	s21 =	sadd.s32 $0x3F800, s5;
	[dreg:$0x10] =	wrdreg s19  }
0xe: {  	s0 =	ssub.s32 s4, s26;
	s23 =	sadd.s32 $0x47700, s5;
	[dreg:$0x12] =	wrdreg s21  }
0xf: {  	p0 =	slt.u32 s8, $0x8;
	s0 =	smax.u32 s0, $0x1;
	[dreg:$0x14] =	wrdreg s23  }
0x10: {  	s28 =	sshrl.u32 s7, $0x3;
	s25 =	sadd.s32 $0x4F600, s5;
	[dreg:$0x16] =	wrdreg s0  }
0x11: {  	s7 =	sadd.s32 s2, s28;
	[dreg:$0x17] =	wrdreg s25;
	s28 =	sadd.s32 $0x57500, s5  }
0x12: {  	s8 =	simm.s32 $0x80;
	s9 =	sadd.s32 $0xFE0, s7;
	[dreg:$0x19] =	wrdreg s28  }
0x13: {  	v1 =	vmov s11;
	s11 =	simm.s32 $0x10080;
	s12 =	sadd.s32 $0x1FC0, s7;
	[dreg:$0x7] =	wrdreg s9  }
0x14: {  	s30 =	sadd.s32 $0x5F400, s5;
	s14 =	sadd.s32 $0x2FA0, s7;
	[dreg:$0x9] =	wrdreg s12  }
0x15: {  	s0 =	sadd.s32 $0x67300, s5;
	s16 =	sadd.s32 $0x3F80, s7;
	[dreg:$0xb] =	wrdreg s14  }
0x16: {  	s6 =	simm.s32 $0x5;
	s18 =	sadd.s32 $0x4F60, s7;
	[dreg:$0xd] =	wrdreg s16  }
0x17: {  	s10 =	simm.s32 $0x8080;
	s20 =	sadd.s32 $0x5F40, s7;
	[dreg:$0xf] =	wrdreg s18  }
0x18: {  	s13 =	simm.s32 $0x17F80;
	s22 =	sadd.s32 $0x6F20, s7;
	[dreg:$0x11] =	wrdreg s20  }
0x19: {  	s15 =	simm.s32 $0x4;
	s24 =	sadd.s32 $0x7F00, s7;
	[dreg:$0x13] =	wrdreg s22  }
0x1a: {  	s26 =	sadd.s32 $0x8EE0, s7;
	s29 =	sadd.s32 $0x9EC0, s7;
	[dreg:$0x15] =	wrdreg s24  }
0x1b: {  	s31 =	sadd.s32 $0xAEA0, s7;
	s2 =	sadd.s32 $0xBE80, s7;
	[dreg:$0x18] =	wrdreg s26  }
0x1c: {  	v0 =	vlaneseq.u32;
	s4 =	sadd.s32 $0xCE60, s7;
	[dreg:$0x1a] =	wrdreg s29;
	s9 =	simm.s32 $0x1  }
0x1d: {  	vm0 =	veq.s32 v1, v0;
	s12 =	simm.s32 $0x2;
	s14 =	simm.s32 $0x3;
	s16 =	simm.s32 $0x0  }
.LBB2_1:
0x1e: {  	s17 =	rddreg [dreg:$0x4]  }
0x1f: {  	[tilespmem:s3], [sflag:$0x5] =	stream.linear.gather [hbm4b:s17+s3], $0x80, $0x38;
	[tilespmem:$0x1FE80] =	vst v63  }
0x20: {  	_ =	swait.ge [sflag:s6], $0x80  }
0x21: {  	s17 =	simm.s32 $0x0;
	[sflag:s6] =	ssyncset.done $0x0  }
0x22: {  	s17 =	simm.s32 @!p0 $0x10;
	[sflag:s6] =	ssyncadd.s32 $0xFFFFFF80  }
0x23: {  	v1 =	vld [tilespmem:s17+$0x0];
	_ =	sdelay $0x4  }
0x24: {  	v1 =	vnsel vm0, $0x0, v1  }
0x25: {  	(xrf0) =	vadd.scan.msk.s32 $0xffff, v1;
	_ =	sdelay $0x5  }
0x26: {  	v1, _, _ =	vpop (xrf0)  }
0x27: {  	(v2sf) =	vpush v1, $0xF;
	_ =	sdelay $0xe  }
0x28: {  	s18 =	spop (v2sf)  }
0x29: {  	s21 =	sand.u32 $0x7F, s18  }
0x2a: {  	s17 =	sadd.s32 $0x70, s21  }
0x2b: {  	s18 =	sshll.u32 s18, $0x1;
	s19 =	sadd.s32 $0xFFFFFFF0, s17  }
0x2c: {  	s21 =	sand.u32 $0x7FFFFF00, s18;
	v2 =	vadd.s32 s17, v0;
	s20 =	sadd.s32 $0xFFFFFFA0, s17;
	v3 =	vadd.s32 s19, v0  }
0x2d: {  	s22 =	sadd.s32 $0xFFFFFFB0, s17;
	s23 =	sadd.s32 $0xFFFFFFC0, s17;
	s26 =	sadd.s32 $0xFFFFFFD0, s17;
	v1 =	vand.u32 $0x7F, v2;
	v5 =	vshll.u32 v2, $0x1;
	v2 =	vadd.s32 s20, v0  }
0x2e: {  	s25 =	sadd.s32 s5, s21;
	s29 =	sadd.s32 $0xFFFFFFE0, s17;
	v4 =	vadd.s32 s22, v0;
	v7 =	vadd.s32 s23, v0;
	v8 =	vadd.s32 s26, v0  }
0x2f: {  	s24 =	sadd.s32 $0xFFFFFF90, s17;
	s28 =	sshrl.u32 s25, $0x3;
	v11 =	vadd.s32 s29, v0;
	v6 =	vshll.u32 v3, $0x1;
	v13 =	vand.u32 $0x7F, v3  }
0x30: {  	v3 =	vadd.s32 s24, v0;
	s19 =	sadd.s32 s1, s28;
	v10 =	vshll.u32 v2, $0x1;
	v12 =	vshll.u32 v4, $0x1  }
0x31: {  	v17 =	vshll.u32 v7, $0x1;
	v18 =	vshll.u32 v8, $0x1;
	v22 =	vand.u32 $0x7F, v4;
	[tilespmem:s8], [sflag:$0x1] =	stream.linear.gather [hbm4b:s19+s3], $0x8000, $0x38;
	[tilespmem:$0x1FE80] =	vst v63  }
0x32: {  	v23 =	vand.u32 $0x7F, v7;
	v24 =	vand.u32 $0x7F, v8;
	v4 =	vand.u32 $0x7F, v11;
	_ =	swait.ge [sflag:s9], $0x8000  }
0x33: {  	s18 =	sand.u32 $0xFFFFFF00, s18;
	v14 =	vand.u32 $0x7FFFFF00, v6;
	v9 =	vshll.u32 v3, $0x1;
	v16 =	vand.u32 $0x7FFFFF00, v10;
	s22 =	rddreg [dreg:$0x5]  }
0x34: {  	v19 =	vand.u32 $0x7FFFFF00, v12;
	v20 =	vand.u32 $0x7FFFFF00, v17;
	v21 =	vand.u32 $0x7FFFFF00, v18;
	s19 =	sadd.s32 s22, s18  }
0x35: {  	v17 =	vand.u32 $0x7F, v3;
	v18 =	vand.u32 $0x7F, v2;
	v3 =	vand.u32 $0x7FFFFF00, v5;
	[sflag:s9] =	ssyncset.done $0x0;
	s19 =	sshrl.u32 s19, $0x3  }
0x36: {  	v6 =	vor.u32 v13, v14;
	v15 =	vand.u32 $0x7FFFFF00, v9;
	v9 =	vshll.u32 v11, $0x1;
	[sflag:s9] =	ssyncadd.s32 $0xFFFF8000;
	s19 =	sadd.s32 s1, s19  }
0x37: {  	v11 =	vor.u32 v18, v16;
	v10 =	vor.u32 v22, v19;
	v12 =	vor.u32 v17, v15;
	[tilespmem:s10], [sflag:$0x2] =	stream.linear.gather [hbm4b:s19+s3], $0x8000, $0x38;
	[tilespmem:$0x1FE80] =	vst v63  }
0x38: {  	v8 =	vor.u32 v24, v21;
	v5 =	vor.u32 v1, v3;
	v2 =	vand.u32 $0x7FFFFF00, v9;
	s19 =	sadd.s32 $0x80, s17  }
0x39: {  	v9 =	vor.u32 v23, v20;
	v7 =	vor.u32 v4, v2;
	s23 =	sadd.s32 $0xFFFFFFF0, s19;
	v25 =	vadd.s32 s19, v0  }
0x3a: {  	s24 =	sadd.s32 $0xFFFFFFA0, s19;
	s22 =	sadd.s32 $0xFFFFFFB0, s19;
	s25 =	sadd.s32 $0xFFFFFFC0, s19;
	v26 =	vadd.s32 s23, v0;
	v34 =	vand.u32 $0x7F, v25;
	v25 =	vshll.u32 v25, $0x1  }
0x3b: {  	v27 =	vld.idx.msk [tilespmem:v6+s8+$0x0], $0xffff;
	s26 =	sadd.s32 $0xFFFFFFD0, s19;
	s28 =	sadd.s32 $0xFFFFFF90, s19;
	v28 =	vadd.s32 s24, v0;
	v29 =	vadd.s32 s22, v0;
	v32 =	vadd.s32 s25, v0  }
0x3c: {  	v31 =	vld.idx.msk [tilespmem:v12+s8+$0x0], $0xffff;
	s29 =	sadd.s32 $0xFFFFFFE0, s19;
	v35 =	vadd.s32 s28, v0;
	v36 =	vadd.s32 s26, v0;
	v30 =	vshll.u32 v26, $0x1  }
0x3d: {  	v33 =	vld.idx.msk [tilespmem:v11+s8+$0x0], $0xffff;
	v39 =	vadd.s32 s29, v0;
	v26 =	vand.u32 $0x7F, v26;
	v30 =	vand.u32 $0x7FFFFF00, v30  }
0x3e: {  	v37 =	vld.idx.msk [tilespmem:v10+s8+$0x0], $0xffff;
	v38 =	vshll.u32 v28, $0x1;
	v41 =	vshll.u32 v29, $0x1;
	v26 =	vor.u32 v26, v30  }
0x3f: {  	v40 =	vld.idx.msk [tilespmem:v9+s8+$0x0], $0xffff;
	s22 =	simm.s32 $0x100C0;
	v42 =	vshll.u32 v32, $0x1;
	v43 =	vshll.u32 v36, $0x1;
	v28 =	vand.u32 $0x7F, v28  }
0x40: {  	v44 =	vld.idx.msk [tilespmem:v8+s8+$0x0], $0xffff;
	v29 =	vand.u32 $0x7F, v29;
	v47 =	vand.u32 $0x7F, v32;
	v36 =	vand.u32 $0x7F, v36;
	[tilespmem:s22+$0x20] =	vst v27  }
0x41: {  	v46 =	vld.idx.msk [tilespmem:v7+s8+$0x0], $0xffff;
	v25 =	vand.u32 $0x7FFFFF00, v25;
	v38 =	vand.u32 $0x7FFFFF00, v38;
	v30 =	vshll.u32 v35, $0x1;
	[tilespmem:s22+$0xFFFFFFC0] =	vst v31  }
0x42: {  	v41 =	vand.u32 $0x7FFFFF00, v41;
	v45 =	vand.u32 $0x7FFFFF00, v30;
	v27 =	vshll.u32 v39, $0x1;
	[tilespmem:s22+$0xFFFFFFD0] =	vst v33;
	v30 =	vld.idx.msk [tilespmem:v5+s8+$0x0], $0xffff  }
0x43: {  	v42 =	vand.u32 $0x7FFFFF00, v42;
	v31 =	vand.u32 $0x7F, v35;
	[tilespmem:s22+$0xFFFFFFE0] =	vst v37;
	v63 =	vand.u32 $0x7FFFFF00, v27;
	v27 =	vld.idx.msk [tilespmem:v26+s8+$0x0], $0xffff  }
0x44: {  	v43 =	vand.u32 $0x7FFFFF00, v43;
	v25 =	vor.u32 v34, v25;
	[tilespmem:s22+$0xFFFFFFF0] =	vst v40;
	v32 =	vor.u32 v31, v45  }
0x45: {  	s21 =	simm.s32 $0x0;
	v33 =	vor.u32 v28, v38;
	v28 =	vor.u32 v47, v42;
	[tilespmem:s22+$0x0] =	vst v44;
	v26 =	vand.u32 $0x7F, v39  }
0x46: {  	s20 =	simm.s32 $0x10170;
	s23 =	simm.s32 $0x8;
	s24 =	sadd.s32 $0x80, s19;
	v31 =	vor.u32 v29, v41;
	v29 =	vor.u32 v36, v43;
	[tilespmem:s22+$0x10] =	vst v46;
	v26 =	vor.u32 v26, v63  }
.LBB2_2:
0x47: {  	s25 =	sadd.s32 $0xFFFFFFF0, s24;
	v34 =	vadd.s32 s24, v0;
	s23 =	sadd.s32 $0x8, s23;
	[tilespmem:s22+$0x30] =	vst v30;
	s22 =	sadd.s32 $0x100, s22  }
0x48: {  	s26 =	sadd.s32 $0xFFFFFFA0, s24;
	s28 =	sadd.s32 $0xFFFFFFB0, s24;
	v30 =	vadd.s32 s25, v0;
	v35 =	vand.u32 $0x7F, v34;
	v34 =	vshll.u32 v34, $0x1;
	p1 =	slt.u32 s23, $0x3F0;
	[tilespmem:s22+$0x20] =	vst v27  }
0x49: {  	v27 =	vadd.s32 s26, v0;
	v36 =	vadd.s32 s28, v0;
	s25 =	sadd.s32 $0xFFFFFFC0, s24;
	s26 =	sadd.s32 $0xFFFFFFD0, s24;
	s28 =	sadd.s32 $0xFFFFFFE0, s24;
	v37 =	vshll.u32 v30, $0x1;
	v32 =	vld.idx.msk [tilespmem:v32+s8+$0x0], $0xffff  }
0x4a: {  	s29 =	sadd.s32 $0xFFFFFF90, s24;
	v38 =	vadd.s32 s25, v0;
	v30 =	vand.u32 $0x7F, v30;
	v37 =	vand.u32 $0x7FFFFF00, v37;
	v33 =	vld.idx.msk [tilespmem:v33+s8+$0x0], $0xffff  }
0x4b: {  	v39 =	vadd.s32 s29, v0;
	v40 =	vadd.s32 s26, v0;
	v37 =	vor.u32 v30, v37;
	v31 =	vld.idx.msk [tilespmem:v31+s8+$0x0], $0xffff  }
0x4c: {  	v41 =	vshll.u32 v27, $0x1;
	v42 =	vadd.s32 s28, v0;
	v30 =	vshll.u32 v39, $0x1;
	v28 =	vld.idx.msk [tilespmem:v28+s8+$0x0], $0xffff  }
0x4d: {  	v43 =	vshll.u32 v36, $0x1;
	v44 =	vshll.u32 v38, $0x1;
	v45 =	vshll.u32 v40, $0x1;
	v29 =	vld.idx.msk [tilespmem:v29+s8+$0x0], $0xffff  }
0x4e: {  	v41 =	vand.u32 $0x7FFFFF00, v41;
	v47 =	vshll.u32 v42, $0x1;
	v46 =	vand.u32 $0x7FFFFF00, v30;
	v48 =	vld.idx.msk [tilespmem:v26+s8+$0x0], $0xffff  }
0x4f: {  	v26 =	vand.u32 $0x7FFFFF00, v43;
	v43 =	vand.u32 $0x7FFFFF00, v44;
	v44 =	vand.u32 $0x7FFFFF00, v45;
	[tilespmem:s22+$0xFFFFFFC0] =	vst v32;
	v30 =	vld.idx.msk [tilespmem:v25+s8+$0x0], $0xffff  }
.Ltmp0:
0x50: {  	v45 =	vand.u32 $0x7FFFFF00, v47;
	v25 =	vand.u32 $0x7F, v39;
	v39 =	vand.u32 $0x7F, v27;
	v27 =	vld.idx.msk [tilespmem:v37+s8+$0x0], $0xffff;
	[tilespmem:s22+$0xFFFFFFD0] =	vst v33;
	(pc) =	sbr.rel @p1 .LBB2_2-.Ltmp0, $4  }
0x51: {  	v36 =	vand.u32 $0x7F, v36;
	v37 =	vand.u32 $0x7F, v38;
	v38 =	vand.u32 $0x7F, v40;
	[tilespmem:s22+$0xFFFFFFE0] =	vst v31  }
0x52: {  	v34 =	vand.u32 $0x7FFFFF00, v34;
	v32 =	vor.u32 v25, v46;
	v25 =	vand.u32 $0x7F, v42;
	[tilespmem:s22+$0xFFFFFFF0] =	vst v28  }
0x53: {  	v33 =	vor.u32 v39, v41;
	v31 =	vor.u32 v36, v26;
	v28 =	vor.u32 v37, v43;
	[tilespmem:s22+$0x0] =	vst v29  }
0x54: {  	s24 =	sadd.s32 $0x80, s24;
	v26 =	vor.u32 v25, v45;
	v25 =	vor.u32 v35, v34;
	v29 =	vor.u32 v38, v44;
	[tilespmem:s22+$0x10] =	vst v48  }
0x55: {  	_ =	sdelay $0x3  }
0x56: {  	v32 =	vld.idx.msk [tilespmem:v32+s8+$0x0], $0xffff  }
0x57: {  	v33 =	vld.idx.msk [tilespmem:v33+s8+$0x0], $0xffff  }
0x58: {  	v31 =	vld.idx.msk [tilespmem:v31+s8+$0x0], $0xffff  }
0x59: {  	[tilespmem:s22+$0x30] =	vst v30;
	s29 =	sadd.s32 $0x100, s22;
	v28 =	vld.idx.msk [tilespmem:v28+s8+$0x0], $0xffff  }
0x5a: {  	v26 =	vld.idx.msk [tilespmem:v26+s8+$0x0], $0xffff;
	[tilespmem:s29+$0x20] =	vst v27  }
0x5b: {  	v63 =	vld.idx.msk [tilespmem:v25+s8+$0x0], $0xffff;
	[tilespmem:s29+$0xFFFFFFC0] =	vst v32  }
0x5c: {  	v13 =	vor.u32 v14, v13;
	v27 =	vld.idx.msk [tilespmem:v29+s8+$0x0], $0xffff;
	[tilespmem:s29+$0xFFFFFFD0] =	vst v33  }
0x5d: {  	v13 =	vor.u32 $0x80, v13;
	[tilespmem:s29+$0xFFFFFFE0] =	vst v31  }
0x5e: {  	[tilespmem:s29+$0xFFFFFFF0] =	vst v28  }
0x5f: {  	[tilespmem:s29+$0x10] =	vst v26  }
0x60: {  	[tilespmem:s29+$0x30] =	vst v63  }
0x61: {  	[tilespmem:s29+$0x0] =	vst v27  }
0x62: {  	v17 =	vor.u32 v15, v17;
	v15 =	vor.u32 v20, v23;
	v23 =	vld.idx.msk [tilespmem:v13+s8+$0x0], $0xffff  }
0x63: {  	v18 =	vor.u32 v16, v18  }
0x64: {  	v14 =	vor.u32 v19, v22;
	v16 =	vor.u32 v21, v24;
	v25 =	vor.u32 v2, v4  }
0x65: {  	v24 =	vor.u32 $0x80, v17;
	v21 =	vor.u32 $0x80, v18;
	v22 =	vor.u32 $0x80, v14  }
0x66: {  	v20 =	vor.u32 $0x80, v15;
	v19 =	vor.u32 $0x80, v16;
	v26 =	vor.u32 v3, v1  }
.LBB2_4:
0x67: {  	s22 =	sadd.s32 $0xFFFFFFA0, s19;
	s23 =	sadd.s32 $0xFFFFFFF0, s19;
	v27 =	vadd.s32 s19, v0;
	s21 =	sadd.s32 $0x8, s21;
	v25 =	vor.u32 $0x80, v25;
	[tilespmem:s20+$0xFFFFFFF0] =	vst v23;
	v23 =	vor.u32 $0x80, v26  }
0x68: {  	s24 =	sadd.s32 $0xFFFFFFC0, s19;
	v26 =	vadd.s32 s22, v0;
	s22 =	sadd.s32 $0xFFFFFFB0, s19;
	v28 =	vadd.s32 s23, v0;
	v29 =	vshll.u32 v27, $0x1;
	p1 =	slt.u32 s21, $0x3F0  }
0x69: {  	s23 =	sadd.s32 $0xFFFFFF90, s19;
	v31 =	vadd.s32 s24, v0;
	s24 =	sadd.s32 $0xFFFFFFE0, s19;
	v30 =	vadd.s32 s22, v0;
	s22 =	sadd.s32 $0xFFFFFFD0, s19;
	v32 =	vshll.u32 v28, $0x1  }
0x6a: {  	v33 =	vadd.s32 s23, v0;
	v28 =	vand.u32 $0x7F, v28;
	v32 =	vand.u32 $0x7FFFFF00, v32;
	v24 =	vld.idx.msk [tilespmem:v24+s8+$0x0], $0xffff  }
0x6b: {  	v35 =	vadd.s32 s24, v0;
	v34 =	vadd.s32 s22, v0;
	v28 =	vor.u32 v32, v28;
	v21 =	vld.idx.msk [tilespmem:v21+s8+$0x0], $0xffff  }
0x6c: {  	v36 =	vshll.u32 v26, $0x1;
	v32 =	vshll.u32 v33, $0x1;
	v28 =	vor.u32 $0x80, v28;
	v22 =	vld.idx.msk [tilespmem:v22+s8+$0x0], $0xffff  }
0x6d: {  	v38 =	vshll.u32 v31, $0x1;
	v37 =	vshll.u32 v30, $0x1;
	v39 =	vshll.u32 v34, $0x1;
	v20 =	vld.idx.msk [tilespmem:v20+s8+$0x0], $0xffff  }
0x6e: {  	v36 =	vand.u32 $0x7FFFFF00, v36;
	v40 =	vshll.u32 v35, $0x1;
	v32 =	vand.u32 $0x7FFFFF00, v32;
	v19 =	vld.idx.msk [tilespmem:v19+s8+$0x0], $0xffff  }
0x6f: {  	v38 =	vand.u32 $0x7FFFFF00, v38;
	v37 =	vand.u32 $0x7FFFFF00, v37;
	v39 =	vand.u32 $0x7FFFFF00, v39;
	v41 =	vld.idx.msk [tilespmem:v25+s8+$0x0], $0xffff  }
0x70: {  	v26 =	vand.u32 $0x7F, v26;
	v25 =	vand.u32 $0x7F, v33;
	v33 =	vand.u32 $0x7FFFFF00, v40;
	[tilespmem:s20+$0xFFFFFF90] =	vst v24;
	v40 =	vld.idx.msk [tilespmem:v23+s8+$0x0], $0xffff  }
0x71: {  	v24 =	vand.u32 $0x7F, v30;
	v30 =	vand.u32 $0x7F, v31;
	v31 =	vand.u32 $0x7F, v34;
	v23 =	vld.idx.msk [tilespmem:v28+s8+$0x0], $0xffff;
	[tilespmem:s20+$0xFFFFFFA0] =	vst v21  }
.Ltmp1:
0x72: {  	v27 =	vand.u32 $0x7F, v27;
	v21 =	vand.u32 $0x7F, v35;
	v28 =	vand.u32 $0x7FFFFF00, v29;
	[tilespmem:s20+$0xFFFFFFB0] =	vst v22;
	(pc) =	sbr.rel @p1 .LBB2_4-.Ltmp1, $4  }
0x73: {  	v26 =	vor.u32 v36, v26;
	v29 =	vor.u32 v37, v24;
	v22 =	vor.u32 v32, v25;
	[tilespmem:s20+$0xFFFFFFC0] =	vst v20  }
0x74: {  	v25 =	vor.u32 v33, v21;
	v20 =	vor.u32 v38, v30;
	v30 =	vor.u32 v39, v31;
	[tilespmem:s20+$0xFFFFFFD0] =	vst v19  }
0x75: {  	v21 =	vor.u32 $0x80, v26;
	v26 =	vor.u32 v28, v27;
	v24 =	vor.u32 $0x80, v22;
	[tilespmem:s20+$0xFFFFFFE0] =	vst v41  }
0x76: {  	s19 =	sadd.s32 $0x80, s19;
	v22 =	vor.u32 $0x80, v29;
	v20 =	vor.u32 $0x80, v20;
	v19 =	vor.u32 $0x80, v30;
	[tilespmem:s20+$0x0] =	vst v40;
	s20 =	sadd.s32 $0x100, s20  }
0x77: {  	_ =	sdelay $0x3  }
0x78: {  	v25 =	vor.u32 $0x80, v25;
	v24 =	vld.idx.msk [tilespmem:v24+s8+$0x0], $0xffff  }
0x79: {  	v26 =	vor.u32 $0x80, v26;
	v21 =	vld.idx.msk [tilespmem:v21+s8+$0x0], $0xffff  }
0x7a: {  	v22 =	vld.idx.msk [tilespmem:v22+s8+$0x0], $0xffff  }
0x7b: {  	v20 =	vld.idx.msk [tilespmem:v20+s8+$0x0], $0xffff  }
0x7c: {  	[tilespmem:s20+$0xFFFFFFF0] =	vst v23;
	v19 =	vld.idx.msk [tilespmem:v19+s8+$0x0], $0xffff  }
0x7d: {  	v23 =	vld.idx.msk [tilespmem:v25+s8+$0x0], $0xffff;
	[tilespmem:s20+$0xFFFFFF90] =	vst v24  }
0x7e: {  	v24 =	vld.idx.msk [tilespmem:v26+s8+$0x0], $0xffff;
	[tilespmem:s20+$0xFFFFFFA0] =	vst v21  }
0x7f: {  	[tilespmem:s20+$0xFFFFFFB0] =	vst v22  }
0x80: {  	[tilespmem:s20+$0xFFFFFFC0] =	vst v20  }
0x81: {  	[tilespmem:s20+$0xFFFFFFD0] =	vst v19  }
0x82: {  	[tilespmem:s20+$0xFFFFFFE0] =	vst v23  }
0x83: {  	[tilespmem:s20+$0x0] =	vst v24  }
0x84: {  	[hbm4b:s7+s3] =	stream.linear.scatter [tilespmem:s11], [sflag:$0x3], $0x7F00, $0x38;
	[tilespmem:$0x1FE80] =	vst v63  }
0x85: {  	_ =	swait.ge [sflag:s12], $0x8000  }
0x86: {  	s19 =	rddreg [dreg:$0x6]  }
0x87: {  	s19 =	sadd.s32 s19, s18  }
0x88: {  	[sflag:s12] =	ssyncset.done $0x0;
	s19 =	sshrl.u32 s19, $0x3  }
0x89: {  	[sflag:s12] =	ssyncadd.s32 $0xFFFF8000;
	s19 =	sadd.s32 s1, s19  }
0x8a: {  	[tilespmem:s8], [sflag:$0x1] =	stream.linear.gather [hbm4b:s19+s3], $0x8000, $0x38;
	[tilespmem:$0x1FE80] =	vst v63  }
0x8b: {  	s19 =	sadd.s32 $0x80, s17  }
0x8c: {  	s24 =	sadd.s32 $0xFFFFFFF0, s19;
	v19 =	vadd.s32 s19, v0  }
0x8d: {  	s21 =	sadd.s32 $0xFFFFFFA0, s19;
	s22 =	sadd.s32 $0xFFFFFFB0, s19;
	s25 =	sadd.s32 $0xFFFFFFC0, s19;
	v20 =	vadd.s32 s24, v0;
	v28 =	vand.u32 $0x7F, v19;
	v19 =	vshll.u32 v19, $0x1  }
0x8e: {  	v21 =	vld.idx.msk [tilespmem:v6+s10+$0x0], $0xffff;
	s26 =	sadd.s32 $0xFFFFFFD0, s19;
	s28 =	sadd.s32 $0xFFFFFF90, s19;
	v22 =	vadd.s32 s21, v0;
	v23 =	vadd.s32 s22, v0;
	v26 =	vadd.s32 s25, v0  }
0x8f: {  	v25 =	vld.idx.msk [tilespmem:v12+s10+$0x0], $0xffff;
	s29 =	sadd.s32 $0xFFFFFFE0, s19;
	v29 =	vadd.s32 s28, v0;
	v30 =	vadd.s32 s26, v0;
	v24 =	vshll.u32 v20, $0x1  }
0x90: {  	v27 =	vld.idx.msk [tilespmem:v11+s10+$0x0], $0xffff;
	v33 =	vadd.s32 s29, v0;
	v20 =	vand.u32 $0x7F, v20;
	v24 =	vand.u32 $0x7FFFFF00, v24  }
0x91: {  	v31 =	vld.idx.msk [tilespmem:v10+s10+$0x0], $0xffff;
	v32 =	vshll.u32 v22, $0x1;
	v35 =	vshll.u32 v23, $0x1;
	v20 =	vor.u32 v20, v24  }
0x92: {  	v34 =	vld.idx.msk [tilespmem:v9+s10+$0x0], $0xffff;
	s22 =	simm.s32 $0x17FC0;
	v36 =	vshll.u32 v26, $0x1;
	v37 =	vshll.u32 v30, $0x1;
	v22 =	vand.u32 $0x7F, v22  }
0x93: {  	v38 =	vld.idx.msk [tilespmem:v8+s10+$0x0], $0xffff;
	v23 =	vand.u32 $0x7F, v23;
	v41 =	vand.u32 $0x7F, v26;
	v30 =	vand.u32 $0x7F, v30;
	[tilespmem:s22+$0x20] =	vst v21  }
0x94: {  	v40 =	vld.idx.msk [tilespmem:v7+s10+$0x0], $0xffff;
	v19 =	vand.u32 $0x7FFFFF00, v19;
	v32 =	vand.u32 $0x7FFFFF00, v32;
	v24 =	vshll.u32 v29, $0x1;
	[tilespmem:s22+$0xFFFFFFC0] =	vst v25  }
0x95: {  	v35 =	vand.u32 $0x7FFFFF00, v35;
	v39 =	vand.u32 $0x7FFFFF00, v24;
	v21 =	vshll.u32 v33, $0x1;
	[tilespmem:s22+$0xFFFFFFD0] =	vst v27;
	v24 =	vld.idx.msk [tilespmem:v5+s10+$0x0], $0xffff  }
0x96: {  	v36 =	vand.u32 $0x7FFFFF00, v36;
	v25 =	vand.u32 $0x7F, v29;
	[tilespmem:s22+$0xFFFFFFE0] =	vst v31;
	v29 =	vand.u32 $0x7FFFFF00, v21;
	v21 =	vld.idx.msk [tilespmem:v20+s10+$0x0], $0xffff  }
0x97: {  	v37 =	vand.u32 $0x7FFFFF00, v37;
	v19 =	vor.u32 v28, v19;
	[tilespmem:s22+$0xFFFFFFF0] =	vst v34;
	v26 =	vor.u32 v25, v39  }
0x98: {  	s23 =	simm.s32 $0x8;
	v27 =	vor.u32 v22, v32;
	v22 =	vor.u32 v41, v36;
	[tilespmem:s22+$0x0] =	vst v38;
	v20 =	vand.u32 $0x7F, v33  }
0x99: {  	s20 =	simm.s32 $0x18070;
	s21 =	simm.s32 $0x0;
	s24 =	sadd.s32 $0x80, s19;
	[tilespmem:s22+$0x10] =	vst v40;
	v25 =	vor.u32 v23, v35;
	v23 =	vor.u32 v30, v37;
	v20 =	vor.u32 v20, v29  }
.LBB2_6:
0x9a: {  	s25 =	sadd.s32 $0xFFFFFFF0, s24;
	v28 =	vadd.s32 s24, v0;
	s23 =	sadd.s32 $0x8, s23;
	[tilespmem:s22+$0x30] =	vst v24;
	s22 =	sadd.s32 $0x100, s22  }
0x9b: {  	s26 =	sadd.s32 $0xFFFFFFA0, s24;
	s28 =	sadd.s32 $0xFFFFFFB0, s24;
	v24 =	vadd.s32 s25, v0;
	v29 =	vand.u32 $0x7F, v28;
	v28 =	vshll.u32 v28, $0x1;
	p1 =	slt.u32 s23, $0x3F0;
	[tilespmem:s22+$0x20] =	vst v21  }
0x9c: {  	v21 =	vadd.s32 s26, v0;
	v30 =	vadd.s32 s28, v0;
	s25 =	sadd.s32 $0xFFFFFFC0, s24;
	s26 =	sadd.s32 $0xFFFFFFD0, s24;
	s28 =	sadd.s32 $0xFFFFFFE0, s24;
	v31 =	vshll.u32 v24, $0x1;
	v26 =	vld.idx.msk [tilespmem:v26+s10+$0x0], $0xffff  }
0x9d: {  	s29 =	sadd.s32 $0xFFFFFF90, s24;
	v32 =	vadd.s32 s25, v0;
	v24 =	vand.u32 $0x7F, v24;
	v31 =	vand.u32 $0x7FFFFF00, v31;
	v27 =	vld.idx.msk [tilespmem:v27+s10+$0x0], $0xffff  }
0x9e: {  	v33 =	vadd.s32 s29, v0;
	v34 =	vadd.s32 s26, v0;
	v31 =	vor.u32 v24, v31;
	v25 =	vld.idx.msk [tilespmem:v25+s10+$0x0], $0xffff  }
0x9f: {  	v35 =	vshll.u32 v21, $0x1;
	v36 =	vadd.s32 s28, v0;
	v24 =	vshll.u32 v33, $0x1;
	v22 =	vld.idx.msk [tilespmem:v22+s10+$0x0], $0xffff  }
0xa0: {  	v37 =	vshll.u32 v30, $0x1;
	v38 =	vshll.u32 v32, $0x1;
	v39 =	vshll.u32 v34, $0x1;
	v23 =	vld.idx.msk [tilespmem:v23+s10+$0x0], $0xffff  }
0xa1: {  	v35 =	vand.u32 $0x7FFFFF00, v35;
	v41 =	vshll.u32 v36, $0x1;
	v40 =	vand.u32 $0x7FFFFF00, v24;
	v42 =	vld.idx.msk [tilespmem:v20+s10+$0x0], $0xffff  }
0xa2: {  	v20 =	vand.u32 $0x7FFFFF00, v37;
	v37 =	vand.u32 $0x7FFFFF00, v38;
	v38 =	vand.u32 $0x7FFFFF00, v39;
	[tilespmem:s22+$0xFFFFFFC0] =	vst v26;
	v24 =	vld.idx.msk [tilespmem:v19+s10+$0x0], $0xffff  }
.Ltmp2:
0xa3: {  	v39 =	vand.u32 $0x7FFFFF00, v41;
	v19 =	vand.u32 $0x7F, v33;
	v33 =	vand.u32 $0x7F, v21;
	v21 =	vld.idx.msk [tilespmem:v31+s10+$0x0], $0xffff;
	[tilespmem:s22+$0xFFFFFFD0] =	vst v27;
	(pc) =	sbr.rel @p1 .LBB2_6-.Ltmp2, $4  }
0xa4: {  	v30 =	vand.u32 $0x7F, v30;
	v31 =	vand.u32 $0x7F, v32;
	v32 =	vand.u32 $0x7F, v34;
	[tilespmem:s22+$0xFFFFFFE0] =	vst v25  }
0xa5: {  	v28 =	vand.u32 $0x7FFFFF00, v28;
	v26 =	vor.u32 v19, v40;
	v19 =	vand.u32 $0x7F, v36;
	[tilespmem:s22+$0xFFFFFFF0] =	vst v22  }
0xa6: {  	v27 =	vor.u32 v33, v35;
	v25 =	vor.u32 v30, v20;
	v22 =	vor.u32 v31, v37;
	[tilespmem:s22+$0x0] =	vst v23  }
0xa7: {  	s24 =	sadd.s32 $0x80, s24;
	v20 =	vor.u32 v19, v39;
	v19 =	vor.u32 v29, v28;
	v23 =	vor.u32 v32, v38;
	[tilespmem:s22+$0x10] =	vst v42  }
0xa8: {  	_ =	sdelay $0x3  }
0xa9: {  	v26 =	vld.idx.msk [tilespmem:v26+s10+$0x0], $0xffff  }
0xaa: {  	v27 =	vld.idx.msk [tilespmem:v27+s10+$0x0], $0xffff  }
0xab: {  	v25 =	vld.idx.msk [tilespmem:v25+s10+$0x0], $0xffff  }
0xac: {  	[tilespmem:s22+$0x30] =	vst v24;
	s29 =	sadd.s32 $0x100, s22;
	v22 =	vld.idx.msk [tilespmem:v22+s10+$0x0], $0xffff  }
0xad: {  	v20 =	vld.idx.msk [tilespmem:v20+s10+$0x0], $0xffff;
	[tilespmem:s29+$0x20] =	vst v21  }
0xae: {  	v19 =	vld.idx.msk [tilespmem:v19+s10+$0x0], $0xffff;
	[tilespmem:s29+$0xFFFFFFC0] =	vst v26  }
0xaf: {  	v21 =	vld.idx.msk [tilespmem:v23+s10+$0x0], $0xffff;
	[tilespmem:s29+$0xFFFFFFD0] =	vst v27  }
0xb0: {  	[tilespmem:s29+$0xFFFFFFE0] =	vst v25  }
0xb1: {  	[tilespmem:s29+$0xFFFFFFF0] =	vst v22  }
0xb2: {  	[tilespmem:s29+$0x10] =	vst v20  }
0xb3: {  	[tilespmem:s29+$0x30] =	vst v19  }
0xb4: {  	[tilespmem:s29+$0x0] =	vst v21  }
0xb5: {  	v23 =	vld.idx.msk [tilespmem:v13+s10+$0x0], $0xffff;
	_ =	sdelay $0x1  }
0xb6: {  	v24 =	vor.u32 $0x80, v17  }
0xb7: {  	v25 =	vor.u32 v2, v4;
	v26 =	vor.u32 v3, v1;
	v22 =	vor.u32 $0x80, v14  }
0xb8: {  	v20 =	vor.u32 $0x80, v15;
	v19 =	vor.u32 $0x80, v16;
	v21 =	vor.u32 $0x80, v18  }
.LBB2_8:
0xb9: {  	s22 =	sadd.s32 $0xFFFFFFA0, s19;
	s23 =	sadd.s32 $0xFFFFFFF0, s19;
	v27 =	vadd.s32 s19, v0;
	s21 =	sadd.s32 $0x8, s21;
	v25 =	vor.u32 $0x80, v25;
	[tilespmem:s20+$0xFFFFFFF0] =	vst v23;
	v23 =	vor.u32 $0x80, v26  }
0xba: {  	s24 =	sadd.s32 $0xFFFFFFC0, s19;
	v26 =	vadd.s32 s22, v0;
	s22 =	sadd.s32 $0xFFFFFFB0, s19;
	v28 =	vadd.s32 s23, v0;
	v29 =	vshll.u32 v27, $0x1;
	p1 =	slt.u32 s21, $0x3F0  }
0xbb: {  	s23 =	sadd.s32 $0xFFFFFF90, s19;
	v31 =	vadd.s32 s24, v0;
	s24 =	sadd.s32 $0xFFFFFFE0, s19;
	v30 =	vadd.s32 s22, v0;
	s22 =	sadd.s32 $0xFFFFFFD0, s19;
	v32 =	vshll.u32 v28, $0x1  }
0xbc: {  	v33 =	vadd.s32 s23, v0;
	v28 =	vand.u32 $0x7F, v28;
	v32 =	vand.u32 $0x7FFFFF00, v32;
	v24 =	vld.idx.msk [tilespmem:v24+s10+$0x0], $0xffff  }
0xbd: {  	v35 =	vadd.s32 s24, v0;
	v34 =	vadd.s32 s22, v0;
	v28 =	vor.u32 v32, v28;
	v21 =	vld.idx.msk [tilespmem:v21+s10+$0x0], $0xffff  }
0xbe: {  	v36 =	vshll.u32 v26, $0x1;
	v32 =	vshll.u32 v33, $0x1;
	v28 =	vor.u32 $0x80, v28;
	v22 =	vld.idx.msk [tilespmem:v22+s10+$0x0], $0xffff  }
0xbf: {  	v38 =	vshll.u32 v31, $0x1;
	v37 =	vshll.u32 v30, $0x1;
	v39 =	vshll.u32 v34, $0x1;
	v20 =	vld.idx.msk [tilespmem:v20+s10+$0x0], $0xffff  }
0xc0: {  	v36 =	vand.u32 $0x7FFFFF00, v36;
	v40 =	vshll.u32 v35, $0x1;
	v32 =	vand.u32 $0x7FFFFF00, v32;
	v19 =	vld.idx.msk [tilespmem:v19+s10+$0x0], $0xffff  }
0xc1: {  	v38 =	vand.u32 $0x7FFFFF00, v38;
	v37 =	vand.u32 $0x7FFFFF00, v37;
	v39 =	vand.u32 $0x7FFFFF00, v39;
	v41 =	vld.idx.msk [tilespmem:v25+s10+$0x0], $0xffff  }
0xc2: {  	v26 =	vand.u32 $0x7F, v26;
	v25 =	vand.u32 $0x7F, v33;
	v33 =	vand.u32 $0x7FFFFF00, v40;
	[tilespmem:s20+$0xFFFFFF90] =	vst v24;
	v40 =	vld.idx.msk [tilespmem:v23+s10+$0x0], $0xffff  }
0xc3: {  	v24 =	vand.u32 $0x7F, v30;
	v30 =	vand.u32 $0x7F, v31;
	v31 =	vand.u32 $0x7F, v34;
	v23 =	vld.idx.msk [tilespmem:v28+s10+$0x0], $0xffff;
	[tilespmem:s20+$0xFFFFFFA0] =	vst v21  }
.Ltmp3:
0xc4: {  	v27 =	vand.u32 $0x7F, v27;
	v21 =	vand.u32 $0x7F, v35;
	v28 =	vand.u32 $0x7FFFFF00, v29;
	[tilespmem:s20+$0xFFFFFFB0] =	vst v22;
	(pc) =	sbr.rel @p1 .LBB2_8-.Ltmp3, $4  }
0xc5: {  	v26 =	vor.u32 v36, v26;
	v29 =	vor.u32 v37, v24;
	v22 =	vor.u32 v32, v25;
	[tilespmem:s20+$0xFFFFFFC0] =	vst v20  }
0xc6: {  	v25 =	vor.u32 v33, v21;
	v20 =	vor.u32 v38, v30;
	v30 =	vor.u32 v39, v31;
	[tilespmem:s20+$0xFFFFFFD0] =	vst v19  }
0xc7: {  	v21 =	vor.u32 $0x80, v26;
	v26 =	vor.u32 v28, v27;
	v24 =	vor.u32 $0x80, v22;
	[tilespmem:s20+$0xFFFFFFE0] =	vst v41  }
0xc8: {  	s19 =	sadd.s32 $0x80, s19;
	v22 =	vor.u32 $0x80, v29;
	v20 =	vor.u32 $0x80, v20;
	v19 =	vor.u32 $0x80, v30;
	[tilespmem:s20+$0x0] =	vst v40;
	s20 =	sadd.s32 $0x100, s20  }
0xc9: {  	_ =	sdelay $0x3  }
0xca: {  	v25 =	vor.u32 $0x80, v25;
	v24 =	vld.idx.msk [tilespmem:v24+s10+$0x0], $0xffff  }
0xcb: {  	v26 =	vor.u32 $0x80, v26;
	v21 =	vld.idx.msk [tilespmem:v21+s10+$0x0], $0xffff  }
0xcc: {  	v22 =	vld.idx.msk [tilespmem:v22+s10+$0x0], $0xffff  }
0xcd: {  	v20 =	vld.idx.msk [tilespmem:v20+s10+$0x0], $0xffff  }
0xce: {  	[tilespmem:s20+$0xFFFFFFF0] =	vst v23;
	v19 =	vld.idx.msk [tilespmem:v19+s10+$0x0], $0xffff  }
0xcf: {  	v23 =	vld.idx.msk [tilespmem:v25+s10+$0x0], $0xffff;
	[tilespmem:s20+$0xFFFFFF90] =	vst v24  }
0xd0: {  	v24 =	vld.idx.msk [tilespmem:v26+s10+$0x0], $0xffff;
	[tilespmem:s20+$0xFFFFFFA0] =	vst v21  }
0xd1: {  	[tilespmem:s20+$0xFFFFFFB0] =	vst v22  }
0xd2: {  	[tilespmem:s20+$0xFFFFFFC0] =	vst v20  }
0xd3: {  	[tilespmem:s20+$0xFFFFFFD0] =	vst v19  }
0xd4: {  	[tilespmem:s20+$0xFFFFFFE0] =	vst v23  }
0xd5: {  	[tilespmem:s20+$0x0] =	vst v24  }
0xd6: {  	s19 =	rddreg [dreg:$0x7]  }
0xd7: {  	[hbm4b:s19+s3] =	stream.linear.scatter [tilespmem:s13], [sflag:$0x4], $0x7F00, $0x38;
	[tilespmem:$0x1FE80] =	vst v63  }
0xd8: {  	_ =	swait.ge [sflag:s9], $0x8000  }
0xd9: {  	s23 =	rddreg [dreg:$0x8]  }
0xda: {  	s19 =	sadd.s32 s23, s18  }
0xdb: {  	[sflag:s9] =	ssyncset.done $0x0;
	s19 =	sshrl.u32 s19, $0x3  }
0xdc: {  	[sflag:s9] =	ssyncadd.s32 $0xFFFF8000;
	s19 =	sadd.s32 s1, s19  }
0xdd: {  	[tilespmem:s10], [sflag:$0x2] =	stream.linear.gather [hbm4b:s19+s3], $0x8000, $0x38;
	[tilespmem:$0x1FE80] =	vst v63  }
0xde: {  	s19 =	sadd.s32 $0x80, s17;
	_ =	swait.ge [sflag:s14], $0x7F00  }
0xdf: {  	s24 =	sadd.s32 $0xFFFFFFF0, s19;
	v19 =	vadd.s32 s19, v0;
	s21 =	sadd.s32 $0xFFFFFFA0, s19;
	[sflag:s14] =	ssyncset.done $0x0  }
0xe0: {  	s22 =	sadd.s32 $0xFFFFFFB0, s19;
	s25 =	sadd.s32 $0xFFFFFFC0, s19;
	v20 =	vadd.s32 s24, v0;
	v28 =	vand.u32 $0x7F, v19;
	v19 =	vshll.u32 v19, $0x1;
	[sflag:s14] =	ssyncadd.s32 $0xFFFF8100  }
0xe1: {  	s26 =	sadd.s32 $0xFFFFFFD0, s19;
	s28 =	sadd.s32 $0xFFFFFF90, s19;
	v22 =	vadd.s32 s21, v0;
	v23 =	vadd.s32 s22, v0;
	v26 =	vadd.s32 s25, v0;
	v21 =	vld.idx.msk [tilespmem:v6+s8+$0x0], $0xffff  }
0xe2: {  	s29 =	sadd.s32 $0xFFFFFFE0, s19;
	v29 =	vadd.s32 s28, v0;
	v30 =	vadd.s32 s26, v0;
	v24 =	vshll.u32 v20, $0x1;
	v25 =	vld.idx.msk [tilespmem:v12+s8+$0x0], $0xffff  }
0xe3: {  	v33 =	vadd.s32 s29, v0;
	v20 =	vand.u32 $0x7F, v20;
	v24 =	vand.u32 $0x7FFFFF00, v24;
	v27 =	vld.idx.msk [tilespmem:v11+s8+$0x0], $0xffff  }
0xe4: {  	v32 =	vshll.u32 v22, $0x1;
	v35 =	vshll.u32 v23, $0x1;
	v31 =	vld.idx.msk [tilespmem:v10+s8+$0x0], $0xffff;
	v20 =	vor.u32 v20, v24  }
0xe5: {  	s22 =	simm.s32 $0x100C0;
	v36 =	vshll.u32 v26, $0x1;
	v37 =	vshll.u32 v30, $0x1;
	v22 =	vand.u32 $0x7F, v22;
	v34 =	vld.idx.msk [tilespmem:v9+s8+$0x0], $0xffff  }
0xe6: {  	v40 =	vand.u32 $0x7F, v23;
	v41 =	vand.u32 $0x7F, v26;
	v38 =	vld.idx.msk [tilespmem:v8+s8+$0x0], $0xffff;
	v24 =	vshll.u32 v29, $0x1;
	[tilespmem:s22+$0x20] =	vst v21  }
0xe7: {  	v30 =	vand.u32 $0x7F, v30;
	v39 =	vld.idx.msk [tilespmem:v7+s8+$0x0], $0xffff;
	v21 =	vand.u32 $0x7FFFFF00, v24;
	v24 =	vshll.u32 v33, $0x1;
	[tilespmem:s22+$0xFFFFFFC0] =	vst v25  }
0xe8: {  	v19 =	vand.u32 $0x7FFFFF00, v19;
	v25 =	vand.u32 $0x7F, v29;
	[tilespmem:s22+$0xFFFFFFD0] =	vst v27;
	v29 =	vand.u32 $0x7FFFFF00, v24;
	v24 =	vld.idx.msk [tilespmem:v5+s8+$0x0], $0xffff  }
0xe9: {  	v32 =	vand.u32 $0x7FFFFF00, v32;
	v35 =	vand.u32 $0x7FFFFF00, v35;
	v36 =	vand.u32 $0x7FFFFF00, v36;
	[tilespmem:s22+$0xFFFFFFE0] =	vst v31;
	v23 =	vld.idx.msk [tilespmem:v20+s8+$0x0], $0xffff  }
0xea: {  	v37 =	vand.u32 $0x7FFFFF00, v37;
	v19 =	vor.u32 v28, v19;
	[tilespmem:s22+$0xFFFFFFF0] =	vst v34;
	v26 =	vor.u32 v25, v21  }
0xeb: {  	v27 =	vor.u32 v22, v32;
	[tilespmem:s22+$0x0] =	vst v38;
	v22 =	vor.u32 v30, v37;
	v20 =	vand.u32 $0x7F, v33  }
0xec: {  	s20 =	simm.s32 $0x0;
	s23 =	simm.s32 $0x8;
	s24 =	sadd.s32 $0x80, s19;
	[tilespmem:s22+$0x10] =	vst v39;
	v25 =	vor.u32 v40, v35;
	v21 =	vor.u32 v41, v36;
	v20 =	vor.u32 v20, v29  }
.LBB2_10:
0xed: {  	s21 =	sadd.s32 $0xFFFFFFF0, s24;
	v28 =	vadd.s32 s24, v0;
	s23 =	sadd.s32 $0x8, s23;
	[tilespmem:s22+$0x30] =	vst v24;
	s22 =	sadd.s32 $0x100, s22  }
0xee: {  	s25 =	sadd.s32 $0xFFFFFFA0, s24;
	s26 =	sadd.s32 $0xFFFFFFB0, s24;
	v24 =	vadd.s32 s21, v0;
	v29 =	vand.u32 $0x7F, v28;
	v28 =	vshll.u32 v28, $0x1;
	p1 =	slt.u32 s23, $0x3F0;
	[tilespmem:s22+$0x20] =	vst v23  }
0xef: {  	v23 =	vadd.s32 s25, v0;
	v30 =	vadd.s32 s26, v0;
	s21 =	sadd.s32 $0xFFFFFFC0, s24;
	s25 =	sadd.s32 $0xFFFFFFD0, s24;
	s26 =	sadd.s32 $0xFFFFFFE0, s24;
	v31 =	vshll.u32 v24, $0x1;
	v26 =	vld.idx.msk [tilespmem:v26+s8+$0x0], $0xffff  }
0xf0: {  	s28 =	sadd.s32 $0xFFFFFF90, s24;
	v32 =	vadd.s32 s21, v0;
	v24 =	vand.u32 $0x7F, v24;
	v31 =	vand.u32 $0x7FFFFF00, v31;
	v27 =	vld.idx.msk [tilespmem:v27+s8+$0x0], $0xffff  }
0xf1: {  	v33 =	vadd.s32 s28, v0;
	v34 =	vadd.s32 s25, v0;
	v31 =	vor.u32 v24, v31;
	v25 =	vld.idx.msk [tilespmem:v25+s8+$0x0], $0xffff  }
0xf2: {  	v35 =	vshll.u32 v23, $0x1;
	v36 =	vadd.s32 s26, v0;
	v24 =	vshll.u32 v33, $0x1;
	v21 =	vld.idx.msk [tilespmem:v21+s8+$0x0], $0xffff  }
0xf3: {  	v37 =	vshll.u32 v30, $0x1;
	v38 =	vshll.u32 v32, $0x1;
	v39 =	vshll.u32 v34, $0x1;
	v22 =	vld.idx.msk [tilespmem:v22+s8+$0x0], $0xffff  }
0xf4: {  	v35 =	vand.u32 $0x7FFFFF00, v35;
	v41 =	vshll.u32 v36, $0x1;
	v40 =	vand.u32 $0x7FFFFF00, v24;
	v42 =	vld.idx.msk [tilespmem:v20+s8+$0x0], $0xffff  }
0xf5: {  	v20 =	vand.u32 $0x7FFFFF00, v37;
	v37 =	vand.u32 $0x7FFFFF00, v38;
	v38 =	vand.u32 $0x7FFFFF00, v39;
	[tilespmem:s22+$0xFFFFFFC0] =	vst v26;
	v24 =	vld.idx.msk [tilespmem:v19+s8+$0x0], $0xffff  }
.Ltmp4:
0xf6: {  	v39 =	vand.u32 $0x7FFFFF00, v41;
	v19 =	vand.u32 $0x7F, v33;
	v33 =	vand.u32 $0x7F, v23;
	v23 =	vld.idx.msk [tilespmem:v31+s8+$0x0], $0xffff;
	[tilespmem:s22+$0xFFFFFFD0] =	vst v27;
	(pc) =	sbr.rel @p1 .LBB2_10-.Ltmp4, $4  }
0xf7: {  	v30 =	vand.u32 $0x7F, v30;
	v31 =	vand.u32 $0x7F, v32;
	v32 =	vand.u32 $0x7F, v34;
	[tilespmem:s22+$0xFFFFFFE0] =	vst v25  }
0xf8: {  	v28 =	vand.u32 $0x7FFFFF00, v28;
	v26 =	vor.u32 v19, v40;
	v19 =	vand.u32 $0x7F, v36;
	[tilespmem:s22+$0xFFFFFFF0] =	vst v21  }
0xf9: {  	v27 =	vor.u32 v33, v35;
	v25 =	vor.u32 v30, v20;
	v21 =	vor.u32 v31, v37;
	[tilespmem:s22+$0x0] =	vst v22  }
0xfa: {  	s24 =	sadd.s32 $0x80, s24;
	s21 =	simm.s32 $0x10170;
	v20 =	vor.u32 v19, v39;
	v19 =	vor.u32 v29, v28;
	v22 =	vor.u32 v32, v38;
	[tilespmem:s22+$0x10] =	vst v42  }
0xfb: {  	_ =	sdelay $0x3  }
0xfc: {  	v26 =	vld.idx.msk [tilespmem:v26+s8+$0x0], $0xffff  }
0xfd: {  	v27 =	vld.idx.msk [tilespmem:v27+s8+$0x0], $0xffff  }
0xfe: {  	v25 =	vld.idx.msk [tilespmem:v25+s8+$0x0], $0xffff  }
0xff: {  	[tilespmem:s22+$0x30] =	vst v24;
	s29 =	sadd.s32 $0x100, s22;
	v21 =	vld.idx.msk [tilespmem:v21+s8+$0x0], $0xffff  }
0x100: {  	v22 =	vld.idx.msk [tilespmem:v22+s8+$0x0], $0xffff;
	[tilespmem:s29+$0x20] =	vst v23  }
0x101: {  	v20 =	vld.idx.msk [tilespmem:v20+s8+$0x0], $0xffff;
	[tilespmem:s29+$0xFFFFFFC0] =	vst v26  }
0x102: {  	v19 =	vld.idx.msk [tilespmem:v19+s8+$0x0], $0xffff;
	[tilespmem:s29+$0xFFFFFFD0] =	vst v27  }
0x103: {  	[tilespmem:s29+$0xFFFFFFE0] =	vst v25  }
0x104: {  	[tilespmem:s29+$0xFFFFFFF0] =	vst v21  }
0x105: {  	[tilespmem:s29+$0x0] =	vst v22  }
0x106: {  	[tilespmem:s29+$0x10] =	vst v20  }
0x107: {  	[tilespmem:s29+$0x30] =	vst v19  }
0x108: {  	v23 =	vld.idx.msk [tilespmem:v13+s8+$0x0], $0xffff;
	_ =	sdelay $0x1  }
0x109: {  	v24 =	vor.u32 $0x80, v17  }
0x10a: {  	v25 =	vor.u32 v2, v4;
	v21 =	vor.u32 $0x80, v18;
	v26 =	vor.u32 v3, v1  }
0x10b: {  	v22 =	vor.u32 $0x80, v14;
	v20 =	vor.u32 $0x80, v15;
	v19 =	vor.u32 $0x80, v16  }
.LBB2_12:
0x10c: {  	s22 =	sadd.s32 $0xFFFFFFA0, s19;
	s23 =	sadd.s32 $0xFFFFFFF0, s19;
	v27 =	vadd.s32 s19, v0;
	s20 =	sadd.s32 $0x8, s20;
	v25 =	vor.u32 $0x80, v25;
	[tilespmem:s21+$0xFFFFFFF0] =	vst v23;
	v23 =	vor.u32 $0x80, v26  }
0x10d: {  	s24 =	sadd.s32 $0xFFFFFFC0, s19;
	v26 =	vadd.s32 s22, v0;
	s22 =	sadd.s32 $0xFFFFFFB0, s19;
	v28 =	vadd.s32 s23, v0;
	v29 =	vshll.u32 v27, $0x1;
	p1 =	slt.u32 s20, $0x3F0  }
0x10e: {  	s23 =	sadd.s32 $0xFFFFFF90, s19;
	v31 =	vadd.s32 s24, v0;
	s24 =	sadd.s32 $0xFFFFFFE0, s19;
	v30 =	vadd.s32 s22, v0;
	s22 =	sadd.s32 $0xFFFFFFD0, s19;
	v32 =	vshll.u32 v28, $0x1  }
0x10f: {  	v33 =	vadd.s32 s23, v0;
	v28 =	vand.u32 $0x7F, v28;
	v32 =	vand.u32 $0x7FFFFF00, v32;
	v24 =	vld.idx.msk [tilespmem:v24+s8+$0x0], $0xffff  }
0x110: {  	v35 =	vadd.s32 s24, v0;
	v34 =	vadd.s32 s22, v0;
	v28 =	vor.u32 v32, v28;
	v21 =	vld.idx.msk [tilespmem:v21+s8+$0x0], $0xffff  }
0x111: {  	v36 =	vshll.u32 v26, $0x1;
	v32 =	vshll.u32 v33, $0x1;
	v28 =	vor.u32 $0x80, v28;
	v22 =	vld.idx.msk [tilespmem:v22+s8+$0x0], $0xffff  }
0x112: {  	v38 =	vshll.u32 v31, $0x1;
	v37 =	vshll.u32 v30, $0x1;
	v39 =	vshll.u32 v34, $0x1;
	v20 =	vld.idx.msk [tilespmem:v20+s8+$0x0], $0xffff  }
0x113: {  	v36 =	vand.u32 $0x7FFFFF00, v36;
	v40 =	vshll.u32 v35, $0x1;
	v32 =	vand.u32 $0x7FFFFF00, v32;
	v19 =	vld.idx.msk [tilespmem:v19+s8+$0x0], $0xffff  }
0x114: {  	v38 =	vand.u32 $0x7FFFFF00, v38;
	v37 =	vand.u32 $0x7FFFFF00, v37;
	v39 =	vand.u32 $0x7FFFFF00, v39;
	v41 =	vld.idx.msk [tilespmem:v25+s8+$0x0], $0xffff  }
0x115: {  	v26 =	vand.u32 $0x7F, v26;
	v25 =	vand.u32 $0x7F, v33;
	v33 =	vand.u32 $0x7FFFFF00, v40;
	[tilespmem:s21+$0xFFFFFF90] =	vst v24;
	v40 =	vld.idx.msk [tilespmem:v23+s8+$0x0], $0xffff  }
0x116: {  	v24 =	vand.u32 $0x7F, v30;
	v30 =	vand.u32 $0x7F, v31;
	v31 =	vand.u32 $0x7F, v34;
	v23 =	vld.idx.msk [tilespmem:v28+s8+$0x0], $0xffff;
	[tilespmem:s21+$0xFFFFFFA0] =	vst v21  }
.Ltmp5:
0x117: {  	v27 =	vand.u32 $0x7F, v27;
	v21 =	vand.u32 $0x7F, v35;
	v28 =	vand.u32 $0x7FFFFF00, v29;
	[tilespmem:s21+$0xFFFFFFB0] =	vst v22;
	(pc) =	sbr.rel @p1 .LBB2_12-.Ltmp5, $4  }
0x118: {  	v26 =	vor.u32 v36, v26;
	v29 =	vor.u32 v37, v24;
	v22 =	vor.u32 v32, v25;
	[tilespmem:s21+$0xFFFFFFC0] =	vst v20  }
0x119: {  	v25 =	vor.u32 v33, v21;
	v20 =	vor.u32 v38, v30;
	v30 =	vor.u32 v39, v31;
	[tilespmem:s21+$0xFFFFFFD0] =	vst v19  }
0x11a: {  	v21 =	vor.u32 $0x80, v26;
	v26 =	vor.u32 v28, v27;
	v24 =	vor.u32 $0x80, v22;
	[tilespmem:s21+$0xFFFFFFE0] =	vst v41  }
0x11b: {  	s19 =	sadd.s32 $0x80, s19;
	v22 =	vor.u32 $0x80, v29;
	v20 =	vor.u32 $0x80, v20;
	v19 =	vor.u32 $0x80, v30;
	[tilespmem:s21+$0x0] =	vst v40;
	s21 =	sadd.s32 $0x100, s21  }
0x11c: {  	_ =	sdelay $0x3  }
0x11d: {  	v25 =	vor.u32 $0x80, v25;
	v24 =	vld.idx.msk [tilespmem:v24+s8+$0x0], $0xffff  }
0x11e: {  	v26 =	vor.u32 $0x80, v26;
	v21 =	vld.idx.msk [tilespmem:v21+s8+$0x0], $0xffff  }
0x11f: {  	v22 =	vld.idx.msk [tilespmem:v22+s8+$0x0], $0xffff  }
0x120: {  	v20 =	vld.idx.msk [tilespmem:v20+s8+$0x0], $0xffff  }
0x121: {  	[tilespmem:s21+$0xFFFFFFF0] =	vst v23;
	v19 =	vld.idx.msk [tilespmem:v19+s8+$0x0], $0xffff  }
0x122: {  	v23 =	vld.idx.msk [tilespmem:v25+s8+$0x0], $0xffff;
	[tilespmem:s21+$0xFFFFFF90] =	vst v24  }
0x123: {  	v24 =	vld.idx.msk [tilespmem:v26+s8+$0x0], $0xffff;
	[tilespmem:s21+$0xFFFFFFA0] =	vst v21  }
0x124: {  	[tilespmem:s21+$0xFFFFFFB0] =	vst v22  }
0x125: {  	[tilespmem:s21+$0xFFFFFFC0] =	vst v20  }
0x126: {  	[tilespmem:s21+$0xFFFFFFD0] =	vst v19  }
0x127: {  	[tilespmem:s21+$0xFFFFFFE0] =	vst v23  }
0x128: {  	[tilespmem:s21+$0x0] =	vst v24  }
0x129: {  	s19 =	rddreg [dreg:$0x9]  }
0x12a: {  	[hbm4b:s19+s3] =	stream.linear.scatter [tilespmem:s11], [sflag:$0x3], $0x7F00, $0x38;
	[tilespmem:$0x1FE80] =	vst v63  }
0x12b: {  	_ =	swait.ge [sflag:s12], $0x8000  }
0x12c: {  	s23 =	rddreg [dreg:$0xa]  }
0x12d: {  	s19 =	sadd.s32 s23, s18  }
0x12e: {  	[sflag:s12] =	ssyncset.done $0x0;
	s19 =	sshrl.u32 s19, $0x3  }
0x12f: {  	[sflag:s12] =	ssyncadd.s32 $0xFFFF8000;
	s19 =	sadd.s32 s1, s19  }
0x130: {  	[tilespmem:s8], [sflag:$0x1] =	stream.linear.gather [hbm4b:s19+s3], $0x8000, $0x38;
	[tilespmem:$0x1FE80] =	vst v63  }
0x131: {  	s19 =	sadd.s32 $0x80, s17;
	_ =	swait.ge [sflag:s15], $0x7F00  }
0x132: {  	s20 =	sadd.s32 $0xFFFFFFF0, s19;
	v19 =	vadd.s32 s19, v0;
	s24 =	sadd.s32 $0xFFFFFFA0, s19;
	[sflag:s15] =	ssyncset.done $0x0  }
0x133: {  	s22 =	sadd.s32 $0xFFFFFFB0, s19;
	s25 =	sadd.s32 $0xFFFFFFC0, s19;
	v20 =	vadd.s32 s20, v0;
	v28 =	vand.u32 $0x7F, v19;
	v19 =	vshll.u32 v19, $0x1;
	[sflag:s15] =	ssyncadd.s32 $0xFFFF8100  }
0x134: {  	s26 =	sadd.s32 $0xFFFFFFD0, s19;
	s28 =	sadd.s32 $0xFFFFFF90, s19;
	v22 =	vadd.s32 s24, v0;
	v23 =	vadd.s32 s22, v0;
	v26 =	vadd.s32 s25, v0;
	v21 =	vld.idx.msk [tilespmem:v6+s10+$0x0], $0xffff  }
0x135: {  	s29 =	sadd.s32 $0xFFFFFFE0, s19;
	v29 =	vadd.s32 s28, v0;
	v30 =	vadd.s32 s26, v0;
	v24 =	vshll.u32 v20, $0x1;
	v25 =	vld.idx.msk [tilespmem:v12+s10+$0x0], $0xffff  }
0x136: {  	v33 =	vadd.s32 s29, v0;
	v20 =	vand.u32 $0x7F, v20;
	v24 =	vand.u32 $0x7FFFFF00, v24;
	v27 =	vld.idx.msk [tilespmem:v11+s10+$0x0], $0xffff  }
0x137: {  	v32 =	vshll.u32 v22, $0x1;
	v35 =	vshll.u32 v23, $0x1;
	v31 =	vld.idx.msk [tilespmem:v10+s10+$0x0], $0xffff;
	v20 =	vor.u32 v20, v24  }
0x138: {  	s22 =	simm.s32 $0x17FC0;
	v36 =	vshll.u32 v26, $0x1;
	v37 =	vshll.u32 v30, $0x1;
	v22 =	vand.u32 $0x7F, v22;
	v34 =	vld.idx.msk [tilespmem:v9+s10+$0x0], $0xffff  }
0x139: {  	v40 =	vand.u32 $0x7F, v23;
	v41 =	vand.u32 $0x7F, v26;
	v38 =	vld.idx.msk [tilespmem:v8+s10+$0x0], $0xffff;
	v24 =	vshll.u32 v29, $0x1;
	[tilespmem:s22+$0x20] =	vst v21  }
0x13a: {  	v30 =	vand.u32 $0x7F, v30;
	v39 =	vld.idx.msk [tilespmem:v7+s10+$0x0], $0xffff;
	v21 =	vand.u32 $0x7FFFFF00, v24;
	v24 =	vshll.u32 v33, $0x1;
	[tilespmem:s22+$0xFFFFFFC0] =	vst v25  }
0x13b: {  	v19 =	vand.u32 $0x7FFFFF00, v19;
	v25 =	vand.u32 $0x7F, v29;
	[tilespmem:s22+$0xFFFFFFD0] =	vst v27;
	v29 =	vand.u32 $0x7FFFFF00, v24;
	v24 =	vld.idx.msk [tilespmem:v5+s10+$0x0], $0xffff  }
0x13c: {  	v32 =	vand.u32 $0x7FFFFF00, v32;
	v35 =	vand.u32 $0x7FFFFF00, v35;
	v36 =	vand.u32 $0x7FFFFF00, v36;
	[tilespmem:s22+$0xFFFFFFE0] =	vst v31;
	v23 =	vld.idx.msk [tilespmem:v20+s10+$0x0], $0xffff  }
0x13d: {  	v37 =	vand.u32 $0x7FFFFF00, v37;
	v19 =	vor.u32 v28, v19;
	[tilespmem:s22+$0xFFFFFFF0] =	vst v34;
	v26 =	vor.u32 v25, v21  }
0x13e: {  	v27 =	vor.u32 v22, v32;
	[tilespmem:s22+$0x0] =	vst v38;
	v22 =	vor.u32 v30, v37;
	v20 =	vand.u32 $0x7F, v33  }
0x13f: {  	s23 =	simm.s32 $0x8;
	s20 =	simm.s32 $0x0;
	s24 =	sadd.s32 $0x80, s19;
	[tilespmem:s22+$0x10] =	vst v39;
	v25 =	vor.u32 v40, v35;
	v21 =	vor.u32 v41, v36;
	v20 =	vor.u32 v20, v29  }
.LBB2_14:
0x140: {  	s21 =	sadd.s32 $0xFFFFFFF0, s24;
	v28 =	vadd.s32 s24, v0;
	s23 =	sadd.s32 $0x8, s23;
	[tilespmem:s22+$0x30] =	vst v24;
	s22 =	sadd.s32 $0x100, s22  }
0x141: {  	s25 =	sadd.s32 $0xFFFFFFA0, s24;
	s26 =	sadd.s32 $0xFFFFFFB0, s24;
	v24 =	vadd.s32 s21, v0;
	v29 =	vand.u32 $0x7F, v28;
	v28 =	vshll.u32 v28, $0x1;
	p1 =	slt.u32 s23, $0x3F0;
	[tilespmem:s22+$0x20] =	vst v23  }
0x142: {  	v23 =	vadd.s32 s25, v0;
	v30 =	vadd.s32 s26, v0;
	s21 =	sadd.s32 $0xFFFFFFC0, s24;
	s25 =	sadd.s32 $0xFFFFFFD0, s24;
	s26 =	sadd.s32 $0xFFFFFFE0, s24;
	v31 =	vshll.u32 v24, $0x1;
	v26 =	vld.idx.msk [tilespmem:v26+s10+$0x0], $0xffff  }
0x143: {  	s28 =	sadd.s32 $0xFFFFFF90, s24;
	v32 =	vadd.s32 s21, v0;
	v24 =	vand.u32 $0x7F, v24;
	v31 =	vand.u32 $0x7FFFFF00, v31;
	v27 =	vld.idx.msk [tilespmem:v27+s10+$0x0], $0xffff  }
0x144: {  	v33 =	vadd.s32 s28, v0;
	v34 =	vadd.s32 s25, v0;
	v31 =	vor.u32 v24, v31;
	v25 =	vld.idx.msk [tilespmem:v25+s10+$0x0], $0xffff  }
0x145: {  	v35 =	vshll.u32 v23, $0x1;
	v36 =	vadd.s32 s26, v0;
	v24 =	vshll.u32 v33, $0x1;
	v21 =	vld.idx.msk [tilespmem:v21+s10+$0x0], $0xffff  }
0x146: {  	v37 =	vshll.u32 v30, $0x1;
	v38 =	vshll.u32 v32, $0x1;
	v39 =	vshll.u32 v34, $0x1;
	v22 =	vld.idx.msk [tilespmem:v22+s10+$0x0], $0xffff  }
0x147: {  	v35 =	vand.u32 $0x7FFFFF00, v35;
	v41 =	vshll.u32 v36, $0x1;
	v40 =	vand.u32 $0x7FFFFF00, v24;
	v42 =	vld.idx.msk [tilespmem:v20+s10+$0x0], $0xffff  }
0x148: {  	v20 =	vand.u32 $0x7FFFFF00, v37;
	v37 =	vand.u32 $0x7FFFFF00, v38;
	v38 =	vand.u32 $0x7FFFFF00, v39;
	[tilespmem:s22+$0xFFFFFFC0] =	vst v26;
	v24 =	vld.idx.msk [tilespmem:v19+s10+$0x0], $0xffff  }
.Ltmp6:
0x149: {  	v39 =	vand.u32 $0x7FFFFF00, v41;
	v19 =	vand.u32 $0x7F, v33;
	v33 =	vand.u32 $0x7F, v23;
	v23 =	vld.idx.msk [tilespmem:v31+s10+$0x0], $0xffff;
	[tilespmem:s22+$0xFFFFFFD0] =	vst v27;
	(pc) =	sbr.rel @p1 .LBB2_14-.Ltmp6, $4  }
0x14a: {  	v30 =	vand.u32 $0x7F, v30;
	v31 =	vand.u32 $0x7F, v32;
	v32 =	vand.u32 $0x7F, v34;
	[tilespmem:s22+$0xFFFFFFE0] =	vst v25  }
0x14b: {  	v28 =	vand.u32 $0x7FFFFF00, v28;
	v26 =	vor.u32 v19, v40;
	v19 =	vand.u32 $0x7F, v36;
	[tilespmem:s22+$0xFFFFFFF0] =	vst v21  }
0x14c: {  	v27 =	vor.u32 v33, v35;
	v25 =	vor.u32 v30, v20;
	v21 =	vor.u32 v31, v37;
	[tilespmem:s22+$0x0] =	vst v22  }
0x14d: {  	s24 =	sadd.s32 $0x80, s24;
	s21 =	simm.s32 $0x18070;
	v20 =	vor.u32 v19, v39;
	v19 =	vor.u32 v29, v28;
	v22 =	vor.u32 v32, v38;
	[tilespmem:s22+$0x10] =	vst v42  }
0x14e: {  	_ =	sdelay $0x3  }
0x14f: {  	v26 =	vld.idx.msk [tilespmem:v26+s10+$0x0], $0xffff  }
0x150: {  	v27 =	vld.idx.msk [tilespmem:v27+s10+$0x0], $0xffff  }
0x151: {  	v25 =	vld.idx.msk [tilespmem:v25+s10+$0x0], $0xffff  }
0x152: {  	[tilespmem:s22+$0x30] =	vst v24;
	s29 =	sadd.s32 $0x100, s22;
	v21 =	vld.idx.msk [tilespmem:v21+s10+$0x0], $0xffff  }
0x153: {  	v22 =	vld.idx.msk [tilespmem:v22+s10+$0x0], $0xffff;
	[tilespmem:s29+$0x20] =	vst v23  }
0x154: {  	v20 =	vld.idx.msk [tilespmem:v20+s10+$0x0], $0xffff;
	[tilespmem:s29+$0xFFFFFFC0] =	vst v26  }
0x155: {  	v19 =	vld.idx.msk [tilespmem:v19+s10+$0x0], $0xffff;
	[tilespmem:s29+$0xFFFFFFD0] =	vst v27  }
0x156: {  	[tilespmem:s29+$0xFFFFFFE0] =	vst v25  }
0x157: {  	[tilespmem:s29+$0xFFFFFFF0] =	vst v21  }
0x158: {  	[tilespmem:s29+$0x0] =	vst v22  }
0x159: {  	[tilespmem:s29+$0x10] =	vst v20  }
0x15a: {  	[tilespmem:s29+$0x30] =	vst v19  }
0x15b: {  	v23 =	vld.idx.msk [tilespmem:v13+s10+$0x0], $0xffff;
	_ =	sdelay $0x1  }
0x15c: {  	v24 =	vor.u32 $0x80, v17  }
0x15d: {  	v25 =	vor.u32 v2, v4;
	v21 =	vor.u32 $0x80, v18;
	v26 =	vor.u32 v3, v1  }
0x15e: {  	v22 =	vor.u32 $0x80, v14;
	v20 =	vor.u32 $0x80, v15;
	v19 =	vor.u32 $0x80, v16  }
.LBB2_16:
0x15f: {  	s22 =	sadd.s32 $0xFFFFFFA0, s19;
	s23 =	sadd.s32 $0xFFFFFFF0, s19;
	v27 =	vadd.s32 s19, v0;
	s20 =	sadd.s32 $0x8, s20;
	v25 =	vor.u32 $0x80, v25;
	[tilespmem:s21+$0xFFFFFFF0] =	vst v23;
	v23 =	vor.u32 $0x80, v26  }
0x160: {  	s24 =	sadd.s32 $0xFFFFFFC0, s19;
	v26 =	vadd.s32 s22, v0;
	s22 =	sadd.s32 $0xFFFFFFB0, s19;
	v28 =	vadd.s32 s23, v0;
	v29 =	vshll.u32 v27, $0x1;
	p1 =	slt.u32 s20, $0x3F0  }
0x161: {  	s23 =	sadd.s32 $0xFFFFFF90, s19;
	v31 =	vadd.s32 s24, v0;
	s24 =	sadd.s32 $0xFFFFFFE0, s19;
	v30 =	vadd.s32 s22, v0;
	s22 =	sadd.s32 $0xFFFFFFD0, s19;
	v32 =	vshll.u32 v28, $0x1  }
0x162: {  	v33 =	vadd.s32 s23, v0;
	v28 =	vand.u32 $0x7F, v28;
	v32 =	vand.u32 $0x7FFFFF00, v32;
	v24 =	vld.idx.msk [tilespmem:v24+s10+$0x0], $0xffff  }
0x163: {  	v35 =	vadd.s32 s24, v0;
	v34 =	vadd.s32 s22, v0;
	v28 =	vor.u32 v32, v28;
	v21 =	vld.idx.msk [tilespmem:v21+s10+$0x0], $0xffff  }
0x164: {  	v36 =	vshll.u32 v26, $0x1;
	v32 =	vshll.u32 v33, $0x1;
	v28 =	vor.u32 $0x80, v28;
	v22 =	vld.idx.msk [tilespmem:v22+s10+$0x0], $0xffff  }
0x165: {  	v38 =	vshll.u32 v31, $0x1;
	v37 =	vshll.u32 v30, $0x1;
	v39 =	vshll.u32 v34, $0x1;
	v20 =	vld.idx.msk [tilespmem:v20+s10+$0x0], $0xffff  }
0x166: {  	v36 =	vand.u32 $0x7FFFFF00, v36;
	v40 =	vshll.u32 v35, $0x1;
	v32 =	vand.u32 $0x7FFFFF00, v32;
	v19 =	vld.idx.msk [tilespmem:v19+s10+$0x0], $0xffff  }
0x167: {  	v38 =	vand.u32 $0x7FFFFF00, v38;
	v37 =	vand.u32 $0x7FFFFF00, v37;
	v39 =	vand.u32 $0x7FFFFF00, v39;
	v41 =	vld.idx.msk [tilespmem:v25+s10+$0x0], $0xffff  }
0x168: {  	v26 =	vand.u32 $0x7F, v26;
	v25 =	vand.u32 $0x7F, v33;
	v33 =	vand.u32 $0x7FFFFF00, v40;
	[tilespmem:s21+$0xFFFFFF90] =	vst v24;
	v40 =	vld.idx.msk [tilespmem:v23+s10+$0x0], $0xffff  }
0x169: {  	v24 =	vand.u32 $0x7F, v30;
	v30 =	vand.u32 $0x7F, v31;
	v31 =	vand.u32 $0x7F, v34;
	v23 =	vld.idx.msk [tilespmem:v28+s10+$0x0], $0xffff;
	[tilespmem:s21+$0xFFFFFFA0] =	vst v21  }
.Ltmp7:
0x16a: {  	v27 =	vand.u32 $0x7F, v27;
	v21 =	vand.u32 $0x7F, v35;
	v28 =	vand.u32 $0x7FFFFF00, v29;
	[tilespmem:s21+$0xFFFFFFB0] =	vst v22;
	(pc) =	sbr.rel @p1 .LBB2_16-.Ltmp7, $4  }
0x16b: {  	v26 =	vor.u32 v36, v26;
	v29 =	vor.u32 v37, v24;
	v22 =	vor.u32 v32, v25;
	[tilespmem:s21+$0xFFFFFFC0] =	vst v20  }
0x16c: {  	v25 =	vor.u32 v33, v21;
	v20 =	vor.u32 v38, v30;
	v30 =	vor.u32 v39, v31;
	[tilespmem:s21+$0xFFFFFFD0] =	vst v19  }
0x16d: {  	v21 =	vor.u32 $0x80, v26;
	v26 =	vor.u32 v28, v27;
	v24 =	vor.u32 $0x80, v22;
	[tilespmem:s21+$0xFFFFFFE0] =	vst v41  }
0x16e: {  	s19 =	sadd.s32 $0x80, s19;
	v22 =	vor.u32 $0x80, v29;
	v20 =	vor.u32 $0x80, v20;
	v19 =	vor.u32 $0x80, v30;
	[tilespmem:s21+$0x0] =	vst v40;
	s21 =	sadd.s32 $0x100, s21  }
0x16f: {  	_ =	sdelay $0x3  }
0x170: {  	v25 =	vor.u32 $0x80, v25;
	v24 =	vld.idx.msk [tilespmem:v24+s10+$0x0], $0xffff  }
0x171: {  	v26 =	vor.u32 $0x80, v26;
	v21 =	vld.idx.msk [tilespmem:v21+s10+$0x0], $0xffff  }
0x172: {  	v22 =	vld.idx.msk [tilespmem:v22+s10+$0x0], $0xffff  }
0x173: {  	v20 =	vld.idx.msk [tilespmem:v20+s10+$0x0], $0xffff  }
0x174: {  	[tilespmem:s21+$0xFFFFFFF0] =	vst v23;
	v19 =	vld.idx.msk [tilespmem:v19+s10+$0x0], $0xffff  }
0x175: {  	v23 =	vld.idx.msk [tilespmem:v25+s10+$0x0], $0xffff;
	[tilespmem:s21+$0xFFFFFF90] =	vst v24  }
0x176: {  	v24 =	vld.idx.msk [tilespmem:v26+s10+$0x0], $0xffff;
	[tilespmem:s21+$0xFFFFFFA0] =	vst v21  }
0x177: {  	[tilespmem:s21+$0xFFFFFFB0] =	vst v22  }
0x178: {  	[tilespmem:s21+$0xFFFFFFC0] =	vst v20  }
0x179: {  	[tilespmem:s21+$0xFFFFFFD0] =	vst v19  }
0x17a: {  	[tilespmem:s21+$0xFFFFFFE0] =	vst v23  }
0x17b: {  	[tilespmem:s21+$0x0] =	vst v24  }
0x17c: {  	s19 =	rddreg [dreg:$0xb]  }
0x17d: {  	[hbm4b:s19+s3] =	stream.linear.scatter [tilespmem:s13], [sflag:$0x4], $0x7F00, $0x38;
	[tilespmem:$0x1FE80] =	vst v63  }
0x17e: {  	_ =	swait.ge [sflag:s9], $0x8000  }
0x17f: {  	s23 =	rddreg [dreg:$0xc]  }
0x180: {  	s19 =	sadd.s32 s23, s18  }
0x181: {  	[sflag:s9] =	ssyncset.done $0x0;
	s19 =	sshrl.u32 s19, $0x3  }
0x182: {  	[sflag:s9] =	ssyncadd.s32 $0xFFFF8000;
	s19 =	sadd.s32 s1, s19  }
0x183: {  	[tilespmem:s10], [sflag:$0x2] =	stream.linear.gather [hbm4b:s19+s3], $0x8000, $0x38;
	[tilespmem:$0x1FE80] =	vst v63  }
0x184: {  	s19 =	sadd.s32 $0x80, s17;
	_ =	swait.ge [sflag:s14], $0x7F00  }
0x185: {  	s20 =	sadd.s32 $0xFFFFFFF0, s19;
	v19 =	vadd.s32 s19, v0;
	s24 =	sadd.s32 $0xFFFFFFA0, s19;
	[sflag:s14] =	ssyncset.done $0x0  }
0x186: {  	s22 =	sadd.s32 $0xFFFFFFB0, s19;
	s25 =	sadd.s32 $0xFFFFFFC0, s19;
	v20 =	vadd.s32 s20, v0;
	v28 =	vand.u32 $0x7F, v19;
	v19 =	vshll.u32 v19, $0x1;
	[sflag:s14] =	ssyncadd.s32 $0xFFFF8100  }
0x187: {  	s26 =	sadd.s32 $0xFFFFFFD0, s19;
	s28 =	sadd.s32 $0xFFFFFF90, s19;
	v22 =	vadd.s32 s24, v0;
	v23 =	vadd.s32 s22, v0;
	v26 =	vadd.s32 s25, v0;
	v21 =	vld.idx.msk [tilespmem:v6+s8+$0x0], $0xffff  }
0x188: {  	s29 =	sadd.s32 $0xFFFFFFE0, s19;
	v29 =	vadd.s32 s28, v0;
	v30 =	vadd.s32 s26, v0;
	v24 =	vshll.u32 v20, $0x1;
	v25 =	vld.idx.msk [tilespmem:v12+s8+$0x0], $0xffff  }
0x189: {  	v33 =	vadd.s32 s29, v0;
	v20 =	vand.u32 $0x7F, v20;
	v24 =	vand.u32 $0x7FFFFF00, v24;
	v27 =	vld.idx.msk [tilespmem:v11+s8+$0x0], $0xffff  }
0x18a: {  	v32 =	vshll.u32 v22, $0x1;
	v35 =	vshll.u32 v23, $0x1;
	v31 =	vld.idx.msk [tilespmem:v10+s8+$0x0], $0xffff;
	v20 =	vor.u32 v20, v24  }
0x18b: {  	s22 =	simm.s32 $0x100C0;
	v36 =	vshll.u32 v26, $0x1;
	v37 =	vshll.u32 v30, $0x1;
	v22 =	vand.u32 $0x7F, v22;
	v34 =	vld.idx.msk [tilespmem:v9+s8+$0x0], $0xffff  }
0x18c: {  	v40 =	vand.u32 $0x7F, v23;
	v41 =	vand.u32 $0x7F, v26;
	v38 =	vld.idx.msk [tilespmem:v8+s8+$0x0], $0xffff;
	v24 =	vshll.u32 v29, $0x1;
	[tilespmem:s22+$0x20] =	vst v21  }
0x18d: {  	v30 =	vand.u32 $0x7F, v30;
	v39 =	vld.idx.msk [tilespmem:v7+s8+$0x0], $0xffff;
	v21 =	vand.u32 $0x7FFFFF00, v24;
	v24 =	vshll.u32 v33, $0x1;
	[tilespmem:s22+$0xFFFFFFC0] =	vst v25  }
0x18e: {  	v19 =	vand.u32 $0x7FFFFF00, v19;
	v25 =	vand.u32 $0x7F, v29;
	[tilespmem:s22+$0xFFFFFFD0] =	vst v27;
	v29 =	vand.u32 $0x7FFFFF00, v24;
	v24 =	vld.idx.msk [tilespmem:v5+s8+$0x0], $0xffff  }
0x18f: {  	v32 =	vand.u32 $0x7FFFFF00, v32;
	v35 =	vand.u32 $0x7FFFFF00, v35;
	v36 =	vand.u32 $0x7FFFFF00, v36;
	[tilespmem:s22+$0xFFFFFFE0] =	vst v31;
	v23 =	vld.idx.msk [tilespmem:v20+s8+$0x0], $0xffff  }
0x190: {  	v37 =	vand.u32 $0x7FFFFF00, v37;
	v19 =	vor.u32 v28, v19;
	[tilespmem:s22+$0xFFFFFFF0] =	vst v34;
	v26 =	vor.u32 v25, v21  }
0x191: {  	v27 =	vor.u32 v22, v32;
	[tilespmem:s22+$0x0] =	vst v38;
	v22 =	vor.u32 v30, v37;
	v20 =	vand.u32 $0x7F, v33  }
0x192: {  	s23 =	simm.s32 $0x8;
	s20 =	simm.s32 $0x0;
	s24 =	sadd.s32 $0x80, s19;
	[tilespmem:s22+$0x10] =	vst v39;
	v25 =	vor.u32 v40, v35;
	v21 =	vor.u32 v41, v36;
	v20 =	vor.u32 v20, v29  }
.LBB2_18:
0x193: {  	s21 =	sadd.s32 $0xFFFFFFF0, s24;
	v28 =	vadd.s32 s24, v0;
	s23 =	sadd.s32 $0x8, s23;
	[tilespmem:s22+$0x30] =	vst v24;
	s22 =	sadd.s32 $0x100, s22  }
0x194: {  	s25 =	sadd.s32 $0xFFFFFFA0, s24;
	s26 =	sadd.s32 $0xFFFFFFB0, s24;
	v24 =	vadd.s32 s21, v0;
	v29 =	vand.u32 $0x7F, v28;
	v28 =	vshll.u32 v28, $0x1;
	p1 =	slt.u32 s23, $0x3F0;
	[tilespmem:s22+$0x20] =	vst v23  }
0x195: {  	v23 =	vadd.s32 s25, v0;
	v30 =	vadd.s32 s26, v0;
	s21 =	sadd.s32 $0xFFFFFFC0, s24;
	s25 =	sadd.s32 $0xFFFFFFD0, s24;
	s26 =	sadd.s32 $0xFFFFFFE0, s24;
	v31 =	vshll.u32 v24, $0x1;
	v26 =	vld.idx.msk [tilespmem:v26+s8+$0x0], $0xffff  }
0x196: {  	s28 =	sadd.s32 $0xFFFFFF90, s24;
	v32 =	vadd.s32 s21, v0;
	v24 =	vand.u32 $0x7F, v24;
	v31 =	vand.u32 $0x7FFFFF00, v31;
	v27 =	vld.idx.msk [tilespmem:v27+s8+$0x0], $0xffff  }
0x197: {  	v33 =	vadd.s32 s28, v0;
	v34 =	vadd.s32 s25, v0;
	v31 =	vor.u32 v24, v31;
	v25 =	vld.idx.msk [tilespmem:v25+s8+$0x0], $0xffff  }
0x198: {  	v35 =	vshll.u32 v23, $0x1;
	v36 =	vadd.s32 s26, v0;
	v24 =	vshll.u32 v33, $0x1;
	v21 =	vld.idx.msk [tilespmem:v21+s8+$0x0], $0xffff  }
0x199: {  	v37 =	vshll.u32 v30, $0x1;
	v38 =	vshll.u32 v32, $0x1;
	v39 =	vshll.u32 v34, $0x1;
	v22 =	vld.idx.msk [tilespmem:v22+s8+$0x0], $0xffff  }
0x19a: {  	v35 =	vand.u32 $0x7FFFFF00, v35;
	v41 =	vshll.u32 v36, $0x1;
	v40 =	vand.u32 $0x7FFFFF00, v24;
	v42 =	vld.idx.msk [tilespmem:v20+s8+$0x0], $0xffff  }
0x19b: {  	v20 =	vand.u32 $0x7FFFFF00, v37;
	v37 =	vand.u32 $0x7FFFFF00, v38;
	v38 =	vand.u32 $0x7FFFFF00, v39;
	[tilespmem:s22+$0xFFFFFFC0] =	vst v26;
	v24 =	vld.idx.msk [tilespmem:v19+s8+$0x0], $0xffff  }
.Ltmp8:
0x19c: {  	v39 =	vand.u32 $0x7FFFFF00, v41;
	v19 =	vand.u32 $0x7F, v33;
	v33 =	vand.u32 $0x7F, v23;
	v23 =	vld.idx.msk [tilespmem:v31+s8+$0x0], $0xffff;
	[tilespmem:s22+$0xFFFFFFD0] =	vst v27;
	(pc) =	sbr.rel @p1 .LBB2_18-.Ltmp8, $4  }
0x19d: {  	v30 =	vand.u32 $0x7F, v30;
	v31 =	vand.u32 $0x7F, v32;
	v32 =	vand.u32 $0x7F, v34;
	[tilespmem:s22+$0xFFFFFFE0] =	vst v25  }
0x19e: {  	v28 =	vand.u32 $0x7FFFFF00, v28;
	v26 =	vor.u32 v19, v40;
	v19 =	vand.u32 $0x7F, v36;
	[tilespmem:s22+$0xFFFFFFF0] =	vst v21  }
0x19f: {  	v27 =	vor.u32 v33, v35;
	v25 =	vor.u32 v30, v20;
	v21 =	vor.u32 v31, v37;
	[tilespmem:s22+$0x0] =	vst v22  }
0x1a0: {  	s24 =	sadd.s32 $0x80, s24;
	s21 =	simm.s32 $0x10170;
	v20 =	vor.u32 v19, v39;
	v19 =	vor.u32 v29, v28;
	v22 =	vor.u32 v32, v38;
	[tilespmem:s22+$0x10] =	vst v42  }
0x1a1: {  	_ =	sdelay $0x3  }
0x1a2: {  	v26 =	vld.idx.msk [tilespmem:v26+s8+$0x0], $0xffff  }
0x1a3: {  	v27 =	vld.idx.msk [tilespmem:v27+s8+$0x0], $0xffff  }
0x1a4: {  	v25 =	vld.idx.msk [tilespmem:v25+s8+$0x0], $0xffff  }
0x1a5: {  	[tilespmem:s22+$0x30] =	vst v24;
	s29 =	sadd.s32 $0x100, s22;
	v21 =	vld.idx.msk [tilespmem:v21+s8+$0x0], $0xffff  }
0x1a6: {  	v22 =	vld.idx.msk [tilespmem:v22+s8+$0x0], $0xffff;
	[tilespmem:s29+$0x20] =	vst v23  }
0x1a7: {  	v20 =	vld.idx.msk [tilespmem:v20+s8+$0x0], $0xffff;
	[tilespmem:s29+$0xFFFFFFC0] =	vst v26  }
0x1a8: {  	v19 =	vld.idx.msk [tilespmem:v19+s8+$0x0], $0xffff;
	[tilespmem:s29+$0xFFFFFFD0] =	vst v27  }
0x1a9: {  	[tilespmem:s29+$0xFFFFFFE0] =	vst v25  }
0x1aa: {  	[tilespmem:s29+$0xFFFFFFF0] =	vst v21  }
0x1ab: {  	[tilespmem:s29+$0x0] =	vst v22  }
0x1ac: {  	[tilespmem:s29+$0x10] =	vst v20  }
0x1ad: {  	[tilespmem:s29+$0x30] =	vst v19  }
0x1ae: {  	v23 =	vld.idx.msk [tilespmem:v13+s8+$0x0], $0xffff;
	_ =	sdelay $0x1  }
0x1af: {  	v24 =	vor.u32 $0x80, v17  }
0x1b0: {  	v25 =	vor.u32 v2, v4;
	v21 =	vor.u32 $0x80, v18;
	v26 =	vor.u32 v3, v1  }
0x1b1: {  	v22 =	vor.u32 $0x80, v14;
	v20 =	vor.u32 $0x80, v15;
	v19 =	vor.u32 $0x80, v16  }
.LBB2_20:
0x1b2: {  	s22 =	sadd.s32 $0xFFFFFFA0, s19;
	s23 =	sadd.s32 $0xFFFFFFF0, s19;
	v27 =	vadd.s32 s19, v0;
	s20 =	sadd.s32 $0x8, s20;
	v25 =	vor.u32 $0x80, v25;
	[tilespmem:s21+$0xFFFFFFF0] =	vst v23;
	v23 =	vor.u32 $0x80, v26  }
0x1b3: {  	s24 =	sadd.s32 $0xFFFFFFC0, s19;
	v26 =	vadd.s32 s22, v0;
	s22 =	sadd.s32 $0xFFFFFFB0, s19;
	v28 =	vadd.s32 s23, v0;
	v29 =	vshll.u32 v27, $0x1;
	p1 =	slt.u32 s20, $0x3F0  }
0x1b4: {  	s23 =	sadd.s32 $0xFFFFFF90, s19;
	v31 =	vadd.s32 s24, v0;
	s24 =	sadd.s32 $0xFFFFFFE0, s19;
	v30 =	vadd.s32 s22, v0;
	s22 =	sadd.s32 $0xFFFFFFD0, s19;
	v32 =	vshll.u32 v28, $0x1  }
0x1b5: {  	v33 =	vadd.s32 s23, v0;
	v28 =	vand.u32 $0x7F, v28;
	v32 =	vand.u32 $0x7FFFFF00, v32;
	v24 =	vld.idx.msk [tilespmem:v24+s8+$0x0], $0xffff  }
0x1b6: {  	v35 =	vadd.s32 s24, v0;
	v34 =	vadd.s32 s22, v0;
	v28 =	vor.u32 v32, v28;
	v21 =	vld.idx.msk [tilespmem:v21+s8+$0x0], $0xffff  }
0x1b7: {  	v36 =	vshll.u32 v26, $0x1;
	v32 =	vshll.u32 v33, $0x1;
	v28 =	vor.u32 $0x80, v28;
	v22 =	vld.idx.msk [tilespmem:v22+s8+$0x0], $0xffff  }
0x1b8: {  	v38 =	vshll.u32 v31, $0x1;
	v37 =	vshll.u32 v30, $0x1;
	v39 =	vshll.u32 v34, $0x1;
	v20 =	vld.idx.msk [tilespmem:v20+s8+$0x0], $0xffff  }
0x1b9: {  	v36 =	vand.u32 $0x7FFFFF00, v36;
	v40 =	vshll.u32 v35, $0x1;
	v32 =	vand.u32 $0x7FFFFF00, v32;
	v19 =	vld.idx.msk [tilespmem:v19+s8+$0x0], $0xffff  }
0x1ba: {  	v38 =	vand.u32 $0x7FFFFF00, v38;
	v37 =	vand.u32 $0x7FFFFF00, v37;
	v39 =	vand.u32 $0x7FFFFF00, v39;
	v41 =	vld.idx.msk [tilespmem:v25+s8+$0x0], $0xffff  }
0x1bb: {  	v26 =	vand.u32 $0x7F, v26;
	v25 =	vand.u32 $0x7F, v33;
	v33 =	vand.u32 $0x7FFFFF00, v40;
	[tilespmem:s21+$0xFFFFFF90] =	vst v24;
	v40 =	vld.idx.msk [tilespmem:v23+s8+$0x0], $0xffff  }
0x1bc: {  	v24 =	vand.u32 $0x7F, v30;
	v30 =	vand.u32 $0x7F, v31;
	v31 =	vand.u32 $0x7F, v34;
	v23 =	vld.idx.msk [tilespmem:v28+s8+$0x0], $0xffff;
	[tilespmem:s21+$0xFFFFFFA0] =	vst v21  }
.Ltmp9:
0x1bd: {  	v27 =	vand.u32 $0x7F, v27;
	v21 =	vand.u32 $0x7F, v35;
	v28 =	vand.u32 $0x7FFFFF00, v29;
	[tilespmem:s21+$0xFFFFFFB0] =	vst v22;
	(pc) =	sbr.rel @p1 .LBB2_20-.Ltmp9, $4  }
0x1be: {  	v26 =	vor.u32 v36, v26;
	v29 =	vor.u32 v37, v24;
	v22 =	vor.u32 v32, v25;
	[tilespmem:s21+$0xFFFFFFC0] =	vst v20  }
0x1bf: {  	v25 =	vor.u32 v33, v21;
	v20 =	vor.u32 v38, v30;
	v30 =	vor.u32 v39, v31;
	[tilespmem:s21+$0xFFFFFFD0] =	vst v19  }
0x1c0: {  	v21 =	vor.u32 $0x80, v26;
	v26 =	vor.u32 v28, v27;
	v24 =	vor.u32 $0x80, v22;
	[tilespmem:s21+$0xFFFFFFE0] =	vst v41  }
0x1c1: {  	s19 =	sadd.s32 $0x80, s19;
	v22 =	vor.u32 $0x80, v29;
	v20 =	vor.u32 $0x80, v20;
	v19 =	vor.u32 $0x80, v30;
	[tilespmem:s21+$0x0] =	vst v40;
	s21 =	sadd.s32 $0x100, s21  }
0x1c2: {  	_ =	sdelay $0x3  }
0x1c3: {  	v25 =	vor.u32 $0x80, v25;
	v24 =	vld.idx.msk [tilespmem:v24+s8+$0x0], $0xffff  }
0x1c4: {  	v26 =	vor.u32 $0x80, v26;
	v21 =	vld.idx.msk [tilespmem:v21+s8+$0x0], $0xffff  }
0x1c5: {  	v22 =	vld.idx.msk [tilespmem:v22+s8+$0x0], $0xffff  }
0x1c6: {  	v20 =	vld.idx.msk [tilespmem:v20+s8+$0x0], $0xffff  }
0x1c7: {  	[tilespmem:s21+$0xFFFFFFF0] =	vst v23;
	v19 =	vld.idx.msk [tilespmem:v19+s8+$0x0], $0xffff  }
0x1c8: {  	v23 =	vld.idx.msk [tilespmem:v25+s8+$0x0], $0xffff;
	[tilespmem:s21+$0xFFFFFF90] =	vst v24  }
0x1c9: {  	v24 =	vld.idx.msk [tilespmem:v26+s8+$0x0], $0xffff;
	[tilespmem:s21+$0xFFFFFFA0] =	vst v21  }
0x1ca: {  	[tilespmem:s21+$0xFFFFFFB0] =	vst v22  }
0x1cb: {  	[tilespmem:s21+$0xFFFFFFC0] =	vst v20  }
0x1cc: {  	[tilespmem:s21+$0xFFFFFFD0] =	vst v19  }
0x1cd: {  	[tilespmem:s21+$0xFFFFFFE0] =	vst v23  }
0x1ce: {  	[tilespmem:s21+$0x0] =	vst v24  }
0x1cf: {  	s19 =	rddreg [dreg:$0xd]  }
0x1d0: {  	[hbm4b:s19+s3] =	stream.linear.scatter [tilespmem:s11], [sflag:$0x3], $0x7F00, $0x38;
	[tilespmem:$0x1FE80] =	vst v63  }
0x1d1: {  	_ =	swait.ge [sflag:s12], $0x8000  }
0x1d2: {  	s23 =	rddreg [dreg:$0xe]  }
0x1d3: {  	s19 =	sadd.s32 s23, s18  }
0x1d4: {  	[sflag:s12] =	ssyncset.done $0x0;
	s19 =	sshrl.u32 s19, $0x3  }
0x1d5: {  	[sflag:s12] =	ssyncadd.s32 $0xFFFF8000;
	s19 =	sadd.s32 s1, s19  }
0x1d6: {  	[tilespmem:s8], [sflag:$0x1] =	stream.linear.gather [hbm4b:s19+s3], $0x8000, $0x38;
	[tilespmem:$0x1FE80] =	vst v63  }
0x1d7: {  	s19 =	sadd.s32 $0x80, s17;
	_ =	swait.ge [sflag:s15], $0x7F00  }
0x1d8: {  	s20 =	sadd.s32 $0xFFFFFFF0, s19;
	v19 =	vadd.s32 s19, v0;
	s24 =	sadd.s32 $0xFFFFFFA0, s19;
	[sflag:s15] =	ssyncset.done $0x0  }
0x1d9: {  	s22 =	sadd.s32 $0xFFFFFFB0, s19;
	s25 =	sadd.s32 $0xFFFFFFC0, s19;
	v20 =	vadd.s32 s20, v0;
	v28 =	vand.u32 $0x7F, v19;
	v19 =	vshll.u32 v19, $0x1;
	[sflag:s15] =	ssyncadd.s32 $0xFFFF8100  }
0x1da: {  	s26 =	sadd.s32 $0xFFFFFFD0, s19;
	s28 =	sadd.s32 $0xFFFFFF90, s19;
	v22 =	vadd.s32 s24, v0;
	v23 =	vadd.s32 s22, v0;
	v26 =	vadd.s32 s25, v0;
	v21 =	vld.idx.msk [tilespmem:v6+s10+$0x0], $0xffff  }
0x1db: {  	s29 =	sadd.s32 $0xFFFFFFE0, s19;
	v29 =	vadd.s32 s28, v0;
	v30 =	vadd.s32 s26, v0;
	v24 =	vshll.u32 v20, $0x1;
	v25 =	vld.idx.msk [tilespmem:v12+s10+$0x0], $0xffff  }
0x1dc: {  	v33 =	vadd.s32 s29, v0;
	v20 =	vand.u32 $0x7F, v20;
	v24 =	vand.u32 $0x7FFFFF00, v24;
	v27 =	vld.idx.msk [tilespmem:v11+s10+$0x0], $0xffff  }
0x1dd: {  	v32 =	vshll.u32 v22, $0x1;
	v35 =	vshll.u32 v23, $0x1;
	v31 =	vld.idx.msk [tilespmem:v10+s10+$0x0], $0xffff;
	v20 =	vor.u32 v20, v24  }
0x1de: {  	s22 =	simm.s32 $0x17FC0;
	v36 =	vshll.u32 v26, $0x1;
	v37 =	vshll.u32 v30, $0x1;
	v22 =	vand.u32 $0x7F, v22;
	v34 =	vld.idx.msk [tilespmem:v9+s10+$0x0], $0xffff  }
0x1df: {  	v40 =	vand.u32 $0x7F, v23;
	v41 =	vand.u32 $0x7F, v26;
	v38 =	vld.idx.msk [tilespmem:v8+s10+$0x0], $0xffff;
	v24 =	vshll.u32 v29, $0x1;
	[tilespmem:s22+$0x20] =	vst v21  }
0x1e0: {  	v30 =	vand.u32 $0x7F, v30;
	v39 =	vld.idx.msk [tilespmem:v7+s10+$0x0], $0xffff;
	v21 =	vand.u32 $0x7FFFFF00, v24;
	v24 =	vshll.u32 v33, $0x1;
	[tilespmem:s22+$0xFFFFFFC0] =	vst v25  }
0x1e1: {  	v19 =	vand.u32 $0x7FFFFF00, v19;
	v25 =	vand.u32 $0x7F, v29;
	[tilespmem:s22+$0xFFFFFFD0] =	vst v27;
	v29 =	vand.u32 $0x7FFFFF00, v24;
	v24 =	vld.idx.msk [tilespmem:v5+s10+$0x0], $0xffff  }
0x1e2: {  	v32 =	vand.u32 $0x7FFFFF00, v32;
	v35 =	vand.u32 $0x7FFFFF00, v35;
	v36 =	vand.u32 $0x7FFFFF00, v36;
	[tilespmem:s22+$0xFFFFFFE0] =	vst v31;
	v23 =	vld.idx.msk [tilespmem:v20+s10+$0x0], $0xffff  }
0x1e3: {  	v37 =	vand.u32 $0x7FFFFF00, v37;
	v19 =	vor.u32 v28, v19;
	[tilespmem:s22+$0xFFFFFFF0] =	vst v34;
	v26 =	vor.u32 v25, v21  }
0x1e4: {  	v27 =	vor.u32 v22, v32;
	[tilespmem:s22+$0x0] =	vst v38;
	v22 =	vor.u32 v30, v37;
	v20 =	vand.u32 $0x7F, v33  }
0x1e5: {  	s23 =	simm.s32 $0x8;
	s20 =	simm.s32 $0x0;
	s24 =	sadd.s32 $0x80, s19;
	[tilespmem:s22+$0x10] =	vst v39;
	v25 =	vor.u32 v40, v35;
	v21 =	vor.u32 v41, v36;
	v20 =	vor.u32 v20, v29  }
.LBB2_22:
0x1e6: {  	s21 =	sadd.s32 $0xFFFFFFF0, s24;
	v28 =	vadd.s32 s24, v0;
	s23 =	sadd.s32 $0x8, s23;
	[tilespmem:s22+$0x30] =	vst v24;
	s22 =	sadd.s32 $0x100, s22  }
0x1e7: {  	s25 =	sadd.s32 $0xFFFFFFA0, s24;
	s26 =	sadd.s32 $0xFFFFFFB0, s24;
	v24 =	vadd.s32 s21, v0;
	v29 =	vand.u32 $0x7F, v28;
	v28 =	vshll.u32 v28, $0x1;
	p1 =	slt.u32 s23, $0x3F0;
	[tilespmem:s22+$0x20] =	vst v23  }
0x1e8: {  	v23 =	vadd.s32 s25, v0;
	v30 =	vadd.s32 s26, v0;
	s21 =	sadd.s32 $0xFFFFFFC0, s24;
	s25 =	sadd.s32 $0xFFFFFFD0, s24;
	s26 =	sadd.s32 $0xFFFFFFE0, s24;
	v31 =	vshll.u32 v24, $0x1;
	v26 =	vld.idx.msk [tilespmem:v26+s10+$0x0], $0xffff  }
0x1e9: {  	s28 =	sadd.s32 $0xFFFFFF90, s24;
	v32 =	vadd.s32 s21, v0;
	v24 =	vand.u32 $0x7F, v24;
	v31 =	vand.u32 $0x7FFFFF00, v31;
	v27 =	vld.idx.msk [tilespmem:v27+s10+$0x0], $0xffff  }
0x1ea: {  	v33 =	vadd.s32 s28, v0;
	v34 =	vadd.s32 s25, v0;
	v31 =	vor.u32 v24, v31;
	v25 =	vld.idx.msk [tilespmem:v25+s10+$0x0], $0xffff  }
0x1eb: {  	v35 =	vshll.u32 v23, $0x1;
	v36 =	vadd.s32 s26, v0;
	v24 =	vshll.u32 v33, $0x1;
	v21 =	vld.idx.msk [tilespmem:v21+s10+$0x0], $0xffff  }
0x1ec: {  	v37 =	vshll.u32 v30, $0x1;
	v38 =	vshll.u32 v32, $0x1;
	v39 =	vshll.u32 v34, $0x1;
	v22 =	vld.idx.msk [tilespmem:v22+s10+$0x0], $0xffff  }
0x1ed: {  	v35 =	vand.u32 $0x7FFFFF00, v35;
	v41 =	vshll.u32 v36, $0x1;
	v40 =	vand.u32 $0x7FFFFF00, v24;
	v42 =	vld.idx.msk [tilespmem:v20+s10+$0x0], $0xffff  }
0x1ee: {  	v20 =	vand.u32 $0x7FFFFF00, v37;
	v37 =	vand.u32 $0x7FFFFF00, v38;
	v38 =	vand.u32 $0x7FFFFF00, v39;
	[tilespmem:s22+$0xFFFFFFC0] =	vst v26;
	v24 =	vld.idx.msk [tilespmem:v19+s10+$0x0], $0xffff  }
.Ltmp10:
0x1ef: {  	v39 =	vand.u32 $0x7FFFFF00, v41;
	v19 =	vand.u32 $0x7F, v33;
	v33 =	vand.u32 $0x7F, v23;
	v23 =	vld.idx.msk [tilespmem:v31+s10+$0x0], $0xffff;
	[tilespmem:s22+$0xFFFFFFD0] =	vst v27;
	(pc) =	sbr.rel @p1 .LBB2_22-.Ltmp10, $4  }
0x1f0: {  	v30 =	vand.u32 $0x7F, v30;
	v31 =	vand.u32 $0x7F, v32;
	v32 =	vand.u32 $0x7F, v34;
	[tilespmem:s22+$0xFFFFFFE0] =	vst v25  }
0x1f1: {  	v28 =	vand.u32 $0x7FFFFF00, v28;
	v26 =	vor.u32 v19, v40;
	v19 =	vand.u32 $0x7F, v36;
	[tilespmem:s22+$0xFFFFFFF0] =	vst v21  }
0x1f2: {  	v27 =	vor.u32 v33, v35;
	v25 =	vor.u32 v30, v20;
	v21 =	vor.u32 v31, v37;
	[tilespmem:s22+$0x0] =	vst v22  }
0x1f3: {  	s24 =	sadd.s32 $0x80, s24;
	s21 =	simm.s32 $0x18070;
	v20 =	vor.u32 v19, v39;
	v19 =	vor.u32 v29, v28;
	v22 =	vor.u32 v32, v38;
	[tilespmem:s22+$0x10] =	vst v42  }
0x1f4: {  	_ =	sdelay $0x3  }
0x1f5: {  	v26 =	vld.idx.msk [tilespmem:v26+s10+$0x0], $0xffff  }
0x1f6: {  	v27 =	vld.idx.msk [tilespmem:v27+s10+$0x0], $0xffff  }
0x1f7: {  	v25 =	vld.idx.msk [tilespmem:v25+s10+$0x0], $0xffff  }
0x1f8: {  	[tilespmem:s22+$0x30] =	vst v24;
	s29 =	sadd.s32 $0x100, s22;
	v21 =	vld.idx.msk [tilespmem:v21+s10+$0x0], $0xffff  }
0x1f9: {  	v22 =	vld.idx.msk [tilespmem:v22+s10+$0x0], $0xffff;
	[tilespmem:s29+$0x20] =	vst v23  }
0x1fa: {  	v20 =	vld.idx.msk [tilespmem:v20+s10+$0x0], $0xffff;
	[tilespmem:s29+$0xFFFFFFC0] =	vst v26  }
0x1fb: {  	v19 =	vld.idx.msk [tilespmem:v19+s10+$0x0], $0xffff;
	[tilespmem:s29+$0xFFFFFFD0] =	vst v27  }
0x1fc: {  	[tilespmem:s29+$0xFFFFFFE0] =	vst v25  }
0x1fd: {  	[tilespmem:s29+$0xFFFFFFF0] =	vst v21  }
0x1fe: {  	[tilespmem:s29+$0x0] =	vst v22  }
0x1ff: {  	[tilespmem:s29+$0x10] =	vst v20  }
0x200: {  	[tilespmem:s29+$0x30] =	vst v19  }
0x201: {  	v23 =	vld.idx.msk [tilespmem:v13+s10+$0x0], $0xffff;
	_ =	sdelay $0x1  }
0x202: {  	v24 =	vor.u32 $0x80, v17  }
0x203: {  	v25 =	vor.u32 v2, v4;
	v21 =	vor.u32 $0x80, v18;
	v26 =	vor.u32 v3, v1  }
0x204: {  	v22 =	vor.u32 $0x80, v14;
	v20 =	vor.u32 $0x80, v15;
	v19 =	vor.u32 $0x80, v16  }
.LBB2_24:
0x205: {  	s22 =	sadd.s32 $0xFFFFFFA0, s19;
	s23 =	sadd.s32 $0xFFFFFFF0, s19;
	v27 =	vadd.s32 s19, v0;
	s20 =	sadd.s32 $0x8, s20;
	v25 =	vor.u32 $0x80, v25;
	[tilespmem:s21+$0xFFFFFFF0] =	vst v23;
	v23 =	vor.u32 $0x80, v26  }
0x206: {  	s24 =	sadd.s32 $0xFFFFFFC0, s19;
	v26 =	vadd.s32 s22, v0;
	s22 =	sadd.s32 $0xFFFFFFB0, s19;
	v28 =	vadd.s32 s23, v0;
	v29 =	vshll.u32 v27, $0x1;
	p1 =	slt.u32 s20, $0x3F0  }
0x207: {  	s23 =	sadd.s32 $0xFFFFFF90, s19;
	v31 =	vadd.s32 s24, v0;
	s24 =	sadd.s32 $0xFFFFFFE0, s19;
	v30 =	vadd.s32 s22, v0;
	s22 =	sadd.s32 $0xFFFFFFD0, s19;
	v32 =	vshll.u32 v28, $0x1  }
0x208: {  	v33 =	vadd.s32 s23, v0;
	v28 =	vand.u32 $0x7F, v28;
	v32 =	vand.u32 $0x7FFFFF00, v32;
	v24 =	vld.idx.msk [tilespmem:v24+s10+$0x0], $0xffff  }
0x209: {  	v35 =	vadd.s32 s24, v0;
	v34 =	vadd.s32 s22, v0;
	v28 =	vor.u32 v32, v28;
	v21 =	vld.idx.msk [tilespmem:v21+s10+$0x0], $0xffff  }
0x20a: {  	v36 =	vshll.u32 v26, $0x1;
	v32 =	vshll.u32 v33, $0x1;
	v28 =	vor.u32 $0x80, v28;
	v22 =	vld.idx.msk [tilespmem:v22+s10+$0x0], $0xffff  }
0x20b: {  	v38 =	vshll.u32 v31, $0x1;
	v37 =	vshll.u32 v30, $0x1;
	v39 =	vshll.u32 v34, $0x1;
	v20 =	vld.idx.msk [tilespmem:v20+s10+$0x0], $0xffff  }
0x20c: {  	v36 =	vand.u32 $0x7FFFFF00, v36;
	v40 =	vshll.u32 v35, $0x1;
	v32 =	vand.u32 $0x7FFFFF00, v32;
	v19 =	vld.idx.msk [tilespmem:v19+s10+$0x0], $0xffff  }
0x20d: {  	v38 =	vand.u32 $0x7FFFFF00, v38;
	v37 =	vand.u32 $0x7FFFFF00, v37;
	v39 =	vand.u32 $0x7FFFFF00, v39;
	v41 =	vld.idx.msk [tilespmem:v25+s10+$0x0], $0xffff  }
0x20e: {  	v26 =	vand.u32 $0x7F, v26;
	v25 =	vand.u32 $0x7F, v33;
	v33 =	vand.u32 $0x7FFFFF00, v40;
	[tilespmem:s21+$0xFFFFFF90] =	vst v24;
	v40 =	vld.idx.msk [tilespmem:v23+s10+$0x0], $0xffff  }
0x20f: {  	v24 =	vand.u32 $0x7F, v30;
	v30 =	vand.u32 $0x7F, v31;
	v31 =	vand.u32 $0x7F, v34;
	v23 =	vld.idx.msk [tilespmem:v28+s10+$0x0], $0xffff;
	[tilespmem:s21+$0xFFFFFFA0] =	vst v21  }
.Ltmp11:
0x210: {  	v27 =	vand.u32 $0x7F, v27;
	v21 =	vand.u32 $0x7F, v35;
	v28 =	vand.u32 $0x7FFFFF00, v29;
	[tilespmem:s21+$0xFFFFFFB0] =	vst v22;
	(pc) =	sbr.rel @p1 .LBB2_24-.Ltmp11, $4  }
0x211: {  	v26 =	vor.u32 v36, v26;
	v29 =	vor.u32 v37, v24;
	v22 =	vor.u32 v32, v25;
	[tilespmem:s21+$0xFFFFFFC0] =	vst v20  }
0x212: {  	v25 =	vor.u32 v33, v21;
	v20 =	vor.u32 v38, v30;
	v30 =	vor.u32 v39, v31;
	[tilespmem:s21+$0xFFFFFFD0] =	vst v19  }
0x213: {  	v21 =	vor.u32 $0x80, v26;
	v26 =	vor.u32 v28, v27;
	v24 =	vor.u32 $0x80, v22;
	[tilespmem:s21+$0xFFFFFFE0] =	vst v41  }
0x214: {  	s19 =	sadd.s32 $0x80, s19;
	v22 =	vor.u32 $0x80, v29;
	v20 =	vor.u32 $0x80, v20;
	v19 =	vor.u32 $0x80, v30;
	[tilespmem:s21+$0x0] =	vst v40;
	s21 =	sadd.s32 $0x100, s21  }
0x215: {  	_ =	sdelay $0x3  }
0x216: {  	v25 =	vor.u32 $0x80, v25;
	v24 =	vld.idx.msk [tilespmem:v24+s10+$0x0], $0xffff  }
0x217: {  	v26 =	vor.u32 $0x80, v26;
	v21 =	vld.idx.msk [tilespmem:v21+s10+$0x0], $0xffff  }
0x218: {  	v22 =	vld.idx.msk [tilespmem:v22+s10+$0x0], $0xffff  }
0x219: {  	v20 =	vld.idx.msk [tilespmem:v20+s10+$0x0], $0xffff  }
0x21a: {  	[tilespmem:s21+$0xFFFFFFF0] =	vst v23;
	v19 =	vld.idx.msk [tilespmem:v19+s10+$0x0], $0xffff  }
0x21b: {  	v23 =	vld.idx.msk [tilespmem:v25+s10+$0x0], $0xffff;
	[tilespmem:s21+$0xFFFFFF90] =	vst v24  }
0x21c: {  	v24 =	vld.idx.msk [tilespmem:v26+s10+$0x0], $0xffff;
	[tilespmem:s21+$0xFFFFFFA0] =	vst v21  }
0x21d: {  	[tilespmem:s21+$0xFFFFFFB0] =	vst v22  }
0x21e: {  	[tilespmem:s21+$0xFFFFFFC0] =	vst v20  }
0x21f: {  	[tilespmem:s21+$0xFFFFFFD0] =	vst v19  }
0x220: {  	[tilespmem:s21+$0xFFFFFFE0] =	vst v23  }
0x221: {  	[tilespmem:s21+$0x0] =	vst v24  }
0x222: {  	s19 =	rddreg [dreg:$0xf]  }
0x223: {  	[hbm4b:s19+s3] =	stream.linear.scatter [tilespmem:s13], [sflag:$0x4], $0x7F00, $0x38;
	[tilespmem:$0x1FE80] =	vst v63  }
0x224: {  	_ =	swait.ge [sflag:s9], $0x8000  }
0x225: {  	s23 =	rddreg [dreg:$0x10]  }
0x226: {  	s19 =	sadd.s32 s23, s18  }
0x227: {  	[sflag:s9] =	ssyncset.done $0x0;
	s19 =	sshrl.u32 s19, $0x3  }
0x228: {  	[sflag:s9] =	ssyncadd.s32 $0xFFFF8000;
	s19 =	sadd.s32 s1, s19  }
0x229: {  	[tilespmem:s10], [sflag:$0x2] =	stream.linear.gather [hbm4b:s19+s3], $0x8000, $0x38;
	[tilespmem:$0x1FE80] =	vst v63  }
0x22a: {  	s19 =	sadd.s32 $0x80, s17;
	_ =	swait.ge [sflag:s14], $0x7F00  }
0x22b: {  	s20 =	sadd.s32 $0xFFFFFFF0, s19;
	v19 =	vadd.s32 s19, v0;
	s24 =	sadd.s32 $0xFFFFFFA0, s19;
	[sflag:s14] =	ssyncset.done $0x0  }
0x22c: {  	s22 =	sadd.s32 $0xFFFFFFB0, s19;
	s25 =	sadd.s32 $0xFFFFFFC0, s19;
	v20 =	vadd.s32 s20, v0;
	v28 =	vand.u32 $0x7F, v19;
	v19 =	vshll.u32 v19, $0x1;
	[sflag:s14] =	ssyncadd.s32 $0xFFFF8100  }
0x22d: {  	s26 =	sadd.s32 $0xFFFFFFD0, s19;
	s28 =	sadd.s32 $0xFFFFFF90, s19;
	v22 =	vadd.s32 s24, v0;
	v23 =	vadd.s32 s22, v0;
	v26 =	vadd.s32 s25, v0;
	v21 =	vld.idx.msk [tilespmem:v6+s8+$0x0], $0xffff  }
0x22e: {  	s29 =	sadd.s32 $0xFFFFFFE0, s19;
	v29 =	vadd.s32 s28, v0;
	v30 =	vadd.s32 s26, v0;
	v24 =	vshll.u32 v20, $0x1;
	v25 =	vld.idx.msk [tilespmem:v12+s8+$0x0], $0xffff  }
0x22f: {  	v33 =	vadd.s32 s29, v0;
	v20 =	vand.u32 $0x7F, v20;
	v24 =	vand.u32 $0x7FFFFF00, v24;
	v27 =	vld.idx.msk [tilespmem:v11+s8+$0x0], $0xffff  }
0x230: {  	v32 =	vshll.u32 v22, $0x1;
	v35 =	vshll.u32 v23, $0x1;
	v31 =	vld.idx.msk [tilespmem:v10+s8+$0x0], $0xffff;
	v20 =	vor.u32 v20, v24  }
0x231: {  	s22 =	simm.s32 $0x100C0;
	v36 =	vshll.u32 v26, $0x1;
	v37 =	vshll.u32 v30, $0x1;
	v22 =	vand.u32 $0x7F, v22;
	v34 =	vld.idx.msk [tilespmem:v9+s8+$0x0], $0xffff  }
0x232: {  	v40 =	vand.u32 $0x7F, v23;
	v41 =	vand.u32 $0x7F, v26;
	v38 =	vld.idx.msk [tilespmem:v8+s8+$0x0], $0xffff;
	v24 =	vshll.u32 v29, $0x1;
	[tilespmem:s22+$0x20] =	vst v21  }
0x233: {  	v30 =	vand.u32 $0x7F, v30;
	v39 =	vld.idx.msk [tilespmem:v7+s8+$0x0], $0xffff;
	v21 =	vand.u32 $0x7FFFFF00, v24;
	v24 =	vshll.u32 v33, $0x1;
	[tilespmem:s22+$0xFFFFFFC0] =	vst v25  }
0x234: {  	v19 =	vand.u32 $0x7FFFFF00, v19;
	v25 =	vand.u32 $0x7F, v29;
	[tilespmem:s22+$0xFFFFFFD0] =	vst v27;
	v29 =	vand.u32 $0x7FFFFF00, v24;
	v24 =	vld.idx.msk [tilespmem:v5+s8+$0x0], $0xffff  }
0x235: {  	v32 =	vand.u32 $0x7FFFFF00, v32;
	v35 =	vand.u32 $0x7FFFFF00, v35;
	v36 =	vand.u32 $0x7FFFFF00, v36;
	[tilespmem:s22+$0xFFFFFFE0] =	vst v31;
	v23 =	vld.idx.msk [tilespmem:v20+s8+$0x0], $0xffff  }
0x236: {  	v37 =	vand.u32 $0x7FFFFF00, v37;
	v19 =	vor.u32 v28, v19;
	[tilespmem:s22+$0xFFFFFFF0] =	vst v34;
	v26 =	vor.u32 v25, v21  }
0x237: {  	v27 =	vor.u32 v22, v32;
	[tilespmem:s22+$0x0] =	vst v38;
	v22 =	vor.u32 v30, v37;
	v20 =	vand.u32 $0x7F, v33  }
0x238: {  	s23 =	simm.s32 $0x8;
	s20 =	simm.s32 $0x0;
	s24 =	sadd.s32 $0x80, s19;
	[tilespmem:s22+$0x10] =	vst v39;
	v25 =	vor.u32 v40, v35;
	v21 =	vor.u32 v41, v36;
	v20 =	vor.u32 v20, v29  }
.LBB2_26:
0x239: {  	s21 =	sadd.s32 $0xFFFFFFF0, s24;
	v28 =	vadd.s32 s24, v0;
	s23 =	sadd.s32 $0x8, s23;
	[tilespmem:s22+$0x30] =	vst v24;
	s22 =	sadd.s32 $0x100, s22  }
0x23a: {  	s25 =	sadd.s32 $0xFFFFFFA0, s24;
	s26 =	sadd.s32 $0xFFFFFFB0, s24;
	v24 =	vadd.s32 s21, v0;
	v29 =	vand.u32 $0x7F, v28;
	v28 =	vshll.u32 v28, $0x1;
	p1 =	slt.u32 s23, $0x3F0;
	[tilespmem:s22+$0x20] =	vst v23  }
0x23b: {  	v23 =	vadd.s32 s25, v0;
	v30 =	vadd.s32 s26, v0;
	s21 =	sadd.s32 $0xFFFFFFC0, s24;
	s25 =	sadd.s32 $0xFFFFFFD0, s24;
	s26 =	sadd.s32 $0xFFFFFFE0, s24;
	v31 =	vshll.u32 v24, $0x1;
	v26 =	vld.idx.msk [tilespmem:v26+s8+$0x0], $0xffff  }
0x23c: {  	s28 =	sadd.s32 $0xFFFFFF90, s24;
	v32 =	vadd.s32 s21, v0;
	v24 =	vand.u32 $0x7F, v24;
	v31 =	vand.u32 $0x7FFFFF00, v31;
	v27 =	vld.idx.msk [tilespmem:v27+s8+$0x0], $0xffff  }
0x23d: {  	v33 =	vadd.s32 s28, v0;
	v34 =	vadd.s32 s25, v0;
	v31 =	vor.u32 v24, v31;
	v25 =	vld.idx.msk [tilespmem:v25+s8+$0x0], $0xffff  }
0x23e: {  	v35 =	vshll.u32 v23, $0x1;
	v36 =	vadd.s32 s26, v0;
	v24 =	vshll.u32 v33, $0x1;
	v21 =	vld.idx.msk [tilespmem:v21+s8+$0x0], $0xffff  }
0x23f: {  	v37 =	vshll.u32 v30, $0x1;
	v38 =	vshll.u32 v32, $0x1;
	v39 =	vshll.u32 v34, $0x1;
	v22 =	vld.idx.msk [tilespmem:v22+s8+$0x0], $0xffff  }
0x240: {  	v35 =	vand.u32 $0x7FFFFF00, v35;
	v41 =	vshll.u32 v36, $0x1;
	v40 =	vand.u32 $0x7FFFFF00, v24;
	v42 =	vld.idx.msk [tilespmem:v20+s8+$0x0], $0xffff  }
0x241: {  	v20 =	vand.u32 $0x7FFFFF00, v37;
	v37 =	vand.u32 $0x7FFFFF00, v38;
	v38 =	vand.u32 $0x7FFFFF00, v39;
	[tilespmem:s22+$0xFFFFFFC0] =	vst v26;
	v24 =	vld.idx.msk [tilespmem:v19+s8+$0x0], $0xffff  }
.Ltmp12:
0x242: {  	v39 =	vand.u32 $0x7FFFFF00, v41;
	v19 =	vand.u32 $0x7F, v33;
	v33 =	vand.u32 $0x7F, v23;
	v23 =	vld.idx.msk [tilespmem:v31+s8+$0x0], $0xffff;
	[tilespmem:s22+$0xFFFFFFD0] =	vst v27;
	(pc) =	sbr.rel @p1 .LBB2_26-.Ltmp12, $4  }
0x243: {  	v30 =	vand.u32 $0x7F, v30;
	v31 =	vand.u32 $0x7F, v32;
	v32 =	vand.u32 $0x7F, v34;
	[tilespmem:s22+$0xFFFFFFE0] =	vst v25  }
0x244: {  	v28 =	vand.u32 $0x7FFFFF00, v28;
	v26 =	vor.u32 v19, v40;
	v19 =	vand.u32 $0x7F, v36;
	[tilespmem:s22+$0xFFFFFFF0] =	vst v21  }
0x245: {  	v27 =	vor.u32 v33, v35;
	v25 =	vor.u32 v30, v20;
	v21 =	vor.u32 v31, v37;
	[tilespmem:s22+$0x0] =	vst v22  }
0x246: {  	s24 =	sadd.s32 $0x80, s24;
	s21 =	simm.s32 $0x10170;
	v20 =	vor.u32 v19, v39;
	v19 =	vor.u32 v29, v28;
	v22 =	vor.u32 v32, v38;
	[tilespmem:s22+$0x10] =	vst v42  }
0x247: {  	_ =	sdelay $0x3  }
0x248: {  	v26 =	vld.idx.msk [tilespmem:v26+s8+$0x0], $0xffff  }
0x249: {  	v27 =	vld.idx.msk [tilespmem:v27+s8+$0x0], $0xffff  }
0x24a: {  	v25 =	vld.idx.msk [tilespmem:v25+s8+$0x0], $0xffff  }
0x24b: {  	[tilespmem:s22+$0x30] =	vst v24;
	s29 =	sadd.s32 $0x100, s22;
	v21 =	vld.idx.msk [tilespmem:v21+s8+$0x0], $0xffff  }
0x24c: {  	v22 =	vld.idx.msk [tilespmem:v22+s8+$0x0], $0xffff;
	[tilespmem:s29+$0x20] =	vst v23  }
0x24d: {  	v20 =	vld.idx.msk [tilespmem:v20+s8+$0x0], $0xffff;
	[tilespmem:s29+$0xFFFFFFC0] =	vst v26  }
0x24e: {  	v19 =	vld.idx.msk [tilespmem:v19+s8+$0x0], $0xffff;
	[tilespmem:s29+$0xFFFFFFD0] =	vst v27  }
0x24f: {  	[tilespmem:s29+$0xFFFFFFE0] =	vst v25  }
0x250: {  	[tilespmem:s29+$0xFFFFFFF0] =	vst v21  }
0x251: {  	[tilespmem:s29+$0x0] =	vst v22  }
0x252: {  	[tilespmem:s29+$0x10] =	vst v20  }
0x253: {  	[tilespmem:s29+$0x30] =	vst v19  }
0x254: {  	v23 =	vld.idx.msk [tilespmem:v13+s8+$0x0], $0xffff;
	_ =	sdelay $0x1  }
0x255: {  	v24 =	vor.u32 $0x80, v17  }
0x256: {  	v25 =	vor.u32 v2, v4;
	v21 =	vor.u32 $0x80, v18;
	v26 =	vor.u32 v3, v1  }
0x257: {  	v22 =	vor.u32 $0x80, v14;
	v20 =	vor.u32 $0x80, v15;
	v19 =	vor.u32 $0x80, v16  }
.LBB2_28:
0x258: {  	s22 =	sadd.s32 $0xFFFFFFA0, s19;
	s23 =	sadd.s32 $0xFFFFFFF0, s19;
	v27 =	vadd.s32 s19, v0;
	s20 =	sadd.s32 $0x8, s20;
	v25 =	vor.u32 $0x80, v25;
	[tilespmem:s21+$0xFFFFFFF0] =	vst v23;
	v23 =	vor.u32 $0x80, v26  }
0x259: {  	s24 =	sadd.s32 $0xFFFFFFC0, s19;
	v26 =	vadd.s32 s22, v0;
	s22 =	sadd.s32 $0xFFFFFFB0, s19;
	v28 =	vadd.s32 s23, v0;
	v29 =	vshll.u32 v27, $0x1;
	p1 =	slt.u32 s20, $0x3F0  }
0x25a: {  	s23 =	sadd.s32 $0xFFFFFF90, s19;
	v31 =	vadd.s32 s24, v0;
	s24 =	sadd.s32 $0xFFFFFFE0, s19;
	v30 =	vadd.s32 s22, v0;
	s22 =	sadd.s32 $0xFFFFFFD0, s19;
	v32 =	vshll.u32 v28, $0x1  }
0x25b: {  	v33 =	vadd.s32 s23, v0;
	v28 =	vand.u32 $0x7F, v28;
	v32 =	vand.u32 $0x7FFFFF00, v32;
	v24 =	vld.idx.msk [tilespmem:v24+s8+$0x0], $0xffff  }
0x25c: {  	v35 =	vadd.s32 s24, v0;
	v34 =	vadd.s32 s22, v0;
	v28 =	vor.u32 v32, v28;
	v21 =	vld.idx.msk [tilespmem:v21+s8+$0x0], $0xffff  }
0x25d: {  	v36 =	vshll.u32 v26, $0x1;
	v32 =	vshll.u32 v33, $0x1;
	v28 =	vor.u32 $0x80, v28;
	v22 =	vld.idx.msk [tilespmem:v22+s8+$0x0], $0xffff  }
0x25e: {  	v38 =	vshll.u32 v31, $0x1;
	v37 =	vshll.u32 v30, $0x1;
	v39 =	vshll.u32 v34, $0x1;
	v20 =	vld.idx.msk [tilespmem:v20+s8+$0x0], $0xffff  }
0x25f: {  	v36 =	vand.u32 $0x7FFFFF00, v36;
	v40 =	vshll.u32 v35, $0x1;
	v32 =	vand.u32 $0x7FFFFF00, v32;
	v19 =	vld.idx.msk [tilespmem:v19+s8+$0x0], $0xffff  }
0x260: {  	v38 =	vand.u32 $0x7FFFFF00, v38;
	v37 =	vand.u32 $0x7FFFFF00, v37;
	v39 =	vand.u32 $0x7FFFFF00, v39;
	v41 =	vld.idx.msk [tilespmem:v25+s8+$0x0], $0xffff  }
0x261: {  	v26 =	vand.u32 $0x7F, v26;
	v25 =	vand.u32 $0x7F, v33;
	v33 =	vand.u32 $0x7FFFFF00, v40;
	[tilespmem:s21+$0xFFFFFF90] =	vst v24;
	v40 =	vld.idx.msk [tilespmem:v23+s8+$0x0], $0xffff  }
0x262: {  	v24 =	vand.u32 $0x7F, v30;
	v30 =	vand.u32 $0x7F, v31;
	v31 =	vand.u32 $0x7F, v34;
	v23 =	vld.idx.msk [tilespmem:v28+s8+$0x0], $0xffff;
	[tilespmem:s21+$0xFFFFFFA0] =	vst v21  }
.Ltmp13:
0x263: {  	v27 =	vand.u32 $0x7F, v27;
	v21 =	vand.u32 $0x7F, v35;
	v28 =	vand.u32 $0x7FFFFF00, v29;
	[tilespmem:s21+$0xFFFFFFB0] =	vst v22;
	(pc) =	sbr.rel @p1 .LBB2_28-.Ltmp13, $4  }
0x264: {  	v26 =	vor.u32 v36, v26;
	v29 =	vor.u32 v37, v24;
	v22 =	vor.u32 v32, v25;
	[tilespmem:s21+$0xFFFFFFC0] =	vst v20  }
0x265: {  	v25 =	vor.u32 v33, v21;
	v20 =	vor.u32 v38, v30;
	v30 =	vor.u32 v39, v31;
	[tilespmem:s21+$0xFFFFFFD0] =	vst v19  }
0x266: {  	v21 =	vor.u32 $0x80, v26;
	v26 =	vor.u32 v28, v27;
	v24 =	vor.u32 $0x80, v22;
	[tilespmem:s21+$0xFFFFFFE0] =	vst v41  }
0x267: {  	s19 =	sadd.s32 $0x80, s19;
	v22 =	vor.u32 $0x80, v29;
	v20 =	vor.u32 $0x80, v20;
	v19 =	vor.u32 $0x80, v30;
	[tilespmem:s21+$0x0] =	vst v40;
	s21 =	sadd.s32 $0x100, s21  }
0x268: {  	_ =	sdelay $0x3  }
0x269: {  	v25 =	vor.u32 $0x80, v25;
	v24 =	vld.idx.msk [tilespmem:v24+s8+$0x0], $0xffff  }
0x26a: {  	v26 =	vor.u32 $0x80, v26;
	v21 =	vld.idx.msk [tilespmem:v21+s8+$0x0], $0xffff  }
0x26b: {  	v22 =	vld.idx.msk [tilespmem:v22+s8+$0x0], $0xffff  }
0x26c: {  	v20 =	vld.idx.msk [tilespmem:v20+s8+$0x0], $0xffff  }
0x26d: {  	[tilespmem:s21+$0xFFFFFFF0] =	vst v23;
	v19 =	vld.idx.msk [tilespmem:v19+s8+$0x0], $0xffff  }
0x26e: {  	v23 =	vld.idx.msk [tilespmem:v25+s8+$0x0], $0xffff;
	[tilespmem:s21+$0xFFFFFF90] =	vst v24  }
0x26f: {  	v24 =	vld.idx.msk [tilespmem:v26+s8+$0x0], $0xffff;
	[tilespmem:s21+$0xFFFFFFA0] =	vst v21  }
0x270: {  	[tilespmem:s21+$0xFFFFFFB0] =	vst v22  }
0x271: {  	[tilespmem:s21+$0xFFFFFFC0] =	vst v20  }
0x272: {  	[tilespmem:s21+$0xFFFFFFD0] =	vst v19  }
0x273: {  	[tilespmem:s21+$0xFFFFFFE0] =	vst v23  }
0x274: {  	[tilespmem:s21+$0x0] =	vst v24  }
0x275: {  	s19 =	rddreg [dreg:$0x11]  }
0x276: {  	[hbm4b:s19+s3] =	stream.linear.scatter [tilespmem:s11], [sflag:$0x3], $0x7F00, $0x38;
	[tilespmem:$0x1FE80] =	vst v63  }
0x277: {  	_ =	swait.ge [sflag:s12], $0x8000  }
0x278: {  	s23 =	rddreg [dreg:$0x12]  }
0x279: {  	s19 =	sadd.s32 s23, s18  }
0x27a: {  	[sflag:s12] =	ssyncset.done $0x0;
	s19 =	sshrl.u32 s19, $0x3  }
0x27b: {  	[sflag:s12] =	ssyncadd.s32 $0xFFFF8000;
	s19 =	sadd.s32 s1, s19  }
0x27c: {  	[tilespmem:s8], [sflag:$0x1] =	stream.linear.gather [hbm4b:s19+s3], $0x8000, $0x38;
	[tilespmem:$0x1FE80] =	vst v63  }
0x27d: {  	s19 =	sadd.s32 $0x80, s17;
	_ =	swait.ge [sflag:s15], $0x7F00  }
0x27e: {  	s20 =	sadd.s32 $0xFFFFFFF0, s19;
	v19 =	vadd.s32 s19, v0;
	s24 =	sadd.s32 $0xFFFFFFA0, s19;
	[sflag:s15] =	ssyncset.done $0x0  }
0x27f: {  	s22 =	sadd.s32 $0xFFFFFFB0, s19;
	s25 =	sadd.s32 $0xFFFFFFC0, s19;
	v20 =	vadd.s32 s20, v0;
	v28 =	vand.u32 $0x7F, v19;
	v19 =	vshll.u32 v19, $0x1;
	[sflag:s15] =	ssyncadd.s32 $0xFFFF8100  }
0x280: {  	s26 =	sadd.s32 $0xFFFFFFD0, s19;
	s28 =	sadd.s32 $0xFFFFFF90, s19;
	v22 =	vadd.s32 s24, v0;
	v23 =	vadd.s32 s22, v0;
	v26 =	vadd.s32 s25, v0;
	v21 =	vld.idx.msk [tilespmem:v6+s10+$0x0], $0xffff  }
0x281: {  	s29 =	sadd.s32 $0xFFFFFFE0, s19;
	v29 =	vadd.s32 s28, v0;
	v30 =	vadd.s32 s26, v0;
	v24 =	vshll.u32 v20, $0x1;
	v25 =	vld.idx.msk [tilespmem:v12+s10+$0x0], $0xffff  }
0x282: {  	v33 =	vadd.s32 s29, v0;
	v20 =	vand.u32 $0x7F, v20;
	v24 =	vand.u32 $0x7FFFFF00, v24;
	v27 =	vld.idx.msk [tilespmem:v11+s10+$0x0], $0xffff  }
0x283: {  	v32 =	vshll.u32 v22, $0x1;
	v35 =	vshll.u32 v23, $0x1;
	v31 =	vld.idx.msk [tilespmem:v10+s10+$0x0], $0xffff;
	v20 =	vor.u32 v20, v24  }
0x284: {  	s22 =	simm.s32 $0x17FC0;
	v36 =	vshll.u32 v26, $0x1;
	v37 =	vshll.u32 v30, $0x1;
	v22 =	vand.u32 $0x7F, v22;
	v34 =	vld.idx.msk [tilespmem:v9+s10+$0x0], $0xffff  }
0x285: {  	v40 =	vand.u32 $0x7F, v23;
	v41 =	vand.u32 $0x7F, v26;
	v38 =	vld.idx.msk [tilespmem:v8+s10+$0x0], $0xffff;
	v24 =	vshll.u32 v29, $0x1;
	[tilespmem:s22+$0x20] =	vst v21  }
0x286: {  	v30 =	vand.u32 $0x7F, v30;
	v39 =	vld.idx.msk [tilespmem:v7+s10+$0x0], $0xffff;
	v21 =	vand.u32 $0x7FFFFF00, v24;
	v24 =	vshll.u32 v33, $0x1;
	[tilespmem:s22+$0xFFFFFFC0] =	vst v25  }
0x287: {  	v19 =	vand.u32 $0x7FFFFF00, v19;
	v25 =	vand.u32 $0x7F, v29;
	[tilespmem:s22+$0xFFFFFFD0] =	vst v27;
	v29 =	vand.u32 $0x7FFFFF00, v24;
	v24 =	vld.idx.msk [tilespmem:v5+s10+$0x0], $0xffff  }
0x288: {  	v32 =	vand.u32 $0x7FFFFF00, v32;
	v35 =	vand.u32 $0x7FFFFF00, v35;
	v36 =	vand.u32 $0x7FFFFF00, v36;
	[tilespmem:s22+$0xFFFFFFE0] =	vst v31;
	v23 =	vld.idx.msk [tilespmem:v20+s10+$0x0], $0xffff  }
0x289: {  	v37 =	vand.u32 $0x7FFFFF00, v37;
	v19 =	vor.u32 v28, v19;
	[tilespmem:s22+$0xFFFFFFF0] =	vst v34;
	v26 =	vor.u32 v25, v21  }
0x28a: {  	v27 =	vor.u32 v22, v32;
	[tilespmem:s22+$0x0] =	vst v38;
	v22 =	vor.u32 v30, v37;
	v20 =	vand.u32 $0x7F, v33  }
0x28b: {  	s23 =	simm.s32 $0x8;
	s20 =	simm.s32 $0x0;
	s24 =	sadd.s32 $0x80, s19;
	[tilespmem:s22+$0x10] =	vst v39;
	v25 =	vor.u32 v40, v35;
	v21 =	vor.u32 v41, v36;
	v20 =	vor.u32 v20, v29  }
.LBB2_30:
0x28c: {  	s21 =	sadd.s32 $0xFFFFFFF0, s24;
	v28 =	vadd.s32 s24, v0;
	s23 =	sadd.s32 $0x8, s23;
	[tilespmem:s22+$0x30] =	vst v24;
	s22 =	sadd.s32 $0x100, s22  }
0x28d: {  	s25 =	sadd.s32 $0xFFFFFFA0, s24;
	s26 =	sadd.s32 $0xFFFFFFB0, s24;
	v24 =	vadd.s32 s21, v0;
	v29 =	vand.u32 $0x7F, v28;
	v28 =	vshll.u32 v28, $0x1;
	p1 =	slt.u32 s23, $0x3F0;
	[tilespmem:s22+$0x20] =	vst v23  }
0x28e: {  	v23 =	vadd.s32 s25, v0;
	v30 =	vadd.s32 s26, v0;
	s21 =	sadd.s32 $0xFFFFFFC0, s24;
	s25 =	sadd.s32 $0xFFFFFFD0, s24;
	s26 =	sadd.s32 $0xFFFFFFE0, s24;
	v31 =	vshll.u32 v24, $0x1;
	v26 =	vld.idx.msk [tilespmem:v26+s10+$0x0], $0xffff  }
0x28f: {  	s28 =	sadd.s32 $0xFFFFFF90, s24;
	v32 =	vadd.s32 s21, v0;
	v24 =	vand.u32 $0x7F, v24;
	v31 =	vand.u32 $0x7FFFFF00, v31;
	v27 =	vld.idx.msk [tilespmem:v27+s10+$0x0], $0xffff  }
0x290: {  	v33 =	vadd.s32 s28, v0;
	v34 =	vadd.s32 s25, v0;
	v31 =	vor.u32 v24, v31;
	v25 =	vld.idx.msk [tilespmem:v25+s10+$0x0], $0xffff  }
0x291: {  	v35 =	vshll.u32 v23, $0x1;
	v36 =	vadd.s32 s26, v0;
	v24 =	vshll.u32 v33, $0x1;
	v21 =	vld.idx.msk [tilespmem:v21+s10+$0x0], $0xffff  }
0x292: {  	v37 =	vshll.u32 v30, $0x1;
	v38 =	vshll.u32 v32, $0x1;
	v39 =	vshll.u32 v34, $0x1;
	v22 =	vld.idx.msk [tilespmem:v22+s10+$0x0], $0xffff  }
0x293: {  	v35 =	vand.u32 $0x7FFFFF00, v35;
	v41 =	vshll.u32 v36, $0x1;
	v40 =	vand.u32 $0x7FFFFF00, v24;
	v42 =	vld.idx.msk [tilespmem:v20+s10+$0x0], $0xffff  }
0x294: {  	v20 =	vand.u32 $0x7FFFFF00, v37;
	v37 =	vand.u32 $0x7FFFFF00, v38;
	v38 =	vand.u32 $0x7FFFFF00, v39;
	[tilespmem:s22+$0xFFFFFFC0] =	vst v26;
	v24 =	vld.idx.msk [tilespmem:v19+s10+$0x0], $0xffff  }
.Ltmp14:
0x295: {  	v39 =	vand.u32 $0x7FFFFF00, v41;
	v19 =	vand.u32 $0x7F, v33;
	v33 =	vand.u32 $0x7F, v23;
	v23 =	vld.idx.msk [tilespmem:v31+s10+$0x0], $0xffff;
	[tilespmem:s22+$0xFFFFFFD0] =	vst v27;
	(pc) =	sbr.rel @p1 .LBB2_30-.Ltmp14, $4  }
0x296: {  	v30 =	vand.u32 $0x7F, v30;
	v31 =	vand.u32 $0x7F, v32;
	v32 =	vand.u32 $0x7F, v34;
	[tilespmem:s22+$0xFFFFFFE0] =	vst v25  }
0x297: {  	v28 =	vand.u32 $0x7FFFFF00, v28;
	v26 =	vor.u32 v19, v40;
	v19 =	vand.u32 $0x7F, v36;
	[tilespmem:s22+$0xFFFFFFF0] =	vst v21  }
0x298: {  	v27 =	vor.u32 v33, v35;
	v25 =	vor.u32 v30, v20;
	v21 =	vor.u32 v31, v37;
	[tilespmem:s22+$0x0] =	vst v22  }
0x299: {  	s24 =	sadd.s32 $0x80, s24;
	s21 =	simm.s32 $0x18070;
	v20 =	vor.u32 v19, v39;
	v19 =	vor.u32 v29, v28;
	v22 =	vor.u32 v32, v38;
	[tilespmem:s22+$0x10] =	vst v42  }
0x29a: {  	_ =	sdelay $0x3  }
0x29b: {  	v26 =	vld.idx.msk [tilespmem:v26+s10+$0x0], $0xffff  }
0x29c: {  	v27 =	vld.idx.msk [tilespmem:v27+s10+$0x0], $0xffff  }
0x29d: {  	v25 =	vld.idx.msk [tilespmem:v25+s10+$0x0], $0xffff  }
0x29e: {  	[tilespmem:s22+$0x30] =	vst v24;
	s29 =	sadd.s32 $0x100, s22;
	v21 =	vld.idx.msk [tilespmem:v21+s10+$0x0], $0xffff  }
0x29f: {  	v22 =	vld.idx.msk [tilespmem:v22+s10+$0x0], $0xffff;
	[tilespmem:s29+$0x20] =	vst v23  }
0x2a0: {  	v20 =	vld.idx.msk [tilespmem:v20+s10+$0x0], $0xffff;
	[tilespmem:s29+$0xFFFFFFC0] =	vst v26  }
0x2a1: {  	v19 =	vld.idx.msk [tilespmem:v19+s10+$0x0], $0xffff;
	[tilespmem:s29+$0xFFFFFFD0] =	vst v27  }
0x2a2: {  	[tilespmem:s29+$0xFFFFFFE0] =	vst v25  }
0x2a3: {  	[tilespmem:s29+$0xFFFFFFF0] =	vst v21  }
0x2a4: {  	[tilespmem:s29+$0x0] =	vst v22  }
0x2a5: {  	[tilespmem:s29+$0x10] =	vst v20  }
0x2a6: {  	[tilespmem:s29+$0x30] =	vst v19  }
0x2a7: {  	v23 =	vld.idx.msk [tilespmem:v13+s10+$0x0], $0xffff;
	_ =	sdelay $0x1  }
0x2a8: {  	v24 =	vor.u32 $0x80, v17  }
0x2a9: {  	v25 =	vor.u32 v2, v4;
	v21 =	vor.u32 $0x80, v18;
	v26 =	vor.u32 v3, v1  }
0x2aa: {  	v22 =	vor.u32 $0x80, v14;
	v20 =	vor.u32 $0x80, v15;
	v19 =	vor.u32 $0x80, v16  }
.LBB2_32:
0x2ab: {  	s22 =	sadd.s32 $0xFFFFFFA0, s19;
	s23 =	sadd.s32 $0xFFFFFFF0, s19;
	v27 =	vadd.s32 s19, v0;
	s20 =	sadd.s32 $0x8, s20;
	v25 =	vor.u32 $0x80, v25;
	[tilespmem:s21+$0xFFFFFFF0] =	vst v23;
	v23 =	vor.u32 $0x80, v26  }
0x2ac: {  	s24 =	sadd.s32 $0xFFFFFFC0, s19;
	v26 =	vadd.s32 s22, v0;
	s22 =	sadd.s32 $0xFFFFFFB0, s19;
	v28 =	vadd.s32 s23, v0;
	v29 =	vshll.u32 v27, $0x1;
	p1 =	slt.u32 s20, $0x3F0  }
0x2ad: {  	s23 =	sadd.s32 $0xFFFFFF90, s19;
	v31 =	vadd.s32 s24, v0;
	s24 =	sadd.s32 $0xFFFFFFE0, s19;
	v30 =	vadd.s32 s22, v0;
	s22 =	sadd.s32 $0xFFFFFFD0, s19;
	v32 =	vshll.u32 v28, $0x1  }
0x2ae: {  	v33 =	vadd.s32 s23, v0;
	v28 =	vand.u32 $0x7F, v28;
	v32 =	vand.u32 $0x7FFFFF00, v32;
	v24 =	vld.idx.msk [tilespmem:v24+s10+$0x0], $0xffff  }
0x2af: {  	v35 =	vadd.s32 s24, v0;
	v34 =	vadd.s32 s22, v0;
	v28 =	vor.u32 v32, v28;
	v21 =	vld.idx.msk [tilespmem:v21+s10+$0x0], $0xffff  }
0x2b0: {  	v36 =	vshll.u32 v26, $0x1;
	v32 =	vshll.u32 v33, $0x1;
	v28 =	vor.u32 $0x80, v28;
	v22 =	vld.idx.msk [tilespmem:v22+s10+$0x0], $0xffff  }
0x2b1: {  	v38 =	vshll.u32 v31, $0x1;
	v37 =	vshll.u32 v30, $0x1;
	v39 =	vshll.u32 v34, $0x1;
	v20 =	vld.idx.msk [tilespmem:v20+s10+$0x0], $0xffff  }
0x2b2: {  	v36 =	vand.u32 $0x7FFFFF00, v36;
	v40 =	vshll.u32 v35, $0x1;
	v32 =	vand.u32 $0x7FFFFF00, v32;
	v19 =	vld.idx.msk [tilespmem:v19+s10+$0x0], $0xffff  }
0x2b3: {  	v38 =	vand.u32 $0x7FFFFF00, v38;
	v37 =	vand.u32 $0x7FFFFF00, v37;
	v39 =	vand.u32 $0x7FFFFF00, v39;
	v41 =	vld.idx.msk [tilespmem:v25+s10+$0x0], $0xffff  }
0x2b4: {  	v26 =	vand.u32 $0x7F, v26;
	v25 =	vand.u32 $0x7F, v33;
	v33 =	vand.u32 $0x7FFFFF00, v40;
	[tilespmem:s21+$0xFFFFFF90] =	vst v24;
	v40 =	vld.idx.msk [tilespmem:v23+s10+$0x0], $0xffff  }
0x2b5: {  	v24 =	vand.u32 $0x7F, v30;
	v30 =	vand.u32 $0x7F, v31;
	v31 =	vand.u32 $0x7F, v34;
	v23 =	vld.idx.msk [tilespmem:v28+s10+$0x0], $0xffff;
	[tilespmem:s21+$0xFFFFFFA0] =	vst v21  }
.Ltmp15:
0x2b6: {  	v27 =	vand.u32 $0x7F, v27;
	v21 =	vand.u32 $0x7F, v35;
	v28 =	vand.u32 $0x7FFFFF00, v29;
	[tilespmem:s21+$0xFFFFFFB0] =	vst v22;
	(pc) =	sbr.rel @p1 .LBB2_32-.Ltmp15, $4  }
0x2b7: {  	v26 =	vor.u32 v36, v26;
	v29 =	vor.u32 v37, v24;
	v22 =	vor.u32 v32, v25;
	[tilespmem:s21+$0xFFFFFFC0] =	vst v20  }
0x2b8: {  	v25 =	vor.u32 v33, v21;
	v20 =	vor.u32 v38, v30;
	v30 =	vor.u32 v39, v31;
	[tilespmem:s21+$0xFFFFFFD0] =	vst v19  }
0x2b9: {  	v21 =	vor.u32 $0x80, v26;
	v26 =	vor.u32 v28, v27;
	v24 =	vor.u32 $0x80, v22;
	[tilespmem:s21+$0xFFFFFFE0] =	vst v41  }
0x2ba: {  	s19 =	sadd.s32 $0x80, s19;
	v22 =	vor.u32 $0x80, v29;
	v20 =	vor.u32 $0x80, v20;
	v19 =	vor.u32 $0x80, v30;
	[tilespmem:s21+$0x0] =	vst v40;
	s21 =	sadd.s32 $0x100, s21  }
0x2bb: {  	_ =	sdelay $0x3  }
0x2bc: {  	v25 =	vor.u32 $0x80, v25;
	v24 =	vld.idx.msk [tilespmem:v24+s10+$0x0], $0xffff  }
0x2bd: {  	v26 =	vor.u32 $0x80, v26;
	v21 =	vld.idx.msk [tilespmem:v21+s10+$0x0], $0xffff  }
0x2be: {  	v22 =	vld.idx.msk [tilespmem:v22+s10+$0x0], $0xffff  }
0x2bf: {  	v20 =	vld.idx.msk [tilespmem:v20+s10+$0x0], $0xffff  }
0x2c0: {  	[tilespmem:s21+$0xFFFFFFF0] =	vst v23;
	v19 =	vld.idx.msk [tilespmem:v19+s10+$0x0], $0xffff  }
0x2c1: {  	v23 =	vld.idx.msk [tilespmem:v25+s10+$0x0], $0xffff;
	[tilespmem:s21+$0xFFFFFF90] =	vst v24  }
0x2c2: {  	v24 =	vld.idx.msk [tilespmem:v26+s10+$0x0], $0xffff;
	[tilespmem:s21+$0xFFFFFFA0] =	vst v21  }
0x2c3: {  	[tilespmem:s21+$0xFFFFFFB0] =	vst v22  }
0x2c4: {  	[tilespmem:s21+$0xFFFFFFC0] =	vst v20  }
0x2c5: {  	[tilespmem:s21+$0xFFFFFFD0] =	vst v19  }
0x2c6: {  	[tilespmem:s21+$0xFFFFFFE0] =	vst v23  }
0x2c7: {  	[tilespmem:s21+$0x0] =	vst v24  }
0x2c8: {  	s19 =	rddreg [dreg:$0x13]  }
0x2c9: {  	[hbm4b:s19+s3] =	stream.linear.scatter [tilespmem:s13], [sflag:$0x4], $0x7F00, $0x38;
	[tilespmem:$0x1FE80] =	vst v63  }
0x2ca: {  	_ =	swait.ge [sflag:s9], $0x8000  }
0x2cb: {  	s23 =	rddreg [dreg:$0x14]  }
0x2cc: {  	s19 =	sadd.s32 s23, s18  }
0x2cd: {  	[sflag:s9] =	ssyncset.done $0x0;
	s19 =	sshrl.u32 s19, $0x3  }
0x2ce: {  	[sflag:s9] =	ssyncadd.s32 $0xFFFF8000;
	s19 =	sadd.s32 s1, s19  }
0x2cf: {  	[tilespmem:s10], [sflag:$0x2] =	stream.linear.gather [hbm4b:s19+s3], $0x8000, $0x38;
	[tilespmem:$0x1FE80] =	vst v63  }
0x2d0: {  	s19 =	sadd.s32 $0x80, s17;
	_ =	swait.ge [sflag:s14], $0x7F00  }
0x2d1: {  	s20 =	sadd.s32 $0xFFFFFFF0, s19;
	v19 =	vadd.s32 s19, v0;
	s24 =	sadd.s32 $0xFFFFFFA0, s19;
	[sflag:s14] =	ssyncset.done $0x0  }
0x2d2: {  	s22 =	sadd.s32 $0xFFFFFFB0, s19;
	s25 =	sadd.s32 $0xFFFFFFC0, s19;
	v20 =	vadd.s32 s20, v0;
	v28 =	vand.u32 $0x7F, v19;
	v19 =	vshll.u32 v19, $0x1;
	[sflag:s14] =	ssyncadd.s32 $0xFFFF8100  }
0x2d3: {  	s26 =	sadd.s32 $0xFFFFFFD0, s19;
	s28 =	sadd.s32 $0xFFFFFF90, s19;
	v22 =	vadd.s32 s24, v0;
	v23 =	vadd.s32 s22, v0;
	v26 =	vadd.s32 s25, v0;
	v21 =	vld.idx.msk [tilespmem:v6+s8+$0x0], $0xffff  }
0x2d4: {  	s29 =	sadd.s32 $0xFFFFFFE0, s19;
	v29 =	vadd.s32 s28, v0;
	v30 =	vadd.s32 s26, v0;
	v24 =	vshll.u32 v20, $0x1;
	v25 =	vld.idx.msk [tilespmem:v12+s8+$0x0], $0xffff  }
0x2d5: {  	v33 =	vadd.s32 s29, v0;
	v20 =	vand.u32 $0x7F, v20;
	v24 =	vand.u32 $0x7FFFFF00, v24;
	v27 =	vld.idx.msk [tilespmem:v11+s8+$0x0], $0xffff  }
0x2d6: {  	v32 =	vshll.u32 v22, $0x1;
	v35 =	vshll.u32 v23, $0x1;
	v31 =	vld.idx.msk [tilespmem:v10+s8+$0x0], $0xffff;
	v20 =	vor.u32 v20, v24  }
0x2d7: {  	s22 =	simm.s32 $0x100C0;
	v36 =	vshll.u32 v26, $0x1;
	v37 =	vshll.u32 v30, $0x1;
	v22 =	vand.u32 $0x7F, v22;
	v34 =	vld.idx.msk [tilespmem:v9+s8+$0x0], $0xffff  }
0x2d8: {  	v40 =	vand.u32 $0x7F, v23;
	v41 =	vand.u32 $0x7F, v26;
	v38 =	vld.idx.msk [tilespmem:v8+s8+$0x0], $0xffff;
	v24 =	vshll.u32 v29, $0x1;
	[tilespmem:s22+$0x20] =	vst v21  }
0x2d9: {  	v30 =	vand.u32 $0x7F, v30;
	v39 =	vld.idx.msk [tilespmem:v7+s8+$0x0], $0xffff;
	v21 =	vand.u32 $0x7FFFFF00, v24;
	v24 =	vshll.u32 v33, $0x1;
	[tilespmem:s22+$0xFFFFFFC0] =	vst v25  }
0x2da: {  	v19 =	vand.u32 $0x7FFFFF00, v19;
	v25 =	vand.u32 $0x7F, v29;
	[tilespmem:s22+$0xFFFFFFD0] =	vst v27;
	v29 =	vand.u32 $0x7FFFFF00, v24;
	v24 =	vld.idx.msk [tilespmem:v5+s8+$0x0], $0xffff  }
0x2db: {  	v32 =	vand.u32 $0x7FFFFF00, v32;
	v35 =	vand.u32 $0x7FFFFF00, v35;
	v36 =	vand.u32 $0x7FFFFF00, v36;
	[tilespmem:s22+$0xFFFFFFE0] =	vst v31;
	v23 =	vld.idx.msk [tilespmem:v20+s8+$0x0], $0xffff  }
0x2dc: {  	v37 =	vand.u32 $0x7FFFFF00, v37;
	v19 =	vor.u32 v28, v19;
	[tilespmem:s22+$0xFFFFFFF0] =	vst v34;
	v26 =	vor.u32 v25, v21  }
0x2dd: {  	v27 =	vor.u32 v22, v32;
	[tilespmem:s22+$0x0] =	vst v38;
	v22 =	vor.u32 v30, v37;
	v20 =	vand.u32 $0x7F, v33  }
0x2de: {  	s23 =	simm.s32 $0x8;
	s20 =	simm.s32 $0x0;
	s24 =	sadd.s32 $0x80, s19;
	[tilespmem:s22+$0x10] =	vst v39;
	v25 =	vor.u32 v40, v35;
	v21 =	vor.u32 v41, v36;
	v20 =	vor.u32 v20, v29  }
.LBB2_34:
0x2df: {  	s21 =	sadd.s32 $0xFFFFFFF0, s24;
	v28 =	vadd.s32 s24, v0;
	s23 =	sadd.s32 $0x8, s23;
	[tilespmem:s22+$0x30] =	vst v24;
	s22 =	sadd.s32 $0x100, s22  }
0x2e0: {  	s25 =	sadd.s32 $0xFFFFFFA0, s24;
	s26 =	sadd.s32 $0xFFFFFFB0, s24;
	v24 =	vadd.s32 s21, v0;
	v29 =	vand.u32 $0x7F, v28;
	v28 =	vshll.u32 v28, $0x1;
	p1 =	slt.u32 s23, $0x3F0;
	[tilespmem:s22+$0x20] =	vst v23  }
0x2e1: {  	v23 =	vadd.s32 s25, v0;
	v30 =	vadd.s32 s26, v0;
	s21 =	sadd.s32 $0xFFFFFFC0, s24;
	s25 =	sadd.s32 $0xFFFFFFD0, s24;
	s26 =	sadd.s32 $0xFFFFFFE0, s24;
	v31 =	vshll.u32 v24, $0x1;
	v26 =	vld.idx.msk [tilespmem:v26+s8+$0x0], $0xffff  }
0x2e2: {  	s28 =	sadd.s32 $0xFFFFFF90, s24;
	v32 =	vadd.s32 s21, v0;
	v24 =	vand.u32 $0x7F, v24;
	v31 =	vand.u32 $0x7FFFFF00, v31;
	v27 =	vld.idx.msk [tilespmem:v27+s8+$0x0], $0xffff  }
0x2e3: {  	v33 =	vadd.s32 s28, v0;
	v34 =	vadd.s32 s25, v0;
	v31 =	vor.u32 v24, v31;
	v25 =	vld.idx.msk [tilespmem:v25+s8+$0x0], $0xffff  }
0x2e4: {  	v35 =	vshll.u32 v23, $0x1;
	v36 =	vadd.s32 s26, v0;
	v24 =	vshll.u32 v33, $0x1;
	v21 =	vld.idx.msk [tilespmem:v21+s8+$0x0], $0xffff  }
0x2e5: {  	v37 =	vshll.u32 v30, $0x1;
	v38 =	vshll.u32 v32, $0x1;
	v39 =	vshll.u32 v34, $0x1;
	v22 =	vld.idx.msk [tilespmem:v22+s8+$0x0], $0xffff  }
0x2e6: {  	v35 =	vand.u32 $0x7FFFFF00, v35;
	v41 =	vshll.u32 v36, $0x1;
	v40 =	vand.u32 $0x7FFFFF00, v24;
	v42 =	vld.idx.msk [tilespmem:v20+s8+$0x0], $0xffff  }
0x2e7: {  	v20 =	vand.u32 $0x7FFFFF00, v37;
	v37 =	vand.u32 $0x7FFFFF00, v38;
	v38 =	vand.u32 $0x7FFFFF00, v39;
	[tilespmem:s22+$0xFFFFFFC0] =	vst v26;
	v24 =	vld.idx.msk [tilespmem:v19+s8+$0x0], $0xffff  }
.Ltmp16:
0x2e8: {  	v39 =	vand.u32 $0x7FFFFF00, v41;
	v19 =	vand.u32 $0x7F, v33;
	v33 =	vand.u32 $0x7F, v23;
	v23 =	vld.idx.msk [tilespmem:v31+s8+$0x0], $0xffff;
	[tilespmem:s22+$0xFFFFFFD0] =	vst v27;
	(pc) =	sbr.rel @p1 .LBB2_34-.Ltmp16, $4  }
0x2e9: {  	v30 =	vand.u32 $0x7F, v30;
	v31 =	vand.u32 $0x7F, v32;
	v32 =	vand.u32 $0x7F, v34;
	[tilespmem:s22+$0xFFFFFFE0] =	vst v25  }
0x2ea: {  	v28 =	vand.u32 $0x7FFFFF00, v28;
	v26 =	vor.u32 v19, v40;
	v19 =	vand.u32 $0x7F, v36;
	[tilespmem:s22+$0xFFFFFFF0] =	vst v21  }
0x2eb: {  	v27 =	vor.u32 v33, v35;
	v25 =	vor.u32 v30, v20;
	v21 =	vor.u32 v31, v37;
	[tilespmem:s22+$0x0] =	vst v22  }
0x2ec: {  	s24 =	sadd.s32 $0x80, s24;
	s21 =	simm.s32 $0x10170;
	v20 =	vor.u32 v19, v39;
	v19 =	vor.u32 v29, v28;
	v22 =	vor.u32 v32, v38;
	[tilespmem:s22+$0x10] =	vst v42  }
0x2ed: {  	_ =	sdelay $0x3  }
0x2ee: {  	v26 =	vld.idx.msk [tilespmem:v26+s8+$0x0], $0xffff  }
0x2ef: {  	v27 =	vld.idx.msk [tilespmem:v27+s8+$0x0], $0xffff  }
0x2f0: {  	v25 =	vld.idx.msk [tilespmem:v25+s8+$0x0], $0xffff  }
0x2f1: {  	[tilespmem:s22+$0x30] =	vst v24;
	s29 =	sadd.s32 $0x100, s22;
	v21 =	vld.idx.msk [tilespmem:v21+s8+$0x0], $0xffff  }
0x2f2: {  	v22 =	vld.idx.msk [tilespmem:v22+s8+$0x0], $0xffff;
	[tilespmem:s29+$0x20] =	vst v23  }
0x2f3: {  	v20 =	vld.idx.msk [tilespmem:v20+s8+$0x0], $0xffff;
	[tilespmem:s29+$0xFFFFFFC0] =	vst v26  }
0x2f4: {  	v19 =	vld.idx.msk [tilespmem:v19+s8+$0x0], $0xffff;
	[tilespmem:s29+$0xFFFFFFD0] =	vst v27  }
0x2f5: {  	[tilespmem:s29+$0xFFFFFFE0] =	vst v25  }
0x2f6: {  	[tilespmem:s29+$0xFFFFFFF0] =	vst v21  }
0x2f7: {  	[tilespmem:s29+$0x0] =	vst v22  }
0x2f8: {  	[tilespmem:s29+$0x10] =	vst v20  }
0x2f9: {  	[tilespmem:s29+$0x30] =	vst v19  }
0x2fa: {  	v23 =	vld.idx.msk [tilespmem:v13+s8+$0x0], $0xffff;
	_ =	sdelay $0x1  }
0x2fb: {  	v24 =	vor.u32 $0x80, v17  }
0x2fc: {  	v25 =	vor.u32 v2, v4;
	v21 =	vor.u32 $0x80, v18;
	v26 =	vor.u32 v3, v1  }
0x2fd: {  	v22 =	vor.u32 $0x80, v14;
	v20 =	vor.u32 $0x80, v15;
	v19 =	vor.u32 $0x80, v16  }
.LBB2_36:
0x2fe: {  	s22 =	sadd.s32 $0xFFFFFFA0, s19;
	s23 =	sadd.s32 $0xFFFFFFF0, s19;
	v27 =	vadd.s32 s19, v0;
	s20 =	sadd.s32 $0x8, s20;
	v25 =	vor.u32 $0x80, v25;
	[tilespmem:s21+$0xFFFFFFF0] =	vst v23;
	v23 =	vor.u32 $0x80, v26  }
0x2ff: {  	s24 =	sadd.s32 $0xFFFFFFC0, s19;
	v26 =	vadd.s32 s22, v0;
	s22 =	sadd.s32 $0xFFFFFFB0, s19;
	v28 =	vadd.s32 s23, v0;
	v29 =	vshll.u32 v27, $0x1;
	p1 =	slt.u32 s20, $0x3F0  }
0x300: {  	s23 =	sadd.s32 $0xFFFFFF90, s19;
	v31 =	vadd.s32 s24, v0;
	s24 =	sadd.s32 $0xFFFFFFE0, s19;
	v30 =	vadd.s32 s22, v0;
	s22 =	sadd.s32 $0xFFFFFFD0, s19;
	v32 =	vshll.u32 v28, $0x1  }
0x301: {  	v33 =	vadd.s32 s23, v0;
	v28 =	vand.u32 $0x7F, v28;
	v32 =	vand.u32 $0x7FFFFF00, v32;
	v24 =	vld.idx.msk [tilespmem:v24+s8+$0x0], $0xffff  }
0x302: {  	v35 =	vadd.s32 s24, v0;
	v34 =	vadd.s32 s22, v0;
	v28 =	vor.u32 v32, v28;
	v21 =	vld.idx.msk [tilespmem:v21+s8+$0x0], $0xffff  }
0x303: {  	v36 =	vshll.u32 v26, $0x1;
	v32 =	vshll.u32 v33, $0x1;
	v28 =	vor.u32 $0x80, v28;
	v22 =	vld.idx.msk [tilespmem:v22+s8+$0x0], $0xffff  }
0x304: {  	v38 =	vshll.u32 v31, $0x1;
	v37 =	vshll.u32 v30, $0x1;
	v39 =	vshll.u32 v34, $0x1;
	v20 =	vld.idx.msk [tilespmem:v20+s8+$0x0], $0xffff  }
0x305: {  	v36 =	vand.u32 $0x7FFFFF00, v36;
	v40 =	vshll.u32 v35, $0x1;
	v32 =	vand.u32 $0x7FFFFF00, v32;
	v19 =	vld.idx.msk [tilespmem:v19+s8+$0x0], $0xffff  }
0x306: {  	v38 =	vand.u32 $0x7FFFFF00, v38;
	v37 =	vand.u32 $0x7FFFFF00, v37;
	v39 =	vand.u32 $0x7FFFFF00, v39;
	v41 =	vld.idx.msk [tilespmem:v25+s8+$0x0], $0xffff  }
0x307: {  	v26 =	vand.u32 $0x7F, v26;
	v25 =	vand.u32 $0x7F, v33;
	v33 =	vand.u32 $0x7FFFFF00, v40;
	[tilespmem:s21+$0xFFFFFF90] =	vst v24;
	v40 =	vld.idx.msk [tilespmem:v23+s8+$0x0], $0xffff  }
0x308: {  	v24 =	vand.u32 $0x7F, v30;
	v30 =	vand.u32 $0x7F, v31;
	v31 =	vand.u32 $0x7F, v34;
	v23 =	vld.idx.msk [tilespmem:v28+s8+$0x0], $0xffff;
	[tilespmem:s21+$0xFFFFFFA0] =	vst v21  }
.Ltmp17:
0x309: {  	v27 =	vand.u32 $0x7F, v27;
	v21 =	vand.u32 $0x7F, v35;
	v28 =	vand.u32 $0x7FFFFF00, v29;
	[tilespmem:s21+$0xFFFFFFB0] =	vst v22;
	(pc) =	sbr.rel @p1 .LBB2_36-.Ltmp17, $4  }
0x30a: {  	v26 =	vor.u32 v36, v26;
	v29 =	vor.u32 v37, v24;
	v22 =	vor.u32 v32, v25;
	[tilespmem:s21+$0xFFFFFFC0] =	vst v20  }
0x30b: {  	v25 =	vor.u32 v33, v21;
	v20 =	vor.u32 v38, v30;
	v30 =	vor.u32 v39, v31;
	[tilespmem:s21+$0xFFFFFFD0] =	vst v19  }
0x30c: {  	v21 =	vor.u32 $0x80, v26;
	v26 =	vor.u32 v28, v27;
	v24 =	vor.u32 $0x80, v22;
	[tilespmem:s21+$0xFFFFFFE0] =	vst v41  }
0x30d: {  	s19 =	sadd.s32 $0x80, s19;
	v22 =	vor.u32 $0x80, v29;
	v20 =	vor.u32 $0x80, v20;
	v19 =	vor.u32 $0x80, v30;
	[tilespmem:s21+$0x0] =	vst v40;
	s21 =	sadd.s32 $0x100, s21  }
0x30e: {  	_ =	sdelay $0x3  }
0x30f: {  	v25 =	vor.u32 $0x80, v25;
	v24 =	vld.idx.msk [tilespmem:v24+s8+$0x0], $0xffff  }
0x310: {  	v26 =	vor.u32 $0x80, v26;
	v21 =	vld.idx.msk [tilespmem:v21+s8+$0x0], $0xffff  }
0x311: {  	v22 =	vld.idx.msk [tilespmem:v22+s8+$0x0], $0xffff  }
0x312: {  	v20 =	vld.idx.msk [tilespmem:v20+s8+$0x0], $0xffff  }
0x313: {  	[tilespmem:s21+$0xFFFFFFF0] =	vst v23;
	v19 =	vld.idx.msk [tilespmem:v19+s8+$0x0], $0xffff  }
0x314: {  	v23 =	vld.idx.msk [tilespmem:v25+s8+$0x0], $0xffff;
	[tilespmem:s21+$0xFFFFFF90] =	vst v24  }
0x315: {  	v24 =	vld.idx.msk [tilespmem:v26+s8+$0x0], $0xffff;
	[tilespmem:s21+$0xFFFFFFA0] =	vst v21  }
0x316: {  	[tilespmem:s21+$0xFFFFFFB0] =	vst v22  }
0x317: {  	[tilespmem:s21+$0xFFFFFFC0] =	vst v20  }
0x318: {  	[tilespmem:s21+$0xFFFFFFD0] =	vst v19  }
0x319: {  	[tilespmem:s21+$0xFFFFFFE0] =	vst v23  }
0x31a: {  	[tilespmem:s21+$0x0] =	vst v24  }
0x31b: {  	s19 =	rddreg [dreg:$0x15]  }
0x31c: {  	[hbm4b:s19+s3] =	stream.linear.scatter [tilespmem:s11], [sflag:$0x3], $0x7F00, $0x38;
	[tilespmem:$0x1FE80] =	vst v63  }
0x31d: {  	_ =	swait.ge [sflag:s12], $0x8000  }
0x31e: {  	s23 =	rddreg [dreg:$0x17]  }
0x31f: {  	s19 =	sadd.s32 s23, s18  }
0x320: {  	[sflag:s12] =	ssyncset.done $0x0;
	s19 =	sshrl.u32 s19, $0x3  }
0x321: {  	[sflag:s12] =	ssyncadd.s32 $0xFFFF8000;
	s19 =	sadd.s32 s1, s19  }
0x322: {  	[tilespmem:s8], [sflag:$0x1] =	stream.linear.gather [hbm4b:s19+s3], $0x8000, $0x38;
	[tilespmem:$0x1FE80] =	vst v63  }
0x323: {  	s19 =	sadd.s32 $0x80, s17;
	_ =	swait.ge [sflag:s15], $0x7F00  }
0x324: {  	s20 =	sadd.s32 $0xFFFFFFF0, s19;
	v19 =	vadd.s32 s19, v0;
	s24 =	sadd.s32 $0xFFFFFFA0, s19;
	[sflag:s15] =	ssyncset.done $0x0  }
0x325: {  	s22 =	sadd.s32 $0xFFFFFFB0, s19;
	s25 =	sadd.s32 $0xFFFFFFC0, s19;
	v20 =	vadd.s32 s20, v0;
	v28 =	vand.u32 $0x7F, v19;
	v19 =	vshll.u32 v19, $0x1;
	[sflag:s15] =	ssyncadd.s32 $0xFFFF8100  }
0x326: {  	s26 =	sadd.s32 $0xFFFFFFD0, s19;
	s28 =	sadd.s32 $0xFFFFFF90, s19;
	v22 =	vadd.s32 s24, v0;
	v23 =	vadd.s32 s22, v0;
	v26 =	vadd.s32 s25, v0;
	v21 =	vld.idx.msk [tilespmem:v6+s10+$0x0], $0xffff  }
0x327: {  	s29 =	sadd.s32 $0xFFFFFFE0, s19;
	v29 =	vadd.s32 s28, v0;
	v30 =	vadd.s32 s26, v0;
	v24 =	vshll.u32 v20, $0x1;
	v25 =	vld.idx.msk [tilespmem:v12+s10+$0x0], $0xffff  }
0x328: {  	v33 =	vadd.s32 s29, v0;
	v20 =	vand.u32 $0x7F, v20;
	v24 =	vand.u32 $0x7FFFFF00, v24;
	v27 =	vld.idx.msk [tilespmem:v11+s10+$0x0], $0xffff  }
0x329: {  	v32 =	vshll.u32 v22, $0x1;
	v35 =	vshll.u32 v23, $0x1;
	v31 =	vld.idx.msk [tilespmem:v10+s10+$0x0], $0xffff;
	v20 =	vor.u32 v20, v24  }
0x32a: {  	s22 =	simm.s32 $0x17FC0;
	v36 =	vshll.u32 v26, $0x1;
	v37 =	vshll.u32 v30, $0x1;
	v22 =	vand.u32 $0x7F, v22;
	v34 =	vld.idx.msk [tilespmem:v9+s10+$0x0], $0xffff  }
0x32b: {  	v40 =	vand.u32 $0x7F, v23;
	v41 =	vand.u32 $0x7F, v26;
	v38 =	vld.idx.msk [tilespmem:v8+s10+$0x0], $0xffff;
	v24 =	vshll.u32 v29, $0x1;
	[tilespmem:s22+$0x20] =	vst v21  }
0x32c: {  	v30 =	vand.u32 $0x7F, v30;
	v39 =	vld.idx.msk [tilespmem:v7+s10+$0x0], $0xffff;
	v21 =	vand.u32 $0x7FFFFF00, v24;
	v24 =	vshll.u32 v33, $0x1;
	[tilespmem:s22+$0xFFFFFFC0] =	vst v25  }
0x32d: {  	v19 =	vand.u32 $0x7FFFFF00, v19;
	v25 =	vand.u32 $0x7F, v29;
	[tilespmem:s22+$0xFFFFFFD0] =	vst v27;
	v29 =	vand.u32 $0x7FFFFF00, v24;
	v24 =	vld.idx.msk [tilespmem:v5+s10+$0x0], $0xffff  }
0x32e: {  	v32 =	vand.u32 $0x7FFFFF00, v32;
	v35 =	vand.u32 $0x7FFFFF00, v35;
	v36 =	vand.u32 $0x7FFFFF00, v36;
	[tilespmem:s22+$0xFFFFFFE0] =	vst v31;
	v23 =	vld.idx.msk [tilespmem:v20+s10+$0x0], $0xffff  }
0x32f: {  	v37 =	vand.u32 $0x7FFFFF00, v37;
	v19 =	vor.u32 v28, v19;
	[tilespmem:s22+$0xFFFFFFF0] =	vst v34;
	v26 =	vor.u32 v25, v21  }
0x330: {  	v27 =	vor.u32 v22, v32;
	[tilespmem:s22+$0x0] =	vst v38;
	v22 =	vor.u32 v30, v37;
	v20 =	vand.u32 $0x7F, v33  }
0x331: {  	s23 =	simm.s32 $0x8;
	s20 =	simm.s32 $0x0;
	s24 =	sadd.s32 $0x80, s19;
	[tilespmem:s22+$0x10] =	vst v39;
	v25 =	vor.u32 v40, v35;
	v21 =	vor.u32 v41, v36;
	v20 =	vor.u32 v20, v29  }
.LBB2_38:
0x332: {  	s21 =	sadd.s32 $0xFFFFFFF0, s24;
	v28 =	vadd.s32 s24, v0;
	s23 =	sadd.s32 $0x8, s23;
	[tilespmem:s22+$0x30] =	vst v24;
	s22 =	sadd.s32 $0x100, s22  }
0x333: {  	s25 =	sadd.s32 $0xFFFFFFA0, s24;
	s26 =	sadd.s32 $0xFFFFFFB0, s24;
	v24 =	vadd.s32 s21, v0;
	v29 =	vand.u32 $0x7F, v28;
	v28 =	vshll.u32 v28, $0x1;
	p1 =	slt.u32 s23, $0x3F0;
	[tilespmem:s22+$0x20] =	vst v23  }
0x334: {  	v23 =	vadd.s32 s25, v0;
	v30 =	vadd.s32 s26, v0;
	s21 =	sadd.s32 $0xFFFFFFC0, s24;
	s25 =	sadd.s32 $0xFFFFFFD0, s24;
	s26 =	sadd.s32 $0xFFFFFFE0, s24;
	v31 =	vshll.u32 v24, $0x1;
	v26 =	vld.idx.msk [tilespmem:v26+s10+$0x0], $0xffff  }
0x335: {  	s28 =	sadd.s32 $0xFFFFFF90, s24;
	v32 =	vadd.s32 s21, v0;
	v24 =	vand.u32 $0x7F, v24;
	v31 =	vand.u32 $0x7FFFFF00, v31;
	v27 =	vld.idx.msk [tilespmem:v27+s10+$0x0], $0xffff  }
0x336: {  	v33 =	vadd.s32 s28, v0;
	v34 =	vadd.s32 s25, v0;
	v31 =	vor.u32 v24, v31;
	v25 =	vld.idx.msk [tilespmem:v25+s10+$0x0], $0xffff  }
0x337: {  	v35 =	vshll.u32 v23, $0x1;
	v36 =	vadd.s32 s26, v0;
	v24 =	vshll.u32 v33, $0x1;
	v21 =	vld.idx.msk [tilespmem:v21+s10+$0x0], $0xffff  }
0x338: {  	v37 =	vshll.u32 v30, $0x1;
	v38 =	vshll.u32 v32, $0x1;
	v39 =	vshll.u32 v34, $0x1;
	v22 =	vld.idx.msk [tilespmem:v22+s10+$0x0], $0xffff  }
0x339: {  	v35 =	vand.u32 $0x7FFFFF00, v35;
	v41 =	vshll.u32 v36, $0x1;
	v40 =	vand.u32 $0x7FFFFF00, v24;
	v42 =	vld.idx.msk [tilespmem:v20+s10+$0x0], $0xffff  }
0x33a: {  	v20 =	vand.u32 $0x7FFFFF00, v37;
	v37 =	vand.u32 $0x7FFFFF00, v38;
	v38 =	vand.u32 $0x7FFFFF00, v39;
	[tilespmem:s22+$0xFFFFFFC0] =	vst v26;
	v24 =	vld.idx.msk [tilespmem:v19+s10+$0x0], $0xffff  }
.Ltmp18:
0x33b: {  	v39 =	vand.u32 $0x7FFFFF00, v41;
	v19 =	vand.u32 $0x7F, v33;
	v33 =	vand.u32 $0x7F, v23;
	v23 =	vld.idx.msk [tilespmem:v31+s10+$0x0], $0xffff;
	[tilespmem:s22+$0xFFFFFFD0] =	vst v27;
	(pc) =	sbr.rel @p1 .LBB2_38-.Ltmp18, $4  }
0x33c: {  	v30 =	vand.u32 $0x7F, v30;
	v31 =	vand.u32 $0x7F, v32;
	v32 =	vand.u32 $0x7F, v34;
	[tilespmem:s22+$0xFFFFFFE0] =	vst v25  }
0x33d: {  	v28 =	vand.u32 $0x7FFFFF00, v28;
	v26 =	vor.u32 v19, v40;
	v19 =	vand.u32 $0x7F, v36;
	[tilespmem:s22+$0xFFFFFFF0] =	vst v21  }
0x33e: {  	v27 =	vor.u32 v33, v35;
	v25 =	vor.u32 v30, v20;
	v21 =	vor.u32 v31, v37;
	[tilespmem:s22+$0x0] =	vst v22  }
0x33f: {  	s24 =	sadd.s32 $0x80, s24;
	s21 =	simm.s32 $0x18070;
	v20 =	vor.u32 v19, v39;
	v19 =	vor.u32 v29, v28;
	v22 =	vor.u32 v32, v38;
	[tilespmem:s22+$0x10] =	vst v42  }
0x340: {  	_ =	sdelay $0x3  }
0x341: {  	v26 =	vld.idx.msk [tilespmem:v26+s10+$0x0], $0xffff  }
0x342: {  	v27 =	vld.idx.msk [tilespmem:v27+s10+$0x0], $0xffff  }
0x343: {  	v25 =	vld.idx.msk [tilespmem:v25+s10+$0x0], $0xffff  }
0x344: {  	[tilespmem:s22+$0x30] =	vst v24;
	s29 =	sadd.s32 $0x100, s22;
	v21 =	vld.idx.msk [tilespmem:v21+s10+$0x0], $0xffff  }
0x345: {  	v22 =	vld.idx.msk [tilespmem:v22+s10+$0x0], $0xffff;
	[tilespmem:s29+$0x20] =	vst v23  }
0x346: {  	v20 =	vld.idx.msk [tilespmem:v20+s10+$0x0], $0xffff;
	[tilespmem:s29+$0xFFFFFFC0] =	vst v26  }
0x347: {  	v19 =	vld.idx.msk [tilespmem:v19+s10+$0x0], $0xffff;
	[tilespmem:s29+$0xFFFFFFD0] =	vst v27  }
0x348: {  	[tilespmem:s29+$0xFFFFFFE0] =	vst v25  }
0x349: {  	[tilespmem:s29+$0xFFFFFFF0] =	vst v21  }
0x34a: {  	[tilespmem:s29+$0x0] =	vst v22  }
0x34b: {  	[tilespmem:s29+$0x10] =	vst v20  }
0x34c: {  	[tilespmem:s29+$0x30] =	vst v19  }
0x34d: {  	v23 =	vld.idx.msk [tilespmem:v13+s10+$0x0], $0xffff;
	_ =	sdelay $0x1  }
0x34e: {  	v24 =	vor.u32 $0x80, v17  }
0x34f: {  	v25 =	vor.u32 v2, v4;
	v21 =	vor.u32 $0x80, v18;
	v26 =	vor.u32 v3, v1  }
0x350: {  	v22 =	vor.u32 $0x80, v14;
	v20 =	vor.u32 $0x80, v15;
	v19 =	vor.u32 $0x80, v16  }
.LBB2_40:
0x351: {  	s22 =	sadd.s32 $0xFFFFFFA0, s19;
	s23 =	sadd.s32 $0xFFFFFFF0, s19;
	v27 =	vadd.s32 s19, v0;
	s20 =	sadd.s32 $0x8, s20;
	v25 =	vor.u32 $0x80, v25;
	[tilespmem:s21+$0xFFFFFFF0] =	vst v23;
	v23 =	vor.u32 $0x80, v26  }
0x352: {  	s24 =	sadd.s32 $0xFFFFFFC0, s19;
	v26 =	vadd.s32 s22, v0;
	s22 =	sadd.s32 $0xFFFFFFB0, s19;
	v28 =	vadd.s32 s23, v0;
	v29 =	vshll.u32 v27, $0x1;
	p1 =	slt.u32 s20, $0x3F0  }
0x353: {  	s23 =	sadd.s32 $0xFFFFFF90, s19;
	v31 =	vadd.s32 s24, v0;
	s24 =	sadd.s32 $0xFFFFFFE0, s19;
	v30 =	vadd.s32 s22, v0;
	s22 =	sadd.s32 $0xFFFFFFD0, s19;
	v32 =	vshll.u32 v28, $0x1  }
0x354: {  	v33 =	vadd.s32 s23, v0;
	v28 =	vand.u32 $0x7F, v28;
	v32 =	vand.u32 $0x7FFFFF00, v32;
	v24 =	vld.idx.msk [tilespmem:v24+s10+$0x0], $0xffff  }
0x355: {  	v35 =	vadd.s32 s24, v0;
	v34 =	vadd.s32 s22, v0;
	v28 =	vor.u32 v32, v28;
	v21 =	vld.idx.msk [tilespmem:v21+s10+$0x0], $0xffff  }
0x356: {  	v36 =	vshll.u32 v26, $0x1;
	v32 =	vshll.u32 v33, $0x1;
	v28 =	vor.u32 $0x80, v28;
	v22 =	vld.idx.msk [tilespmem:v22+s10+$0x0], $0xffff  }
0x357: {  	v38 =	vshll.u32 v31, $0x1;
	v37 =	vshll.u32 v30, $0x1;
	v39 =	vshll.u32 v34, $0x1;
	v20 =	vld.idx.msk [tilespmem:v20+s10+$0x0], $0xffff  }
0x358: {  	v36 =	vand.u32 $0x7FFFFF00, v36;
	v40 =	vshll.u32 v35, $0x1;
	v32 =	vand.u32 $0x7FFFFF00, v32;
	v19 =	vld.idx.msk [tilespmem:v19+s10+$0x0], $0xffff  }
0x359: {  	v38 =	vand.u32 $0x7FFFFF00, v38;
	v37 =	vand.u32 $0x7FFFFF00, v37;
	v39 =	vand.u32 $0x7FFFFF00, v39;
	v41 =	vld.idx.msk [tilespmem:v25+s10+$0x0], $0xffff  }
0x35a: {  	v26 =	vand.u32 $0x7F, v26;
	v25 =	vand.u32 $0x7F, v33;
	v33 =	vand.u32 $0x7FFFFF00, v40;
	[tilespmem:s21+$0xFFFFFF90] =	vst v24;
	v40 =	vld.idx.msk [tilespmem:v23+s10+$0x0], $0xffff  }
0x35b: {  	v24 =	vand.u32 $0x7F, v30;
	v30 =	vand.u32 $0x7F, v31;
	v31 =	vand.u32 $0x7F, v34;
	v23 =	vld.idx.msk [tilespmem:v28+s10+$0x0], $0xffff;
	[tilespmem:s21+$0xFFFFFFA0] =	vst v21  }
.Ltmp19:
0x35c: {  	v27 =	vand.u32 $0x7F, v27;
	v21 =	vand.u32 $0x7F, v35;
	v28 =	vand.u32 $0x7FFFFF00, v29;
	[tilespmem:s21+$0xFFFFFFB0] =	vst v22;
	(pc) =	sbr.rel @p1 .LBB2_40-.Ltmp19, $4  }
0x35d: {  	v26 =	vor.u32 v36, v26;
	v29 =	vor.u32 v37, v24;
	v22 =	vor.u32 v32, v25;
	[tilespmem:s21+$0xFFFFFFC0] =	vst v20  }
0x35e: {  	v25 =	vor.u32 v33, v21;
	v20 =	vor.u32 v38, v30;
	v30 =	vor.u32 v39, v31;
	[tilespmem:s21+$0xFFFFFFD0] =	vst v19  }
0x35f: {  	v21 =	vor.u32 $0x80, v26;
	v26 =	vor.u32 v28, v27;
	v24 =	vor.u32 $0x80, v22;
	[tilespmem:s21+$0xFFFFFFE0] =	vst v41  }
0x360: {  	s19 =	sadd.s32 $0x80, s19;
	v22 =	vor.u32 $0x80, v29;
	v20 =	vor.u32 $0x80, v20;
	v19 =	vor.u32 $0x80, v30;
	[tilespmem:s21+$0x0] =	vst v40;
	s21 =	sadd.s32 $0x100, s21  }
0x361: {  	_ =	sdelay $0x3  }
0x362: {  	v25 =	vor.u32 $0x80, v25;
	v24 =	vld.idx.msk [tilespmem:v24+s10+$0x0], $0xffff  }
0x363: {  	v26 =	vor.u32 $0x80, v26;
	v21 =	vld.idx.msk [tilespmem:v21+s10+$0x0], $0xffff  }
0x364: {  	v22 =	vld.idx.msk [tilespmem:v22+s10+$0x0], $0xffff  }
0x365: {  	v20 =	vld.idx.msk [tilespmem:v20+s10+$0x0], $0xffff  }
0x366: {  	[tilespmem:s21+$0xFFFFFFF0] =	vst v23;
	v19 =	vld.idx.msk [tilespmem:v19+s10+$0x0], $0xffff  }
0x367: {  	v23 =	vld.idx.msk [tilespmem:v25+s10+$0x0], $0xffff;
	[tilespmem:s21+$0xFFFFFF90] =	vst v24  }
0x368: {  	v24 =	vld.idx.msk [tilespmem:v26+s10+$0x0], $0xffff;
	[tilespmem:s21+$0xFFFFFFA0] =	vst v21  }
0x369: {  	[tilespmem:s21+$0xFFFFFFB0] =	vst v22  }
0x36a: {  	[tilespmem:s21+$0xFFFFFFC0] =	vst v20  }
0x36b: {  	[tilespmem:s21+$0xFFFFFFD0] =	vst v19  }
0x36c: {  	[tilespmem:s21+$0xFFFFFFE0] =	vst v23  }
0x36d: {  	[tilespmem:s21+$0x0] =	vst v24  }
0x36e: {  	s19 =	rddreg [dreg:$0x18]  }
0x36f: {  	[hbm4b:s19+s3] =	stream.linear.scatter [tilespmem:s13], [sflag:$0x4], $0x7F00, $0x38;
	[tilespmem:$0x1FE80] =	vst v63  }
0x370: {  	_ =	swait.ge [sflag:s9], $0x8000  }
0x371: {  	s23 =	rddreg [dreg:$0x19]  }
0x372: {  	s19 =	sadd.s32 s23, s18  }
0x373: {  	[sflag:s9] =	ssyncset.done $0x0;
	s19 =	sshrl.u32 s19, $0x3  }
0x374: {  	[sflag:s9] =	ssyncadd.s32 $0xFFFF8000;
	s19 =	sadd.s32 s1, s19  }
0x375: {  	[tilespmem:s10], [sflag:$0x2] =	stream.linear.gather [hbm4b:s19+s3], $0x8000, $0x38;
	[tilespmem:$0x1FE80] =	vst v63  }
0x376: {  	s19 =	sadd.s32 $0x80, s17;
	_ =	swait.ge [sflag:s14], $0x7F00  }
0x377: {  	s20 =	sadd.s32 $0xFFFFFFF0, s19;
	v19 =	vadd.s32 s19, v0;
	s24 =	sadd.s32 $0xFFFFFFA0, s19;
	[sflag:s14] =	ssyncset.done $0x0  }
0x378: {  	s22 =	sadd.s32 $0xFFFFFFB0, s19;
	s25 =	sadd.s32 $0xFFFFFFC0, s19;
	v20 =	vadd.s32 s20, v0;
	v28 =	vand.u32 $0x7F, v19;
	v19 =	vshll.u32 v19, $0x1;
	[sflag:s14] =	ssyncadd.s32 $0xFFFF8100  }
0x379: {  	s26 =	sadd.s32 $0xFFFFFFD0, s19;
	s28 =	sadd.s32 $0xFFFFFF90, s19;
	v22 =	vadd.s32 s24, v0;
	v23 =	vadd.s32 s22, v0;
	v26 =	vadd.s32 s25, v0;
	v21 =	vld.idx.msk [tilespmem:v6+s8+$0x0], $0xffff  }
0x37a: {  	s29 =	sadd.s32 $0xFFFFFFE0, s19;
	v29 =	vadd.s32 s28, v0;
	v30 =	vadd.s32 s26, v0;
	v24 =	vshll.u32 v20, $0x1;
	v25 =	vld.idx.msk [tilespmem:v12+s8+$0x0], $0xffff  }
0x37b: {  	v33 =	vadd.s32 s29, v0;
	v20 =	vand.u32 $0x7F, v20;
	v24 =	vand.u32 $0x7FFFFF00, v24;
	v27 =	vld.idx.msk [tilespmem:v11+s8+$0x0], $0xffff  }
0x37c: {  	v32 =	vshll.u32 v22, $0x1;
	v35 =	vshll.u32 v23, $0x1;
	v31 =	vld.idx.msk [tilespmem:v10+s8+$0x0], $0xffff;
	v20 =	vor.u32 v20, v24  }
0x37d: {  	s22 =	simm.s32 $0x100C0;
	v36 =	vshll.u32 v26, $0x1;
	v37 =	vshll.u32 v30, $0x1;
	v22 =	vand.u32 $0x7F, v22;
	v34 =	vld.idx.msk [tilespmem:v9+s8+$0x0], $0xffff  }
0x37e: {  	v40 =	vand.u32 $0x7F, v23;
	v41 =	vand.u32 $0x7F, v26;
	v38 =	vld.idx.msk [tilespmem:v8+s8+$0x0], $0xffff;
	v24 =	vshll.u32 v29, $0x1;
	[tilespmem:s22+$0x20] =	vst v21  }
0x37f: {  	v30 =	vand.u32 $0x7F, v30;
	v39 =	vld.idx.msk [tilespmem:v7+s8+$0x0], $0xffff;
	v21 =	vand.u32 $0x7FFFFF00, v24;
	v24 =	vshll.u32 v33, $0x1;
	[tilespmem:s22+$0xFFFFFFC0] =	vst v25  }
0x380: {  	v19 =	vand.u32 $0x7FFFFF00, v19;
	v25 =	vand.u32 $0x7F, v29;
	[tilespmem:s22+$0xFFFFFFD0] =	vst v27;
	v29 =	vand.u32 $0x7FFFFF00, v24;
	v24 =	vld.idx.msk [tilespmem:v5+s8+$0x0], $0xffff  }
0x381: {  	v32 =	vand.u32 $0x7FFFFF00, v32;
	v35 =	vand.u32 $0x7FFFFF00, v35;
	v36 =	vand.u32 $0x7FFFFF00, v36;
	[tilespmem:s22+$0xFFFFFFE0] =	vst v31;
	v23 =	vld.idx.msk [tilespmem:v20+s8+$0x0], $0xffff  }
0x382: {  	v37 =	vand.u32 $0x7FFFFF00, v37;
	v19 =	vor.u32 v28, v19;
	[tilespmem:s22+$0xFFFFFFF0] =	vst v34;
	v26 =	vor.u32 v25, v21  }
0x383: {  	v27 =	vor.u32 v22, v32;
	[tilespmem:s22+$0x0] =	vst v38;
	v22 =	vor.u32 v30, v37;
	v20 =	vand.u32 $0x7F, v33  }
0x384: {  	s23 =	simm.s32 $0x8;
	s20 =	simm.s32 $0x0;
	s24 =	sadd.s32 $0x80, s19;
	[tilespmem:s22+$0x10] =	vst v39;
	v25 =	vor.u32 v40, v35;
	v21 =	vor.u32 v41, v36;
	v20 =	vor.u32 v20, v29  }
.LBB2_42:
0x385: {  	s21 =	sadd.s32 $0xFFFFFFF0, s24;
	v28 =	vadd.s32 s24, v0;
	s23 =	sadd.s32 $0x8, s23;
	[tilespmem:s22+$0x30] =	vst v24;
	s22 =	sadd.s32 $0x100, s22  }
0x386: {  	s25 =	sadd.s32 $0xFFFFFFA0, s24;
	s26 =	sadd.s32 $0xFFFFFFB0, s24;
	v24 =	vadd.s32 s21, v0;
	v29 =	vand.u32 $0x7F, v28;
	v28 =	vshll.u32 v28, $0x1;
	p1 =	slt.u32 s23, $0x3F0;
	[tilespmem:s22+$0x20] =	vst v23  }
0x387: {  	v23 =	vadd.s32 s25, v0;
	v30 =	vadd.s32 s26, v0;
	s21 =	sadd.s32 $0xFFFFFFC0, s24;
	s25 =	sadd.s32 $0xFFFFFFD0, s24;
	s26 =	sadd.s32 $0xFFFFFFE0, s24;
	v31 =	vshll.u32 v24, $0x1;
	v26 =	vld.idx.msk [tilespmem:v26+s8+$0x0], $0xffff  }
0x388: {  	s28 =	sadd.s32 $0xFFFFFF90, s24;
	v32 =	vadd.s32 s21, v0;
	v24 =	vand.u32 $0x7F, v24;
	v31 =	vand.u32 $0x7FFFFF00, v31;
	v27 =	vld.idx.msk [tilespmem:v27+s8+$0x0], $0xffff  }
0x389: {  	v33 =	vadd.s32 s28, v0;
	v34 =	vadd.s32 s25, v0;
	v31 =	vor.u32 v24, v31;
	v25 =	vld.idx.msk [tilespmem:v25+s8+$0x0], $0xffff  }
0x38a: {  	v35 =	vshll.u32 v23, $0x1;
	v36 =	vadd.s32 s26, v0;
	v24 =	vshll.u32 v33, $0x1;
	v21 =	vld.idx.msk [tilespmem:v21+s8+$0x0], $0xffff  }
0x38b: {  	v37 =	vshll.u32 v30, $0x1;
	v38 =	vshll.u32 v32, $0x1;
	v39 =	vshll.u32 v34, $0x1;
	v22 =	vld.idx.msk [tilespmem:v22+s8+$0x0], $0xffff  }
0x38c: {  	v35 =	vand.u32 $0x7FFFFF00, v35;
	v41 =	vshll.u32 v36, $0x1;
	v40 =	vand.u32 $0x7FFFFF00, v24;
	v42 =	vld.idx.msk [tilespmem:v20+s8+$0x0], $0xffff  }
0x38d: {  	v20 =	vand.u32 $0x7FFFFF00, v37;
	v37 =	vand.u32 $0x7FFFFF00, v38;
	v38 =	vand.u32 $0x7FFFFF00, v39;
	[tilespmem:s22+$0xFFFFFFC0] =	vst v26;
	v24 =	vld.idx.msk [tilespmem:v19+s8+$0x0], $0xffff  }
.Ltmp20:
0x38e: {  	v39 =	vand.u32 $0x7FFFFF00, v41;
	v19 =	vand.u32 $0x7F, v33;
	v33 =	vand.u32 $0x7F, v23;
	v23 =	vld.idx.msk [tilespmem:v31+s8+$0x0], $0xffff;
	[tilespmem:s22+$0xFFFFFFD0] =	vst v27;
	(pc) =	sbr.rel @p1 .LBB2_42-.Ltmp20, $4  }
0x38f: {  	v30 =	vand.u32 $0x7F, v30;
	v31 =	vand.u32 $0x7F, v32;
	v32 =	vand.u32 $0x7F, v34;
	[tilespmem:s22+$0xFFFFFFE0] =	vst v25  }
0x390: {  	v28 =	vand.u32 $0x7FFFFF00, v28;
	v26 =	vor.u32 v19, v40;
	v19 =	vand.u32 $0x7F, v36;
	[tilespmem:s22+$0xFFFFFFF0] =	vst v21  }
0x391: {  	v27 =	vor.u32 v33, v35;
	v25 =	vor.u32 v30, v20;
	v21 =	vor.u32 v31, v37;
	[tilespmem:s22+$0x0] =	vst v22  }
0x392: {  	s24 =	sadd.s32 $0x80, s24;
	s21 =	simm.s32 $0x10170;
	v20 =	vor.u32 v19, v39;
	v19 =	vor.u32 v29, v28;
	v22 =	vor.u32 v32, v38;
	[tilespmem:s22+$0x10] =	vst v42  }
0x393: {  	_ =	sdelay $0x3  }
0x394: {  	v26 =	vld.idx.msk [tilespmem:v26+s8+$0x0], $0xffff  }
0x395: {  	v27 =	vld.idx.msk [tilespmem:v27+s8+$0x0], $0xffff  }
0x396: {  	v25 =	vld.idx.msk [tilespmem:v25+s8+$0x0], $0xffff  }
0x397: {  	[tilespmem:s22+$0x30] =	vst v24;
	s29 =	sadd.s32 $0x100, s22;
	v21 =	vld.idx.msk [tilespmem:v21+s8+$0x0], $0xffff  }
0x398: {  	v22 =	vld.idx.msk [tilespmem:v22+s8+$0x0], $0xffff;
	[tilespmem:s29+$0x20] =	vst v23  }
0x399: {  	v20 =	vld.idx.msk [tilespmem:v20+s8+$0x0], $0xffff;
	[tilespmem:s29+$0xFFFFFFC0] =	vst v26  }
0x39a: {  	v19 =	vld.idx.msk [tilespmem:v19+s8+$0x0], $0xffff;
	[tilespmem:s29+$0xFFFFFFD0] =	vst v27  }
0x39b: {  	[tilespmem:s29+$0xFFFFFFE0] =	vst v25  }
0x39c: {  	[tilespmem:s29+$0xFFFFFFF0] =	vst v21  }
0x39d: {  	[tilespmem:s29+$0x0] =	vst v22  }
0x39e: {  	[tilespmem:s29+$0x10] =	vst v20  }
0x39f: {  	[tilespmem:s29+$0x30] =	vst v19  }
0x3a0: {  	v23 =	vld.idx.msk [tilespmem:v13+s8+$0x0], $0xffff;
	_ =	sdelay $0x1  }
0x3a1: {  	v24 =	vor.u32 $0x80, v17  }
0x3a2: {  	v25 =	vor.u32 v2, v4;
	v21 =	vor.u32 $0x80, v18;
	v26 =	vor.u32 v3, v1  }
0x3a3: {  	v22 =	vor.u32 $0x80, v14;
	v20 =	vor.u32 $0x80, v15;
	v19 =	vor.u32 $0x80, v16  }
.LBB2_44:
0x3a4: {  	s22 =	sadd.s32 $0xFFFFFFA0, s19;
	s23 =	sadd.s32 $0xFFFFFFF0, s19;
	v27 =	vadd.s32 s19, v0;
	s20 =	sadd.s32 $0x8, s20;
	v25 =	vor.u32 $0x80, v25;
	[tilespmem:s21+$0xFFFFFFF0] =	vst v23;
	v23 =	vor.u32 $0x80, v26  }
0x3a5: {  	s24 =	sadd.s32 $0xFFFFFFC0, s19;
	v26 =	vadd.s32 s22, v0;
	s22 =	sadd.s32 $0xFFFFFFB0, s19;
	v28 =	vadd.s32 s23, v0;
	v29 =	vshll.u32 v27, $0x1;
	p1 =	slt.u32 s20, $0x3F0  }
0x3a6: {  	s23 =	sadd.s32 $0xFFFFFF90, s19;
	v31 =	vadd.s32 s24, v0;
	s24 =	sadd.s32 $0xFFFFFFE0, s19;
	v30 =	vadd.s32 s22, v0;
	s22 =	sadd.s32 $0xFFFFFFD0, s19;
	v32 =	vshll.u32 v28, $0x1  }
0x3a7: {  	v33 =	vadd.s32 s23, v0;
	v28 =	vand.u32 $0x7F, v28;
	v32 =	vand.u32 $0x7FFFFF00, v32;
	v24 =	vld.idx.msk [tilespmem:v24+s8+$0x0], $0xffff  }
0x3a8: {  	v35 =	vadd.s32 s24, v0;
	v34 =	vadd.s32 s22, v0;
	v28 =	vor.u32 v32, v28;
	v21 =	vld.idx.msk [tilespmem:v21+s8+$0x0], $0xffff  }
0x3a9: {  	v36 =	vshll.u32 v26, $0x1;
	v32 =	vshll.u32 v33, $0x1;
	v28 =	vor.u32 $0x80, v28;
	v22 =	vld.idx.msk [tilespmem:v22+s8+$0x0], $0xffff  }
0x3aa: {  	v38 =	vshll.u32 v31, $0x1;
	v37 =	vshll.u32 v30, $0x1;
	v39 =	vshll.u32 v34, $0x1;
	v20 =	vld.idx.msk [tilespmem:v20+s8+$0x0], $0xffff  }
0x3ab: {  	v36 =	vand.u32 $0x7FFFFF00, v36;
	v40 =	vshll.u32 v35, $0x1;
	v32 =	vand.u32 $0x7FFFFF00, v32;
	v19 =	vld.idx.msk [tilespmem:v19+s8+$0x0], $0xffff  }
0x3ac: {  	v38 =	vand.u32 $0x7FFFFF00, v38;
	v37 =	vand.u32 $0x7FFFFF00, v37;
	v39 =	vand.u32 $0x7FFFFF00, v39;
	v41 =	vld.idx.msk [tilespmem:v25+s8+$0x0], $0xffff  }
0x3ad: {  	v26 =	vand.u32 $0x7F, v26;
	v25 =	vand.u32 $0x7F, v33;
	v33 =	vand.u32 $0x7FFFFF00, v40;
	[tilespmem:s21+$0xFFFFFF90] =	vst v24;
	v40 =	vld.idx.msk [tilespmem:v23+s8+$0x0], $0xffff  }
0x3ae: {  	v24 =	vand.u32 $0x7F, v30;
	v30 =	vand.u32 $0x7F, v31;
	v31 =	vand.u32 $0x7F, v34;
	v23 =	vld.idx.msk [tilespmem:v28+s8+$0x0], $0xffff;
	[tilespmem:s21+$0xFFFFFFA0] =	vst v21  }
.Ltmp21:
0x3af: {  	v27 =	vand.u32 $0x7F, v27;
	v21 =	vand.u32 $0x7F, v35;
	v28 =	vand.u32 $0x7FFFFF00, v29;
	[tilespmem:s21+$0xFFFFFFB0] =	vst v22;
	(pc) =	sbr.rel @p1 .LBB2_44-.Ltmp21, $4  }
0x3b0: {  	v26 =	vor.u32 v36, v26;
	v29 =	vor.u32 v37, v24;
	v22 =	vor.u32 v32, v25;
	[tilespmem:s21+$0xFFFFFFC0] =	vst v20  }
0x3b1: {  	v25 =	vor.u32 v33, v21;
	v20 =	vor.u32 v38, v30;
	v30 =	vor.u32 v39, v31;
	[tilespmem:s21+$0xFFFFFFD0] =	vst v19  }
0x3b2: {  	v21 =	vor.u32 $0x80, v26;
	v26 =	vor.u32 v28, v27;
	v24 =	vor.u32 $0x80, v22;
	[tilespmem:s21+$0xFFFFFFE0] =	vst v41  }
0x3b3: {  	s19 =	sadd.s32 $0x80, s19;
	v22 =	vor.u32 $0x80, v29;
	v20 =	vor.u32 $0x80, v20;
	v19 =	vor.u32 $0x80, v30;
	[tilespmem:s21+$0x0] =	vst v40;
	s21 =	sadd.s32 $0x100, s21  }
0x3b4: {  	_ =	sdelay $0x3  }
0x3b5: {  	v25 =	vor.u32 $0x80, v25;
	v24 =	vld.idx.msk [tilespmem:v24+s8+$0x0], $0xffff  }
0x3b6: {  	v26 =	vor.u32 $0x80, v26;
	v21 =	vld.idx.msk [tilespmem:v21+s8+$0x0], $0xffff  }
0x3b7: {  	v22 =	vld.idx.msk [tilespmem:v22+s8+$0x0], $0xffff  }
0x3b8: {  	v20 =	vld.idx.msk [tilespmem:v20+s8+$0x0], $0xffff  }
0x3b9: {  	[tilespmem:s21+$0xFFFFFFF0] =	vst v23;
	v19 =	vld.idx.msk [tilespmem:v19+s8+$0x0], $0xffff  }
0x3ba: {  	v23 =	vld.idx.msk [tilespmem:v25+s8+$0x0], $0xffff;
	[tilespmem:s21+$0xFFFFFF90] =	vst v24  }
0x3bb: {  	v24 =	vld.idx.msk [tilespmem:v26+s8+$0x0], $0xffff;
	[tilespmem:s21+$0xFFFFFFA0] =	vst v21  }
0x3bc: {  	[tilespmem:s21+$0xFFFFFFB0] =	vst v22  }
0x3bd: {  	[tilespmem:s21+$0xFFFFFFC0] =	vst v20  }
0x3be: {  	[tilespmem:s21+$0xFFFFFFD0] =	vst v19  }
0x3bf: {  	[tilespmem:s21+$0xFFFFFFE0] =	vst v23  }
0x3c0: {  	[tilespmem:s21+$0x0] =	vst v24  }
0x3c1: {  	s19 =	rddreg [dreg:$0x1a]  }
0x3c2: {  	[hbm4b:s19+s3] =	stream.linear.scatter [tilespmem:s11], [sflag:$0x3], $0x7F00, $0x38;
	[tilespmem:$0x1FE80] =	vst v63  }
0x3c3: {  	s23 =	sadd.s32 s30, s18;
	_ =	swait.ge [sflag:s12], $0x8000  }
0x3c4: {  	s19 =	sshrl.u32 s23, $0x3;
	[sflag:s12] =	ssyncset.done $0x0  }
0x3c5: {  	s19 =	sadd.s32 s1, s19;
	[sflag:s12] =	ssyncadd.s32 $0xFFFF8000  }
0x3c6: {  	[tilespmem:s8], [sflag:$0x1] =	stream.linear.gather [hbm4b:s19+s3], $0x8000, $0x38;
	[tilespmem:$0x1FE80] =	vst v63  }
0x3c7: {  	s19 =	sadd.s32 $0x80, s17;
	_ =	swait.ge [sflag:s15], $0x7F00  }
0x3c8: {  	s20 =	sadd.s32 $0xFFFFFFF0, s19;
	v19 =	vadd.s32 s19, v0;
	s24 =	sadd.s32 $0xFFFFFFA0, s19;
	[sflag:s15] =	ssyncset.done $0x0  }
0x3c9: {  	s22 =	sadd.s32 $0xFFFFFFB0, s19;
	s25 =	sadd.s32 $0xFFFFFFC0, s19;
	v20 =	vadd.s32 s20, v0;
	v28 =	vand.u32 $0x7F, v19;
	v19 =	vshll.u32 v19, $0x1;
	[sflag:s15] =	ssyncadd.s32 $0xFFFF8100  }
0x3ca: {  	s26 =	sadd.s32 $0xFFFFFFD0, s19;
	s28 =	sadd.s32 $0xFFFFFF90, s19;
	v22 =	vadd.s32 s24, v0;
	v23 =	vadd.s32 s22, v0;
	v26 =	vadd.s32 s25, v0;
	v21 =	vld.idx.msk [tilespmem:v6+s10+$0x0], $0xffff  }
0x3cb: {  	s29 =	sadd.s32 $0xFFFFFFE0, s19;
	v29 =	vadd.s32 s28, v0;
	v30 =	vadd.s32 s26, v0;
	v24 =	vshll.u32 v20, $0x1;
	v25 =	vld.idx.msk [tilespmem:v12+s10+$0x0], $0xffff  }
0x3cc: {  	v33 =	vadd.s32 s29, v0;
	v20 =	vand.u32 $0x7F, v20;
	v24 =	vand.u32 $0x7FFFFF00, v24;
	v27 =	vld.idx.msk [tilespmem:v11+s10+$0x0], $0xffff  }
0x3cd: {  	v32 =	vshll.u32 v22, $0x1;
	v35 =	vshll.u32 v23, $0x1;
	v31 =	vld.idx.msk [tilespmem:v10+s10+$0x0], $0xffff;
	v20 =	vor.u32 v20, v24  }
0x3ce: {  	s22 =	simm.s32 $0x17FC0;
	v36 =	vshll.u32 v26, $0x1;
	v37 =	vshll.u32 v30, $0x1;
	v22 =	vand.u32 $0x7F, v22;
	v34 =	vld.idx.msk [tilespmem:v9+s10+$0x0], $0xffff  }
0x3cf: {  	v40 =	vand.u32 $0x7F, v23;
	v41 =	vand.u32 $0x7F, v26;
	v38 =	vld.idx.msk [tilespmem:v8+s10+$0x0], $0xffff;
	v24 =	vshll.u32 v29, $0x1;
	[tilespmem:s22+$0x20] =	vst v21  }
0x3d0: {  	v30 =	vand.u32 $0x7F, v30;
	v39 =	vld.idx.msk [tilespmem:v7+s10+$0x0], $0xffff;
	v21 =	vand.u32 $0x7FFFFF00, v24;
	v24 =	vshll.u32 v33, $0x1;
	[tilespmem:s22+$0xFFFFFFC0] =	vst v25  }
0x3d1: {  	v19 =	vand.u32 $0x7FFFFF00, v19;
	v25 =	vand.u32 $0x7F, v29;
	[tilespmem:s22+$0xFFFFFFD0] =	vst v27;
	v29 =	vand.u32 $0x7FFFFF00, v24;
	v24 =	vld.idx.msk [tilespmem:v5+s10+$0x0], $0xffff  }
0x3d2: {  	v32 =	vand.u32 $0x7FFFFF00, v32;
	v35 =	vand.u32 $0x7FFFFF00, v35;
	v36 =	vand.u32 $0x7FFFFF00, v36;
	[tilespmem:s22+$0xFFFFFFE0] =	vst v31;
	v23 =	vld.idx.msk [tilespmem:v20+s10+$0x0], $0xffff  }
0x3d3: {  	v37 =	vand.u32 $0x7FFFFF00, v37;
	v19 =	vor.u32 v28, v19;
	[tilespmem:s22+$0xFFFFFFF0] =	vst v34;
	v26 =	vor.u32 v25, v21  }
0x3d4: {  	v27 =	vor.u32 v22, v32;
	[tilespmem:s22+$0x0] =	vst v38;
	v22 =	vor.u32 v30, v37;
	v20 =	vand.u32 $0x7F, v33  }
0x3d5: {  	s23 =	simm.s32 $0x8;
	s20 =	simm.s32 $0x0;
	s24 =	sadd.s32 $0x80, s19;
	[tilespmem:s22+$0x10] =	vst v39;
	v25 =	vor.u32 v40, v35;
	v21 =	vor.u32 v41, v36;
	v20 =	vor.u32 v20, v29  }
.LBB2_46:
0x3d6: {  	s21 =	sadd.s32 $0xFFFFFFF0, s24;
	v28 =	vadd.s32 s24, v0;
	s23 =	sadd.s32 $0x8, s23;
	[tilespmem:s22+$0x30] =	vst v24;
	s22 =	sadd.s32 $0x100, s22  }
0x3d7: {  	s25 =	sadd.s32 $0xFFFFFFA0, s24;
	s26 =	sadd.s32 $0xFFFFFFB0, s24;
	v24 =	vadd.s32 s21, v0;
	v29 =	vand.u32 $0x7F, v28;
	v28 =	vshll.u32 v28, $0x1;
	p1 =	slt.u32 s23, $0x3F0;
	[tilespmem:s22+$0x20] =	vst v23  }
0x3d8: {  	v23 =	vadd.s32 s25, v0;
	v30 =	vadd.s32 s26, v0;
	s21 =	sadd.s32 $0xFFFFFFC0, s24;
	s25 =	sadd.s32 $0xFFFFFFD0, s24;
	s26 =	sadd.s32 $0xFFFFFFE0, s24;
	v31 =	vshll.u32 v24, $0x1;
	v26 =	vld.idx.msk [tilespmem:v26+s10+$0x0], $0xffff  }
0x3d9: {  	s28 =	sadd.s32 $0xFFFFFF90, s24;
	v32 =	vadd.s32 s21, v0;
	v24 =	vand.u32 $0x7F, v24;
	v31 =	vand.u32 $0x7FFFFF00, v31;
	v27 =	vld.idx.msk [tilespmem:v27+s10+$0x0], $0xffff  }
0x3da: {  	v33 =	vadd.s32 s28, v0;
	v34 =	vadd.s32 s25, v0;
	v31 =	vor.u32 v24, v31;
	v25 =	vld.idx.msk [tilespmem:v25+s10+$0x0], $0xffff  }
0x3db: {  	v35 =	vshll.u32 v23, $0x1;
	v36 =	vadd.s32 s26, v0;
	v24 =	vshll.u32 v33, $0x1;
	v21 =	vld.idx.msk [tilespmem:v21+s10+$0x0], $0xffff  }
0x3dc: {  	v37 =	vshll.u32 v30, $0x1;
	v38 =	vshll.u32 v32, $0x1;
	v39 =	vshll.u32 v34, $0x1;
	v22 =	vld.idx.msk [tilespmem:v22+s10+$0x0], $0xffff  }
0x3dd: {  	v35 =	vand.u32 $0x7FFFFF00, v35;
	v41 =	vshll.u32 v36, $0x1;
	v40 =	vand.u32 $0x7FFFFF00, v24;
	v42 =	vld.idx.msk [tilespmem:v20+s10+$0x0], $0xffff  }
0x3de: {  	v20 =	vand.u32 $0x7FFFFF00, v37;
	v37 =	vand.u32 $0x7FFFFF00, v38;
	v38 =	vand.u32 $0x7FFFFF00, v39;
	[tilespmem:s22+$0xFFFFFFC0] =	vst v26;
	v24 =	vld.idx.msk [tilespmem:v19+s10+$0x0], $0xffff  }
.Ltmp22:
0x3df: {  	v39 =	vand.u32 $0x7FFFFF00, v41;
	v19 =	vand.u32 $0x7F, v33;
	v33 =	vand.u32 $0x7F, v23;
	v23 =	vld.idx.msk [tilespmem:v31+s10+$0x0], $0xffff;
	[tilespmem:s22+$0xFFFFFFD0] =	vst v27;
	(pc) =	sbr.rel @p1 .LBB2_46-.Ltmp22, $4  }
0x3e0: {  	v30 =	vand.u32 $0x7F, v30;
	v31 =	vand.u32 $0x7F, v32;
	v32 =	vand.u32 $0x7F, v34;
	[tilespmem:s22+$0xFFFFFFE0] =	vst v25  }
0x3e1: {  	v28 =	vand.u32 $0x7FFFFF00, v28;
	v26 =	vor.u32 v19, v40;
	v19 =	vand.u32 $0x7F, v36;
	[tilespmem:s22+$0xFFFFFFF0] =	vst v21  }
0x3e2: {  	v27 =	vor.u32 v33, v35;
	v25 =	vor.u32 v30, v20;
	v21 =	vor.u32 v31, v37;
	[tilespmem:s22+$0x0] =	vst v22  }
0x3e3: {  	s24 =	sadd.s32 $0x80, s24;
	s21 =	simm.s32 $0x18070;
	v20 =	vor.u32 v19, v39;
	v19 =	vor.u32 v29, v28;
	v22 =	vor.u32 v32, v38;
	[tilespmem:s22+$0x10] =	vst v42  }
0x3e4: {  	_ =	sdelay $0x3  }
0x3e5: {  	v26 =	vld.idx.msk [tilespmem:v26+s10+$0x0], $0xffff  }
0x3e6: {  	v27 =	vld.idx.msk [tilespmem:v27+s10+$0x0], $0xffff  }
0x3e7: {  	v25 =	vld.idx.msk [tilespmem:v25+s10+$0x0], $0xffff  }
0x3e8: {  	[tilespmem:s22+$0x30] =	vst v24;
	s29 =	sadd.s32 $0x100, s22;
	v21 =	vld.idx.msk [tilespmem:v21+s10+$0x0], $0xffff  }
0x3e9: {  	v22 =	vld.idx.msk [tilespmem:v22+s10+$0x0], $0xffff;
	[tilespmem:s29+$0x20] =	vst v23  }
0x3ea: {  	v20 =	vld.idx.msk [tilespmem:v20+s10+$0x0], $0xffff;
	[tilespmem:s29+$0xFFFFFFC0] =	vst v26  }
0x3eb: {  	v19 =	vld.idx.msk [tilespmem:v19+s10+$0x0], $0xffff;
	[tilespmem:s29+$0xFFFFFFD0] =	vst v27  }
0x3ec: {  	[tilespmem:s29+$0xFFFFFFE0] =	vst v25  }
0x3ed: {  	[tilespmem:s29+$0xFFFFFFF0] =	vst v21  }
0x3ee: {  	[tilespmem:s29+$0x0] =	vst v22  }
0x3ef: {  	[tilespmem:s29+$0x10] =	vst v20  }
0x3f0: {  	[tilespmem:s29+$0x30] =	vst v19  }
0x3f1: {  	v23 =	vld.idx.msk [tilespmem:v13+s10+$0x0], $0xffff;
	_ =	sdelay $0x1  }
0x3f2: {  	v24 =	vor.u32 $0x80, v17  }
0x3f3: {  	v25 =	vor.u32 v2, v4;
	v21 =	vor.u32 $0x80, v18;
	v26 =	vor.u32 v3, v1  }
0x3f4: {  	v22 =	vor.u32 $0x80, v14;
	v20 =	vor.u32 $0x80, v15;
	v19 =	vor.u32 $0x80, v16  }
.LBB2_48:
0x3f5: {  	s22 =	sadd.s32 $0xFFFFFFA0, s19;
	s23 =	sadd.s32 $0xFFFFFFF0, s19;
	v27 =	vadd.s32 s19, v0;
	s20 =	sadd.s32 $0x8, s20;
	v25 =	vor.u32 $0x80, v25;
	[tilespmem:s21+$0xFFFFFFF0] =	vst v23;
	v23 =	vor.u32 $0x80, v26  }
0x3f6: {  	s24 =	sadd.s32 $0xFFFFFFC0, s19;
	v26 =	vadd.s32 s22, v0;
	s22 =	sadd.s32 $0xFFFFFFB0, s19;
	v28 =	vadd.s32 s23, v0;
	v29 =	vshll.u32 v27, $0x1;
	p1 =	slt.u32 s20, $0x3F0  }
0x3f7: {  	s23 =	sadd.s32 $0xFFFFFF90, s19;
	v31 =	vadd.s32 s24, v0;
	s24 =	sadd.s32 $0xFFFFFFE0, s19;
	v30 =	vadd.s32 s22, v0;
	s22 =	sadd.s32 $0xFFFFFFD0, s19;
	v32 =	vshll.u32 v28, $0x1  }
0x3f8: {  	v33 =	vadd.s32 s23, v0;
	v28 =	vand.u32 $0x7F, v28;
	v32 =	vand.u32 $0x7FFFFF00, v32;
	v24 =	vld.idx.msk [tilespmem:v24+s10+$0x0], $0xffff  }
0x3f9: {  	v35 =	vadd.s32 s24, v0;
	v34 =	vadd.s32 s22, v0;
	v28 =	vor.u32 v32, v28;
	v21 =	vld.idx.msk [tilespmem:v21+s10+$0x0], $0xffff  }
0x3fa: {  	v36 =	vshll.u32 v26, $0x1;
	v32 =	vshll.u32 v33, $0x1;
	v28 =	vor.u32 $0x80, v28;
	v22 =	vld.idx.msk [tilespmem:v22+s10+$0x0], $0xffff  }
0x3fb: {  	v38 =	vshll.u32 v31, $0x1;
	v37 =	vshll.u32 v30, $0x1;
	v39 =	vshll.u32 v34, $0x1;
	v20 =	vld.idx.msk [tilespmem:v20+s10+$0x0], $0xffff  }
0x3fc: {  	v36 =	vand.u32 $0x7FFFFF00, v36;
	v40 =	vshll.u32 v35, $0x1;
	v32 =	vand.u32 $0x7FFFFF00, v32;
	v19 =	vld.idx.msk [tilespmem:v19+s10+$0x0], $0xffff  }
0x3fd: {  	v38 =	vand.u32 $0x7FFFFF00, v38;
	v37 =	vand.u32 $0x7FFFFF00, v37;
	v39 =	vand.u32 $0x7FFFFF00, v39;
	v41 =	vld.idx.msk [tilespmem:v25+s10+$0x0], $0xffff  }
0x3fe: {  	v26 =	vand.u32 $0x7F, v26;
	v25 =	vand.u32 $0x7F, v33;
	v33 =	vand.u32 $0x7FFFFF00, v40;
	[tilespmem:s21+$0xFFFFFF90] =	vst v24;
	v40 =	vld.idx.msk [tilespmem:v23+s10+$0x0], $0xffff  }
0x3ff: {  	v24 =	vand.u32 $0x7F, v30;
	v30 =	vand.u32 $0x7F, v31;
	v31 =	vand.u32 $0x7F, v34;
	v23 =	vld.idx.msk [tilespmem:v28+s10+$0x0], $0xffff;
	[tilespmem:s21+$0xFFFFFFA0] =	vst v21  }
.Ltmp23:
0x400: {  	v27 =	vand.u32 $0x7F, v27;
	v21 =	vand.u32 $0x7F, v35;
	v28 =	vand.u32 $0x7FFFFF00, v29;
	[tilespmem:s21+$0xFFFFFFB0] =	vst v22;
	(pc) =	sbr.rel @p1 .LBB2_48-.Ltmp23, $4  }
0x401: {  	v26 =	vor.u32 v36, v26;
	v29 =	vor.u32 v37, v24;
	v22 =	vor.u32 v32, v25;
	[tilespmem:s21+$0xFFFFFFC0] =	vst v20  }
0x402: {  	v25 =	vor.u32 v33, v21;
	v20 =	vor.u32 v38, v30;
	v30 =	vor.u32 v39, v31;
	[tilespmem:s21+$0xFFFFFFD0] =	vst v19  }
0x403: {  	v21 =	vor.u32 $0x80, v26;
	v26 =	vor.u32 v28, v27;
	v24 =	vor.u32 $0x80, v22;
	[tilespmem:s21+$0xFFFFFFE0] =	vst v41  }
0x404: {  	s19 =	sadd.s32 $0x80, s19;
	v22 =	vor.u32 $0x80, v29;
	v20 =	vor.u32 $0x80, v20;
	v19 =	vor.u32 $0x80, v30;
	[tilespmem:s21+$0x0] =	vst v40;
	s21 =	sadd.s32 $0x100, s21  }
0x405: {  	_ =	sdelay $0x3  }
0x406: {  	v25 =	vor.u32 $0x80, v25;
	v24 =	vld.idx.msk [tilespmem:v24+s10+$0x0], $0xffff  }
0x407: {  	v26 =	vor.u32 $0x80, v26;
	v21 =	vld.idx.msk [tilespmem:v21+s10+$0x0], $0xffff  }
0x408: {  	v22 =	vld.idx.msk [tilespmem:v22+s10+$0x0], $0xffff  }
0x409: {  	v20 =	vld.idx.msk [tilespmem:v20+s10+$0x0], $0xffff  }
0x40a: {  	[tilespmem:s21+$0xFFFFFFF0] =	vst v23;
	v19 =	vld.idx.msk [tilespmem:v19+s10+$0x0], $0xffff  }
0x40b: {  	v23 =	vld.idx.msk [tilespmem:v25+s10+$0x0], $0xffff;
	[tilespmem:s21+$0xFFFFFF90] =	vst v24  }
0x40c: {  	v24 =	vld.idx.msk [tilespmem:v26+s10+$0x0], $0xffff;
	[tilespmem:s21+$0xFFFFFFA0] =	vst v21  }
0x40d: {  	[tilespmem:s21+$0xFFFFFFB0] =	vst v22  }
0x40e: {  	[tilespmem:s21+$0xFFFFFFC0] =	vst v20  }
0x40f: {  	[tilespmem:s21+$0xFFFFFFD0] =	vst v19  }
0x410: {  	[tilespmem:s21+$0xFFFFFFE0] =	vst v23  }
0x411: {  	[tilespmem:s21+$0x0] =	vst v24  }
0x412: {  	[hbm4b:s31+s3] =	stream.linear.scatter [tilespmem:s13], [sflag:$0x4], $0x7F00, $0x38;
	[tilespmem:$0x1FE80] =	vst v63  }
0x413: {  	s18 =	sadd.s32 s0, s18;
	_ =	swait.ge [sflag:s9], $0x8000  }
0x414: {  	s18 =	sshrl.u32 s18, $0x3;
	[sflag:s9] =	ssyncset.done $0x0  }
0x415: {  	s18 =	sadd.s32 s1, s18;
	[sflag:s9] =	ssyncadd.s32 $0xFFFF8000  }
0x416: {  	[tilespmem:s10], [sflag:$0x2] =	stream.linear.gather [hbm4b:s18+s3], $0x900, $0x38;
	[tilespmem:$0x1FE80] =	vst v63  }
0x417: {  	s18 =	sadd.s32 $0x80, s17;
	_ =	swait.ge [sflag:s14], $0x7F00  }
0x418: {  	s19 =	sadd.s32 $0xFFFFFFF0, s18;
	v19 =	vadd.s32 s18, v0;
	s20 =	sadd.s32 $0xFFFFFFA0, s18;
	[sflag:s14] =	ssyncset.done $0x0  }
0x419: {  	s24 =	sadd.s32 $0xFFFFFFB0, s18;
	s25 =	sadd.s32 $0xFFFFFFC0, s18;
	v20 =	vadd.s32 s19, v0;
	v28 =	vand.u32 $0x7F, v19;
	v19 =	vshll.u32 v19, $0x1;
	[sflag:s14] =	ssyncadd.s32 $0xFFFF8100  }
0x41a: {  	s26 =	sadd.s32 $0xFFFFFFD0, s18;
	s28 =	sadd.s32 $0xFFFFFF90, s18;
	v22 =	vadd.s32 s20, v0;
	v23 =	vadd.s32 s24, v0;
	v26 =	vadd.s32 s25, v0;
	v21 =	vld.idx.msk [tilespmem:v6+s8+$0x0], $0xffff  }
0x41b: {  	s29 =	sadd.s32 $0xFFFFFFE0, s18;
	v29 =	vadd.s32 s28, v0;
	v30 =	vadd.s32 s26, v0;
	v24 =	vshll.u32 v20, $0x1;
	v25 =	vld.idx.msk [tilespmem:v12+s8+$0x0], $0xffff  }
0x41c: {  	v33 =	vadd.s32 s29, v0;
	v20 =	vand.u32 $0x7F, v20;
	v24 =	vand.u32 $0x7FFFFF00, v24;
	v27 =	vld.idx.msk [tilespmem:v11+s8+$0x0], $0xffff  }
0x41d: {  	v32 =	vshll.u32 v22, $0x1;
	v35 =	vshll.u32 v23, $0x1;
	v31 =	vld.idx.msk [tilespmem:v10+s8+$0x0], $0xffff;
	v20 =	vor.u32 v20, v24  }
0x41e: {  	s21 =	simm.s32 $0x100C0;
	v36 =	vshll.u32 v26, $0x1;
	v37 =	vshll.u32 v30, $0x1;
	v22 =	vand.u32 $0x7F, v22;
	v34 =	vld.idx.msk [tilespmem:v9+s8+$0x0], $0xffff  }
0x41f: {  	v40 =	vand.u32 $0x7F, v23;
	v41 =	vand.u32 $0x7F, v26;
	v38 =	vld.idx.msk [tilespmem:v8+s8+$0x0], $0xffff;
	v24 =	vshll.u32 v29, $0x1;
	[tilespmem:s21+$0x20] =	vst v21  }
0x420: {  	v30 =	vand.u32 $0x7F, v30;
	v39 =	vld.idx.msk [tilespmem:v7+s8+$0x0], $0xffff;
	v21 =	vand.u32 $0x7FFFFF00, v24;
	v24 =	vshll.u32 v33, $0x1;
	[tilespmem:s21+$0xFFFFFFC0] =	vst v25  }
0x421: {  	v19 =	vand.u32 $0x7FFFFF00, v19;
	v25 =	vand.u32 $0x7F, v29;
	[tilespmem:s21+$0xFFFFFFD0] =	vst v27;
	v29 =	vand.u32 $0x7FFFFF00, v24;
	v24 =	vld.idx.msk [tilespmem:v5+s8+$0x0], $0xffff  }
0x422: {  	v32 =	vand.u32 $0x7FFFFF00, v32;
	v35 =	vand.u32 $0x7FFFFF00, v35;
	v36 =	vand.u32 $0x7FFFFF00, v36;
	[tilespmem:s21+$0xFFFFFFE0] =	vst v31;
	v23 =	vld.idx.msk [tilespmem:v20+s8+$0x0], $0xffff  }
0x423: {  	v37 =	vand.u32 $0x7FFFFF00, v37;
	v19 =	vor.u32 v28, v19;
	[tilespmem:s21+$0xFFFFFFF0] =	vst v34;
	v26 =	vor.u32 v25, v21  }
0x424: {  	v27 =	vor.u32 v22, v32;
	[tilespmem:s21+$0x0] =	vst v38;
	v22 =	vor.u32 v30, v37;
	v20 =	vand.u32 $0x7F, v33  }
0x425: {  	s22 =	simm.s32 $0x8;
	s23 =	sadd.s32 $0x80, s18;
	s19 =	simm.s32 $0x0;
	[tilespmem:s21+$0x10] =	vst v39;
	v25 =	vor.u32 v40, v35;
	v21 =	vor.u32 v41, v36;
	v20 =	vor.u32 v20, v29  }
.LBB2_50:
0x426: {  	s20 =	sadd.s32 $0xFFFFFFF0, s23;
	v28 =	vadd.s32 s23, v0;
	s22 =	sadd.s32 $0x8, s22;
	[tilespmem:s21+$0x30] =	vst v24;
	s21 =	sadd.s32 $0x100, s21  }
0x427: {  	s24 =	sadd.s32 $0xFFFFFFA0, s23;
	s25 =	sadd.s32 $0xFFFFFFB0, s23;
	v24 =	vadd.s32 s20, v0;
	v29 =	vand.u32 $0x7F, v28;
	v28 =	vshll.u32 v28, $0x1;
	p1 =	slt.u32 s22, $0x3F0;
	[tilespmem:s21+$0x20] =	vst v23  }
0x428: {  	v23 =	vadd.s32 s24, v0;
	v30 =	vadd.s32 s25, v0;
	s20 =	sadd.s32 $0xFFFFFFC0, s23;
	s24 =	sadd.s32 $0xFFFFFFD0, s23;
	s25 =	sadd.s32 $0xFFFFFFE0, s23;
	v31 =	vshll.u32 v24, $0x1;
	v26 =	vld.idx.msk [tilespmem:v26+s8+$0x0], $0xffff  }
0x429: {  	s26 =	sadd.s32 $0xFFFFFF90, s23;
	v32 =	vadd.s32 s20, v0;
	v24 =	vand.u32 $0x7F, v24;
	v31 =	vand.u32 $0x7FFFFF00, v31;
	v27 =	vld.idx.msk [tilespmem:v27+s8+$0x0], $0xffff  }
0x42a: {  	v33 =	vadd.s32 s26, v0;
	v34 =	vadd.s32 s24, v0;
	v31 =	vor.u32 v24, v31;
	v25 =	vld.idx.msk [tilespmem:v25+s8+$0x0], $0xffff  }
0x42b: {  	v35 =	vshll.u32 v23, $0x1;
	v36 =	vadd.s32 s25, v0;
	v24 =	vshll.u32 v33, $0x1;
	v21 =	vld.idx.msk [tilespmem:v21+s8+$0x0], $0xffff  }
0x42c: {  	v37 =	vshll.u32 v30, $0x1;
	v38 =	vshll.u32 v32, $0x1;
	v39 =	vshll.u32 v34, $0x1;
	v22 =	vld.idx.msk [tilespmem:v22+s8+$0x0], $0xffff  }
0x42d: {  	v35 =	vand.u32 $0x7FFFFF00, v35;
	v41 =	vshll.u32 v36, $0x1;
	v40 =	vand.u32 $0x7FFFFF00, v24;
	v42 =	vld.idx.msk [tilespmem:v20+s8+$0x0], $0xffff  }
0x42e: {  	v20 =	vand.u32 $0x7FFFFF00, v37;
	v37 =	vand.u32 $0x7FFFFF00, v38;
	v38 =	vand.u32 $0x7FFFFF00, v39;
	[tilespmem:s21+$0xFFFFFFC0] =	vst v26;
	v24 =	vld.idx.msk [tilespmem:v19+s8+$0x0], $0xffff  }
.Ltmp24:
0x42f: {  	v39 =	vand.u32 $0x7FFFFF00, v41;
	v19 =	vand.u32 $0x7F, v33;
	v33 =	vand.u32 $0x7F, v23;
	v23 =	vld.idx.msk [tilespmem:v31+s8+$0x0], $0xffff;
	[tilespmem:s21+$0xFFFFFFD0] =	vst v27;
	(pc) =	sbr.rel @p1 .LBB2_50-.Ltmp24, $4  }
0x430: {  	v30 =	vand.u32 $0x7F, v30;
	v31 =	vand.u32 $0x7F, v32;
	v32 =	vand.u32 $0x7F, v34;
	[tilespmem:s21+$0xFFFFFFE0] =	vst v25  }
0x431: {  	v28 =	vand.u32 $0x7FFFFF00, v28;
	v26 =	vor.u32 v19, v40;
	v19 =	vand.u32 $0x7F, v36;
	[tilespmem:s21+$0xFFFFFFF0] =	vst v21  }
0x432: {  	v27 =	vor.u32 v33, v35;
	v25 =	vor.u32 v30, v20;
	v21 =	vor.u32 v31, v37;
	[tilespmem:s21+$0x0] =	vst v22  }
0x433: {  	s23 =	sadd.s32 $0x80, s23;
	s20 =	simm.s32 $0x10170;
	v20 =	vor.u32 v19, v39;
	v19 =	vor.u32 v29, v28;
	v22 =	vor.u32 v32, v38;
	[tilespmem:s21+$0x10] =	vst v42  }
0x434: {  	_ =	sdelay $0x3  }
0x435: {  	v26 =	vld.idx.msk [tilespmem:v26+s8+$0x0], $0xffff  }
0x436: {  	v27 =	vld.idx.msk [tilespmem:v27+s8+$0x0], $0xffff  }
0x437: {  	v25 =	vld.idx.msk [tilespmem:v25+s8+$0x0], $0xffff  }
0x438: {  	[tilespmem:s21+$0x30] =	vst v24;
	s29 =	sadd.s32 $0x100, s21;
	v21 =	vld.idx.msk [tilespmem:v21+s8+$0x0], $0xffff  }
0x439: {  	v22 =	vld.idx.msk [tilespmem:v22+s8+$0x0], $0xffff;
	[tilespmem:s29+$0x20] =	vst v23  }
0x43a: {  	v20 =	vld.idx.msk [tilespmem:v20+s8+$0x0], $0xffff;
	[tilespmem:s29+$0xFFFFFFC0] =	vst v26  }
0x43b: {  	v19 =	vld.idx.msk [tilespmem:v19+s8+$0x0], $0xffff;
	[tilespmem:s29+$0xFFFFFFD0] =	vst v27  }
0x43c: {  	[tilespmem:s29+$0xFFFFFFE0] =	vst v25  }
0x43d: {  	[tilespmem:s29+$0xFFFFFFF0] =	vst v21  }
0x43e: {  	[tilespmem:s29+$0x0] =	vst v22  }
0x43f: {  	[tilespmem:s29+$0x10] =	vst v20  }
0x440: {  	[tilespmem:s29+$0x30] =	vst v19  }
0x441: {  	v23 =	vld.idx.msk [tilespmem:v13+s8+$0x0], $0xffff;
	_ =	sdelay $0x1  }
0x442: {  	v24 =	vor.u32 $0x80, v17  }
0x443: {  	v25 =	vor.u32 v2, v4;
	v21 =	vor.u32 $0x80, v18;
	v26 =	vor.u32 v3, v1  }
0x444: {  	v22 =	vor.u32 $0x80, v14;
	v20 =	vor.u32 $0x80, v15;
	v19 =	vor.u32 $0x80, v16  }
.LBB2_52:
0x445: {  	s21 =	sadd.s32 $0xFFFFFFA0, s18;
	s22 =	sadd.s32 $0xFFFFFFF0, s18;
	v27 =	vadd.s32 s18, v0;
	s19 =	sadd.s32 $0x8, s19;
	v25 =	vor.u32 $0x80, v25;
	[tilespmem:s20+$0xFFFFFFF0] =	vst v23;
	v23 =	vor.u32 $0x80, v26  }
0x446: {  	s23 =	sadd.s32 $0xFFFFFFC0, s18;
	v26 =	vadd.s32 s21, v0;
	s21 =	sadd.s32 $0xFFFFFFB0, s18;
	v28 =	vadd.s32 s22, v0;
	v29 =	vshll.u32 v27, $0x1;
	p1 =	slt.u32 s19, $0x3F0  }
0x447: {  	s22 =	sadd.s32 $0xFFFFFF90, s18;
	v31 =	vadd.s32 s23, v0;
	s23 =	sadd.s32 $0xFFFFFFE0, s18;
	v30 =	vadd.s32 s21, v0;
	s21 =	sadd.s32 $0xFFFFFFD0, s18;
	v32 =	vshll.u32 v28, $0x1  }
0x448: {  	v33 =	vadd.s32 s22, v0;
	v28 =	vand.u32 $0x7F, v28;
	v32 =	vand.u32 $0x7FFFFF00, v32;
	v24 =	vld.idx.msk [tilespmem:v24+s8+$0x0], $0xffff  }
0x449: {  	v35 =	vadd.s32 s23, v0;
	v34 =	vadd.s32 s21, v0;
	v28 =	vor.u32 v32, v28;
	v21 =	vld.idx.msk [tilespmem:v21+s8+$0x0], $0xffff  }
0x44a: {  	v36 =	vshll.u32 v26, $0x1;
	v32 =	vshll.u32 v33, $0x1;
	v28 =	vor.u32 $0x80, v28;
	v22 =	vld.idx.msk [tilespmem:v22+s8+$0x0], $0xffff  }
0x44b: {  	v38 =	vshll.u32 v31, $0x1;
	v37 =	vshll.u32 v30, $0x1;
	v39 =	vshll.u32 v34, $0x1;
	v20 =	vld.idx.msk [tilespmem:v20+s8+$0x0], $0xffff  }
0x44c: {  	v36 =	vand.u32 $0x7FFFFF00, v36;
	v40 =	vshll.u32 v35, $0x1;
	v32 =	vand.u32 $0x7FFFFF00, v32;
	v19 =	vld.idx.msk [tilespmem:v19+s8+$0x0], $0xffff  }
0x44d: {  	v38 =	vand.u32 $0x7FFFFF00, v38;
	v37 =	vand.u32 $0x7FFFFF00, v37;
	v39 =	vand.u32 $0x7FFFFF00, v39;
	v41 =	vld.idx.msk [tilespmem:v25+s8+$0x0], $0xffff  }
0x44e: {  	v26 =	vand.u32 $0x7F, v26;
	v25 =	vand.u32 $0x7F, v33;
	v33 =	vand.u32 $0x7FFFFF00, v40;
	[tilespmem:s20+$0xFFFFFF90] =	vst v24;
	v40 =	vld.idx.msk [tilespmem:v23+s8+$0x0], $0xffff  }
0x44f: {  	v24 =	vand.u32 $0x7F, v30;
	v30 =	vand.u32 $0x7F, v31;
	v31 =	vand.u32 $0x7F, v34;
	v23 =	vld.idx.msk [tilespmem:v28+s8+$0x0], $0xffff;
	[tilespmem:s20+$0xFFFFFFA0] =	vst v21  }
.Ltmp25:
0x450: {  	v27 =	vand.u32 $0x7F, v27;
	v21 =	vand.u32 $0x7F, v35;
	v28 =	vand.u32 $0x7FFFFF00, v29;
	[tilespmem:s20+$0xFFFFFFB0] =	vst v22;
	(pc) =	sbr.rel @p1 .LBB2_52-.Ltmp25, $4  }
0x451: {  	v26 =	vor.u32 v36, v26;
	v29 =	vor.u32 v37, v24;
	v22 =	vor.u32 v32, v25;
	[tilespmem:s20+$0xFFFFFFC0] =	vst v20  }
0x452: {  	v25 =	vor.u32 v33, v21;
	v20 =	vor.u32 v38, v30;
	v30 =	vor.u32 v39, v31;
	[tilespmem:s20+$0xFFFFFFD0] =	vst v19  }
0x453: {  	v21 =	vor.u32 $0x80, v26;
	v26 =	vor.u32 v28, v27;
	v24 =	vor.u32 $0x80, v22;
	[tilespmem:s20+$0xFFFFFFE0] =	vst v41  }
0x454: {  	s18 =	sadd.s32 $0x80, s18;
	v22 =	vor.u32 $0x80, v29;
	v20 =	vor.u32 $0x80, v20;
	v19 =	vor.u32 $0x80, v30;
	[tilespmem:s20+$0x0] =	vst v40;
	s20 =	sadd.s32 $0x100, s20  }
0x455: {  	_ =	sdelay $0x3  }
0x456: {  	v25 =	vor.u32 $0x80, v25;
	v24 =	vld.idx.msk [tilespmem:v24+s8+$0x0], $0xffff  }
0x457: {  	v26 =	vor.u32 $0x80, v26;
	v21 =	vld.idx.msk [tilespmem:v21+s8+$0x0], $0xffff  }
0x458: {  	v22 =	vld.idx.msk [tilespmem:v22+s8+$0x0], $0xffff  }
0x459: {  	v20 =	vld.idx.msk [tilespmem:v20+s8+$0x0], $0xffff  }
0x45a: {  	[tilespmem:s20+$0xFFFFFFF0] =	vst v23;
	v19 =	vld.idx.msk [tilespmem:v19+s8+$0x0], $0xffff  }
0x45b: {  	v51 =	vld.idx.msk [tilespmem:v25+s8+$0x0], $0xffff;
	[tilespmem:s20+$0xFFFFFF90] =	vst v24  }
0x45c: {  	v52 =	vld.idx.msk [tilespmem:v26+s8+$0x0], $0xffff;
	[tilespmem:s20+$0xFFFFFFA0] =	vst v21  }
0x45d: {  	[tilespmem:s20+$0xFFFFFFB0] =	vst v22  }
0x45e: {  	[tilespmem:s20+$0xFFFFFFC0] =	vst v20  }
0x45f: {  	[tilespmem:s20+$0xFFFFFFD0] =	vst v19  }
0x460: {  	[tilespmem:s20+$0xFFFFFFE0] =	vst v51  }
0x461: {  	[tilespmem:s20+$0x0] =	vst v52  }
0x462: {  	[hbm4b:s2+s3] =	stream.linear.scatter [tilespmem:s11], [sflag:$0x3], $0x7F00, $0x38;
	[tilespmem:$0x1FE80] =	vst v63  }
0x463: {  	_ =	swait.ge [sflag:s12], $0x900  }
0x464: {  	s17 =	sadd.s32 $0x80, s17;
	[sflag:s12] =	ssyncset.done $0x0  }
0x465: {  	s18 =	sadd.s32 $0xFFFFFFF0, s17;
	[sflag:s12] =	ssyncadd.s32 $0xFFFFF700  }
0x466: {  	s19 =	sadd.s32 $0xFFFFFFA0, s17;
	s24 =	sadd.s32 $0xFFFFFFB0, s17;
	_ =	swait.ge [sflag:s15], $0x7F00  }
0x467: {  	s25 =	sadd.s32 $0xFFFFFFC0, s17;
	s28 =	sadd.s32 $0xFFFFFF90, s17;
	v54 =	vadd.s32 s19, v0;
	[sflag:s15] =	ssyncset.done $0x0  }
0x468: {  	s26 =	sadd.s32 $0xFFFFFFD0, s17;
	s29 =	sadd.s32 $0xFFFFFFE0, s17;
	v55 =	vadd.s32 s24, v0;
	v57 =	vadd.s32 s25, v0;
	v58 =	vadd.s32 s28, v0;
	[sflag:s15] =	ssyncadd.s32 $0xFFFF8100  }
0x469: {  	v27 =	vadd.s32 s26, v0;
	v29 =	vadd.s32 s29, v0;
	v20 =	vadd.s32 s18, v0;
	v6 =	vld.idx.msk [tilespmem:v6+s10+$0x0], $0xffff  }
0x46a: {  	v28 =	vshll.u32 v54, $0x1;
	v31 =	vshll.u32 v57, $0x1;
	v56 =	vshll.u32 v20, $0x1;
	v12 =	vld.idx.msk [tilespmem:v12+s10+$0x0], $0xffff  }
0x46b: {  	v32 =	vshll.u32 v27, $0x1;
	v20 =	vand.u32 $0x7F, v20;
	v24 =	vand.u32 $0x7FFFFF00, v56;
	v11 =	vld.idx.msk [tilespmem:v11+s10+$0x0], $0xffff  }
0x46c: {  	v61 =	vand.u32 $0x7F, v57;
	v62 =	vand.u32 $0x7F, v27;
	v20 =	vor.u32 v20, v24;
	v59 =	vld.idx.msk [tilespmem:v10+s10+$0x0], $0xffff  }
0x46d: {  	v28 =	vand.u32 $0x7FFFFF00, v28;
	v31 =	vand.u32 $0x7FFFFF00, v31;
	v32 =	vand.u32 $0x7FFFFF00, v32;
	s20 =	simm.s32 $0x17FC0;
	v30 =	vld.idx.msk [tilespmem:v9+s10+$0x0], $0xffff  }
0x46e: {  	v19 =	vadd.s32 s17, v0;
	v22 =	vand.u32 $0x7F, v54;
	v10 =	vshll.u32 v58, $0x1;
	v33 =	vld.idx.msk [tilespmem:v7+s10+$0x0], $0xffff;
	[tilespmem:s20+$0x20] =	vst v6  }
0x46f: {  	v53 =	vand.u32 $0x7F, v19;
	v6 =	vld.idx.msk [tilespmem:v8+s10+$0x0], $0xffff;
	v8 =	vand.u32 $0x7FFFFF00, v10;
	v10 =	vshll.u32 v29, $0x1;
	[tilespmem:s20+$0xFFFFFFC0] =	vst v12  }
0x470: {  	v19 =	vshll.u32 v19, $0x1;
	v9 =	vshll.u32 v55, $0x1;
	[tilespmem:s20+$0xFFFFFFD0] =	vst v11;
	v60 =	vand.u32 $0x7FFFFF00, v10;
	v10 =	vld.idx.msk [tilespmem:v5+s10+$0x0], $0xffff  }
0x471: {  	v63 =	vand.u32 $0x7FFFFF00, v19;
	v7 =	vand.u32 $0x7FFFFF00, v9;
	v9 =	vld.idx.msk [tilespmem:v20+s10+$0x0], $0xffff;
	v12 =	vand.u32 $0x7F, v58;
	[tilespmem:s20+$0xFFFFFFE0] =	vst v59  }
0x472: {  	v19 =	vor.u32 v22, v28;
	[tilespmem:s20+$0xFFFFFFF0] =	vst v30;
	v5 =	vand.u32 $0x7F, v55;
	v12 =	vor.u32 v12, v8  }
0x473: {  	v20 =	vand.u32 $0x7F, v29;
	[tilespmem:s20+$0x10] =	vst v33;
	v8 =	vor.u32 v62, v32;
	v11 =	vor.u32 v5, v7  }
0x474: {  	s21 =	simm.s32 $0x8;
	s22 =	sadd.s32 $0x80, s17;
	s18 =	simm.s32 $0x0;
	v7 =	vor.u32 v61, v31;
	v5 =	vor.u32 v53, v63;
	[tilespmem:s20+$0x0] =	vst v6;
	v6 =	vor.u32 v20, v60  }
.LBB2_54:
0x475: {  	s19 =	sadd.s32 $0xFFFFFFF0, s22;
	v20 =	vadd.s32 s22, v0;
	s21 =	sadd.s32 $0x8, s21;
	[tilespmem:s20+$0x30] =	vst v10;
	s20 =	sadd.s32 $0x100, s20  }
0x476: {  	s23 =	sadd.s32 $0xFFFFFFA0, s22;
	s24 =	sadd.s32 $0xFFFFFFB0, s22;
	v10 =	vadd.s32 s19, v0;
	v21 =	vand.u32 $0x7F, v20;
	v20 =	vshll.u32 v20, $0x1;
	p1 =	slt.u32 s21, $0x38;
	[tilespmem:s20+$0x20] =	vst v9  }
0x477: {  	v9 =	vadd.s32 s23, v0;
	v22 =	vadd.s32 s24, v0;
	s19 =	sadd.s32 $0xFFFFFFC0, s22;
	s23 =	sadd.s32 $0xFFFFFFD0, s22;
	s24 =	sadd.s32 $0xFFFFFFE0, s22;
	v23 =	vshll.u32 v10, $0x1;
	v12 =	vld.idx.msk [tilespmem:v12+s10+$0x0], $0xffff  }
0x478: {  	s25 =	sadd.s32 $0xFFFFFF90, s22;
	v24 =	vadd.s32 s19, v0;
	v10 =	vand.u32 $0x7F, v10;
	v23 =	vand.u32 $0x7FFFFF00, v23;
	v19 =	vld.idx.msk [tilespmem:v19+s10+$0x0], $0xffff  }
0x479: {  	v25 =	vadd.s32 s25, v0;
	v26 =	vadd.s32 s23, v0;
	v23 =	vor.u32 v10, v23;
	v11 =	vld.idx.msk [tilespmem:v11+s10+$0x0], $0xffff  }
0x47a: {  	v27 =	vshll.u32 v9, $0x1;
	v28 =	vadd.s32 s24, v0;
	v10 =	vshll.u32 v25, $0x1;
	v7 =	vld.idx.msk [tilespmem:v7+s10+$0x0], $0xffff  }
0x47b: {  	v29 =	vshll.u32 v22, $0x1;
	v30 =	vshll.u32 v24, $0x1;
	v31 =	vshll.u32 v26, $0x1;
	v8 =	vld.idx.msk [tilespmem:v8+s10+$0x0], $0xffff  }
0x47c: {  	v27 =	vand.u32 $0x7FFFFF00, v27;
	v33 =	vshll.u32 v28, $0x1;
	v32 =	vand.u32 $0x7FFFFF00, v10;
	v34 =	vld.idx.msk [tilespmem:v6+s10+$0x0], $0xffff  }
0x47d: {  	v6 =	vand.u32 $0x7FFFFF00, v29;
	v29 =	vand.u32 $0x7FFFFF00, v30;
	v30 =	vand.u32 $0x7FFFFF00, v31;
	[tilespmem:s20+$0xFFFFFFC0] =	vst v12;
	v10 =	vld.idx.msk [tilespmem:v5+s10+$0x0], $0xffff  }
.Ltmp26:
0x47e: {  	v31 =	vand.u32 $0x7FFFFF00, v33;
	v5 =	vand.u32 $0x7F, v25;
	v25 =	vand.u32 $0x7F, v9;
	v9 =	vld.idx.msk [tilespmem:v23+s10+$0x0], $0xffff;
	[tilespmem:s20+$0xFFFFFFD0] =	vst v19;
	(pc) =	sbr.rel @p1 .LBB2_54-.Ltmp26, $4  }
0x47f: {  	v22 =	vand.u32 $0x7F, v22;
	v23 =	vand.u32 $0x7F, v24;
	v24 =	vand.u32 $0x7F, v26;
	[tilespmem:s20+$0xFFFFFFE0] =	vst v11  }
0x480: {  	v20 =	vand.u32 $0x7FFFFF00, v20;
	v12 =	vor.u32 v5, v32;
	v5 =	vand.u32 $0x7F, v28;
	[tilespmem:s20+$0xFFFFFFF0] =	vst v7  }
0x481: {  	v19 =	vor.u32 v25, v27;
	v11 =	vor.u32 v22, v6;
	v7 =	vor.u32 v23, v29;
	[tilespmem:s20+$0x0] =	vst v8  }
0x482: {  	s22 =	sadd.s32 $0x80, s22;
	s19 =	simm.s32 $0x18070;
	v6 =	vor.u32 v5, v31;
	v5 =	vor.u32 v21, v20;
	v8 =	vor.u32 v24, v30;
	[tilespmem:s20+$0x10] =	vst v34  }
0x483: {  	_ =	sdelay $0x3  }
0x484: {  	v12 =	vld.idx.msk [tilespmem:v12+s10+$0x0], $0xffff  }
0x485: {  	v19 =	vld.idx.msk [tilespmem:v19+s10+$0x0], $0xffff  }
0x486: {  	v11 =	vld.idx.msk [tilespmem:v11+s10+$0x0], $0xffff  }
0x487: {  	[tilespmem:s20+$0x30] =	vst v10;
	s29 =	sadd.s32 $0x100, s20;
	v7 =	vld.idx.msk [tilespmem:v7+s10+$0x0], $0xffff  }
0x488: {  	v8 =	vld.idx.msk [tilespmem:v8+s10+$0x0], $0xffff;
	[tilespmem:s29+$0x20] =	vst v9  }
0x489: {  	v6 =	vld.idx.msk [tilespmem:v6+s10+$0x0], $0xffff;
	[tilespmem:s29+$0xFFFFFFC0] =	vst v12  }
0x48a: {  	v5 =	vld.idx.msk [tilespmem:v5+s10+$0x0], $0xffff;
	[tilespmem:s29+$0xFFFFFFD0] =	vst v19  }
0x48b: {  	[tilespmem:s29+$0xFFFFFFE0] =	vst v11  }
0x48c: {  	[tilespmem:s29+$0xFFFFFFF0] =	vst v7  }
0x48d: {  	[tilespmem:s29+$0x0] =	vst v8  }
0x48e: {  	[tilespmem:s29+$0x10] =	vst v6  }
0x48f: {  	[tilespmem:s29+$0x30] =	vst v5  }
0x490: {  	v5 =	vld.idx.msk [tilespmem:v13+s10+$0x0], $0xffff;
	_ =	sdelay $0x1  }
0x491: {  	v7 =	vor.u32 v2, v4  }
0x492: {  	v6 =	vor.u32 $0x80, v17;
	v4 =	vor.u32 $0x80, v18;
	v8 =	vor.u32 v3, v1  }
0x493: {  	v3 =	vor.u32 $0x80, v14;
	v2 =	vor.u32 $0x80, v15;
	v1 =	vor.u32 $0x80, v16  }
.LBB2_56:
0x494: {  	s20 =	sadd.s32 $0xFFFFFFA0, s17;
	s21 =	sadd.s32 $0xFFFFFFF0, s17;
	v9 =	vadd.s32 s17, v0;
	s18 =	sadd.s32 $0x8, s18;
	v7 =	vor.u32 $0x80, v7;
	[tilespmem:s19+$0xFFFFFFF0] =	vst v5;
	v5 =	vor.u32 $0x80, v8  }
0x495: {  	s22 =	sadd.s32 $0xFFFFFFC0, s17;
	v8 =	vadd.s32 s20, v0;
	s20 =	sadd.s32 $0xFFFFFFB0, s17;
	v10 =	vadd.s32 s21, v0;
	v11 =	vshll.u32 v9, $0x1;
	p1 =	slt.u32 s18, $0x38  }
0x496: {  	s21 =	sadd.s32 $0xFFFFFF90, s17;
	v13 =	vadd.s32 s22, v0;
	s22 =	sadd.s32 $0xFFFFFFE0, s17;
	v12 =	vadd.s32 s20, v0;
	s20 =	sadd.s32 $0xFFFFFFD0, s17;
	v14 =	vshll.u32 v10, $0x1  }
0x497: {  	v15 =	vadd.s32 s21, v0;
	v10 =	vand.u32 $0x7F, v10;
	v14 =	vand.u32 $0x7FFFFF00, v14;
	v6 =	vld.idx.msk [tilespmem:v6+s10+$0x0], $0xffff  }
0x498: {  	v17 =	vadd.s32 s22, v0;
	v16 =	vadd.s32 s20, v0;
	v10 =	vor.u32 v14, v10;
	v4 =	vld.idx.msk [tilespmem:v4+s10+$0x0], $0xffff  }
0x499: {  	v18 =	vshll.u32 v8, $0x1;
	v14 =	vshll.u32 v15, $0x1;
	v10 =	vor.u32 $0x80, v10;
	v3 =	vld.idx.msk [tilespmem:v3+s10+$0x0], $0xffff  }
0x49a: {  	v20 =	vshll.u32 v13, $0x1;
	v19 =	vshll.u32 v12, $0x1;
	v21 =	vshll.u32 v16, $0x1;
	v2 =	vld.idx.msk [tilespmem:v2+s10+$0x0], $0xffff  }
0x49b: {  	v18 =	vand.u32 $0x7FFFFF00, v18;
	v22 =	vshll.u32 v17, $0x1;
	v14 =	vand.u32 $0x7FFFFF00, v14;
	v1 =	vld.idx.msk [tilespmem:v1+s10+$0x0], $0xffff  }
0x49c: {  	v20 =	vand.u32 $0x7FFFFF00, v20;
	v19 =	vand.u32 $0x7FFFFF00, v19;
	v21 =	vand.u32 $0x7FFFFF00, v21;
	v23 =	vld.idx.msk [tilespmem:v7+s10+$0x0], $0xffff  }
0x49d: {  	v8 =	vand.u32 $0x7F, v8;
	v7 =	vand.u32 $0x7F, v15;
	v15 =	vand.u32 $0x7FFFFF00, v22;
	[tilespmem:s19+$0xFFFFFF90] =	vst v6;
	v22 =	vld.idx.msk [tilespmem:v5+s10+$0x0], $0xffff  }
0x49e: {  	v6 =	vand.u32 $0x7F, v12;
	v12 =	vand.u32 $0x7F, v13;
	v13 =	vand.u32 $0x7F, v16;
	v5 =	vld.idx.msk [tilespmem:v10+s10+$0x0], $0xffff;
	[tilespmem:s19+$0xFFFFFFA0] =	vst v4  }
.Ltmp27:
0x49f: {  	v9 =	vand.u32 $0x7F, v9;
	v4 =	vand.u32 $0x7F, v17;
	v10 =	vand.u32 $0x7FFFFF00, v11;
	[tilespmem:s19+$0xFFFFFFB0] =	vst v3;
	(pc) =	sbr.rel @p1 .LBB2_56-.Ltmp27, $4  }
0x4a0: {  	v8 =	vor.u32 v18, v8;
	v11 =	vor.u32 v19, v6;
	v3 =	vor.u32 v14, v7;
	[tilespmem:s19+$0xFFFFFFC0] =	vst v2  }
0x4a1: {  	v7 =	vor.u32 v15, v4;
	v2 =	vor.u32 v20, v12;
	v12 =	vor.u32 v21, v13;
	[tilespmem:s19+$0xFFFFFFD0] =	vst v1  }
0x4a2: {  	v4 =	vor.u32 $0x80, v8;
	v8 =	vor.u32 v10, v9;
	v6 =	vor.u32 $0x80, v3;
	[tilespmem:s19+$0xFFFFFFE0] =	vst v23  }
0x4a3: {  	s17 =	sadd.s32 $0x80, s17;
	v3 =	vor.u32 $0x80, v11;
	v2 =	vor.u32 $0x80, v2;
	v1 =	vor.u32 $0x80, v12;
	[tilespmem:s19+$0x0] =	vst v22;
	s19 =	sadd.s32 $0x100, s19  }
0x4a4: {  	_ =	sdelay $0x3  }
0x4a5: {  	v7 =	vor.u32 $0x80, v7;
	v6 =	vld.idx.msk [tilespmem:v6+s10+$0x0], $0xffff  }
0x4a6: {  	v8 =	vor.u32 $0x80, v8;
	v4 =	vld.idx.msk [tilespmem:v4+s10+$0x0], $0xffff  }
0x4a7: {  	v3 =	vld.idx.msk [tilespmem:v3+s10+$0x0], $0xffff  }
0x4a8: {  	v2 =	vld.idx.msk [tilespmem:v2+s10+$0x0], $0xffff  }
0x4a9: {  	[tilespmem:s19+$0xFFFFFFF0] =	vst v5;
	v1 =	vld.idx.msk [tilespmem:v1+s10+$0x0], $0xffff  }
0x4aa: {  	v62 =	vld.idx.msk [tilespmem:v7+s10+$0x0], $0xffff;
	[tilespmem:s19+$0xFFFFFF90] =	vst v6  }
0x4ab: {  	v63 =	vld.idx.msk [tilespmem:v8+s10+$0x0], $0xffff;
	[tilespmem:s19+$0xFFFFFFA0] =	vst v4  }
0x4ac: {  	[tilespmem:s19+$0xFFFFFFB0] =	vst v3  }
0x4ad: {  	[tilespmem:s19+$0xFFFFFFC0] =	vst v2  }
0x4ae: {  	[tilespmem:s19+$0xFFFFFFD0] =	vst v1  }
0x4af: {  	[tilespmem:s19+$0xFFFFFFE0] =	vst v62  }
0x4b0: {  	[tilespmem:s19+$0x0] =	vst v63  }
0x4b1: {  	[hbm4b:s4+s3] =	stream.linear.scatter [tilespmem:s13], [sflag:$0x4], $0x800, $0x38;
	[tilespmem:$0x1FE80] =	vst v63  }
0x4b2: {  	_ =	swait.ge [sflag:s14], $0x7F00  }
0x4b3: {  	[sflag:s14] =	ssyncset.done $0x0  }
0x4b4: {  	[sflag:s14] =	ssyncadd.s32 $0xFFFF8100  }
0x4b5: {  	_ =	swait.ge [sflag:s15], $0x800  }
0x4b6: {  	s16 =	sadd.s32 $0x1, s16;
	s17 =	rddreg [dreg:$0x16]  }
0x4b7: {  	p1 =	sne.s32 s16, s17  }
.Ltmp28:
0x4b8: {  	_ = 	snop;
	(pc) =	sbr.rel @p1 .LBB2_1-.Ltmp28, $3  }
0x4b9: {  	_ =	sdelay $0x1  }
0x4ba: {  	[sflag:s15] =	ssyncset.done $0x0  }
0x4bb: {  	[sflag:s15] =	ssyncadd.s32 $0xFFFFF800  }
0x4bc: {  	_ =	sfence.sel $0x180000  }
0x4bd: {  	[bflag:$0x0] =	sbarrier.arrive $0xFFFF  }
0x4be: {  	_ =	strace $0x90000047  }
0x4bf: {  	s0 =	stileid.u32;
	[bflag:$0x2] =	sbarrier.arrive $0xFFFF  }
0x4c0: {  	p0 =	sne.s32 s0, $0x0;
	s0 =	rddreg [dreg:$0x3]  }
0x4c1: {  	s0 =	sadd.s32 @!p0 $0x100000, s0  }
0x4c2: {  	[sflag:s0] =	ssyncadd.tile.s32 @!p0 $0x1;
	_ =	shalt  }
.Lfunc_end2:
_tile_overlayer_lowered:
.L_overlay_start_2:
0x4c3: {  	(tag) =	ssettag $0x2  }
0x4c4: {  	s0 =	rddreg [dreg:$0x0];
	s2 =	stileid.u32  }
0x4c5: {  	s1 =	rddreg [dreg:$0x1];
	p0 =	sne.s32 s2, $0x0  }
0x4c6: {  	s3 =	rddreg [dreg:$0x2];
	[bflag:$0x3] =	sbarrier.arrive $0xFFFF;
	s2 =	simm.s32 @!p0 $0x1C05  }
0x4c7: {  	[timem:s3], [sflag:s2] =	dma.local @!p0 [hbm:s0], s1  }
0x4c8: {  	s0 =	simm.s32 @!p0 $0x5  }
0x4c9: {  	_ =	swait.ge @!p0 [sflag:s0], s1  }
0x4ca: {  	s1 =	ssub.s32 @!p0 $0x0, s1;
	[sflag:s0] =	ssyncset.done @!p0 $0x0  }
0x4cb: {  	[sflag:s0] =	ssyncadd.s32 @!p0 s1  }
0x4cc: {  	[bflag:$0x3] =	sbarrier.arrive $0xFFFF  }
0x4cd: {  	_ =	shalt  }

</sc_bundles>
